<compile_context>
chip_gen: v7x
topology: tpu7x:2x2x1
jax: 0.10.2.dev20260603
libtpu: 0.0.44.dev20260713+nightly
codegen_flags: <defaults>
</compile_context>

<pallas_src>
import jax
import jax.numpy as jnp
from jax import lax
from jax.experimental import pallas as pl

def _dotT(a, b):
    return lax.dot_general(a.astype(jnp.bfloat16), b.astype(jnp.bfloat16),
                           (((1,), (1,)), ((), ())),
                           preferred_element_type=jnp.float32)


def _lstm_gates(g, c):
    d = g.shape[-1] // 4
    i = jax.nn.sigmoid(g[:, :d])
    f = jax.nn.sigmoid(g[:, d:2 * d])
    gg = jnp.tanh(g[:, 2 * d:3 * d])
    o = jax.nn.sigmoid(g[:, 3 * d:])
    c2 = f * c + i * gg
    h2 = o * jnp.tanh(c2)
    return h2, c2


def _clause_body(ct_ref, vars_ref, xc_ref, xch_ref, wih_sq_ref, whh_sq_ref,
                 b_sq_ref, wih_eq_ref, whh_eq_ref, b_eq_ref,
                 h_out_ref, c_out_ref):
    v = vars_ref[...]
    h = xc_ref[...]
    c = xch_ref[...]
    g_sq = _dotT(v, wih_sq_ref[...]) + _dotT(h, whh_sq_ref[...]) + b_sq_ref[...]
    g_eq = _dotT(v, wih_eq_ref[...]) + _dotT(h, whh_eq_ref[...]) + b_eq_ref[...]
    h_sq, c_sq = _lstm_gates(g_sq, c)
    h_eq, c_eq = _lstm_gates(g_eq, c)
    m = ct_ref[...] == 1
    h_out_ref[...] = jnp.where(m, h_sq, h_eq)
    c_out_ref[...] = jnp.where(m, c_sq, c_eq)


def _clause_update(ct2, vars_flat, x_c, x_c_h, wih_sq, whh_sq, b_sq,
                   wih_eq, whh_eq, b_eq):
    M, K = vars_flat.shape
    Dh = x_c.shape[1]
    BM = 1024 if M > 1024 else M
    row = lambda w: pl.BlockSpec((BM, w), lambda i: (i, 0))
    full = lambda s: pl.BlockSpec(s, lambda i: (0,) * len(s))
    return pl.pallas_call(
        _clause_body,
        grid=(pl.cdiv(M, BM),),
        in_specs=[row(1), row(K), row(Dh), row(Dh),
                  full(wih_sq.shape), full(whh_sq.shape), full(b_sq.shape),
                  full(wih_eq.shape), full(whh_eq.shape), full(b_eq.shape)],
        out_specs=[row(Dh), row(Dh)],
        out_shape=[jax.ShapeDtypeStruct((M, Dh), jnp.float32)] * 2,
    )(ct2, vars_flat, x_c, x_c_h, wih_sq, whh_sq, b_sq, wih_eq, whh_eq, b_eq)


def _lit_body(pt_ref, msg_ref, xp_ref, xph_ref, wih_ref, whh_ref, b_ref,
              h_out_ref, c_out_ref):
    x = msg_ref[...]
    h = xp_ref[...]
    c = xph_ref[...]
    g = _dotT(x, wih_ref[...]) + _dotT(h, whh_ref[...]) + b_ref[...]
    h2, c2 = _lstm_gates(g, c)
    m = pt_ref[...] == 1
    h_out_ref[...] = jnp.where(m, h, h2)
    c_out_ref[...] = jnp.where(m, c, c2)


def _lit_update(pt2, msg, x_p, x_p_h, wih, whh, b):
    M, Dh = x_p.shape
    BM = 1024 if M > 1024 else M
    row = lambda w: pl.BlockSpec((BM, w), lambda i: (i, 0))
    full = lambda s: pl.BlockSpec(s, lambda i: (0,) * len(s))
    return pl.pallas_call(
        _lit_body,
        grid=(pl.cdiv(M, BM),),
        in_specs=[row(1), row(Dh), row(Dh), row(Dh),
                  full(wih.shape), full(whh.shape), full(b.shape)],
        out_specs=[row(Dh), row(Dh)],
        out_shape=[jax.ShapeDtypeStruct((M, Dh), jnp.float32)] * 2,
    )(pt2, msg, x_p, x_p_h, wih, whh, b)


def _logits_body(xp_ref, emb_ref, b_ref, out_ref):
    out_ref[...] = _dotT(xp_ref[...], emb_ref[...]) + b_ref[...]


def _logits(x_p, emb, b2):
    M, Dh = x_p.shape
    V = emb.shape[0]
    BM = 1024 if M > 1024 else M
    return pl.pallas_call(
        _logits_body,
        grid=(pl.cdiv(M, BM),),
        in_specs=[pl.BlockSpec((BM, Dh), lambda i: (i, 0)),
                  pl.BlockSpec(emb.shape, lambda i: (0, 0)),
                  pl.BlockSpec(b2.shape, lambda i: (0, 0))],
        out_specs=pl.BlockSpec((BM, V), lambda i: (i, 0)),
        out_shape=jax.ShapeDtypeStruct((M, V), jnp.float32),
    )(x_p, emb, b2)


def kernel(x_p_rand, emb, cls_b, Cinit_W, Cinit_b, Wih_u, Whh_u, bih_u, bhh_u,
           Wih_sq, Whh_sq, bih_sq, bhh_sq, Wih_eq, Whh_eq, bih_eq, bhh_eq,
           c_type, p_type, y, p2c, edge_clause, edge_lit, num_iters):
    n_lits, d = x_p_rand.shape
    n_clauses = c_type.shape[0]

    fixed = (p_type == 1)[:, None]
    x_p0 = jnp.where(fixed, jnp.take(emb, y, axis=0), x_p_rand)
    C_init = Cinit_W[:, 0] + Cinit_b
    x_c0 = jnp.tile(C_init[None, :], (n_clauses, 1))
    x_p_h0 = jnp.zeros((n_lits, d), jnp.float32)
    x_c_h0 = jnp.zeros((n_clauses, d), jnp.float32)

    b_sq = (bih_sq + bhh_sq)[None, :]
    b_eq = (bih_eq + bhh_eq)[None, :]
    b_u = (bih_u + bhh_u)[None, :]
    ct2 = c_type[:, None]
    pt2 = p_type[:, None]

    order = jnp.argsort(edge_lit)
    el_s = jnp.take(edge_lit, order)
    ec_s = jnp.take(edge_clause, order)

    def body(_, carry):
        x_p, x_c, x_p_h, x_c_h = carry
        vars_flat = jnp.take(x_p, p2c, axis=0).reshape(n_clauses, 4 * d)
        x_c_new, x_c_h2 = _clause_update(ct2, vars_flat, x_c, x_c_h,
                                         Wih_sq, Whh_sq, b_sq,
                                         Wih_eq, Whh_eq, b_eq)
        msg = jnp.zeros((n_lits, d), jnp.bfloat16).at[el_s].add(
            jnp.take(x_c_new.astype(jnp.bfloat16), ec_s, axis=0),
            indices_are_sorted=True)
        x_p2, x_p_h2 = _lit_update(pt2, msg, x_p, x_p_h, Wih_u, Whh_u, b_u)
        return (x_p2, x_c_new, x_p_h2, x_c_h2)

    carry = (x_p0, x_c0, x_p_h0, x_c_h0)
    for _ in range(3):
        carry = body(None, carry)
    x_p, x_c, x_p_h, x_c_h = carry
    return _logits(x_p, emb, cls_b[None, :])

# --- scband reference (transcript-rebuilt; emitter-appended) ---
"""Pipeline reference for scband-neuro-sat-3367254360754 (READ-ONLY COPY).

The authoritative reference and input builder live on the scoring server;
editing this copy changes nothing except your own understanding.
"""

import jax, jax.numpy as jnp
import numpy as np

N_LITS, N_CLAUSES, D, E, VOCAB = 50000, 12500, 128, 400000, 900


def setup_inputs(seed: int = 0) -> dict:
    key = jax.random.key(seed)
    ks = jax.random.split(key, 30)
    inp = {}
    inp['x_p_rand'] = jax.random.uniform(ks[0], (N_LITS, D), dtype=jnp.float32)
    # learned parameters
    inp['emb'] = jax.random.normal(ks[1], (VOCAB, D), dtype=jnp.float32) * 0.02
    inp['cls_b'] = jnp.zeros((VOCAB,), dtype=jnp.float32)
    inp['Cinit_W'] = jax.random.normal(ks[2], (D, 1), dtype=jnp.float32) * 0.1
    inp['Cinit_b'] = jnp.zeros((D,), dtype=jnp.float32)
    s = 0.05
    inp['Wih_u'] = jax.random.normal(ks[3], (4 * D, D), dtype=jnp.float32) * s
    inp['Whh_u'] = jax.random.normal(ks[4], (4 * D, D), dtype=jnp.float32) * s
    inp['bih_u'] = jnp.zeros((4 * D,), dtype=jnp.float32)
    inp['bhh_u'] = jnp.zeros((4 * D,), dtype=jnp.float32)
    inp['Wih_sq'] = jax.random.normal(ks[5], (4 * D, 4 * D), dtype=jnp.float32) * s
    inp['Whh_sq'] = jax.random.normal(ks[6], (4 * D, D), dtype=jnp.float32) * s
    inp['bih_sq'] = jnp.zeros((4 * D,), dtype=jnp.float32)
    inp['bhh_sq'] = jnp.zeros((4 * D,), dtype=jnp.float32)
    inp['Wih_eq'] = jax.random.normal(ks[7], (4 * D, 4 * D), dtype=jnp.float32) * s
    inp['Whh_eq'] = jax.random.normal(ks[8], (4 * D, D), dtype=jnp.float32) * s
    inp['bih_eq'] = jnp.zeros((4 * D,), dtype=jnp.float32)
    inp['bhh_eq'] = jnp.zeros((4 * D,), dtype=jnp.float32)
    # integer graph structure / types
    inp['c_type'] = jax.random.randint(ks[9], (N_CLAUSES,), 0, 2, dtype=jnp.int64) if jax.config.jax_enable_x64 else jax.random.randint(ks[9], (N_CLAUSES,), 0, 2).astype(jnp.int32)
    inp['p_type'] = jax.random.randint(ks[10], (N_LITS,), 0, 2).astype(jnp.int32)
    inp['c_type'] = jax.random.randint(ks[9], (N_CLAUSES,), 0, 2).astype(jnp.int32)
    inp['y'] = jax.random.randint(ks[11], (N_LITS,), 0, VOCAB).astype(jnp.int32)
    inp['p2c'] = jax.random.randint(ks[12], (N_LITS,), 0, N_LITS).astype(jnp.int32)
    inp['edge_clause'] = jax.random.randint(ks[13], (E,), 0, N_CLAUSES).astype(jnp.int32)
    inp['edge_lit'] = jax.random.randint(ks[14], (E,), 0, N_LITS).astype(jnp.int32)
    inp['num_iters'] = 3
    return inp


def lstm_cell(x, h, c, Wih, Whh, bih, bhh):
    # single-step PyTorch LSTM: gates in (i, f, g, o) order; (h, c) state
    g = x @ Wih.T + bih + h @ Whh.T + bhh
    i, f, gg, o = jnp.split(g, 4, axis=-1)
    c2 = jax.nn.sigmoid(f) * c + jax.nn.sigmoid(i) * jnp.tanh(gg)
    h2 = jax.nn.sigmoid(o) * jnp.tanh(c2)
    return h2, c2


def reference(x_p_rand, emb, cls_b, Cinit_W, Cinit_b, Wih_u, Whh_u, bih_u, bhh_u,
              Wih_sq, Whh_sq, bih_sq, bhh_sq, Wih_eq, Whh_eq, bih_eq, bhh_eq,
              c_type, p_type, y, p2c, edge_clause, edge_lit, num_iters):
    n_lits = p_type.shape[0]
    n_clauses = c_type.shape[0]
    d = emb.shape[1]
    fixed_mask = (p_type == 1)[:, None]
    sq_mask = (c_type == 1)[:, None]
    embs = jnp.take(emb, y, axis=0)
    x_p = jnp.where(fixed_mask, embs, x_p_rand)
    C_init = jnp.ones((1,), jnp.float32) @ Cinit_W.T + Cinit_b
    x_c = jnp.tile(C_init.reshape(1, d), (n_clauses, 1))
    x_p_h = jnp.zeros((n_lits, d), jnp.float32)
    x_c_h = jnp.zeros((n_clauses, d), jnp.float32)

    def body(_, carry):
        x_p, x_c, x_p_h, x_c_h = carry
        # LCMessages: gather 4 literal states per clause, per-type LSTM update
        vars_flat = jnp.take(x_p, p2c, axis=0).reshape(-1, 4 * d)
        h_sq, c_sq = lstm_cell(vars_flat, x_c, x_c_h, Wih_sq, Whh_sq, bih_sq, bhh_sq)
        h_eq, c_eq = lstm_cell(vars_flat, x_c, x_c_h, Wih_eq, Whh_eq, bih_eq, bhh_eq)
        x_c_new = jnp.where(sq_mask, h_sq, h_eq)
        x_c_h = jnp.where(sq_mask, c_sq, c_eq)
        # CLMessages: msg = adj.T @ x_c  (scatter-add over clause->literal edges)
        msg = jnp.zeros((n_lits, d), jnp.float32).at[edge_lit].add(jnp.take(x_c_new, edge_clause, axis=0))
        h_v, c_v = lstm_cell(msg, x_p, x_p_h, Wih_u, Whh_u, bih_u, bhh_u)
        x_p = jnp.where(fixed_mask, x_p, h_v)
        x_p_h = jnp.where(fixed_mask, x_p_h, c_v)
        return (x_p, x_c_new, x_p_h, x_c_h)

    x_p, x_c, x_p_h, x_c_h = jax.lax.fori_loop(0, num_iters, body, (x_p, x_c, x_p_h, x_c_h))
    # classifier weight tied to embedding table
    logits = x_p @ emb.T + cls_b
    return logits

if __name__ == "__main__":
    import jax
    _d = setup_inputs()
    print(jax.jit(kernel)(*tuple(_d.values())))

</pallas_src>

<mosaic_0001>
module attributes {stable_mosaic.version = 14 : i64} {
  func.func @_clause_body(%arg0: i32, %arg1: memref<1024x1xi32, #tpu.memory_space<vmem>>, %arg2: memref<1024x512xf32, #tpu.memory_space<vmem>>, %arg3: memref<1024x128xf32, #tpu.memory_space<vmem>>, %arg4: memref<1024x128xf32, #tpu.memory_space<vmem>>, %arg5: memref<512x512xf32, #tpu.memory_space<vmem>>, %arg6: memref<512x128xf32, #tpu.memory_space<vmem>>, %arg7: memref<1x512xf32, #tpu.memory_space<vmem>>, %arg8: memref<512x512xf32, #tpu.memory_space<vmem>>, %arg9: memref<512x128xf32, #tpu.memory_space<vmem>>, %arg10: memref<1x512xf32, #tpu.memory_space<vmem>>, %arg11: memref<1024x128xf32, #tpu.memory_space<vmem>>, %arg12: memref<1024x128xf32, #tpu.memory_space<vmem>>) attributes {dimension_semantics = [#tpu.dimension_semantics<arbitrary>], iteration_bounds = array<i64: 13>, scalar_prefetch = 0 : i64, scratch_operands = 0 : i64, tpu.core_type = #tpu.core_type<tc>, window_params = [{transform_indices = @transform_0, window_bounds = array<i64: 1024, 1>}, {transform_indices = @transform_1, window_bounds = array<i64: 1024, 512>}, {transform_indices = @transform_2, window_bounds = array<i64: 1024, 128>}, {transform_indices = @transform_3, window_bounds = array<i64: 1024, 128>}, {pipeline_mode = #tpu.pipeline_mode<synchronous>, transform_indices = @transform_4, window_bounds = array<i64: 512, 512>}, {pipeline_mode = #tpu.pipeline_mode<synchronous>, transform_indices = @transform_5, window_bounds = array<i64: 512, 128>}, {pipeline_mode = #tpu.pipeline_mode<synchronous>, transform_indices = @transform_6, window_bounds = array<i64: 1, 512>}, {pipeline_mode = #tpu.pipeline_mode<synchronous>, transform_indices = @transform_7, window_bounds = array<i64: 512, 512>}, {pipeline_mode = #tpu.pipeline_mode<synchronous>, transform_indices = @transform_8, window_bounds = array<i64: 512, 128>}, {pipeline_mode = #tpu.pipeline_mode<synchronous>, transform_indices = @transform_9, window_bounds = array<i64: 1, 512>}, {transform_indices = @transform_10, window_bounds = array<i64: 1024, 128>}, {transform_indices = @transform_11, window_bounds = array<i64: 1024, 128>}]} {
    %get3A = arith.constant 0 : index
    %get3A_0 = arith.constant 0 : index
    %get3A_1 = vector.load %arg2[%get3A, %get3A_0] : memref<1024x512xf32, #tpu.memory_space<vmem>>, vector<1024x512xf32>
    %get3A_2 = arith.constant 0 : index
    %get3A_3 = arith.constant 0 : index
    %get3A_4 = vector.load %arg3[%get3A_2, %get3A_3] : memref<1024x128xf32, #tpu.memory_space<vmem>>, vector<1024x128xf32>
    %get3A_5 = arith.constant 0 : index
    %get3A_6 = arith.constant 0 : index
    %get3A_7 = vector.load %arg4[%get3A_5, %get3A_6] : memref<1024x128xf32, #tpu.memory_space<vmem>>, vector<1024x128xf32>
    %get3A_8 = arith.constant 0 : index
    %get3A_9 = arith.constant 0 : index
    %get3A_10 = vector.load %arg5[%get3A_8, %get3A_9] : memref<512x512xf32, #tpu.memory_space<vmem>>, vector<512x512xf32>
    %convert_element_type3A = arith.truncf %get3A_1 : vector<1024x512xf32> to vector<1024x512xbf16>
    %convert_element_type3A_11 = arith.truncf %get3A_10 : vector<512x512xf32> to vector<512x512xbf16>
    %dot_general3A = arith.constant dense<0.000000e+00> : vector<1024x512xf32>
    %dot_general3A_12 = tpu.matmul %convert_element_type3A, %convert_element_type3A_11, %dot_general3A {dimension_numbers = #tpu.dot_dimension_numbers<[1], [1], [0], [0], [0, 0, 1, 0], [], []>, transpose_lhs_hint = false} : vector<1024x512xbf16>, vector<512x512xbf16>, vector<1024x512xf32> -> vector<1024x512xf32>
    %get3A_13 = arith.constant 0 : index
    %get3A_14 = arith.constant 0 : index
    %get3A_15 = vector.load %arg6[%get3A_13, %get3A_14] : memref<512x128xf32, #tpu.memory_space<vmem>>, vector<512x128xf32>
    %convert_element_type3A_16 = arith.truncf %get3A_4 : vector<1024x128xf32> to vector<1024x128xbf16>
    %convert_element_type3A_17 = arith.truncf %get3A_15 : vector<512x128xf32> to vector<512x128xbf16>
    %dot_general3A_18 = arith.constant dense<0.000000e+00> : vector<1024x512xf32>
    %dot_general3A_19 = tpu.matmul %convert_element_type3A_16, %convert_element_type3A_17, %dot_general3A_18 {dimension_numbers = #tpu.dot_dimension_numbers<[1], [1], [0], [0], [0, 0, 1, 0], [], []>, transpose_lhs_hint = false} : vector<1024x128xbf16>, vector<512x128xbf16>, vector<1024x512xf32> -> vector<1024x512xf32>
    %add3A = arith.addf %dot_general3A_12, %dot_general3A_19 : vector<1024x512xf32>
    %get3A_20 = arith.constant 0 : index
    %get3A_21 = arith.constant 0 : index
    %get3A_22 = vector.load %arg7[%get3A_20, %get3A_21] : memref<1x512xf32, #tpu.memory_space<vmem>>, vector<1x512xf32>
    %add3A_23 = vector.broadcast %get3A_22 : vector<1x512xf32> to vector<1024x512xf32>
    %add3A_24 = arith.addf %add3A, %add3A_23 : vector<1024x512xf32>
    %get3A_25 = arith.constant 0 : index
    %get3A_26 = arith.constant 0 : index
    %get3A_27 = vector.load %arg8[%get3A_25, %get3A_26] : memref<512x512xf32, #tpu.memory_space<vmem>>, vector<512x512xf32>
    %convert_element_type3A_28 = arith.truncf %get3A_1 : vector<1024x512xf32> to vector<1024x512xbf16>
    %convert_element_type3A_29 = arith.truncf %get3A_27 : vector<512x512xf32> to vector<512x512xbf16>
    %dot_general3A_30 = arith.constant dense<0.000000e+00> : vector<1024x512xf32>
    %dot_general3A_31 = tpu.matmul %convert_element_type3A_28, %convert_element_type3A_29, %dot_general3A_30 {dimension_numbers = #tpu.dot_dimension_numbers<[1], [1], [0], [0], [0, 0, 1, 0], [], []>, transpose_lhs_hint = false} : vector<1024x512xbf16>, vector<512x512xbf16>, vector<1024x512xf32> -> vector<1024x512xf32>
    %get3A_32 = arith.constant 0 : index
    %get3A_33 = arith.constant 0 : index
    %get3A_34 = vector.load %arg9[%get3A_32, %get3A_33] : memref<512x128xf32, #tpu.memory_space<vmem>>, vector<512x128xf32>
    %convert_element_type3A_35 = arith.truncf %get3A_4 : vector<1024x128xf32> to vector<1024x128xbf16>
    %convert_element_type3A_36 = arith.truncf %get3A_34 : vector<512x128xf32> to vector<512x128xbf16>
    %dot_general3A_37 = arith.constant dense<0.000000e+00> : vector<1024x512xf32>
    %dot_general3A_38 = tpu.matmul %convert_element_type3A_35, %convert_element_type3A_36, %dot_general3A_37 {dimension_numbers = #tpu.dot_dimension_numbers<[1], [1], [0], [0], [0, 0, 1, 0], [], []>, transpose_lhs_hint = false} : vector<1024x128xbf16>, vector<512x128xbf16>, vector<1024x512xf32> -> vector<1024x512xf32>
    %add3A_39 = arith.addf %dot_general3A_31, %dot_general3A_38 : vector<1024x512xf32>
    %get3A_40 = arith.constant 0 : index
    %get3A_41 = arith.constant 0 : index
    %get3A_42 = vector.load %arg10[%get3A_40, %get3A_41] : memref<1x512xf32, #tpu.memory_space<vmem>>, vector<1x512xf32>
    %add3A_43 = vector.broadcast %get3A_42 : vector<1x512xf32> to vector<1024x512xf32>
    %add3A_44 = arith.addf %add3A_39, %add3A_43 : vector<1024x512xf32>
    %slice3A = vector.extract_strided_slice %add3A_24 {offsets = [0, 0], sizes = [1024, 128], strides = [1, 1]} : vector<1024x512xf32> to vector<1024x128xf32>
    %logistic3A = arith.negf %slice3A : vector<1024x128xf32>
    %logistic3A_45 = math.exp %logistic3A : vector<1024x128xf32>
    %logistic3A_46 = arith.constant 1.000000e+00 : f32
    %logistic3A_47 = vector.broadcast %logistic3A_46 : f32 to vector<1024x128xf32>
    %logistic3A_48 = arith.addf %logistic3A_47, %logistic3A_45 : vector<1024x128xf32>
    %logistic3A_49 = arith.divf %logistic3A_47, %logistic3A_48 : vector<1024x128xf32>
    %slice3A_50 = vector.extract_strided_slice %add3A_24 {offsets = [0, 128], sizes = [1024, 128], strides = [1, 1]} : vector<1024x512xf32> to vector<1024x128xf32>
    %logistic3A_51 = arith.negf %slice3A_50 : vector<1024x128xf32>
    %logistic3A_52 = math.exp %logistic3A_51 : vector<1024x128xf32>
    %logistic3A_53 = arith.constant 1.000000e+00 : f32
    %logistic3A_54 = vector.broadcast %logistic3A_53 : f32 to vector<1024x128xf32>
    %logistic3A_55 = arith.addf %logistic3A_54, %logistic3A_52 : vector<1024x128xf32>
    %logistic3A_56 = arith.divf %logistic3A_54, %logistic3A_55 : vector<1024x128xf32>
    %slice3A_57 = vector.extract_strided_slice %add3A_24 {offsets = [0, 256], sizes = [1024, 128], strides = [1, 1]} : vector<1024x512xf32> to vector<1024x128xf32>
    %tanh3A = math.tanh %slice3A_57 : vector<1024x128xf32>
    %slice3A_58 = vector.extract_strided_slice %add3A_24 {offsets = [0, 384], sizes = [1024, 128], strides = [1, 1]} : vector<1024x512xf32> to vector<1024x128xf32>
    %logistic3A_59 = arith.negf %slice3A_58 : vector<1024x128xf32>
    %logistic3A_60 = math.exp %logistic3A_59 : vector<1024x128xf32>
    %logistic3A_61 = arith.constant 1.000000e+00 : f32
    %logistic3A_62 = vector.broadcast %logistic3A_61 : f32 to vector<1024x128xf32>
    %logistic3A_63 = arith.addf %logistic3A_62, %logistic3A_60 : vector<1024x128xf32>
    %logistic3A_64 = arith.divf %logistic3A_62, %logistic3A_63 : vector<1024x128xf32>
    %mul3A = arith.mulf %logistic3A_56, %get3A_7 : vector<1024x128xf32>
    %mul3A_65 = arith.mulf %logistic3A_49, %tanh3A : vector<1024x128xf32>
    %add3A_66 = arith.addf %mul3A, %mul3A_65 : vector<1024x128xf32>
    %tanh3A_67 = math.tanh %add3A_66 : vector<1024x128xf32>
    %mul3A_68 = arith.mulf %logistic3A_64, %tanh3A_67 : vector<1024x128xf32>
    %slice3A_69 = vector.extract_strided_slice %add3A_44 {offsets = [0, 0], sizes = [1024, 128], strides = [1, 1]} : vector<1024x512xf32> to vector<1024x128xf32>
    %logistic3A_70 = arith.negf %slice3A_69 : vector<1024x128xf32>
    %logistic3A_71 = math.exp %logistic3A_70 : vector<1024x128xf32>
    %logistic3A_72 = arith.constant 1.000000e+00 : f32
    %logistic3A_73 = vector.broadcast %logistic3A_72 : f32 to vector<1024x128xf32>
    %logistic3A_74 = arith.addf %logistic3A_73, %logistic3A_71 : vector<1024x128xf32>
    %logistic3A_75 = arith.divf %logistic3A_73, %logistic3A_74 : vector<1024x128xf32>
    %slice3A_76 = vector.extract_strided_slice %add3A_44 {offsets = [0, 128], sizes = [1024, 128], strides = [1, 1]} : vector<1024x512xf32> to vector<1024x128xf32>
    %logistic3A_77 = arith.negf %slice3A_76 : vector<1024x128xf32>
    %logistic3A_78 = math.exp %logistic3A_77 : vector<1024x128xf32>
    %logistic3A_79 = arith.constant 1.000000e+00 : f32
    %logistic3A_80 = vector.broadcast %logistic3A_79 : f32 to vector<1024x128xf32>
    %logistic3A_81 = arith.addf %logistic3A_80, %logistic3A_78 : vector<1024x128xf32>
    %logistic3A_82 = arith.divf %logistic3A_80, %logistic3A_81 : vector<1024x128xf32>
    %slice3A_83 = vector.extract_strided_slice %add3A_44 {offsets = [0, 256], sizes = [1024, 128], strides = [1, 1]} : vector<1024x512xf32> to vector<1024x128xf32>
    %tanh3A_84 = math.tanh %slice3A_83 : vector<1024x128xf32>
    %slice3A_85 = vector.extract_strided_slice %add3A_44 {offsets = [0, 384], sizes = [1024, 128], strides = [1, 1]} : vector<1024x512xf32> to vector<1024x128xf32>
    %logistic3A_86 = arith.negf %slice3A_85 : vector<1024x128xf32>
    %logistic3A_87 = math.exp %logistic3A_86 : vector<1024x128xf32>
    %logistic3A_88 = arith.constant 1.000000e+00 : f32
    %logistic3A_89 = vector.broadcast %logistic3A_88 : f32 to vector<1024x128xf32>
    %logistic3A_90 = arith.addf %logistic3A_89, %logistic3A_87 : vector<1024x128xf32>
    %logistic3A_91 = arith.divf %logistic3A_89, %logistic3A_90 : vector<1024x128xf32>
    %mul3A_92 = arith.mulf %logistic3A_82, %get3A_7 : vector<1024x128xf32>
    %mul3A_93 = arith.mulf %logistic3A_75, %tanh3A_84 : vector<1024x128xf32>
    %add3A_94 = arith.addf %mul3A_92, %mul3A_93 : vector<1024x128xf32>
    %tanh3A_95 = math.tanh %add3A_94 : vector<1024x128xf32>
    %mul3A_96 = arith.mulf %logistic3A_91, %tanh3A_95 : vector<1024x128xf32>
    %get3A_97 = arith.constant 0 : index
    %get3A_98 = arith.constant 0 : index
    %get3A_99 = vector.load %arg1[%get3A_97, %get3A_98] : memref<1024x1xi32, #tpu.memory_space<vmem>>, vector<1024x1xi32>
    %eq3A = arith.constant 1 : i32
    %eq3A_100 = vector.broadcast %eq3A : i32 to vector<1024x1xi32>
    %eq3A_101 = arith.cmpi eq, %get3A_99, %eq3A_100 : vector<1024x1xi32>
    %broadcast_in_dim3A = vector.shape_cast %eq3A_101 : vector<1024x1xi1> to vector<1024x1xi1>
    %broadcast_in_dim3A_102 = vector.broadcast %broadcast_in_dim3A : vector<1024x1xi1> to vector<1024x128xi1>
    %select_n3A = arith.select %broadcast_in_dim3A_102, %mul3A_68, %mul3A_96 : vector<1024x128xi1>, vector<1024x128xf32>
    %swap3A = arith.constant 0 : index
    %swap3A_103 = arith.constant 0 : index
    %swap3A_104 = vector.load %arg11[%swap3A, %swap3A_103] : memref<1024x128xf32, #tpu.memory_space<vmem>>, vector<1024x128xf32>
    tpu.vector_store %arg11[%swap3A, %swap3A_103], %select_n3A {strides = array<i32>} : memref<1024x128xf32, #tpu.memory_space<vmem>>, vector<1024x128xf32>,
    %broadcast_in_dim3A_105 = vector.shape_cast %eq3A_101 : vector<1024x1xi1> to vector<1024x1xi1>
    %broadcast_in_dim3A_106 = vector.broadcast %broadcast_in_dim3A_105 : vector<1024x1xi1> to vector<1024x128xi1>
    %select_n3A_107 = arith.select %broadcast_in_dim3A_106, %add3A_66, %add3A_94 : vector<1024x128xi1>, vector<1024x128xf32>
    %swap3A_108 = arith.constant 0 : index
    %swap3A_109 = arith.constant 0 : index
    %swap3A_110 = vector.load %arg12[%swap3A_108, %swap3A_109] : memref<1024x128xf32, #tpu.memory_space<vmem>>, vector<1024x128xf32>
    tpu.vector_store %arg12[%swap3A_108, %swap3A_109], %select_n3A_107 {strides = array<i32>} : memref<1024x128xf32, #tpu.memory_space<vmem>>, vector<1024x128xf32>,
    return
  }
  func.func @transform_0(%arg0: i32) -> (i32, i32) {
    %c0_i32 = arith.constant 0 : i32
    %c0_i32_0 = arith.constant 0 : i32
    return %arg0, %c0_i32 : i32, i32
  }
  func.func @transform_1(%arg0: i32) -> (i32, i32) {
    %c0_i32 = arith.constant 0 : i32
    %c0_i32_0 = arith.constant 0 : i32
    return %arg0, %c0_i32 : i32, i32
  }
  func.func @transform_2(%arg0: i32) -> (i32, i32) {
    %c0_i32 = arith.constant 0 : i32
    %c0_i32_0 = arith.constant 0 : i32
    return %arg0, %c0_i32 : i32, i32
  }
  func.func @transform_3(%arg0: i32) -> (i32, i32) {
    %c0_i32 = arith.constant 0 : i32
    %c0_i32_0 = arith.constant 0 : i32
    return %arg0, %c0_i32 : i32, i32
  }
  func.func @transform_4(%arg0: i32) -> (i32, i32) {
    %c0_i32 = arith.constant 0 : i32
    %c0_i32_0 = arith.constant 0 : i32
    %c0_i32_1 = arith.constant 0 : i32
    return %c0_i32, %c0_i32_0 : i32, i32
  }
  func.func @transform_5(%arg0: i32) -> (i32, i32) {
    %c0_i32 = arith.constant 0 : i32
    %c0_i32_0 = arith.constant 0 : i32
    %c0_i32_1 = arith.constant 0 : i32
    return %c0_i32, %c0_i32_0 : i32, i32
  }
  func.func @transform_6(%arg0: i32) -> (i32, i32) {
    %c0_i32 = arith.constant 0 : i32
    %c0_i32_0 = arith.constant 0 : i32
    %c0_i32_1 = arith.constant 0 : i32
    return %c0_i32, %c0_i32_0 : i32, i32
  }
  func.func @transform_7(%arg0: i32) -> (i32, i32) {
    %c0_i32 = arith.constant 0 : i32
    %c0_i32_0 = arith.constant 0 : i32
    %c0_i32_1 = arith.constant 0 : i32
    return %c0_i32, %c0_i32_0 : i32, i32
  }
  func.func @transform_8(%arg0: i32) -> (i32, i32) {
    %c0_i32 = arith.constant 0 : i32
    %c0_i32_0 = arith.constant 0 : i32
    %c0_i32_1 = arith.constant 0 : i32
    return %c0_i32, %c0_i32_0 : i32, i32
  }
  func.func @transform_9(%arg0: i32) -> (i32, i32) {
    %c0_i32 = arith.constant 0 : i32
    %c0_i32_0 = arith.constant 0 : i32
    %c0_i32_1 = arith.constant 0 : i32
    return %c0_i32, %c0_i32_0 : i32, i32
  }
  func.func @transform_10(%arg0: i32) -> (i32, i32) {
    %c0_i32 = arith.constant 0 : i32
    %c0_i32_0 = arith.constant 0 : i32
    return %arg0, %c0_i32 : i32, i32
  }
  func.func @transform_11(%arg0: i32) -> (i32, i32) {
    %c0_i32 = arith.constant 0 : i32
    %c0_i32_0 = arith.constant 0 : i32
    return %arg0, %c0_i32 : i32, i32
  }
}

module attributes {stable_mosaic.version = 14 : i64} {
  func.func @_lit_body(%arg0: i32, %arg1: memref<1024x1xi32, #tpu.memory_space<vmem>>, %arg2: memref<1024x128xbf16, #tpu.memory_space<vmem>>, %arg3: memref<1024x128xf32, #tpu.memory_space<vmem>>, %arg4: memref<1024x128xf32, #tpu.memory_space<vmem>>, %arg5: memref<512x128xf32, #tpu.memory_space<vmem>>, %arg6: memref<512x128xf32, #tpu.memory_space<vmem>>, %arg7: memref<1x512xf32, #tpu.memory_space<vmem>>, %arg8: memref<1024x128xf32, #tpu.memory_space<vmem>>, %arg9: memref<1024x128xf32, #tpu.memory_space<vmem>>) attributes {dimension_semantics = [#tpu.dimension_semantics<arbitrary>], iteration_bounds = array<i64: 49>, scalar_prefetch = 0 : i64, scratch_operands = 0 : i64, tpu.core_type = #tpu.core_type<tc>, window_params = [{transform_indices = @transform_0, window_bounds = array<i64: 1024, 1>}, {transform_indices = @transform_1, window_bounds = array<i64: 1024, 128>}, {transform_indices = @transform_2, window_bounds = array<i64: 1024, 128>}, {transform_indices = @transform_3, window_bounds = array<i64: 1024, 128>}, {pipeline_mode = #tpu.pipeline_mode<synchronous>, transform_indices = @transform_4, window_bounds = array<i64: 512, 128>}, {pipeline_mode = #tpu.pipeline_mode<synchronous>, transform_indices = @transform_5, window_bounds = array<i64: 512, 128>}, {pipeline_mode = #tpu.pipeline_mode<synchronous>, transform_indices = @transform_6, window_bounds = array<i64: 1, 512>}, {transform_indices = @transform_7, window_bounds = array<i64: 1024, 128>}, {transform_indices = @transform_8, window_bounds = array<i64: 1024, 128>}]} {
    %get3A = arith.constant 0 : index
    %get3A_0 = arith.constant 0 : index
    %get3A_1 = vector.load %arg2[%get3A, %get3A_0] : memref<1024x128xbf16, #tpu.memory_space<vmem>>, vector<1024x128xbf16>
    %get3A_2 = arith.constant 0 : index
    %get3A_3 = arith.constant 0 : index
    %get3A_4 = vector.load %arg3[%get3A_2, %get3A_3] : memref<1024x128xf32, #tpu.memory_space<vmem>>, vector<1024x128xf32>
    %get3A_5 = arith.constant 0 : index
    %get3A_6 = arith.constant 0 : index
    %get3A_7 = vector.load %arg4[%get3A_5, %get3A_6] : memref<1024x128xf32, #tpu.memory_space<vmem>>, vector<1024x128xf32>
    %get3A_8 = arith.constant 0 : index
    %get3A_9 = arith.constant 0 : index
    %get3A_10 = vector.load %arg5[%get3A_8, %get3A_9] : memref<512x128xf32, #tpu.memory_space<vmem>>, vector<512x128xf32>
    %convert_element_type3A = arith.truncf %get3A_10 : vector<512x128xf32> to vector<512x128xbf16>
    %dot_general3A = arith.constant dense<0.000000e+00> : vector<1024x512xf32>
    %dot_general3A_11 = tpu.matmul %get3A_1, %convert_element_type3A, %dot_general3A {dimension_numbers = #tpu.dot_dimension_numbers<[1], [1], [0], [0], [0, 0, 1, 0], [], []>, transpose_lhs_hint = false} : vector<1024x128xbf16>, vector<512x128xbf16>, vector<1024x512xf32> -> vector<1024x512xf32>
    %get3A_12 = arith.constant 0 : index
    %get3A_13 = arith.constant 0 : index
    %get3A_14 = vector.load %arg6[%get3A_12, %get3A_13] : memref<512x128xf32, #tpu.memory_space<vmem>>, vector<512x128xf32>
    %convert_element_type3A_15 = arith.truncf %get3A_4 : vector<1024x128xf32> to vector<1024x128xbf16>
    %convert_element_type3A_16 = arith.truncf %get3A_14 : vector<512x128xf32> to vector<512x128xbf16>
    %dot_general3A_17 = arith.constant dense<0.000000e+00> : vector<1024x512xf32>
    %dot_general3A_18 = tpu.matmul %convert_element_type3A_15, %convert_element_type3A_16, %dot_general3A_17 {dimension_numbers = #tpu.dot_dimension_numbers<[1], [1], [0], [0], [0, 0, 1, 0], [], []>, transpose_lhs_hint = false} : vector<1024x128xbf16>, vector<512x128xbf16>, vector<1024x512xf32> -> vector<1024x512xf32>
    %add3A = arith.addf %dot_general3A_11, %dot_general3A_18 : vector<1024x512xf32>
    %get3A_19 = arith.constant 0 : index
    %get3A_20 = arith.constant 0 : index
    %get3A_21 = vector.load %arg7[%get3A_19, %get3A_20] : memref<1x512xf32, #tpu.memory_space<vmem>>, vector<1x512xf32>
    %add3A_22 = vector.broadcast %get3A_21 : vector<1x512xf32> to vector<1024x512xf32>
    %add3A_23 = arith.addf %add3A, %add3A_22 : vector<1024x512xf32>
    %slice3A = vector.extract_strided_slice %add3A_23 {offsets = [0, 0], sizes = [1024, 128], strides = [1, 1]} : vector<1024x512xf32> to vector<1024x128xf32>
    %logistic3A = arith.negf %slice3A : vector<1024x128xf32>
    %logistic3A_24 = math.exp %logistic3A : vector<1024x128xf32>
    %logistic3A_25 = arith.constant 1.000000e+00 : f32
    %logistic3A_26 = vector.broadcast %logistic3A_25 : f32 to vector<1024x128xf32>
    %logistic3A_27 = arith.addf %logistic3A_26, %logistic3A_24 : vector<1024x128xf32>
    %logistic3A_28 = arith.divf %logistic3A_26, %logistic3A_27 : vector<1024x128xf32>
    %slice3A_29 = vector.extract_strided_slice %add3A_23 {offsets = [0, 128], sizes = [1024, 128], strides = [1, 1]} : vector<1024x512xf32> to vector<1024x128xf32>
    %logistic3A_30 = arith.negf %slice3A_29 : vector<1024x128xf32>
    %logistic3A_31 = math.exp %logistic3A_30 : vector<1024x128xf32>
    %logistic3A_32 = arith.constant 1.000000e+00 : f32
    %logistic3A_33 = vector.broadcast %logistic3A_32 : f32 to vector<1024x128xf32>
    %logistic3A_34 = arith.addf %logistic3A_33, %logistic3A_31 : vector<1024x128xf32>
    %logistic3A_35 = arith.divf %logistic3A_33, %logistic3A_34 : vector<1024x128xf32>
    %slice3A_36 = vector.extract_strided_slice %add3A_23 {offsets = [0, 256], sizes = [1024, 128], strides = [1, 1]} : vector<1024x512xf32> to vector<1024x128xf32>
    %tanh3A = math.tanh %slice3A_36 : vector<1024x128xf32>
    %slice3A_37 = vector.extract_strided_slice %add3A_23 {offsets = [0, 384], sizes = [1024, 128], strides = [1, 1]} : vector<1024x512xf32> to vector<1024x128xf32>
    %logistic3A_38 = arith.negf %slice3A_37 : vector<1024x128xf32>
    %logistic3A_39 = math.exp %logistic3A_38 : vector<1024x128xf32>
    %logistic3A_40 = arith.constant 1.000000e+00 : f32
    %logistic3A_41 = vector.broadcast %logistic3A_40 : f32 to vector<1024x128xf32>
    %logistic3A_42 = arith.addf %logistic3A_41, %logistic3A_39 : vector<1024x128xf32>
    %logistic3A_43 = arith.divf %logistic3A_41, %logistic3A_42 : vector<1024x128xf32>
    %mul3A = arith.mulf %logistic3A_35, %get3A_7 : vector<1024x128xf32>
    %mul3A_44 = arith.mulf %logistic3A_28, %tanh3A : vector<1024x128xf32>
    %add3A_45 = arith.addf %mul3A, %mul3A_44 : vector<1024x128xf32>
    %tanh3A_46 = math.tanh %add3A_45 : vector<1024x128xf32>
    %mul3A_47 = arith.mulf %logistic3A_43, %tanh3A_46 : vector<1024x128xf32>
    %get3A_48 = arith.constant 0 : index
    %get3A_49 = arith.constant 0 : index
    %get3A_50 = vector.load %arg1[%get3A_48, %get3A_49] : memref<1024x1xi32, #tpu.memory_space<vmem>>, vector<1024x1xi32>
    %eq3A = arith.constant 1 : i32
    %eq3A_51 = vector.broadcast %eq3A : i32 to vector<1024x1xi32>
    %eq3A_52 = arith.cmpi eq, %get3A_50, %eq3A_51 : vector<1024x1xi32>
    %broadcast_in_dim3A = vector.shape_cast %eq3A_52 : vector<1024x1xi1> to vector<1024x1xi1>
    %broadcast_in_dim3A_53 = vector.broadcast %broadcast_in_dim3A : vector<1024x1xi1> to vector<1024x128xi1>
    %select_n3A = arith.select %broadcast_in_dim3A_53, %get3A_4, %mul3A_47 : vector<1024x128xi1>, vector<1024x128xf32>
    %swap3A = arith.constant 0 : index
    %swap3A_54 = arith.constant 0 : index
    %swap3A_55 = vector.load %arg8[%swap3A, %swap3A_54] : memref<1024x128xf32, #tpu.memory_space<vmem>>, vector<1024x128xf32>
    tpu.vector_store %arg8[%swap3A, %swap3A_54], %select_n3A {strides = array<i32>} : memref<1024x128xf32, #tpu.memory_space<vmem>>, vector<1024x128xf32>,
    %broadcast_in_dim3A_56 = vector.shape_cast %eq3A_52 : vector<1024x1xi1> to vector<1024x1xi1>
    %broadcast_in_dim3A_57 = vector.broadcast %broadcast_in_dim3A_56 : vector<1024x1xi1> to vector<1024x128xi1>
    %select_n3A_58 = arith.select %broadcast_in_dim3A_57, %get3A_7, %add3A_45 : vector<1024x128xi1>, vector<1024x128xf32>
    %swap3A_59 = arith.constant 0 : index
    %swap3A_60 = arith.constant 0 : index
    %swap3A_61 = vector.load %arg9[%swap3A_59, %swap3A_60] : memref<1024x128xf32, #tpu.memory_space<vmem>>, vector<1024x128xf32>
    tpu.vector_store %arg9[%swap3A_59, %swap3A_60], %select_n3A_58 {strides = array<i32>} : memref<1024x128xf32, #tpu.memory_space<vmem>>, vector<1024x128xf32>,
    return
  }
  func.func @transform_0(%arg0: i32) -> (i32, i32) {
    %c0_i32 = arith.constant 0 : i32
    %c0_i32_0 = arith.constant 0 : i32
    return %arg0, %c0_i32 : i32, i32
  }
  func.func @transform_1(%arg0: i32) -> (i32, i32) {
    %c0_i32 = arith.constant 0 : i32
    %c0_i32_0 = arith.constant 0 : i32
    return %arg0, %c0_i32 : i32, i32
  }
  func.func @transform_2(%arg0: i32) -> (i32, i32) {
    %c0_i32 = arith.constant 0 : i32
    %c0_i32_0 = arith.constant 0 : i32
    return %arg0, %c0_i32 : i32, i32
  }
  func.func @transform_3(%arg0: i32) -> (i32, i32) {
    %c0_i32 = arith.constant 0 : i32
    %c0_i32_0 = arith.constant 0 : i32
    return %arg0, %c0_i32 : i32, i32
  }
  func.func @transform_4(%arg0: i32) -> (i32, i32) {
    %c0_i32 = arith.constant 0 : i32
    %c0_i32_0 = arith.constant 0 : i32
    %c0_i32_1 = arith.constant 0 : i32
    return %c0_i32, %c0_i32_0 : i32, i32
  }
  func.func @transform_5(%arg0: i32) -> (i32, i32) {
    %c0_i32 = arith.constant 0 : i32
    %c0_i32_0 = arith.constant 0 : i32
    %c0_i32_1 = arith.constant 0 : i32
    return %c0_i32, %c0_i32_0 : i32, i32
  }
  func.func @transform_6(%arg0: i32) -> (i32, i32) {
    %c0_i32 = arith.constant 0 : i32
    %c0_i32_0 = arith.constant 0 : i32
    %c0_i32_1 = arith.constant 0 : i32
    return %c0_i32, %c0_i32_0 : i32, i32
  }
  func.func @transform_7(%arg0: i32) -> (i32, i32) {
    %c0_i32 = arith.constant 0 : i32
    %c0_i32_0 = arith.constant 0 : i32
    return %arg0, %c0_i32 : i32, i32
  }
  func.func @transform_8(%arg0: i32) -> (i32, i32) {
    %c0_i32 = arith.constant 0 : i32
    %c0_i32_0 = arith.constant 0 : i32
    return %arg0, %c0_i32 : i32, i32
  }
}

module attributes {stable_mosaic.version = 14 : i64} {
  func.func @_clause_body(%arg0: i32, %arg1: memref<1024x1xi32, #tpu.memory_space<vmem>>, %arg2: memref<1024x512xf32, #tpu.memory_space<vmem>>, %arg3: memref<1024x128xf32, #tpu.memory_space<vmem>>, %arg4: memref<1024x128xf32, #tpu.memory_space<vmem>>, %arg5: memref<512x512xf32, #tpu.memory_space<vmem>>, %arg6: memref<512x128xf32, #tpu.memory_space<vmem>>, %arg7: memref<1x512xf32, #tpu.memory_space<vmem>>, %arg8: memref<512x512xf32, #tpu.memory_space<vmem>>, %arg9: memref<512x128xf32, #tpu.memory_space<vmem>>, %arg10: memref<1x512xf32, #tpu.memory_space<vmem>>, %arg11: memref<1024x128xf32, #tpu.memory_space<vmem>>, %arg12: memref<1024x128xf32, #tpu.memory_space<vmem>>) attributes {dimension_semantics = [#tpu.dimension_semantics<arbitrary>], iteration_bounds = array<i64: 13>, scalar_prefetch = 0 : i64, scratch_operands = 0 : i64, tpu.core_type = #tpu.core_type<tc>, window_params = [{transform_indices = @transform_0, window_bounds = array<i64: 1024, 1>}, {transform_indices = @transform_1, window_bounds = array<i64: 1024, 512>}, {transform_indices = @transform_2, window_bounds = array<i64: 1024, 128>}, {transform_indices = @transform_3, window_bounds = array<i64: 1024, 128>}, {pipeline_mode = #tpu.pipeline_mode<synchronous>, transform_indices = @transform_4, window_bounds = array<i64: 512, 512>}, {pipeline_mode = #tpu.pipeline_mode<synchronous>, transform_indices = @transform_5, window_bounds = array<i64: 512, 128>}, {pipeline_mode = #tpu.pipeline_mode<synchronous>, transform_indices = @transform_6, window_bounds = array<i64: 1, 512>}, {pipeline_mode = #tpu.pipeline_mode<synchronous>, transform_indices = @transform_7, window_bounds = array<i64: 512, 512>}, {pipeline_mode = #tpu.pipeline_mode<synchronous>, transform_indices = @transform_8, window_bounds = array<i64: 512, 128>}, {pipeline_mode = #tpu.pipeline_mode<synchronous>, transform_indices = @transform_9, window_bounds = array<i64: 1, 512>}, {transform_indices = @transform_10, window_bounds = array<i64: 1024, 128>}, {transform_indices = @transform_11, window_bounds = array<i64: 1024, 128>}]} {
    %get3A = arith.constant 0 : index
    %get3A_0 = arith.constant 0 : index
    %get3A_1 = vector.load %arg2[%get3A, %get3A_0] : memref<1024x512xf32, #tpu.memory_space<vmem>>, vector<1024x512xf32>
    %get3A_2 = arith.constant 0 : index
    %get3A_3 = arith.constant 0 : index
    %get3A_4 = vector.load %arg3[%get3A_2, %get3A_3] : memref<1024x128xf32, #tpu.memory_space<vmem>>, vector<1024x128xf32>
    %get3A_5 = arith.constant 0 : index
    %get3A_6 = arith.constant 0 : index
    %get3A_7 = vector.load %arg4[%get3A_5, %get3A_6] : memref<1024x128xf32, #tpu.memory_space<vmem>>, vector<1024x128xf32>
    %get3A_8 = arith.constant 0 : index
    %get3A_9 = arith.constant 0 : index
    %get3A_10 = vector.load %arg5[%get3A_8, %get3A_9] : memref<512x512xf32, #tpu.memory_space<vmem>>, vector<512x512xf32>
    %convert_element_type3A = arith.truncf %get3A_1 : vector<1024x512xf32> to vector<1024x512xbf16>
    %convert_element_type3A_11 = arith.truncf %get3A_10 : vector<512x512xf32> to vector<512x512xbf16>
    %dot_general3A = arith.constant dense<0.000000e+00> : vector<1024x512xf32>
    %dot_general3A_12 = tpu.matmul %convert_element_type3A, %convert_element_type3A_11, %dot_general3A {dimension_numbers = #tpu.dot_dimension_numbers<[1], [1], [0], [0], [0, 0, 1, 0], [], []>, transpose_lhs_hint = false} : vector<1024x512xbf16>, vector<512x512xbf16>, vector<1024x512xf32> -> vector<1024x512xf32>
    %get3A_13 = arith.constant 0 : index
    %get3A_14 = arith.constant 0 : index
    %get3A_15 = vector.load %arg6[%get3A_13, %get3A_14] : memref<512x128xf32, #tpu.memory_space<vmem>>, vector<512x128xf32>
    %convert_element_type3A_16 = arith.truncf %get3A_4 : vector<1024x128xf32> to vector<1024x128xbf16>
    %convert_element_type3A_17 = arith.truncf %get3A_15 : vector<512x128xf32> to vector<512x128xbf16>
    %dot_general3A_18 = arith.constant dense<0.000000e+00> : vector<1024x512xf32>
    %dot_general3A_19 = tpu.matmul %convert_element_type3A_16, %convert_element_type3A_17, %dot_general3A_18 {dimension_numbers = #tpu.dot_dimension_numbers<[1], [1], [0], [0], [0, 0, 1, 0], [], []>, transpose_lhs_hint = false} : vector<1024x128xbf16>, vector<512x128xbf16>, vector<1024x512xf32> -> vector<1024x512xf32>
    %add3A = arith.addf %dot_general3A_12, %dot_general3A_19 : vector<1024x512xf32>
    %get3A_20 = arith.constant 0 : index
    %get3A_21 = arith.constant 0 : index
    %get3A_22 = vector.load %arg7[%get3A_20, %get3A_21] : memref<1x512xf32, #tpu.memory_space<vmem>>, vector<1x512xf32>
    %add3A_23 = vector.broadcast %get3A_22 : vector<1x512xf32> to vector<1024x512xf32>
    %add3A_24 = arith.addf %add3A, %add3A_23 : vector<1024x512xf32>
    %get3A_25 = arith.constant 0 : index
    %get3A_26 = arith.constant 0 : index
    %get3A_27 = vector.load %arg8[%get3A_25, %get3A_26] : memref<512x512xf32, #tpu.memory_space<vmem>>, vector<512x512xf32>
    %convert_element_type3A_28 = arith.truncf %get3A_1 : vector<1024x512xf32> to vector<1024x512xbf16>
    %convert_element_type3A_29 = arith.truncf %get3A_27 : vector<512x512xf32> to vector<512x512xbf16>
    %dot_general3A_30 = arith.constant dense<0.000000e+00> : vector<1024x512xf32>
    %dot_general3A_31 = tpu.matmul %convert_element_type3A_28, %convert_element_type3A_29, %dot_general3A_30 {dimension_numbers = #tpu.dot_dimension_numbers<[1], [1], [0], [0], [0, 0, 1, 0], [], []>, transpose_lhs_hint = false} : vector<1024x512xbf16>, vector<512x512xbf16>, vector<1024x512xf32> -> vector<1024x512xf32>
    %get3A_32 = arith.constant 0 : index
    %get3A_33 = arith.constant 0 : index
    %get3A_34 = vector.load %arg9[%get3A_32, %get3A_33] : memref<512x128xf32, #tpu.memory_space<vmem>>, vector<512x128xf32>
    %convert_element_type3A_35 = arith.truncf %get3A_4 : vector<1024x128xf32> to vector<1024x128xbf16>
    %convert_element_type3A_36 = arith.truncf %get3A_34 : vector<512x128xf32> to vector<512x128xbf16>
    %dot_general3A_37 = arith.constant dense<0.000000e+00> : vector<1024x512xf32>
    %dot_general3A_38 = tpu.matmul %convert_element_type3A_35, %convert_element_type3A_36, %dot_general3A_37 {dimension_numbers = #tpu.dot_dimension_numbers<[1], [1], [0], [0], [0, 0, 1, 0], [], []>, transpose_lhs_hint = false} : vector<1024x128xbf16>, vector<512x128xbf16>, vector<1024x512xf32> -> vector<1024x512xf32>
    %add3A_39 = arith.addf %dot_general3A_31, %dot_general3A_38 : vector<1024x512xf32>
    %get3A_40 = arith.constant 0 : index
    %get3A_41 = arith.constant 0 : index
    %get3A_42 = vector.load %arg10[%get3A_40, %get3A_41] : memref<1x512xf32, #tpu.memory_space<vmem>>, vector<1x512xf32>
    %add3A_43 = vector.broadcast %get3A_42 : vector<1x512xf32> to vector<1024x512xf32>
    %add3A_44 = arith.addf %add3A_39, %add3A_43 : vector<1024x512xf32>
    %slice3A = vector.extract_strided_slice %add3A_24 {offsets = [0, 0], sizes = [1024, 128], strides = [1, 1]} : vector<1024x512xf32> to vector<1024x128xf32>
    %logistic3A = arith.negf %slice3A : vector<1024x128xf32>
    %logistic3A_45 = math.exp %logistic3A : vector<1024x128xf32>
    %logistic3A_46 = arith.constant 1.000000e+00 : f32
    %logistic3A_47 = vector.broadcast %logistic3A_46 : f32 to vector<1024x128xf32>
    %logistic3A_48 = arith.addf %logistic3A_47, %logistic3A_45 : vector<1024x128xf32>
    %logistic3A_49 = arith.divf %logistic3A_47, %logistic3A_48 : vector<1024x128xf32>
    %slice3A_50 = vector.extract_strided_slice %add3A_24 {offsets = [0, 128], sizes = [1024, 128], strides = [1, 1]} : vector<1024x512xf32> to vector<1024x128xf32>
    %logistic3A_51 = arith.negf %slice3A_50 : vector<1024x128xf32>
    %logistic3A_52 = math.exp %logistic3A_51 : vector<1024x128xf32>
    %logistic3A_53 = arith.constant 1.000000e+00 : f32
    %logistic3A_54 = vector.broadcast %logistic3A_53 : f32 to vector<1024x128xf32>
    %logistic3A_55 = arith.addf %logistic3A_54, %logistic3A_52 : vector<1024x128xf32>
    %logistic3A_56 = arith.divf %logistic3A_54, %logistic3A_55 : vector<1024x128xf32>
    %slice3A_57 = vector.extract_strided_slice %add3A_24 {offsets = [0, 256], sizes = [1024, 128], strides = [1, 1]} : vector<1024x512xf32> to vector<1024x128xf32>
    %tanh3A = math.tanh %slice3A_57 : vector<1024x128xf32>
    %slice3A_58 = vector.extract_strided_slice %add3A_24 {offsets = [0, 384], sizes = [1024, 128], strides = [1, 1]} : vector<1024x512xf32> to vector<1024x128xf32>
    %logistic3A_59 = arith.negf %slice3A_58 : vector<1024x128xf32>
    %logistic3A_60 = math.exp %logistic3A_59 : vector<1024x128xf32>
    %logistic3A_61 = arith.constant 1.000000e+00 : f32
    %logistic3A_62 = vector.broadcast %logistic3A_61 : f32 to vector<1024x128xf32>
    %logistic3A_63 = arith.addf %logistic3A_62, %logistic3A_60 : vector<1024x128xf32>
    %logistic3A_64 = arith.divf %logistic3A_62, %logistic3A_63 : vector<1024x128xf32>
    %mul3A = arith.mulf %logistic3A_56, %get3A_7 : vector<1024x128xf32>
    %mul3A_65 = arith.mulf %logistic3A_49, %tanh3A : vector<1024x128xf32>
    %add3A_66 = arith.addf %mul3A, %mul3A_65 : vector<1024x128xf32>
    %tanh3A_67 = math.tanh %add3A_66 : vector<1024x128xf32>
    %mul3A_68 = arith.mulf %logistic3A_64, %tanh3A_67 : vector<1024x128xf32>
    %slice3A_69 = vector.extract_strided_slice %add3A_44 {offsets = [0, 0], sizes = [1024, 128], strides = [1, 1]} : vector<1024x512xf32> to vector<1024x128xf32>
    %logistic3A_70 = arith.negf %slice3A_69 : vector<1024x128xf32>
    %logistic3A_71 = math.exp %logistic3A_70 : vector<1024x128xf32>
    %logistic3A_72 = arith.constant 1.000000e+00 : f32
    %logistic3A_73 = vector.broadcast %logistic3A_72 : f32 to vector<1024x128xf32>
    %logistic3A_74 = arith.addf %logistic3A_73, %logistic3A_71 : vector<1024x128xf32>
    %logistic3A_75 = arith.divf %logistic3A_73, %logistic3A_74 : vector<1024x128xf32>
    %slice3A_76 = vector.extract_strided_slice %add3A_44 {offsets = [0, 128], sizes = [1024, 128], strides = [1, 1]} : vector<1024x512xf32> to vector<1024x128xf32>
    %logistic3A_77 = arith.negf %slice3A_76 : vector<1024x128xf32>
    %logistic3A_78 = math.exp %logistic3A_77 : vector<1024x128xf32>
    %logistic3A_79 = arith.constant 1.000000e+00 : f32
    %logistic3A_80 = vector.broadcast %logistic3A_79 : f32 to vector<1024x128xf32>
    %logistic3A_81 = arith.addf %logistic3A_80, %logistic3A_78 : vector<1024x128xf32>
    %logistic3A_82 = arith.divf %logistic3A_80, %logistic3A_81 : vector<1024x128xf32>
    %slice3A_83 = vector.extract_strided_slice %add3A_44 {offsets = [0, 256], sizes = [1024, 128], strides = [1, 1]} : vector<1024x512xf32> to vector<1024x128xf32>
    %tanh3A_84 = math.tanh %slice3A_83 : vector<1024x128xf32>
    %slice3A_85 = vector.extract_strided_slice %add3A_44 {offsets = [0, 384], sizes = [1024, 128], strides = [1, 1]} : vector<1024x512xf32> to vector<1024x128xf32>
    %logistic3A_86 = arith.negf %slice3A_85 : vector<1024x128xf32>
    %logistic3A_87 = math.exp %logistic3A_86 : vector<1024x128xf32>
    %logistic3A_88 = arith.constant 1.000000e+00 : f32
    %logistic3A_89 = vector.broadcast %logistic3A_88 : f32 to vector<1024x128xf32>
    %logistic3A_90 = arith.addf %logistic3A_89, %logistic3A_87 : vector<1024x128xf32>
    %logistic3A_91 = arith.divf %logistic3A_89, %logistic3A_90 : vector<1024x128xf32>
    %mul3A_92 = arith.mulf %logistic3A_82, %get3A_7 : vector<1024x128xf32>
    %mul3A_93 = arith.mulf %logistic3A_75, %tanh3A_84 : vector<1024x128xf32>
    %add3A_94 = arith.addf %mul3A_92, %mul3A_93 : vector<1024x128xf32>
    %tanh3A_95 = math.tanh %add3A_94 : vector<1024x128xf32>
    %mul3A_96 = arith.mulf %logistic3A_91, %tanh3A_95 : vector<1024x128xf32>
    %get3A_97 = arith.constant 0 : index
    %get3A_98 = arith.constant 0 : index
    %get3A_99 = vector.load %arg1[%get3A_97, %get3A_98] : memref<1024x1xi32, #tpu.memory_space<vmem>>, vector<1024x1xi32>
    %eq3A = arith.constant 1 : i32
    %eq3A_100 = vector.broadcast %eq3A : i32 to vector<1024x1xi32>
    %eq3A_101 = arith.cmpi eq, %get3A_99, %eq3A_100 : vector<1024x1xi32>
    %broadcast_in_dim3A = vector.shape_cast %eq3A_101 : vector<1024x1xi1> to vector<1024x1xi1>
    %broadcast_in_dim3A_102 = vector.broadcast %broadcast_in_dim3A : vector<1024x1xi1> to vector<1024x128xi1>
    %select_n3A = arith.select %broadcast_in_dim3A_102, %mul3A_68, %mul3A_96 : vector<1024x128xi1>, vector<1024x128xf32>
    %swap3A = arith.constant 0 : index
    %swap3A_103 = arith.constant 0 : index
    %swap3A_104 = vector.load %arg11[%swap3A, %swap3A_103] : memref<1024x128xf32, #tpu.memory_space<vmem>>, vector<1024x128xf32>
    tpu.vector_store %arg11[%swap3A, %swap3A_103], %select_n3A {strides = array<i32>} : memref<1024x128xf32, #tpu.memory_space<vmem>>, vector<1024x128xf32>,
    %broadcast_in_dim3A_105 = vector.shape_cast %eq3A_101 : vector<1024x1xi1> to vector<1024x1xi1>
    %broadcast_in_dim3A_106 = vector.broadcast %broadcast_in_dim3A_105 : vector<1024x1xi1> to vector<1024x128xi1>
    %select_n3A_107 = arith.select %broadcast_in_dim3A_106, %add3A_66, %add3A_94 : vector<1024x128xi1>, vector<1024x128xf32>
    %swap3A_108 = arith.constant 0 : index
    %swap3A_109 = arith.constant 0 : index
    %swap3A_110 = vector.load %arg12[%swap3A_108, %swap3A_109] : memref<1024x128xf32, #tpu.memory_space<vmem>>, vector<1024x128xf32>
    tpu.vector_store %arg12[%swap3A_108, %swap3A_109], %select_n3A_107 {strides = array<i32>} : memref<1024x128xf32, #tpu.memory_space<vmem>>, vector<1024x128xf32>,
    return
  }
  func.func @transform_0(%arg0: i32) -> (i32, i32) {
    %c0_i32 = arith.constant 0 : i32
    %c0_i32_0 = arith.constant 0 : i32
    return %arg0, %c0_i32 : i32, i32
  }
  func.func @transform_1(%arg0: i32) -> (i32, i32) {
    %c0_i32 = arith.constant 0 : i32
    %c0_i32_0 = arith.constant 0 : i32
    return %arg0, %c0_i32 : i32, i32
  }
  func.func @transform_2(%arg0: i32) -> (i32, i32) {
    %c0_i32 = arith.constant 0 : i32
    %c0_i32_0 = arith.constant 0 : i32
    return %arg0, %c0_i32 : i32, i32
  }
  func.func @transform_3(%arg0: i32) -> (i32, i32) {
    %c0_i32 = arith.constant 0 : i32
    %c0_i32_0 = arith.constant 0 : i32
    return %arg0, %c0_i32 : i32, i32
  }
  func.func @transform_4(%arg0: i32) -> (i32, i32) {
    %c0_i32 = arith.constant 0 : i32
    %c0_i32_0 = arith.constant 0 : i32
    %c0_i32_1 = arith.constant 0 : i32
    return %c0_i32, %c0_i32_0 : i32, i32
  }
  func.func @transform_5(%arg0: i32) -> (i32, i32) {
    %c0_i32 = arith.constant 0 : i32
    %c0_i32_0 = arith.constant 0 : i32
    %c0_i32_1 = arith.constant 0 : i32
    return %c0_i32, %c0_i32_0 : i32, i32
  }
  func.func @transform_6(%arg0: i32) -> (i32, i32) {
    %c0_i32 = arith.constant 0 : i32
    %c0_i32_0 = arith.constant 0 : i32
    %c0_i32_1 = arith.constant 0 : i32
    return %c0_i32, %c0_i32_0 : i32, i32
  }
  func.func @transform_7(%arg0: i32) -> (i32, i32) {
    %c0_i32 = arith.constant 0 : i32
    %c0_i32_0 = arith.constant 0 : i32
    %c0_i32_1 = arith.constant 0 : i32
    return %c0_i32, %c0_i32_0 : i32, i32
  }
  func.func @transform_8(%arg0: i32) -> (i32, i32) {
    %c0_i32 = arith.constant 0 : i32
    %c0_i32_0 = arith.constant 0 : i32
    %c0_i32_1 = arith.constant 0 : i32
    return %c0_i32, %c0_i32_0 : i32, i32
  }
  func.func @transform_9(%arg0: i32) -> (i32, i32) {
    %c0_i32 = arith.constant 0 : i32
    %c0_i32_0 = arith.constant 0 : i32
    %c0_i32_1 = arith.constant 0 : i32
    return %c0_i32, %c0_i32_0 : i32, i32
  }
  func.func @transform_10(%arg0: i32) -> (i32, i32) {
    %c0_i32 = arith.constant 0 : i32
    %c0_i32_0 = arith.constant 0 : i32
    return %arg0, %c0_i32 : i32, i32
  }
  func.func @transform_11(%arg0: i32) -> (i32, i32) {
    %c0_i32 = arith.constant 0 : i32
    %c0_i32_0 = arith.constant 0 : i32
    return %arg0, %c0_i32 : i32, i32
  }
}

module attributes {stable_mosaic.version = 14 : i64} {
  func.func @_logits_body(%arg0: i32, %arg1: memref<1024x128xf32, #tpu.memory_space<vmem>>, %arg2: memref<900x128xf32, #tpu.memory_space<vmem>>, %arg3: memref<1x900xf32, #tpu.memory_space<vmem>>, %arg4: memref<1024x900xf32, #tpu.memory_space<vmem>>) attributes {dimension_semantics = [#tpu.dimension_semantics<arbitrary>], iteration_bounds = array<i64: 49>, scalar_prefetch = 0 : i64, scratch_operands = 0 : i64, tpu.core_type = #tpu.core_type<tc>, window_params = [{transform_indices = @transform_0, window_bounds = array<i64: 1024, 128>}, {pipeline_mode = #tpu.pipeline_mode<synchronous>, transform_indices = @transform_1, window_bounds = array<i64: 900, 128>}, {pipeline_mode = #tpu.pipeline_mode<synchronous>, transform_indices = @transform_2, window_bounds = array<i64: 1, 900>}, {transform_indices = @transform_3, window_bounds = array<i64: 1024, 900>}]} {
    %get3A = arith.constant 0 : index
    %get3A_0 = arith.constant 0 : index
    %get3A_1 = vector.load %arg1[%get3A, %get3A_0] : memref<1024x128xf32, #tpu.memory_space<vmem>>, vector<1024x128xf32>
    %get3A_2 = arith.constant 0 : index
    %get3A_3 = arith.constant 0 : index
    %get3A_4 = vector.load %arg2[%get3A_2, %get3A_3] : memref<900x128xf32, #tpu.memory_space<vmem>>, vector<900x128xf32>
    %convert_element_type3A = arith.truncf %get3A_1 : vector<1024x128xf32> to vector<1024x128xbf16>
    %convert_element_type3A_5 = arith.truncf %get3A_4 : vector<900x128xf32> to vector<900x128xbf16>
    %dot_general3A = arith.constant dense<0.000000e+00> : vector<1024x900xf32>
    %dot_general3A_6 = tpu.matmul %convert_element_type3A, %convert_element_type3A_5, %dot_general3A {dimension_numbers = #tpu.dot_dimension_numbers<[1], [1], [0], [0], [0, 0, 1, 0], [], []>, transpose_lhs_hint = false} : vector<1024x128xbf16>, vector<900x128xbf16>, vector<1024x900xf32> -> vector<1024x900xf32>
    %get3A_7 = arith.constant 0 : index
    %get3A_8 = arith.constant 0 : index
    %get3A_9 = vector.load %arg3[%get3A_7, %get3A_8] : memref<1x900xf32, #tpu.memory_space<vmem>>, vector<1x900xf32>
    %add3A = vector.broadcast %get3A_9 : vector<1x900xf32> to vector<1024x900xf32>
    %add3A_10 = arith.addf %dot_general3A_6, %add3A : vector<1024x900xf32>
    %swap3A = arith.constant 0 : index
    %swap3A_11 = arith.constant 0 : index
    %swap3A_12 = vector.load %arg4[%swap3A, %swap3A_11] : memref<1024x900xf32, #tpu.memory_space<vmem>>, vector<1024x900xf32>
    tpu.vector_store %arg4[%swap3A, %swap3A_11], %add3A_10 {strides = array<i32>} : memref<1024x900xf32, #tpu.memory_space<vmem>>, vector<1024x900xf32>,
    return
  }
  func.func @transform_0(%arg0: i32) -> (i32, i32) {
    %c0_i32 = arith.constant 0 : i32
    %c0_i32_0 = arith.constant 0 : i32
    return %arg0, %c0_i32 : i32, i32
  }
  func.func @transform_1(%arg0: i32) -> (i32, i32) {
    %c0_i32 = arith.constant 0 : i32
    %c0_i32_0 = arith.constant 0 : i32
    %c0_i32_1 = arith.constant 0 : i32
    return %c0_i32, %c0_i32_0 : i32, i32
  }
  func.func @transform_2(%arg0: i32) -> (i32, i32) {
    %c0_i32 = arith.constant 0 : i32
    %c0_i32_0 = arith.constant 0 : i32
    %c0_i32_1 = arith.constant 0 : i32
    return %c0_i32, %c0_i32_0 : i32, i32
  }
  func.func @transform_3(%arg0: i32) -> (i32, i32) {
    %c0_i32 = arith.constant 0 : i32
    %c0_i32_0 = arith.constant 0 : i32
    return %arg0, %c0_i32 : i32, i32
  }
}

</mosaic_0001>

<sc_bundles>
// kernel: gather_offload_async_start.1
scs
__scs_entry_jumppad:
0x0: {  	(pc) =	sbr.rel $0x88, $3  }
0x1: {  	(tag) =	ssettag $0x0;
	lr =	simm.s32 $0x1  }
0x2: {  	[smem:$0x3F8A] =	sst lr;
	_ =	strace $0xD0000000  }
0x3: {  	_ = 	snop  }
0x4: {  	_ = 	snop  }
0x5: {  	_ = 	snop  }
0x6: {  	_ = 	snop  }
0x7: {  	_ = 	snop  }
__scs_overlays_trampoline_lowered:
0x8: {  	[smem:$0x3F99] =	sst s0  }
0x9: {  	[smem:$0x3F9A] =	sst s1  }
0xa: {  	[smem:$0x3F9B] =	sst s2  }
0xb: {  	[smem:$0x3F9C] =	sst s3  }
0xc: {  	[smem:$0x3F9D] =	sst s4  }
0xd: {  	[smem:$0x3F9E] =	sst s5  }
0xe: {  	[smem:$0x3F9F] =	sst s6  }
0xf: {  	[smem:$0x3FA0] =	sst s7  }
0x10: {  	[smem:$0x3FA1] =	sst s8  }
0x11: {  	[smem:$0x3FA2] =	sst s9;
	s0 =	simm.s32 @!p0 $0x0  }
0x12: {  	s1 =	sld [smem:$0x3F88];
	s0 =	simm.s32 @p0 $0x1  }
0x13: {  	[smem:$0x3FA3] =	sst s0;
	s0 =	simm.s32 @!p1 $0x0  }
0x14: {  	s2 =	sld [smem:$0x3F87];
	s0 =	simm.s32 @p1 $0x1  }
0x15: {  	[smem:$0x3FA4] =	sst s0;
	s0 =	simm.s32 @!p2 $0x0  }
0x16: {  	s3 =	sld [smem:$0x3FDB];
	s0 =	simm.s32 @p2 $0x1  }
0x17: {  	s4 =	simm.s32 $0x1BF5;
	[smem:$0x3FA6] =	sst s0  }
0x18: {  	s0 =	sld [smem:$0x3F89];
	_ =	swait.ge [sflag:s4], $0x0  }
0x19: {  	s7 =	sld [smem:$0x3F8A]  }
0x1a: {  	s8 =	sadd.s32 $0xFFFFE003, lr  }
0x1b: {  	s9 =	sadd.s32 $0xFFFFFEF7, lr;
	s5 =	simm.s32 $0xFFFFFFFF;
	p2 =	slt.u32 s8, $0xFFFFF086  }
0x1c: {  	p1 =	slt.u32 s9, $0xF7A;
	s5 =	simm.s32 @!p2 $0x0  }
0x1d: {  	s5 =	simm.s32 @p1 $0x1;
	p0 =	seq.s32 s7, s2  }
0x1e: {  	s7 =	smul.u32 @!p0 $0xF7A, s2;
	p2 =	seq.s32 @!p0 s5, $0x0  }
0x1f: {  	s9 =	smul.u32 $0xF7A, s1;
	s8 =	simm.s32 @!p0 $0x1BF5;
	p2 =	por !p2, p0  }
0x20: {  	[sflag:s8] =	ssyncset.s32 @!p0 $0xFFFFF086;
	s6 =	sadd.s32 @!p0 s3, s7;
	s7 =	simm.s32 @!p0 $0x108  }
0x21: {  	s3 =	sadd.s32 s3, s9;
	s6 =	sadd.s32 @!p0 $0x88, s6;
	s7 =	simm.s32 @p2 $0x1082  }
0x22: {  	[simem:s7], [sflag:s8] =	dma.local @!p0 [hbm:s6], $0xF7A  }
0x23: {  	s9 =	sor.u32 $0xD0000000, s2;
	s6 =	simm.s32 $0x108;
	_ =	swait.ge @!p0 [sflag:s8], $0x0  }
0x24: {  	s3 =	sadd.s32 $0x88, s3;
	s6 =	simm.s32 @!p1 $0x1082;
	[sflag:s4] =	ssyncset.s32 $0xFFFFF086  }
0x25: {  	[simem:s6], [sflag:s4] =	dma.local [hbm:s3], $0xF7A  }
0x26: {  	[smem:$0x3F8A] =	sst s1;
	(tag) =	ssettag s2;
	_ =	strace s9  }
0x27: {  	s1 =	sld [smem:$0x3F9A]  }
0x28: {  	s2 =	sld [smem:$0x3F9B]  }
0x29: {  	s4 =	sld [smem:$0x3F9D]  }
0x2a: {  	p0 =	seq.s32 s5, $0x0;
	s5 =	sld [smem:$0x3F9E]  }
0x2b: {  	s6 =	sld [smem:$0x3F9F]  }
0x2c: {  	s7 =	sld [smem:$0x3FA0]  }
0x2d: {  	s3 =	simm.s32 $0x108;
	s8 =	sld [smem:$0x3FA1]  }
0x2e: {  	s3 =	simm.s32 @!p0 $0x1082;
	s9 =	sld [smem:$0x3FA2]  }
0x2f: {  	lr =	sadd.s32 s0, s3;
	s0 =	sld [smem:$0x3F99]  }
0x30: {  	s3 =	sld [smem:$0x3F9C]  }
0x31: {  	[smem:$0x3FA5] =	sst s10  }
0x32: {  	s10 =	sld [smem:$0x3FA3];
	_ =	sdelay $0x3  }
0x33: {  	p0 =	seq.s32 s10, $0x1;
	s10 =	sld [smem:$0x3FA5];
	_ =	sdelay $0x3  }
0x34: {  	[smem:$0x3FA5] =	sst s10  }
0x35: {  	s10 =	sld [smem:$0x3FA4];
	_ =	sdelay $0x3  }
0x36: {  	p1 =	seq.s32 s10, $0x1;
	s10 =	sld [smem:$0x3FA5];
	_ =	sdelay $0x3  }
0x37: {  	[smem:$0x3FA5] =	sst s10  }
0x38: {  	s10 =	sld [smem:$0x3FA6]  }
0x39: {  	_ = 	snop;
	(pc) =	sbr.ind lr, $3  }
0x3a: {  	_ = 	snop  }
0x3b: {  	_ = 	snop  }
0x3c: {  	p2 =	seq.s32 s10, $0x1;
	s10 =	sld [smem:$0x3FA5]  }
0x3d: {  	_ =	shalt  }
0x3e: {  	_ =	shalt  }
0x3f: {  	_ =	shalt  }
0x40: {  	_ =	shalt  }
0x41: {  	_ =	shalt  }
0x42: {  	_ =	shalt  }
0x43: {  	_ =	shalt  }
0x44: {  	_ =	shalt  }
0x45: {  	_ =	shalt  }
0x46: {  	_ =	shalt  }
0x47: {  	_ =	shalt  }
0x48: {  	_ =	shalt  }
0x49: {  	_ =	shalt  }
0x4a: {  	_ =	shalt  }
0x4b: {  	_ =	shalt  }
0x4c: {  	_ =	shalt  }
0x4d: {  	_ =	shalt  }
0x4e: {  	_ =	shalt  }
0x4f: {  	_ =	shalt  }
0x50: {  	_ =	shalt  }
0x51: {  	_ =	shalt  }
0x52: {  	_ =	shalt  }
0x53: {  	_ =	shalt  }
0x54: {  	_ =	shalt  }
0x55: {  	_ =	shalt  }
0x56: {  	_ =	shalt  }
0x57: {  	_ =	shalt  }
0x58: {  	_ =	shalt  }
0x59: {  	_ =	shalt  }
0x5a: {  	_ =	shalt  }
0x5b: {  	_ =	shalt  }
0x5c: {  	_ =	shalt  }
0x5d: {  	_ =	shalt  }
0x5e: {  	_ =	shalt  }
0x5f: {  	_ =	shalt  }
0x60: {  	_ =	shalt  }
0x61: {  	_ =	shalt  }
0x62: {  	_ =	shalt  }
0x63: {  	_ =	shalt  }
0x64: {  	_ =	shalt  }
0x65: {  	_ =	shalt  }
0x66: {  	_ =	shalt  }
0x67: {  	_ =	shalt  }
0x68: {  	_ =	shalt  }
0x69: {  	_ =	shalt  }
0x6a: {  	_ =	shalt  }
0x6b: {  	_ =	shalt  }
0x6c: {  	_ =	shalt  }
0x6d: {  	_ =	shalt  }
0x6e: {  	_ =	shalt  }
0x6f: {  	_ =	shalt  }
0x70: {  	_ =	shalt  }
0x71: {  	_ =	shalt  }
0x72: {  	_ =	shalt  }
0x73: {  	_ =	shalt  }
0x74: {  	_ =	shalt  }
0x75: {  	_ =	shalt  }
0x76: {  	_ =	shalt  }
0x77: {  	_ =	shalt  }
0x78: {  	_ =	shalt  }
0x79: {  	_ =	shalt  }
0x7a: {  	_ =	shalt  }
0x7b: {  	_ =	shalt  }
0x7c: {  	_ =	shalt  }
0x7d: {  	_ =	shalt  }
0x7e: {  	_ =	shalt  }
0x7f: {  	_ =	shalt  }
0x80: {  	_ =	shalt  }
0x81: {  	_ =	shalt  }
0x82: {  	_ =	shalt  }
0x83: {  	_ =	shalt  }
0x84: {  	_ =	shalt  }
0x85: {  	_ =	shalt  }
0x86: {  	_ =	shalt  }
0x87: {  	_ =	shalt  }
.Lfunc_end0:
.L_simem_size_0:
called_computation.4_lowered:
.L_overlay_start_0:
0x88: {  	s0 =	sld [smem:$0x3FD9]  }
0x89: {  	s1 =	sld [smem:$0x3FFE];
	_ =	sdelay $0x3  }
0x8a: {  	s0 =	sadd.s32 s1, s0  }
0x8b: {  	[smem:$0x3FB1] =	sst s0  }
0x8c: {  	_ = 	snop  }
0x8d: {  	s0 =	sld [smem:$0x3FD0];
	(tm) =	ssettm $0x1  }
0x8e: {  	s16 =	sld [smem:$0x3FFB];
	_ =	sdelay $0x3  }
0x8f: {  	_ =	strace s16  }
0x90: {  	s1 =	sld [smem:$0x3FFC];
	_ =	sdelay $0x3  }
0x91: {  	_ =	strace s1  }
0x92: {  	s1 =	sld [smem:$0x3FFD];
	_ =	sdelay $0x3  }
0x93: {  	_ =	strace s1  }
0x94: {  	_ =	strace $0x8FFFFFFF  }
0x95: {  	s17 =	sld [smem:$0x3FDB];
	_ =	sdelay $0x1  }
0x96: {  	s2 =	simm.s32 $_scs_section_size  }
0x97: {  	s3 =	simm.s32 $_size__tile_overlayer_lowered;
	s4 =	simm.s32 $_tile_overlayer_lowered  }
0x98: {  	s20 =	simm.s32 $0x1BFF;
	s19 =	sshll.u32 s4, $0x1;
	s1 =	sadd.s32 s2, s17  }
0x99: {  	s5 =	simm.s32 $0x0;
	s18 =	sshll.u32 s3, $0x1;
	s3 =	sadd.s32 s19, s1  }
0x9a: {  	[timem:s5], [sflag:s20] =	dma.local [hbm:s3], s18  }
0x9b: {  	_ =	swait.ge [sflag:s20], s18  }
0x9c: {  	s2 =	ssub.s32 $0x0, s18;
	[sflag:s20] =	ssyncset.done $0x0  }
0x9d: {  	[sflag:s20] =	ssyncadd.s32 s2;
	_ =	sdelay $0x1  }
0x9e: {  	s21 =	simm.s32 $0x1B8B  }
0x9f: {  	_ =	swait.ge [sflag:s21], $0x1  }
0xa0: {  	[sflag:s21] =	ssyncset.done $0x0  }
0xa1: {  	s23 =	simm.s32 $0x1B8E;
	s22 =	sld [smem:$0x3FFE];
	[sflag:s21] =	ssyncadd.s32 $0xFFFFFFFF  }
0xa2: {  	s24 =	simm.s32 $execute0_lowered;
	[smem:$0x3FD2] =	sst s23  }
0xa3: {  	s3 =	sshll.u32 s24, $0x1;
	_ =	strace $0x8000004C;
	[dreg:$0x1] =	wrdreg $0xFFFFFFFF  }
0xa4: {  	s25 =	simm.s32 $_size_execute0_lowered;
	s1 =	sadd.s32 s1, s3;
	[dreg:$0x0] =	wrdreg $0x0  }
0xa5: {  	s3 =	sshll.u32 s25, $0x1;
	[dreg:$0x2] =	wrdreg s1  }
0xa6: {  	[dreg:$0x3] =	wrdreg s3  }
0xa7: {  	[dreg:$0x4] =	wrdreg $0xC0  }
0xa8: {  	_ =	task [dreg:s5], $0x5FFFF  }
0xa9: {  	[dreg:$0x1] =	wrdreg $0xFFFFFFFF  }
0xaa: {  	[dreg:$0x0] =	wrdreg $0x60  }
0xab: {  	[dreg:$0x2] =	wrdreg s22  }
0xac: {  	[dreg:$0x3] =	wrdreg s0  }
0xad: {  	[dreg:$0x4] =	wrdreg $0xA  }
0xae: {  	_ =	task.clear_ibuf [dreg:s5], $0x5FFFF;
	_ =	strace $0x9000004C  }
0xaf: {  	s26 =	simm.s32 $0xA;
	_ =	strace $0x8000004E  }
0xb0: {  	_ =	swait.ge [sflag:s26], $0x1  }
0xb1: {  	[sflag:s26] =	ssyncadd.s32 $0xFFFFFFFF  }
0xb2: {  	_ =	strace $0x9000004E  }
0xb3: {  	_ =	sfence  }
0xb4: {  	s28 =	sld [smem:$0x0];
	_ =	sdelay $0x1  }
0xb5: {  	s29 =	srdreg.scid  }
0xb6: {  	s30 =	sshll.u32 s29, $0xD;
	s31 =	sshrl.u32 s29, $0x2  }
0xb7: {  	s2 =	sand.u32 $0x4000, s30;
	s1 =	sand.u32 $0x1, s29;
	s0 =	sadd.s32 s31, s28  }
0xb8: {  	s1 =	sor.u32 s2, s1;
	s0 =	sshll.u32 s0, $0x11  }
0xb9: {  	s0 =	sor.u32 s0, s1  }
0xba: {  	s0 =	sadd.s32 $0x8F2B, s0  }
0xbb: {  	[sflag:s0] =	ssyncadd.remote.s32 $0x1  }
0xbc: {  	_ =	sfence.sel $0xFFFF  }
0xbd: {  	[dreg:$0x0] =	wrdreg $0xFFFFFFFF;
	(pc) =	sbr.abs _section_cstart, $3  }
0xbe: {  	[dreg:$0x1] =	wrdreg $0xFFFFFFFF  }
0xbf: {  	_ =	task.clear_ibuf [dreg:s5], $0x2FFFF;
	_ =	strace $0x9FFFFFFF  }
0xc0: {  	(tm) =	ssettm $0x7FFFFFFF  }
0xc1: {  	_ =	shalt  }
tec
execute0_lowered:
.L_overlay_start_1:
0x0: {  	(tag) =	ssettag $0x1  }
0x1: {  	s0 =	stileid.u32  }
0x2: {  	s1 =	smul.u32 $0x7, s0  }
0x3: {  	s2 =	smin.u32 s0, $0xD  }
0x4: {  	s1 =	sadd.s32 s2, s1  }
0x5: {  	p0 =	slt.u32 s0, $0xD;
	s2 =	simm.s32 $0xC80;
	s1 =	smul.u32 $0x190, s1  }
0x6: {  	s2 =	simm.s32 @!p0 $0xAF0  }
0x7: {  	s2 =	sadd.s32 s2, s1  }
0x8: {  	s3 =	smin.u32 s2, $0xC350  }
0x9: {  	s7 =	ssub.s32 s3, s1  }
0xa: {  	p0 =	sgt.s32 s7, $0x0  }
0xb: {  	s7 =	simm.s32 @!p0 $0x0  }
0xc: {  	s31 =	sand.u32 $0xFFF0, s7  }
0xd: {  	s2 =	sshrl.u32 s31, $0x4  }
0xe: {  	s9 =	rddreg [dreg:$0x0];
	s2 =	smul.u32 $0xA3E, s2  }
0xf: {  	s4 =	rddreg [dreg:$0x1];
	s6 =	simm.s32 $0x1  }
0x10: {  	s11 =	simm.s32 $0x3;
	s13 =	simm.s32 $0x0;
	s8 =	sshrl.u32 s2, $0x10  }
0x11: {  	s12 =	simm.s32 $0x0;
	s5 =	sadd.s32 $0x63A00, s9;
	s10 =	smul.u32 $0x190, s8  }
.Ltmp0:
0x12: {  	s9 =	sadd.s32 $0xC000, s9;
	s2 =	rddreg [dreg:$0x2];
	(pc) =	sbr.rel .LBB2_1-.Ltmp0, $4  }
0x13: {  	_ =	strace $0x8000004D;
	p0 =	sne.s32 s7, s10;
	s10 =	simm.s32 $0x1  }
0x14: {  	[sflag:s6] =	ssyncpa.u1 $0x0;
	s7 =	simm.s32 $0x2;
	s10 =	simm.s32 @!p0 $0x0  }
0x15: {  	[sflag:s7] =	ssyncpa.u1 $0x0;
	p0 =	por $0x0, $0x0;
	s8 =	sadd.s32 s8, s10  }
0x16: {  	vm0 =	vmmov $0xff;
	vm1 =	vcmask $0x3F20;
	[sflag:s11] =	ssyncpa.u1 $0x0;
	s11 =	smov.u32 s1;
	s10 =	sadd.s32 $0x1, s8  }
.LBB2_6:
0x17: {  	[hbm:s17] =	stream.linear.scatter [tilespmem:s14], [sflag:$0x3], $0x400, $0x38;
	[tilespmem:$0x19320] =	vst v63  }
.LBB2_7:
0x18: {  	s13 =	sadd.s32 $0x190, s11  }
0x19: {  	s15 =	smov.u32 s1;
	p2 =	slt.s32 s13, s3  }
0x1a: {  	s15 =	smov.u32 @p2 s13;
	p2 =	sne.s32 s12, s10  }
.Ltmp1:
0x1b: {  	p1 =	slt.u32 s12, $0x2;
	(pc) =	sbr.rel @!p2 .LBB2_8-.Ltmp1, $4  }
0x1c: {  	s14 =	simm.s32 @!p1 $0x3  }
0x1d: {  	s16 =	sadd.s32 $0x1, s12;
	_ =	swait.ge @!p1 [sflag:s14], $0xC800  }
0x1e: {  	p0 =	por !p0, !p0;
	s13 =	smov.u32 s11;
	[sflag:s14] =	ssyncset.done @!p1 $0x0  }
0x1f: {  	s12 =	smov.u32 s16;
	s11 =	smov.u32 s15;
	[sflag:s14] =	ssyncadd.s32 @!p1 $0xFFFF3800  }
.LBB2_1:
0x20: {  	p1 =	sge.u32 s12, s8  }
0x21: {  	s14 =	sxor.u32 @!p1 $0xFFFFFFFF, s12  }
0x22: {  	s14 =	sand.u32 @!p1 $0x1, s14  }
0x23: {  	s14 =	smul.u32 @!p1 $0x640, s14  }
0x24: {  	s31 =	sadd.s32 $0xFFFFFFFF, s12;
	s15 =	sshrl.u32 @!p1 s11, $0x3  }
0x25: {  	s16 =	sand.u32 @!p1 $0x7, s11;
	s15 =	sadd.s32 @!p1 s9, s15;
	s14 =	sshrl.u32 @!p1 s14, $0x2  }
0x26: {  	[tilespmem:s14], [sflag:$0x2] =	stream.linear.gather @!p1 [hbm4b:s15+s16], $0x190, $0x38;
	[tilespmem:$0x19320] =	vst v63  }
0x27: {  	p1 =	sge.u32 s31, s8  }
.Ltmp2:
0x28: {  	_ = 	snop;
	(pc) =	sbr.rel @p1 .LBB2_7-.Ltmp2, $1  }
0x29: {  	_ =	sdelay $0x3  }
0x2a: {  	s14 =	simm.s32 $0x1  }
0x2b: {  	s14 =	simm.s32 @!p0 $0x0  }
0x2c: {  	s15 =	smul.u32 $0x640, s14  }
0x2d: {  	_ =	swait.ge [sflag:s7], $0x190  }
0x2e: {  	[sflag:s7] =	ssyncset.done $0x0;
	s16 =	sshrl.u32 s15, $0x2  }
0x2f: {  	[sflag:s7] =	ssyncadd.s32 $0xFFFFFE70;
	s15 =	sadd.s32 $0x0, s16  }
0x30: {  	v0 =	vld.msk [tilespmem:s15+$0x0 ss:$0x1], $0xffff;
	_ =	sdelay $0x4  }
0x31: {  	vm2 =	vgt.s32 v0, $0x0  }
0x32: {  	v0 =	vnsel vm2, $0x0, v0  }
0x33: {  	v0 =	vmin.u32 v0, $0xC34F  }
0x34: {  	v0 =	vshll.u32 v0, $0x4  }
0x35: {  	s14 =	smul.u32 $0x32000, s14;
	_ =	sdelay $0x1  }
0x36: {  	s14 =	sshrl.u32 s14, $0x2  }
0x37: {  	s14 =	sor.u32 $0x320, s14  }
0x38: {  	[tilespmem:s14], [sflag:$0x1] =	stream.indirect_vreg.gather [hbm:s5], $0x80, v0, vm0, $0x38;
	[tilespmem:$0x19320] =	vst v63  }
0x39: {  	s17 =	sadd.s32 $0x10, s16;
	s15 =	sadd.s32 $0x400, s14  }
0x3a: {  	[tilespmem:s15], [sflag:$0x1] =	stream.indirect_vreg.gather [hbm:s5], $0x80, v0, vm1, $0x38;
	[tilespmem:$0x19320] =	vst v63  }
0x3b: {  	s18 =	simm.s32 $0x80;
	v0 =	vld.msk [tilespmem:s17+$0x0 ss:$0x1], $0xffff;
	s17 =	smov.u32 s14  }
.LBB2_3:
0x3c: {  	p1 =	sne.s32 s18, $0x600;
	_ =	sdelay $0x4  }
0x3d: {  	vm2 =	vgt.s32 v0, $0x0  }
0x3e: {  	v0 =	vnsel vm2, $0x0, v0  }
0x3f: {  	v0 =	vmin.u32 v0, $0xC34F  }
0x40: {  	v0 =	vshll.u32 v0, $0x4;
	_ =	sdelay $0x3  }
.Ltmp3:
0x41: {  	s19 =	sshra.s32 s18, $0x2;
	s17 =	sadd.s32 $0x800, s17;
	(pc) =	sbr.rel @p1 .LBB2_3-.Ltmp3, $4  }
0x42: {  	[tilespmem:s17], [sflag:$0x1] =	stream.indirect_vreg.gather [hbm:s5], $0x80, v0, vm0, $0x38;
	[tilespmem:$0x19320] =	vst v63  }
0x43: {  	s19 =	sadd.s32 s19, s16;
	s20 =	sadd.s32 $0x400, s17  }
0x44: {  	[tilespmem:s20], [sflag:$0x1] =	stream.indirect_vreg.gather [hbm:s5], $0x80, v0, vm1, $0x38;
	[tilespmem:$0x19320] =	vst v63  }
0x45: {  	s18 =	sadd.s32 $0x40, s18;
	v0 =	vld.msk [tilespmem:s19+$0x0 ss:$0x1], $0xffff  }
0x46: {  	_ =	sdelay $0x3  }
0x47: {  	vm2 =	vgt.s32 v0, $0x0  }
0x48: {  	v0 =	vnsel vm2, $0x0, v0  }
0x49: {  	v0 =	vmin.u32 v0, $0xC34F  }
0x4a: {  	v0 =	vshll.u32 v0, $0x4;
	_ =	sdelay $0x3  }
0x4b: {  	s16 =	sadd.s32 $0x800, s17  }
0x4c: {  	[tilespmem:s16], [sflag:$0x1] =	stream.indirect_vreg.gather [hbm:s5], $0x80, v0, vm0, $0x38;
	[tilespmem:$0x19320] =	vst v63  }
0x4d: {  	s16 =	sadd.s32 $0x400, s16  }
0x4e: {  	[tilespmem:s16], [sflag:$0x1] =	stream.indirect_vreg.gather [hbm:s5], $0x80, v0, vm1, $0x38;
	[tilespmem:$0x19320] =	vst v63  }
0x4f: {  	s13 =	sshll.u32 s13, $0x4;
	_ =	swait.ge [sflag:s6], $0xC800  }
0x50: {  	s13 =	sadd.s32 s13, s4;
	[sflag:s6] =	ssyncset.done $0x0  }
0x51: {  	s17 =	sadd.s32 $0x0, s13;
	s16 =	simm.s32 $0x80;
	[sflag:s6] =	ssyncadd.s32 $0xFFFF3800  }
.LBB2_5:
0x52: {  	[hbm:s17] =	stream.linear.scatter [tilespmem:s14], [sflag:$0x3], $0x400, $0x38;
	[tilespmem:$0x19320] =	vst v63  }
0x53: {  	s17 =	smov.u32 s16;
	s14 =	smov.u32 s15;
	p1 =	sne.s32 s16, $0x1880  }
.Ltmp4:
0x54: {  	s16 =	sadd.s32 $0x80, s16;
	(pc) =	sbr.rel @p1 .LBB2_5-.Ltmp4, $2  }
0x55: {  	_ =	sdelay $0x2  }
0x56: {  	s15 =	sadd.s32 $0x400, s15;
	s17 =	sadd.s32 s17, s13  }
.Ltmp5:
0x57: {  	_ = 	snop;
	(pc) =	sbr.rel .LBB2_6-.Ltmp5, $1  }
0x58: {  	_ =	sdelay $0x3  }
.LBB2_8:
0x59: {  	_ =	sfence.sel $0x180000  }
0x5a: {  	s1 =	simm.s32 $0x2;
	[bflag:$0x0] =	sbarrier.arrive $0xFFFF  }
0x5b: {  	s30 =	simm.s32 $0x3;
	[sflag:s1] =	ssyncpa.u1 $0x1  }
0x5c: {  	s31 =	simm.s32 $0x1;
	[sflag:s30] =	ssyncpa.u1 $0x1  }
0x5d: {  	[sflag:s31] =	ssyncpa.u1 $0x1  }
0x5e: {  	p0 =	sne.s32 s0, $0x0;
	_ =	strace $0x9000004D  }
0x5f: {  	s0 =	sadd.s32 @!p0 $0x100000, s2;
	[bflag:$0x2] =	sbarrier.arrive $0xFFFF  }
0x60: {  	[sflag:s0] =	ssyncadd.tile.s32 @!p0 $0x1;
	_ =	shalt  }
.Lfunc_end2:
_tile_overlayer_lowered:
.L_overlay_start_2:
0x61: {  	(tag) =	ssettag $0x2  }
0x62: {  	s0 =	rddreg [dreg:$0x0];
	s2 =	stileid.u32  }
0x63: {  	s1 =	rddreg [dreg:$0x1];
	p0 =	sne.s32 s2, $0x0  }
0x64: {  	s3 =	rddreg [dreg:$0x2];
	[bflag:$0x3] =	sbarrier.arrive $0xFFFF;
	s2 =	simm.s32 @!p0 $0x1C01  }
0x65: {  	[timem:s3], [sflag:s2] =	dma.local @!p0 [hbm:s0], s1  }
0x66: {  	s0 =	simm.s32 @!p0 $0x1  }
0x67: {  	_ =	swait.ge @!p0 [sflag:s0], s1  }
0x68: {  	s1 =	ssub.s32 @!p0 $0x0, s1;
	[sflag:s0] =	ssyncset.done @!p0 $0x0  }
0x69: {  	[sflag:s0] =	ssyncadd.s32 @!p0 s1  }
0x6a: {  	[bflag:$0x3] =	sbarrier.arrive $0xFFFF  }
0x6b: {  	_ =	shalt  }

// kernel: gather_offload_async_start.2
scs
__scs_entry_jumppad:
0x0: {  	(pc) =	sbr.rel $0x88, $3  }
0x1: {  	(tag) =	ssettag $0x0;
	lr =	simm.s32 $0x1  }
0x2: {  	[smem:$0x3F8A] =	sst lr;
	_ =	strace $0xD0000000  }
0x3: {  	_ = 	snop  }
0x4: {  	_ = 	snop  }
0x5: {  	_ = 	snop  }
0x6: {  	_ = 	snop  }
0x7: {  	_ = 	snop  }
__scs_overlays_trampoline_lowered:
0x8: {  	[smem:$0x3F99] =	sst s0  }
0x9: {  	[smem:$0x3F9A] =	sst s1  }
0xa: {  	[smem:$0x3F9B] =	sst s2  }
0xb: {  	[smem:$0x3F9C] =	sst s3  }
0xc: {  	[smem:$0x3F9D] =	sst s4  }
0xd: {  	[smem:$0x3F9E] =	sst s5  }
0xe: {  	[smem:$0x3F9F] =	sst s6  }
0xf: {  	[smem:$0x3FA0] =	sst s7  }
0x10: {  	[smem:$0x3FA1] =	sst s8  }
0x11: {  	[smem:$0x3FA2] =	sst s9;
	s0 =	simm.s32 @!p0 $0x0  }
0x12: {  	s1 =	sld [smem:$0x3F88];
	s0 =	simm.s32 @p0 $0x1  }
0x13: {  	[smem:$0x3FA3] =	sst s0;
	s0 =	simm.s32 @!p1 $0x0  }
0x14: {  	s2 =	sld [smem:$0x3F87];
	s0 =	simm.s32 @p1 $0x1  }
0x15: {  	[smem:$0x3FA4] =	sst s0;
	s0 =	simm.s32 @!p2 $0x0  }
0x16: {  	s3 =	sld [smem:$0x3FDB];
	s0 =	simm.s32 @p2 $0x1  }
0x17: {  	s4 =	simm.s32 $0x1BF5;
	[smem:$0x3FA6] =	sst s0  }
0x18: {  	s0 =	sld [smem:$0x3F89];
	_ =	swait.ge [sflag:s4], $0x0  }
0x19: {  	s7 =	sld [smem:$0x3F8A]  }
0x1a: {  	s8 =	sadd.s32 $0xFFFFE003, lr  }
0x1b: {  	s9 =	sadd.s32 $0xFFFFFEF7, lr;
	s5 =	simm.s32 $0xFFFFFFFF;
	p2 =	slt.u32 s8, $0xFFFFF086  }
0x1c: {  	p1 =	slt.u32 s9, $0xF7A;
	s5 =	simm.s32 @!p2 $0x0  }
0x1d: {  	s5 =	simm.s32 @p1 $0x1;
	p0 =	seq.s32 s7, s2  }
0x1e: {  	s7 =	smul.u32 @!p0 $0xF7A, s2;
	p2 =	seq.s32 @!p0 s5, $0x0  }
0x1f: {  	s9 =	smul.u32 $0xF7A, s1;
	s8 =	simm.s32 @!p0 $0x1BF5;
	p2 =	por !p2, p0  }
0x20: {  	[sflag:s8] =	ssyncset.s32 @!p0 $0xFFFFF086;
	s6 =	sadd.s32 @!p0 s3, s7;
	s7 =	simm.s32 @!p0 $0x108  }
0x21: {  	s3 =	sadd.s32 s3, s9;
	s6 =	sadd.s32 @!p0 $0x88, s6;
	s7 =	simm.s32 @p2 $0x1082  }
0x22: {  	[simem:s7], [sflag:s8] =	dma.local @!p0 [hbm:s6], $0xF7A  }
0x23: {  	s9 =	sor.u32 $0xD0000000, s2;
	s6 =	simm.s32 $0x108;
	_ =	swait.ge @!p0 [sflag:s8], $0x0  }
0x24: {  	s3 =	sadd.s32 $0x88, s3;
	s6 =	simm.s32 @!p1 $0x1082;
	[sflag:s4] =	ssyncset.s32 $0xFFFFF086  }
0x25: {  	[simem:s6], [sflag:s4] =	dma.local [hbm:s3], $0xF7A  }
0x26: {  	[smem:$0x3F8A] =	sst s1;
	(tag) =	ssettag s2;
	_ =	strace s9  }
0x27: {  	s1 =	sld [smem:$0x3F9A]  }
0x28: {  	s2 =	sld [smem:$0x3F9B]  }
0x29: {  	s4 =	sld [smem:$0x3F9D]  }
0x2a: {  	p0 =	seq.s32 s5, $0x0;
	s5 =	sld [smem:$0x3F9E]  }
0x2b: {  	s6 =	sld [smem:$0x3F9F]  }
0x2c: {  	s7 =	sld [smem:$0x3FA0]  }
0x2d: {  	s3 =	simm.s32 $0x108;
	s8 =	sld [smem:$0x3FA1]  }
0x2e: {  	s3 =	simm.s32 @!p0 $0x1082;
	s9 =	sld [smem:$0x3FA2]  }
0x2f: {  	lr =	sadd.s32 s0, s3;
	s0 =	sld [smem:$0x3F99]  }
0x30: {  	s3 =	sld [smem:$0x3F9C]  }
0x31: {  	[smem:$0x3FA5] =	sst s10  }
0x32: {  	s10 =	sld [smem:$0x3FA3];
	_ =	sdelay $0x3  }
0x33: {  	p0 =	seq.s32 s10, $0x1;
	s10 =	sld [smem:$0x3FA5];
	_ =	sdelay $0x3  }
0x34: {  	[smem:$0x3FA5] =	sst s10  }
0x35: {  	s10 =	sld [smem:$0x3FA4];
	_ =	sdelay $0x3  }
0x36: {  	p1 =	seq.s32 s10, $0x1;
	s10 =	sld [smem:$0x3FA5];
	_ =	sdelay $0x3  }
0x37: {  	[smem:$0x3FA5] =	sst s10  }
0x38: {  	s10 =	sld [smem:$0x3FA6]  }
0x39: {  	_ = 	snop;
	(pc) =	sbr.ind lr, $3  }
0x3a: {  	_ = 	snop  }
0x3b: {  	_ = 	snop  }
0x3c: {  	p2 =	seq.s32 s10, $0x1;
	s10 =	sld [smem:$0x3FA5]  }
0x3d: {  	_ =	shalt  }
0x3e: {  	_ =	shalt  }
0x3f: {  	_ =	shalt  }
0x40: {  	_ =	shalt  }
0x41: {  	_ =	shalt  }
0x42: {  	_ =	shalt  }
0x43: {  	_ =	shalt  }
0x44: {  	_ =	shalt  }
0x45: {  	_ =	shalt  }
0x46: {  	_ =	shalt  }
0x47: {  	_ =	shalt  }
0x48: {  	_ =	shalt  }
0x49: {  	_ =	shalt  }
0x4a: {  	_ =	shalt  }
0x4b: {  	_ =	shalt  }
0x4c: {  	_ =	shalt  }
0x4d: {  	_ =	shalt  }
0x4e: {  	_ =	shalt  }
0x4f: {  	_ =	shalt  }
0x50: {  	_ =	shalt  }
0x51: {  	_ =	shalt  }
0x52: {  	_ =	shalt  }
0x53: {  	_ =	shalt  }
0x54: {  	_ =	shalt  }
0x55: {  	_ =	shalt  }
0x56: {  	_ =	shalt  }
0x57: {  	_ =	shalt  }
0x58: {  	_ =	shalt  }
0x59: {  	_ =	shalt  }
0x5a: {  	_ =	shalt  }
0x5b: {  	_ =	shalt  }
0x5c: {  	_ =	shalt  }
0x5d: {  	_ =	shalt  }
0x5e: {  	_ =	shalt  }
0x5f: {  	_ =	shalt  }
0x60: {  	_ =	shalt  }
0x61: {  	_ =	shalt  }
0x62: {  	_ =	shalt  }
0x63: {  	_ =	shalt  }
0x64: {  	_ =	shalt  }
0x65: {  	_ =	shalt  }
0x66: {  	_ =	shalt  }
0x67: {  	_ =	shalt  }
0x68: {  	_ =	shalt  }
0x69: {  	_ =	shalt  }
0x6a: {  	_ =	shalt  }
0x6b: {  	_ =	shalt  }
0x6c: {  	_ =	shalt  }
0x6d: {  	_ =	shalt  }
0x6e: {  	_ =	shalt  }
0x6f: {  	_ =	shalt  }
0x70: {  	_ =	shalt  }
0x71: {  	_ =	shalt  }
0x72: {  	_ =	shalt  }
0x73: {  	_ =	shalt  }
0x74: {  	_ =	shalt  }
0x75: {  	_ =	shalt  }
0x76: {  	_ =	shalt  }
0x77: {  	_ =	shalt  }
0x78: {  	_ =	shalt  }
0x79: {  	_ =	shalt  }
0x7a: {  	_ =	shalt  }
0x7b: {  	_ =	shalt  }
0x7c: {  	_ =	shalt  }
0x7d: {  	_ =	shalt  }
0x7e: {  	_ =	shalt  }
0x7f: {  	_ =	shalt  }
0x80: {  	_ =	shalt  }
0x81: {  	_ =	shalt  }
0x82: {  	_ =	shalt  }
0x83: {  	_ =	shalt  }
0x84: {  	_ =	shalt  }
0x85: {  	_ =	shalt  }
0x86: {  	_ =	shalt  }
0x87: {  	_ =	shalt  }
.Lfunc_end0:
.L_simem_size_0:
called_computation.5_lowered:
.L_overlay_start_0:
0x88: {  	s2 =	sld [smem:$0x3FD9]  }
0x89: {  	s3 =	sld [smem:$0x3FFE];
	_ =	sdelay $0x1  }
0x8a: {  	s1 =	srdreg.scid  }
0x8b: {  	s0 =	sand.u32 $0x1, s1  }
0x8c: {  	s17 =	sshll.u32 s0, $0xA;
	s2 =	sadd.s32 s3, s2  }
0x8d: {  	s2 =	sadd.s32 s2, s17  }
0x8e: {  	[smem:$0x3FB1] =	sst s2  }
0x8f: {  	_ = 	snop  }
0x90: {  	s2 =	sld [smem:$0x3FB4];
	(tm) =	ssettm $0x1  }
0x91: {  	s18 =	sld [smem:$0x3FFB];
	_ =	sdelay $0x3  }
0x92: {  	_ =	strace s18  }
0x93: {  	s3 =	sld [smem:$0x3FFC];
	_ =	sdelay $0x3  }
0x94: {  	_ =	strace s3  }
0x95: {  	s3 =	sld [smem:$0x3FFD];
	_ =	sdelay $0x3  }
0x96: {  	_ =	strace s3  }
0x97: {  	_ =	strace $0x8FFFFFFF  }
0x98: {  	s19 =	sld [smem:$0x3FDB];
	_ =	sdelay $0x1  }
0x99: {  	s4 =	simm.s32 $_scs_section_size  }
0x9a: {  	s5 =	simm.s32 $_size__tile_overlayer_lowered;
	s6 =	simm.s32 $_tile_overlayer_lowered  }
0x9b: {  	s22 =	simm.s32 $0x1BFF;
	s21 =	sshll.u32 s6, $0x1;
	s3 =	sadd.s32 s4, s19  }
0x9c: {  	s7 =	simm.s32 $0x0;
	s20 =	sshll.u32 s5, $0x1;
	s5 =	sadd.s32 s21, s3  }
0x9d: {  	[timem:s7], [sflag:s22] =	dma.local [hbm:s5], s20  }
0x9e: {  	_ =	swait.ge [sflag:s22], s20  }
0x9f: {  	s4 =	ssub.s32 $0x0, s20;
	[sflag:s22] =	ssyncset.done $0x0  }
0xa0: {  	[sflag:s22] =	ssyncadd.s32 s4;
	_ =	sdelay $0x1  }
0xa1: {  	s23 =	simm.s32 $0x1B8B  }
0xa2: {  	_ =	swait.ge [sflag:s23], $0x1  }
0xa3: {  	[sflag:s23] =	ssyncset.done $0x0  }
0xa4: {  	s25 =	simm.s32 $0x1B8E;
	s24 =	sld [smem:$0x3FFE];
	[sflag:s23] =	ssyncadd.s32 $0xFFFFFFFF  }
0xa5: {  	s26 =	simm.s32 $execute0_lowered;
	[smem:$0x3FD2] =	sst s25  }
0xa6: {  	s5 =	sshll.u32 s26, $0x1;
	_ =	strace $0x80000046;
	[dreg:$0x1] =	wrdreg $0xFFFFFFFF  }
0xa7: {  	s28 =	simm.s32 $_size_execute0_lowered;
	s3 =	sadd.s32 s3, s5;
	[dreg:$0x0] =	wrdreg $0x0  }
0xa8: {  	s5 =	sshll.u32 s28, $0x1;
	[dreg:$0x2] =	wrdreg s3  }
0xa9: {  	[dreg:$0x3] =	wrdreg s5  }
0xaa: {  	[dreg:$0x4] =	wrdreg $0xC0  }
0xab: {  	_ =	task [dreg:s7], $0x5FFFF  }
0xac: {  	[dreg:$0x1] =	wrdreg $0xFFFFFFFF  }
0xad: {  	[dreg:$0x0] =	wrdreg $0x60  }
0xae: {  	[dreg:$0x2] =	wrdreg s2  }
0xaf: {  	[dreg:$0x3] =	wrdreg s24  }
0xb0: {  	[dreg:$0x4] =	wrdreg $0xA  }
0xb1: {  	_ =	task.clear_ibuf [dreg:s7], $0x5FFFF;
	_ =	strace $0x90000046  }
0xb2: {  	s29 =	simm.s32 $0xA;
	_ =	strace $0x80000048  }
0xb3: {  	_ =	swait.ge [sflag:s29], $0x1  }
0xb4: {  	[sflag:s29] =	ssyncadd.s32 $0xFFFFFFFF  }
0xb5: {  	_ =	strace $0x90000048  }
0xb6: {  	_ =	sfence  }
0xb7: {  	s30 =	sld [smem:$0x0];
	_ =	sdelay $0x2  }
0xb8: {  	s31 =	sshll.u32 s1, $0xD;
	s1 =	sshrl.u32 s1, $0x2  }
0xb9: {  	s3 =	sand.u32 $0x4000, s31;
	s1 =	sadd.s32 s1, s30  }
0xba: {  	s0 =	sor.u32 s3, s0;
	s1 =	sshll.u32 s1, $0x11  }
0xbb: {  	s0 =	sor.u32 s1, s0  }
0xbc: {  	s0 =	sadd.s32 $0x8F2B, s0  }
0xbd: {  	[sflag:s0] =	ssyncadd.remote.s32 $0x1  }
0xbe: {  	_ =	sfence.sel $0xFFFF  }
0xbf: {  	[dreg:$0x0] =	wrdreg $0xFFFFFFFF;
	(pc) =	sbr.abs _section_cstart, $3  }
0xc0: {  	[dreg:$0x1] =	wrdreg $0xFFFFFFFF  }
0xc1: {  	_ =	task.clear_ibuf [dreg:s7], $0x2FFFF;
	_ =	strace $0x9FFFFFFF  }
0xc2: {  	(tm) =	ssettm $0x7FFFFFFF  }
0xc3: {  	_ =	shalt  }
tec
execute0_lowered:
.L_overlay_start_1:
0x0: {  	(tag) =	ssettag $0x1  }
0x1: {  	s2 =	rddreg [dreg:$0x0];
	s0 =	stileid.u32  }
0x2: {  	s1 =	srdreg.scid;
	s8 =	rddreg [dreg:$0x1]  }
0x3: {  	s5 =	simm.s32 $0x1;
	s9 =	simm.s32 $0x1;
	s10 =	simm.s32 $0x3  }
0x4: {  	s13 =	simm.s32 $0x0;
	s3 =	sand.u32 $0x1, s1;
	s4 =	sshll.u32 s0, $0x1  }
0x5: {  	s12 =	simm.s32 $0x0;
	s1 =	rddreg [dreg:$0x2];
	s6 =	sor.u32 s4, s3  }
0x6: {  	_ =	strace $0x80000047;
	s3 =	sadd.s32 $0x19E00, s8;
	s4 =	smul.u32 $0x2710, s6  }
0x7: {  	[sflag:s5] =	ssyncpa.u1 $0x0;
	p0 =	slt.u32 s6, $0x9;
	s6 =	simm.s32 $0x4E200  }
.Ltmp0:
0x8: {  	s6 =	simm.s32 @!p0 $0x0;
	s7 =	ssub.s32 $0x61A80, s4;
	(pc) =	sbr.rel .LBB2_1-.Ltmp0, $4  }
0x9: {  	s9 =	simm.s32 @!p0 $0x0;
	p0 =	sne.s32 s7, s6;
	s7 =	simm.s32 $0x1  }
0xa: {  	s8 =	sadd.s32 $0x57600, s8;
	s6 =	simm.s32 $0x2;
	s7 =	simm.s32 @!p0 $0x0  }
0xb: {  	s11 =	smov.u32 s4;
	[sflag:s6] =	ssyncpa.u1 $0x0;
	s7 =	sadd.s32 s9, s7  }
0xc: {  	vm0 =	vmmov $0xffff;
	[sflag:s10] =	ssyncpa.u1 $0x0;
	s10 =	simm.s32 $0x0;
	s9 =	sadd.s32 $0x1, s7  }
.LBB2_4:
0xd: {  	v2 =	vnsel vm1, $0x0, v2  }
0xe: {  	vm1 =	vgt.s32 v0, $0x0;
	v2 =	vmin.u32 v2, $0x61A7F  }
0xf: {  	v0 =	vnsel vm1, $0x0, v0  }
0x10: {  	v0 =	vmin.u32 v0, $0x61A7F  }
0x11: {  	[tilespmem:s18], [sflag:$0x1] =	stream.indirect_vreg.gather [hbm4b:s2+s10], $0x1, v1, vm0, $0x4038;
	[tilespmem:$0x9C40] =	vst v63  }
0x12: {  	(ifvalue) =	ssetifvalue $0x7FFFFFFF  }
0x13: {  	[tilespmem:s15], [sflag:$0x1] =	stream.indirect_vreg.gather [hbm4b:s2+s10], $0x1, v2, vm0, $0x4038;
	[tilespmem:$0x9C40] =	vst v63  }
0x14: {  	s29 =	sadd.s32 $0x10, s15;
	(ifvalue) =	ssetifvalue $0x7FFFFFFF  }
0x15: {  	[tilespmem:s29], [sflag:$0x1] =	stream.indirect_vreg.gather [hbm4b:s2+s10], $0x1, v0, vm0, $0x4038;
	[tilespmem:$0x9C40] =	vst v63  }
0x16: {  	_ =	swait.ge [sflag:s5], $0x2710  }
0x17: {  	s30 =	sshrl.u32 s13, $0x3;
	[sflag:s5] =	ssyncset.done $0x0  }
0x18: {  	s31 =	sand.u32 $0x7, s13;
	s15 =	sadd.s32 s8, s30;
	[sflag:s5] =	ssyncadd.s32 $0xFFFFD8F0  }
0x19: {  	[hbm4b:s15+s31] =	stream.linear.scatter [tilespmem:s14], [sflag:$0x3], $0x2710, $0x38;
	[tilespmem:$0x9C40] =	vst v63  }
.LBB2_5:
0x1a: {  	s15 =	sadd.s32 $0x4E200, s11  }
0x1b: {  	p1 =	sgt.s32 s15, $0x61A7F  }
0x1c: {  	s15 =	smov.u32 @p1 s4;
	p1 =	sne.s32 s12, s9  }
.Ltmp1:
0x1d: {  	p0 =	slt.u32 s12, $0x2;
	(pc) =	sbr.rel @!p1 .LBB2_6-.Ltmp1, $4  }
0x1e: {  	s14 =	simm.s32 @!p0 $0x3  }
0x1f: {  	_ =	swait.ge @!p0 [sflag:s14], $0x2710  }
0x20: {  	s16 =	sadd.s32 $0x1, s12;
	s13 =	smov.u32 s11;
	[sflag:s14] =	ssyncset.done @!p0 $0x0  }
0x21: {  	s12 =	smov.u32 s16;
	s11 =	smov.u32 s15;
	[sflag:s14] =	ssyncadd.s32 @!p0 $0xFFFFD8F0  }
.LBB2_1:
0x22: {  	p0 =	sge.u32 s12, s7  }
0x23: {  	s14 =	sxor.u32 @!p0 $0x1, s12  }
0x24: {  	s14 =	smul.u32 @!p0 $0x9C40, s14  }
0x25: {  	s31 =	sadd.s32 $0xFFFFFFFF, s12;
	s15 =	sshrl.u32 @!p0 s11, $0x3  }
0x26: {  	s16 =	sand.u32 @!p0 $0x7, s11;
	s15 =	sadd.s32 @!p0 s3, s15;
	s14 =	sshra.s32 @!p0 s14, $0x2  }
0x27: {  	[tilespmem:s14], [sflag:$0x2] =	stream.linear.gather @!p0 [hbm4b:s15+s16], $0x2710, $0x38;
	[tilespmem:$0x9C40] =	vst v63  }
0x28: {  	p0 =	sge.u32 s31, s7  }
.Ltmp2:
0x29: {  	_ = 	snop;
	(pc) =	sbr.rel @p0 .LBB2_5-.Ltmp2, $1  }
0x2a: {  	_ =	sdelay $0x3  }
0x2b: {  	s14 =	sand.u32 $0x1, s12  }
0x2c: {  	_ =	swait.ge [sflag:s6], $0x2710;
	p0 =	seq.s32 s14, $0x1;
	s14 =	simm.s32 $0x2710  }
0x2d: {  	[sflag:s6] =	ssyncset.done $0x0;
	s14 =	simm.s32 @!p0 $0x0  }
0x2e: {  	[sflag:s6] =	ssyncadd.s32 $0xFFFFD8F0;
	(ifvalue) =	ssetifvalue $0x7FFFFFFF;
	v0 =	vld.msk [tilespmem:s14+$0x0 ss:$0x1], $0xffff;
	_ =	sdelay $0x4  }
0x2f: {  	s15 =	sadd.s32 $0x10, s14;
	vm1 =	vgt.s32 v0, $0x0  }
0x30: {  	v2 =	vld.msk [tilespmem:s15+$0x0 ss:$0x1], $0xffff;
	v1 =	vnsel vm1, $0x0, v0  }
0x31: {  	v1 =	vmin.u32 v1, $0x61A7F;
	_ =	sdelay $0x2  }
0x32: {  	s17 =	simm.s32 $0x20;
	s14 =	sadd.s32 $0x4E20, s14;
	s16 =	sadd.s32 $0x10, s15  }
0x33: {  	s15 =	sadd.s32 $0x10, s14;
	s18 =	smov.u32 s14;
	v0 =	vld.msk [tilespmem:s16+$0x0 ss:$0x1], $0xffff;
	vm1 =	vgt.s32 v2, $0x0;
	(ifvalue) =	ssetifvalue $0x7FFFFFFF  }
.LBB2_3:
0x34: {  	[tilespmem:s18], [sflag:$0x1] =	stream.indirect_vreg.gather [hbm4b:s2+s10], $0x1, v1, vm0, $0x4038;
	[tilespmem:$0x9C40] =	vst v63  }
0x35: {  	s17 =	sadd.s32 $0x10, s17  }
0x36: {  	v2 =	vnsel vm1, $0x0, v2;
	p0 =	slt.u32 s17, $0x2700  }
.Ltmp3:
0x37: {  	s18 =	smov.u32 s15;
	v1 =	vmin.u32 v2, $0x61A7F;
	(pc) =	sbr.rel @p0 .LBB2_3-.Ltmp3, $3  }
0x38: {  	_ =	sdelay $0x1  }
0x39: {  	s16 =	sadd.s32 $0x10, s16  }
0x3a: {  	vm1 =	vgt.s32 v0, $0x0;
	s15 =	sadd.s32 $0x10, s15;
	v2 =	vmov v0;
	(ifvalue) =	ssetifvalue $0x7FFFFFFF;
	v0 =	vld.msk [tilespmem:s16+$0x0 ss:$0x1], $0xffff  }
.Ltmp4:
0x3b: {  	_ = 	snop;
	(pc) =	sbr.rel .LBB2_4-.Ltmp4, $1  }
0x3c: {  	_ =	sdelay $0x3  }
.LBB2_6:
0x3d: {  	_ =	sfence.sel $0x180000  }
0x3e: {  	s2 =	simm.s32 $0x2;
	[bflag:$0x0] =	sbarrier.arrive $0xFFFF  }
0x3f: {  	s30 =	simm.s32 $0x3;
	[sflag:s2] =	ssyncpa.u1 $0x1  }
0x40: {  	s31 =	simm.s32 $0x1;
	[sflag:s30] =	ssyncpa.u1 $0x1  }
0x41: {  	[sflag:s31] =	ssyncpa.u1 $0x1  }
0x42: {  	p0 =	sne.s32 s0, $0x0;
	_ =	strace $0x90000047  }
0x43: {  	s0 =	sadd.s32 @!p0 $0x100000, s1;
	[bflag:$0x2] =	sbarrier.arrive $0xFFFF  }
0x44: {  	[sflag:s0] =	ssyncadd.tile.s32 @!p0 $0x1;
	_ =	shalt  }
.Lfunc_end2:
_tile_overlayer_lowered:
.L_overlay_start_2:
0x45: {  	(tag) =	ssettag $0x2  }
0x46: {  	s0 =	rddreg [dreg:$0x0];
	s2 =	stileid.u32  }
0x47: {  	s1 =	rddreg [dreg:$0x1];
	p0 =	sne.s32 s2, $0x0  }
0x48: {  	s3 =	rddreg [dreg:$0x2];
	[bflag:$0x3] =	sbarrier.arrive $0xFFFF;
	s2 =	simm.s32 @!p0 $0x1C01  }
0x49: {  	[timem:s3], [sflag:s2] =	dma.local @!p0 [hbm:s0], s1  }
0x4a: {  	s0 =	simm.s32 @!p0 $0x1  }
0x4b: {  	_ =	swait.ge @!p0 [sflag:s0], s1  }
0x4c: {  	s1 =	ssub.s32 @!p0 $0x0, s1;
	[sflag:s0] =	ssyncset.done @!p0 $0x0  }
0x4d: {  	[sflag:s0] =	ssyncadd.s32 @!p0 s1  }
0x4e: {  	[bflag:$0x3] =	sbarrier.arrive $0xFFFF  }
0x4f: {  	_ =	shalt  }

// kernel: gather_offload_async_start.3
scs
__scs_entry_jumppad:
0x0: {  	(pc) =	sbr.rel $0x88, $3  }
0x1: {  	(tag) =	ssettag $0x0;
	lr =	simm.s32 $0x1  }
0x2: {  	[smem:$0x3F8A] =	sst lr;
	_ =	strace $0xD0000000  }
0x3: {  	_ = 	snop  }
0x4: {  	_ = 	snop  }
0x5: {  	_ = 	snop  }
0x6: {  	_ = 	snop  }
0x7: {  	_ = 	snop  }
__scs_overlays_trampoline_lowered:
0x8: {  	[smem:$0x3F99] =	sst s0  }
0x9: {  	[smem:$0x3F9A] =	sst s1  }
0xa: {  	[smem:$0x3F9B] =	sst s2  }
0xb: {  	[smem:$0x3F9C] =	sst s3  }
0xc: {  	[smem:$0x3F9D] =	sst s4  }
0xd: {  	[smem:$0x3F9E] =	sst s5  }
0xe: {  	[smem:$0x3F9F] =	sst s6  }
0xf: {  	[smem:$0x3FA0] =	sst s7  }
0x10: {  	[smem:$0x3FA1] =	sst s8  }
0x11: {  	[smem:$0x3FA2] =	sst s9;
	s0 =	simm.s32 @!p0 $0x0  }
0x12: {  	s1 =	sld [smem:$0x3F88];
	s0 =	simm.s32 @p0 $0x1  }
0x13: {  	[smem:$0x3FA3] =	sst s0;
	s0 =	simm.s32 @!p1 $0x0  }
0x14: {  	s2 =	sld [smem:$0x3F87];
	s0 =	simm.s32 @p1 $0x1  }
0x15: {  	[smem:$0x3FA4] =	sst s0;
	s0 =	simm.s32 @!p2 $0x0  }
0x16: {  	s3 =	sld [smem:$0x3FDB];
	s0 =	simm.s32 @p2 $0x1  }
0x17: {  	s4 =	simm.s32 $0x1BF5;
	[smem:$0x3FA6] =	sst s0  }
0x18: {  	s0 =	sld [smem:$0x3F89];
	_ =	swait.ge [sflag:s4], $0x0  }
0x19: {  	s7 =	sld [smem:$0x3F8A]  }
0x1a: {  	s8 =	sadd.s32 $0xFFFFE003, lr  }
0x1b: {  	s9 =	sadd.s32 $0xFFFFFEF7, lr;
	s5 =	simm.s32 $0xFFFFFFFF;
	p2 =	slt.u32 s8, $0xFFFFF086  }
0x1c: {  	p1 =	slt.u32 s9, $0xF7A;
	s5 =	simm.s32 @!p2 $0x0  }
0x1d: {  	s5 =	simm.s32 @p1 $0x1;
	p0 =	seq.s32 s7, s2  }
0x1e: {  	s7 =	smul.u32 @!p0 $0xF7A, s2;
	p2 =	seq.s32 @!p0 s5, $0x0  }
0x1f: {  	s9 =	smul.u32 $0xF7A, s1;
	s8 =	simm.s32 @!p0 $0x1BF5;
	p2 =	por !p2, p0  }
0x20: {  	[sflag:s8] =	ssyncset.s32 @!p0 $0xFFFFF086;
	s6 =	sadd.s32 @!p0 s3, s7;
	s7 =	simm.s32 @!p0 $0x108  }
0x21: {  	s3 =	sadd.s32 s3, s9;
	s6 =	sadd.s32 @!p0 $0x88, s6;
	s7 =	simm.s32 @p2 $0x1082  }
0x22: {  	[simem:s7], [sflag:s8] =	dma.local @!p0 [hbm:s6], $0xF7A  }
0x23: {  	s9 =	sor.u32 $0xD0000000, s2;
	s6 =	simm.s32 $0x108;
	_ =	swait.ge @!p0 [sflag:s8], $0x0  }
0x24: {  	s3 =	sadd.s32 $0x88, s3;
	s6 =	simm.s32 @!p1 $0x1082;
	[sflag:s4] =	ssyncset.s32 $0xFFFFF086  }
0x25: {  	[simem:s6], [sflag:s4] =	dma.local [hbm:s3], $0xF7A  }
0x26: {  	[smem:$0x3F8A] =	sst s1;
	(tag) =	ssettag s2;
	_ =	strace s9  }
0x27: {  	s1 =	sld [smem:$0x3F9A]  }
0x28: {  	s2 =	sld [smem:$0x3F9B]  }
0x29: {  	s4 =	sld [smem:$0x3F9D]  }
0x2a: {  	p0 =	seq.s32 s5, $0x0;
	s5 =	sld [smem:$0x3F9E]  }
0x2b: {  	s6 =	sld [smem:$0x3F9F]  }
0x2c: {  	s7 =	sld [smem:$0x3FA0]  }
0x2d: {  	s3 =	simm.s32 $0x108;
	s8 =	sld [smem:$0x3FA1]  }
0x2e: {  	s3 =	simm.s32 @!p0 $0x1082;
	s9 =	sld [smem:$0x3FA2]  }
0x2f: {  	lr =	sadd.s32 s0, s3;
	s0 =	sld [smem:$0x3F99]  }
0x30: {  	s3 =	sld [smem:$0x3F9C]  }
0x31: {  	[smem:$0x3FA5] =	sst s10  }
0x32: {  	s10 =	sld [smem:$0x3FA3];
	_ =	sdelay $0x3  }
0x33: {  	p0 =	seq.s32 s10, $0x1;
	s10 =	sld [smem:$0x3FA5];
	_ =	sdelay $0x3  }
0x34: {  	[smem:$0x3FA5] =	sst s10  }
0x35: {  	s10 =	sld [smem:$0x3FA4];
	_ =	sdelay $0x3  }
0x36: {  	p1 =	seq.s32 s10, $0x1;
	s10 =	sld [smem:$0x3FA5];
	_ =	sdelay $0x3  }
0x37: {  	[smem:$0x3FA5] =	sst s10  }
0x38: {  	s10 =	sld [smem:$0x3FA6]  }
0x39: {  	_ = 	snop;
	(pc) =	sbr.ind lr, $3  }
0x3a: {  	_ = 	snop  }
0x3b: {  	_ = 	snop  }
0x3c: {  	p2 =	seq.s32 s10, $0x1;
	s10 =	sld [smem:$0x3FA5]  }
0x3d: {  	_ =	shalt  }
0x3e: {  	_ =	shalt  }
0x3f: {  	_ =	shalt  }
0x40: {  	_ =	shalt  }
0x41: {  	_ =	shalt  }
0x42: {  	_ =	shalt  }
0x43: {  	_ =	shalt  }
0x44: {  	_ =	shalt  }
0x45: {  	_ =	shalt  }
0x46: {  	_ =	shalt  }
0x47: {  	_ =	shalt  }
0x48: {  	_ =	shalt  }
0x49: {  	_ =	shalt  }
0x4a: {  	_ =	shalt  }
0x4b: {  	_ =	shalt  }
0x4c: {  	_ =	shalt  }
0x4d: {  	_ =	shalt  }
0x4e: {  	_ =	shalt  }
0x4f: {  	_ =	shalt  }
0x50: {  	_ =	shalt  }
0x51: {  	_ =	shalt  }
0x52: {  	_ =	shalt  }
0x53: {  	_ =	shalt  }
0x54: {  	_ =	shalt  }
0x55: {  	_ =	shalt  }
0x56: {  	_ =	shalt  }
0x57: {  	_ =	shalt  }
0x58: {  	_ =	shalt  }
0x59: {  	_ =	shalt  }
0x5a: {  	_ =	shalt  }
0x5b: {  	_ =	shalt  }
0x5c: {  	_ =	shalt  }
0x5d: {  	_ =	shalt  }
0x5e: {  	_ =	shalt  }
0x5f: {  	_ =	shalt  }
0x60: {  	_ =	shalt  }
0x61: {  	_ =	shalt  }
0x62: {  	_ =	shalt  }
0x63: {  	_ =	shalt  }
0x64: {  	_ =	shalt  }
0x65: {  	_ =	shalt  }
0x66: {  	_ =	shalt  }
0x67: {  	_ =	shalt  }
0x68: {  	_ =	shalt  }
0x69: {  	_ =	shalt  }
0x6a: {  	_ =	shalt  }
0x6b: {  	_ =	shalt  }
0x6c: {  	_ =	shalt  }
0x6d: {  	_ =	shalt  }
0x6e: {  	_ =	shalt  }
0x6f: {  	_ =	shalt  }
0x70: {  	_ =	shalt  }
0x71: {  	_ =	shalt  }
0x72: {  	_ =	shalt  }
0x73: {  	_ =	shalt  }
0x74: {  	_ =	shalt  }
0x75: {  	_ =	shalt  }
0x76: {  	_ =	shalt  }
0x77: {  	_ =	shalt  }
0x78: {  	_ =	shalt  }
0x79: {  	_ =	shalt  }
0x7a: {  	_ =	shalt  }
0x7b: {  	_ =	shalt  }
0x7c: {  	_ =	shalt  }
0x7d: {  	_ =	shalt  }
0x7e: {  	_ =	shalt  }
0x7f: {  	_ =	shalt  }
0x80: {  	_ =	shalt  }
0x81: {  	_ =	shalt  }
0x82: {  	_ =	shalt  }
0x83: {  	_ =	shalt  }
0x84: {  	_ =	shalt  }
0x85: {  	_ =	shalt  }
0x86: {  	_ =	shalt  }
0x87: {  	_ =	shalt  }
.Lfunc_end0:
.L_simem_size_0:
called_computation.6_lowered:
.L_overlay_start_0:
0x88: {  	s0 =	sld [smem:$0x3FD9]  }
0x89: {  	s1 =	sld [smem:$0x3FFE];
	_ =	sdelay $0x3  }
0x8a: {  	s0 =	sadd.s32 s1, s0  }
0x8b: {  	[smem:$0x3FB1] =	sst s0  }
0x8c: {  	_ = 	snop  }
0x8d: {  	s0 =	sld [smem:$0x3FD0];
	(tm) =	ssettm $0x1  }
0x8e: {  	s16 =	sld [smem:$0x3FFB];
	_ =	sdelay $0x3  }
0x8f: {  	_ =	strace s16  }
0x90: {  	s1 =	sld [smem:$0x3FFC];
	_ =	sdelay $0x3  }
0x91: {  	_ =	strace s1  }
0x92: {  	s1 =	sld [smem:$0x3FFD];
	_ =	sdelay $0x3  }
0x93: {  	_ =	strace s1  }
0x94: {  	_ =	strace $0x8FFFFFFF  }
0x95: {  	s17 =	sld [smem:$0x3FDB];
	_ =	sdelay $0x1  }
0x96: {  	s2 =	simm.s32 $_scs_section_size  }
0x97: {  	s3 =	simm.s32 $_size__tile_overlayer_lowered;
	s4 =	simm.s32 $_tile_overlayer_lowered  }
0x98: {  	s20 =	simm.s32 $0x1BFF;
	s19 =	sshll.u32 s4, $0x1;
	s1 =	sadd.s32 s2, s17  }
0x99: {  	s5 =	simm.s32 $0x0;
	s18 =	sshll.u32 s3, $0x1;
	s3 =	sadd.s32 s19, s1  }
0x9a: {  	[timem:s5], [sflag:s20] =	dma.local [hbm:s3], s18  }
0x9b: {  	_ =	swait.ge [sflag:s20], s18  }
0x9c: {  	s2 =	ssub.s32 $0x0, s18;
	[sflag:s20] =	ssyncset.done $0x0  }
0x9d: {  	[sflag:s20] =	ssyncadd.s32 s2;
	_ =	sdelay $0x1  }
0x9e: {  	s21 =	simm.s32 $0x1B8B  }
0x9f: {  	_ =	swait.ge [sflag:s21], $0x1  }
0xa0: {  	[sflag:s21] =	ssyncset.done $0x0  }
0xa1: {  	s23 =	simm.s32 $0x1B8E;
	s22 =	sld [smem:$0x3FFE];
	[sflag:s21] =	ssyncadd.s32 $0xFFFFFFFF  }
0xa2: {  	s24 =	simm.s32 $execute0_lowered;
	[smem:$0x3FD2] =	sst s23  }
0xa3: {  	s3 =	sshll.u32 s24, $0x1;
	_ =	strace $0x80000055;
	[dreg:$0x1] =	wrdreg $0xFFFFFFFF  }
0xa4: {  	s25 =	simm.s32 $_size_execute0_lowered;
	s1 =	sadd.s32 s1, s3;
	[dreg:$0x0] =	wrdreg $0x0  }
0xa5: {  	s3 =	sshll.u32 s25, $0x1;
	[dreg:$0x2] =	wrdreg s1  }
0xa6: {  	[dreg:$0x3] =	wrdreg s3  }
0xa7: {  	[dreg:$0x4] =	wrdreg $0xC0  }
0xa8: {  	_ =	task [dreg:s5], $0x5FFFF  }
0xa9: {  	[dreg:$0x1] =	wrdreg $0xFFFFFFFF  }
0xaa: {  	[dreg:$0x0] =	wrdreg $0x60  }
0xab: {  	[dreg:$0x2] =	wrdreg s22  }
0xac: {  	[dreg:$0x3] =	wrdreg s0  }
0xad: {  	[dreg:$0x4] =	wrdreg $0x9  }
0xae: {  	_ =	task.clear_ibuf [dreg:s5], $0x5FFFF;
	_ =	strace $0x90000055  }
0xaf: {  	s26 =	simm.s32 $0x9;
	_ =	strace $0x80000057  }
0xb0: {  	_ =	swait.ge [sflag:s26], $0x1  }
0xb1: {  	[sflag:s26] =	ssyncadd.s32 $0xFFFFFFFF  }
0xb2: {  	_ =	strace $0x90000057  }
0xb3: {  	_ =	sfence  }
0xb4: {  	s28 =	sld [smem:$0x0];
	_ =	sdelay $0x1  }
0xb5: {  	s29 =	srdreg.scid  }
0xb6: {  	s30 =	sshll.u32 s29, $0xD;
	s31 =	sshrl.u32 s29, $0x2  }
0xb7: {  	s2 =	sand.u32 $0x4000, s30;
	s1 =	sand.u32 $0x1, s29;
	s0 =	sadd.s32 s31, s28  }
0xb8: {  	s1 =	sor.u32 s2, s1;
	s0 =	sshll.u32 s0, $0x11  }
0xb9: {  	s0 =	sor.u32 s0, s1  }
0xba: {  	s0 =	sadd.s32 $0x8F2B, s0  }
0xbb: {  	[sflag:s0] =	ssyncadd.remote.s32 $0x1  }
0xbc: {  	_ =	sfence.sel $0xFFFF  }
0xbd: {  	[dreg:$0x0] =	wrdreg $0xFFFFFFFF;
	(pc) =	sbr.abs _section_cstart, $3  }
0xbe: {  	[dreg:$0x1] =	wrdreg $0xFFFFFFFF  }
0xbf: {  	_ =	task.clear_ibuf [dreg:s5], $0x2FFFF;
	_ =	strace $0x9FFFFFFF  }
0xc0: {  	(tm) =	ssettm $0x7FFFFFFF  }
0xc1: {  	_ =	shalt  }
tec
execute0_lowered:
.L_overlay_start_1:
0x0: {  	(tag) =	ssettag $0x1  }
0x1: {  	s0 =	stileid.u32  }
0x2: {  	s1 =	smul.u32 $0x7, s0  }
0x3: {  	s2 =	smin.u32 s0, $0xD  }
0x4: {  	s1 =	sadd.s32 s2, s1  }
0x5: {  	p0 =	slt.u32 s0, $0xD;
	s2 =	simm.s32 $0xC80;
	s1 =	smul.u32 $0x190, s1  }
0x6: {  	s2 =	simm.s32 @!p0 $0xAF0  }
0x7: {  	s2 =	sadd.s32 s2, s1  }
0x8: {  	s3 =	smin.u32 s2, $0xC350  }
0x9: {  	s7 =	ssub.s32 s3, s1  }
0xa: {  	p0 =	sgt.s32 s7, $0x0  }
0xb: {  	s7 =	simm.s32 @!p0 $0x0  }
0xc: {  	s31 =	sand.u32 $0xFFF0, s7  }
0xd: {  	s2 =	sshrl.u32 s31, $0x4  }
0xe: {  	s9 =	rddreg [dreg:$0x0];
	s2 =	smul.u32 $0xA3E, s2  }
0xf: {  	s4 =	rddreg [dreg:$0x1];
	s6 =	simm.s32 $0x1  }
0x10: {  	s11 =	simm.s32 $0x3;
	s13 =	simm.s32 $0x0;
	s8 =	sshrl.u32 s2, $0x10  }
0x11: {  	s12 =	simm.s32 $0x0;
	s5 =	sadd.s32 $0x30FA00, s9;
	s10 =	smul.u32 $0x190, s8  }
.Ltmp0:
0x12: {  	s9 =	sadd.s32 $0xC000, s9;
	s2 =	rddreg [dreg:$0x2];
	(pc) =	sbr.rel .LBB2_1-.Ltmp0, $4  }
0x13: {  	_ =	strace $0x80000056;
	p0 =	sne.s32 s7, s10;
	s10 =	simm.s32 $0x1  }
0x14: {  	[sflag:s6] =	ssyncpa.u1 $0x0;
	s7 =	simm.s32 $0x2;
	s10 =	simm.s32 @!p0 $0x0  }
0x15: {  	[sflag:s7] =	ssyncpa.u1 $0x0;
	p0 =	por $0x0, $0x0;
	s8 =	sadd.s32 s8, s10  }
0x16: {  	vm0 =	vmmov $0xff;
	vm1 =	vcmask $0x3F20;
	[sflag:s11] =	ssyncpa.u1 $0x0;
	s11 =	smov.u32 s1;
	s10 =	sadd.s32 $0x1, s8  }
.LBB2_6:
0x17: {  	[hbm:s17] =	stream.linear.scatter [tilespmem:s14], [sflag:$0x3], $0x400, $0x38;
	[tilespmem:$0x19320] =	vst v63  }
.LBB2_7:
0x18: {  	s13 =	sadd.s32 $0x190, s11  }
0x19: {  	s15 =	smov.u32 s1;
	p2 =	slt.s32 s13, s3  }
0x1a: {  	s15 =	smov.u32 @p2 s13;
	p2 =	sne.s32 s12, s10  }
.Ltmp1:
0x1b: {  	p1 =	slt.u32 s12, $0x2;
	(pc) =	sbr.rel @!p2 .LBB2_8-.Ltmp1, $4  }
0x1c: {  	s14 =	simm.s32 @!p1 $0x3  }
0x1d: {  	s16 =	sadd.s32 $0x1, s12;
	_ =	swait.ge @!p1 [sflag:s14], $0xC800  }
0x1e: {  	p0 =	por !p0, !p0;
	s13 =	smov.u32 s11;
	[sflag:s14] =	ssyncset.done @!p1 $0x0  }
0x1f: {  	s12 =	smov.u32 s16;
	s11 =	smov.u32 s15;
	[sflag:s14] =	ssyncadd.s32 @!p1 $0xFFFF3800  }
.LBB2_1:
0x20: {  	p1 =	sge.u32 s12, s8  }
0x21: {  	s14 =	sxor.u32 @!p1 $0xFFFFFFFF, s12  }
0x22: {  	s14 =	sand.u32 @!p1 $0x1, s14  }
0x23: {  	s14 =	smul.u32 @!p1 $0x640, s14  }
0x24: {  	s31 =	sadd.s32 $0xFFFFFFFF, s12;
	s15 =	sshrl.u32 @!p1 s11, $0x3  }
0x25: {  	s16 =	sand.u32 @!p1 $0x7, s11;
	s15 =	sadd.s32 @!p1 s9, s15;
	s14 =	sshrl.u32 @!p1 s14, $0x2  }
0x26: {  	[tilespmem:s14], [sflag:$0x2] =	stream.linear.gather @!p1 [hbm4b:s15+s16], $0x190, $0x38;
	[tilespmem:$0x19320] =	vst v63  }
0x27: {  	p1 =	sge.u32 s31, s8  }
.Ltmp2:
0x28: {  	_ = 	snop;
	(pc) =	sbr.rel @p1 .LBB2_7-.Ltmp2, $1  }
0x29: {  	_ =	sdelay $0x3  }
0x2a: {  	s14 =	simm.s32 $0x1  }
0x2b: {  	s14 =	simm.s32 @!p0 $0x0  }
0x2c: {  	s15 =	smul.u32 $0x640, s14  }
0x2d: {  	_ =	swait.ge [sflag:s7], $0x190  }
0x2e: {  	[sflag:s7] =	ssyncset.done $0x0;
	s16 =	sshrl.u32 s15, $0x2  }
0x2f: {  	[sflag:s7] =	ssyncadd.s32 $0xFFFFFE70;
	s15 =	sadd.s32 $0x0, s16  }
0x30: {  	v0 =	vld.msk [tilespmem:s15+$0x0 ss:$0x1], $0xffff;
	_ =	sdelay $0x4  }
0x31: {  	vm2 =	vgt.s32 v0, $0x0  }
0x32: {  	v0 =	vnsel vm2, $0x0, v0  }
0x33: {  	v0 =	vmin.u32 v0, $0xC34F  }
0x34: {  	v0 =	vshll.u32 v0, $0x4  }
0x35: {  	s14 =	smul.u32 $0x32000, s14;
	_ =	sdelay $0x1  }
0x36: {  	s14 =	sshrl.u32 s14, $0x2  }
0x37: {  	s14 =	sor.u32 $0x320, s14  }
0x38: {  	[tilespmem:s14], [sflag:$0x1] =	stream.indirect_vreg.gather [hbm:s5], $0x80, v0, vm0, $0x38;
	[tilespmem:$0x19320] =	vst v63  }
0x39: {  	s17 =	sadd.s32 $0x10, s16;
	s15 =	sadd.s32 $0x400, s14  }
0x3a: {  	[tilespmem:s15], [sflag:$0x1] =	stream.indirect_vreg.gather [hbm:s5], $0x80, v0, vm1, $0x38;
	[tilespmem:$0x19320] =	vst v63  }
0x3b: {  	s18 =	simm.s32 $0x80;
	v0 =	vld.msk [tilespmem:s17+$0x0 ss:$0x1], $0xffff;
	s17 =	smov.u32 s14  }
.LBB2_3:
0x3c: {  	p1 =	sne.s32 s18, $0x600;
	_ =	sdelay $0x4  }
0x3d: {  	vm2 =	vgt.s32 v0, $0x0  }
0x3e: {  	v0 =	vnsel vm2, $0x0, v0  }
0x3f: {  	v0 =	vmin.u32 v0, $0xC34F  }
0x40: {  	v0 =	vshll.u32 v0, $0x4;
	_ =	sdelay $0x3  }
.Ltmp3:
0x41: {  	s19 =	sshra.s32 s18, $0x2;
	s17 =	sadd.s32 $0x800, s17;
	(pc) =	sbr.rel @p1 .LBB2_3-.Ltmp3, $4  }
0x42: {  	[tilespmem:s17], [sflag:$0x1] =	stream.indirect_vreg.gather [hbm:s5], $0x80, v0, vm0, $0x38;
	[tilespmem:$0x19320] =	vst v63  }
0x43: {  	s19 =	sadd.s32 s19, s16;
	s20 =	sadd.s32 $0x400, s17  }
0x44: {  	[tilespmem:s20], [sflag:$0x1] =	stream.indirect_vreg.gather [hbm:s5], $0x80, v0, vm1, $0x38;
	[tilespmem:$0x19320] =	vst v63  }
0x45: {  	s18 =	sadd.s32 $0x40, s18;
	v0 =	vld.msk [tilespmem:s19+$0x0 ss:$0x1], $0xffff  }
0x46: {  	_ =	sdelay $0x3  }
0x47: {  	vm2 =	vgt.s32 v0, $0x0  }
0x48: {  	v0 =	vnsel vm2, $0x0, v0  }
0x49: {  	v0 =	vmin.u32 v0, $0xC34F  }
0x4a: {  	v0 =	vshll.u32 v0, $0x4;
	_ =	sdelay $0x3  }
0x4b: {  	s16 =	sadd.s32 $0x800, s17  }
0x4c: {  	[tilespmem:s16], [sflag:$0x1] =	stream.indirect_vreg.gather [hbm:s5], $0x80, v0, vm0, $0x38;
	[tilespmem:$0x19320] =	vst v63  }
0x4d: {  	s16 =	sadd.s32 $0x400, s16  }
0x4e: {  	[tilespmem:s16], [sflag:$0x1] =	stream.indirect_vreg.gather [hbm:s5], $0x80, v0, vm1, $0x38;
	[tilespmem:$0x19320] =	vst v63  }
0x4f: {  	s13 =	sshll.u32 s13, $0x4;
	_ =	swait.ge [sflag:s6], $0xC800  }
0x50: {  	s13 =	sadd.s32 s13, s4;
	[sflag:s6] =	ssyncset.done $0x0  }
0x51: {  	s17 =	sadd.s32 $0x0, s13;
	s16 =	simm.s32 $0x80;
	[sflag:s6] =	ssyncadd.s32 $0xFFFF3800  }
.LBB2_5:
0x52: {  	[hbm:s17] =	stream.linear.scatter [tilespmem:s14], [sflag:$0x3], $0x400, $0x38;
	[tilespmem:$0x19320] =	vst v63  }
0x53: {  	s17 =	smov.u32 s16;
	s14 =	smov.u32 s15;
	p1 =	sne.s32 s16, $0x1880  }
.Ltmp4:
0x54: {  	s16 =	sadd.s32 $0x80, s16;
	(pc) =	sbr.rel @p1 .LBB2_5-.Ltmp4, $2  }
0x55: {  	_ =	sdelay $0x2  }
0x56: {  	s15 =	sadd.s32 $0x400, s15;
	s17 =	sadd.s32 s17, s13  }
.Ltmp5:
0x57: {  	_ = 	snop;
	(pc) =	sbr.rel .LBB2_6-.Ltmp5, $1  }
0x58: {  	_ =	sdelay $0x3  }
.LBB2_8:
0x59: {  	_ =	sfence.sel $0x180000  }
0x5a: {  	s1 =	simm.s32 $0x2;
	[bflag:$0x0] =	sbarrier.arrive $0xFFFF  }
0x5b: {  	s30 =	simm.s32 $0x3;
	[sflag:s1] =	ssyncpa.u1 $0x1  }
0x5c: {  	s31 =	simm.s32 $0x1;
	[sflag:s30] =	ssyncpa.u1 $0x1  }
0x5d: {  	[sflag:s31] =	ssyncpa.u1 $0x1  }
0x5e: {  	p0 =	sne.s32 s0, $0x0;
	_ =	strace $0x90000056  }
0x5f: {  	s0 =	sadd.s32 @!p0 $0x100000, s2;
	[bflag:$0x2] =	sbarrier.arrive $0xFFFF  }
0x60: {  	[sflag:s0] =	ssyncadd.tile.s32 @!p0 $0x1;
	_ =	shalt  }
.Lfunc_end2:
_tile_overlayer_lowered:
.L_overlay_start_2:
0x61: {  	(tag) =	ssettag $0x2  }
0x62: {  	s0 =	rddreg [dreg:$0x0];
	s2 =	stileid.u32  }
0x63: {  	s1 =	rddreg [dreg:$0x1];
	p0 =	sne.s32 s2, $0x0  }
0x64: {  	s3 =	rddreg [dreg:$0x2];
	[bflag:$0x3] =	sbarrier.arrive $0xFFFF;
	s2 =	simm.s32 @!p0 $0x1C01  }
0x65: {  	[timem:s3], [sflag:s2] =	dma.local @!p0 [hbm:s0], s1  }
0x66: {  	s0 =	simm.s32 @!p0 $0x1  }
0x67: {  	_ =	swait.ge @!p0 [sflag:s0], s1  }
0x68: {  	s1 =	ssub.s32 @!p0 $0x0, s1;
	[sflag:s0] =	ssyncset.done @!p0 $0x0  }
0x69: {  	[sflag:s0] =	ssyncadd.s32 @!p0 s1  }
0x6a: {  	[bflag:$0x3] =	sbarrier.arrive $0xFFFF  }
0x6b: {  	_ =	shalt  }

// kernel: gather_offload_async_start.4
scs
__scs_entry_jumppad:
0x0: {  	(pc) =	sbr.rel $0x88, $3  }
0x1: {  	(tag) =	ssettag $0x0;
	lr =	simm.s32 $0x1  }
0x2: {  	[smem:$0x3F8A] =	sst lr;
	_ =	strace $0xD0000000  }
0x3: {  	_ = 	snop  }
0x4: {  	_ = 	snop  }
0x5: {  	_ = 	snop  }
0x6: {  	_ = 	snop  }
0x7: {  	_ = 	snop  }
__scs_overlays_trampoline_lowered:
0x8: {  	[smem:$0x3F99] =	sst s0  }
0x9: {  	[smem:$0x3F9A] =	sst s1  }
0xa: {  	[smem:$0x3F9B] =	sst s2  }
0xb: {  	[smem:$0x3F9C] =	sst s3  }
0xc: {  	[smem:$0x3F9D] =	sst s4  }
0xd: {  	[smem:$0x3F9E] =	sst s5  }
0xe: {  	[smem:$0x3F9F] =	sst s6  }
0xf: {  	[smem:$0x3FA0] =	sst s7  }
0x10: {  	[smem:$0x3FA1] =	sst s8  }
0x11: {  	[smem:$0x3FA2] =	sst s9;
	s0 =	simm.s32 @!p0 $0x0  }
0x12: {  	s1 =	sld [smem:$0x3F88];
	s0 =	simm.s32 @p0 $0x1  }
0x13: {  	[smem:$0x3FA3] =	sst s0;
	s0 =	simm.s32 @!p1 $0x0  }
0x14: {  	s2 =	sld [smem:$0x3F87];
	s0 =	simm.s32 @p1 $0x1  }
0x15: {  	[smem:$0x3FA4] =	sst s0;
	s0 =	simm.s32 @!p2 $0x0  }
0x16: {  	s3 =	sld [smem:$0x3FDB];
	s0 =	simm.s32 @p2 $0x1  }
0x17: {  	s4 =	simm.s32 $0x1BF5;
	[smem:$0x3FA6] =	sst s0  }
0x18: {  	s0 =	sld [smem:$0x3F89];
	_ =	swait.ge [sflag:s4], $0x0  }
0x19: {  	s7 =	sld [smem:$0x3F8A]  }
0x1a: {  	s8 =	sadd.s32 $0xFFFFE003, lr  }
0x1b: {  	s9 =	sadd.s32 $0xFFFFFEF7, lr;
	s5 =	simm.s32 $0xFFFFFFFF;
	p2 =	slt.u32 s8, $0xFFFFF086  }
0x1c: {  	p1 =	slt.u32 s9, $0xF7A;
	s5 =	simm.s32 @!p2 $0x0  }
0x1d: {  	s5 =	simm.s32 @p1 $0x1;
	p0 =	seq.s32 s7, s2  }
0x1e: {  	s7 =	smul.u32 @!p0 $0xF7A, s2;
	p2 =	seq.s32 @!p0 s5, $0x0  }
0x1f: {  	s9 =	smul.u32 $0xF7A, s1;
	s8 =	simm.s32 @!p0 $0x1BF5;
	p2 =	por !p2, p0  }
0x20: {  	[sflag:s8] =	ssyncset.s32 @!p0 $0xFFFFF086;
	s6 =	sadd.s32 @!p0 s3, s7;
	s7 =	simm.s32 @!p0 $0x108  }
0x21: {  	s3 =	sadd.s32 s3, s9;
	s6 =	sadd.s32 @!p0 $0x88, s6;
	s7 =	simm.s32 @p2 $0x1082  }
0x22: {  	[simem:s7], [sflag:s8] =	dma.local @!p0 [hbm:s6], $0xF7A  }
0x23: {  	s9 =	sor.u32 $0xD0000000, s2;
	s6 =	simm.s32 $0x108;
	_ =	swait.ge @!p0 [sflag:s8], $0x0  }
0x24: {  	s3 =	sadd.s32 $0x88, s3;
	s6 =	simm.s32 @!p1 $0x1082;
	[sflag:s4] =	ssyncset.s32 $0xFFFFF086  }
0x25: {  	[simem:s6], [sflag:s4] =	dma.local [hbm:s3], $0xF7A  }
0x26: {  	[smem:$0x3F8A] =	sst s1;
	(tag) =	ssettag s2;
	_ =	strace s9  }
0x27: {  	s1 =	sld [smem:$0x3F9A]  }
0x28: {  	s2 =	sld [smem:$0x3F9B]  }
0x29: {  	s4 =	sld [smem:$0x3F9D]  }
0x2a: {  	p0 =	seq.s32 s5, $0x0;
	s5 =	sld [smem:$0x3F9E]  }
0x2b: {  	s6 =	sld [smem:$0x3F9F]  }
0x2c: {  	s7 =	sld [smem:$0x3FA0]  }
0x2d: {  	s3 =	simm.s32 $0x108;
	s8 =	sld [smem:$0x3FA1]  }
0x2e: {  	s3 =	simm.s32 @!p0 $0x1082;
	s9 =	sld [smem:$0x3FA2]  }
0x2f: {  	lr =	sadd.s32 s0, s3;
	s0 =	sld [smem:$0x3F99]  }
0x30: {  	s3 =	sld [smem:$0x3F9C]  }
0x31: {  	[smem:$0x3FA5] =	sst s10  }
0x32: {  	s10 =	sld [smem:$0x3FA3];
	_ =	sdelay $0x3  }
0x33: {  	p0 =	seq.s32 s10, $0x1;
	s10 =	sld [smem:$0x3FA5];
	_ =	sdelay $0x3  }
0x34: {  	[smem:$0x3FA5] =	sst s10  }
0x35: {  	s10 =	sld [smem:$0x3FA4];
	_ =	sdelay $0x3  }
0x36: {  	p1 =	seq.s32 s10, $0x1;
	s10 =	sld [smem:$0x3FA5];
	_ =	sdelay $0x3  }
0x37: {  	[smem:$0x3FA5] =	sst s10  }
0x38: {  	s10 =	sld [smem:$0x3FA6]  }
0x39: {  	_ = 	snop;
	(pc) =	sbr.ind lr, $3  }
0x3a: {  	_ = 	snop  }
0x3b: {  	_ = 	snop  }
0x3c: {  	p2 =	seq.s32 s10, $0x1;
	s10 =	sld [smem:$0x3FA5]  }
0x3d: {  	_ =	shalt  }
0x3e: {  	_ =	shalt  }
0x3f: {  	_ =	shalt  }
0x40: {  	_ =	shalt  }
0x41: {  	_ =	shalt  }
0x42: {  	_ =	shalt  }
0x43: {  	_ =	shalt  }
0x44: {  	_ =	shalt  }
0x45: {  	_ =	shalt  }
0x46: {  	_ =	shalt  }
0x47: {  	_ =	shalt  }
0x48: {  	_ =	shalt  }
0x49: {  	_ =	shalt  }
0x4a: {  	_ =	shalt  }
0x4b: {  	_ =	shalt  }
0x4c: {  	_ =	shalt  }
0x4d: {  	_ =	shalt  }
0x4e: {  	_ =	shalt  }
0x4f: {  	_ =	shalt  }
0x50: {  	_ =	shalt  }
0x51: {  	_ =	shalt  }
0x52: {  	_ =	shalt  }
0x53: {  	_ =	shalt  }
0x54: {  	_ =	shalt  }
0x55: {  	_ =	shalt  }
0x56: {  	_ =	shalt  }
0x57: {  	_ =	shalt  }
0x58: {  	_ =	shalt  }
0x59: {  	_ =	shalt  }
0x5a: {  	_ =	shalt  }
0x5b: {  	_ =	shalt  }
0x5c: {  	_ =	shalt  }
0x5d: {  	_ =	shalt  }
0x5e: {  	_ =	shalt  }
0x5f: {  	_ =	shalt  }
0x60: {  	_ =	shalt  }
0x61: {  	_ =	shalt  }
0x62: {  	_ =	shalt  }
0x63: {  	_ =	shalt  }
0x64: {  	_ =	shalt  }
0x65: {  	_ =	shalt  }
0x66: {  	_ =	shalt  }
0x67: {  	_ =	shalt  }
0x68: {  	_ =	shalt  }
0x69: {  	_ =	shalt  }
0x6a: {  	_ =	shalt  }
0x6b: {  	_ =	shalt  }
0x6c: {  	_ =	shalt  }
0x6d: {  	_ =	shalt  }
0x6e: {  	_ =	shalt  }
0x6f: {  	_ =	shalt  }
0x70: {  	_ =	shalt  }
0x71: {  	_ =	shalt  }
0x72: {  	_ =	shalt  }
0x73: {  	_ =	shalt  }
0x74: {  	_ =	shalt  }
0x75: {  	_ =	shalt  }
0x76: {  	_ =	shalt  }
0x77: {  	_ =	shalt  }
0x78: {  	_ =	shalt  }
0x79: {  	_ =	shalt  }
0x7a: {  	_ =	shalt  }
0x7b: {  	_ =	shalt  }
0x7c: {  	_ =	shalt  }
0x7d: {  	_ =	shalt  }
0x7e: {  	_ =	shalt  }
0x7f: {  	_ =	shalt  }
0x80: {  	_ =	shalt  }
0x81: {  	_ =	shalt  }
0x82: {  	_ =	shalt  }
0x83: {  	_ =	shalt  }
0x84: {  	_ =	shalt  }
0x85: {  	_ =	shalt  }
0x86: {  	_ =	shalt  }
0x87: {  	_ =	shalt  }
.Lfunc_end0:
.L_simem_size_0:
called_computation.7_lowered:
.L_overlay_start_0:
0x88: {  	s0 =	sld [smem:$0x3FD9]  }
0x89: {  	s1 =	sld [smem:$0x3FFE];
	_ =	sdelay $0x3  }
0x8a: {  	s0 =	sadd.s32 s1, s0  }
0x8b: {  	[smem:$0x3FB1] =	sst s0  }
0x8c: {  	_ = 	snop  }
0x8d: {  	s0 =	sld [smem:$0x3FD0];
	(tm) =	ssettm $0x1  }
0x8e: {  	s16 =	sld [smem:$0x3FFB];
	_ =	sdelay $0x3  }
0x8f: {  	_ =	strace s16  }
0x90: {  	s1 =	sld [smem:$0x3FFC];
	_ =	sdelay $0x3  }
0x91: {  	_ =	strace s1  }
0x92: {  	s1 =	sld [smem:$0x3FFD];
	_ =	sdelay $0x3  }
0x93: {  	_ =	strace s1  }
0x94: {  	_ =	strace $0x8FFFFFFF  }
0x95: {  	s17 =	sld [smem:$0x3FDB];
	_ =	sdelay $0x1  }
0x96: {  	s2 =	simm.s32 $_scs_section_size  }
0x97: {  	s3 =	simm.s32 $_size__tile_overlayer_lowered;
	s4 =	simm.s32 $_tile_overlayer_lowered  }
0x98: {  	s20 =	simm.s32 $0x1BFF;
	s19 =	sshll.u32 s4, $0x1;
	s1 =	sadd.s32 s2, s17  }
0x99: {  	s5 =	simm.s32 $0x0;
	s18 =	sshll.u32 s3, $0x1;
	s3 =	sadd.s32 s19, s1  }
0x9a: {  	[timem:s5], [sflag:s20] =	dma.local [hbm:s3], s18  }
0x9b: {  	_ =	swait.ge [sflag:s20], s18  }
0x9c: {  	s2 =	ssub.s32 $0x0, s18;
	[sflag:s20] =	ssyncset.done $0x0  }
0x9d: {  	[sflag:s20] =	ssyncadd.s32 s2;
	_ =	sdelay $0x1  }
0x9e: {  	s21 =	simm.s32 $0x1B8B  }
0x9f: {  	_ =	swait.ge [sflag:s21], $0x1  }
0xa0: {  	[sflag:s21] =	ssyncset.done $0x0  }
0xa1: {  	s23 =	simm.s32 $0x1B8E;
	s22 =	sld [smem:$0x3FFE];
	[sflag:s21] =	ssyncadd.s32 $0xFFFFFFFF  }
0xa2: {  	s24 =	simm.s32 $execute0_lowered;
	[smem:$0x3FD2] =	sst s23  }
0xa3: {  	s3 =	sshll.u32 s24, $0x1;
	_ =	strace $0x8000005E;
	[dreg:$0x1] =	wrdreg $0xFFFFFFFF  }
0xa4: {  	s25 =	simm.s32 $_size_execute0_lowered;
	s1 =	sadd.s32 s1, s3;
	[dreg:$0x0] =	wrdreg $0x0  }
0xa5: {  	s3 =	sshll.u32 s25, $0x1;
	[dreg:$0x2] =	wrdreg s1  }
0xa6: {  	[dreg:$0x3] =	wrdreg s3  }
0xa7: {  	[dreg:$0x4] =	wrdreg $0xC0  }
0xa8: {  	_ =	task [dreg:s5], $0x5FFFF  }
0xa9: {  	[dreg:$0x1] =	wrdreg $0xFFFFFFFF  }
0xaa: {  	[dreg:$0x0] =	wrdreg $0x60  }
0xab: {  	[dreg:$0x2] =	wrdreg s22  }
0xac: {  	[dreg:$0x3] =	wrdreg s0  }
0xad: {  	[dreg:$0x4] =	wrdreg $0x9  }
0xae: {  	_ =	task.clear_ibuf [dreg:s5], $0x5FFFF;
	_ =	strace $0x9000005E  }
0xaf: {  	s26 =	simm.s32 $0x9;
	_ =	strace $0x80000060  }
0xb0: {  	_ =	swait.ge [sflag:s26], $0x1  }
0xb1: {  	[sflag:s26] =	ssyncadd.s32 $0xFFFFFFFF  }
0xb2: {  	_ =	strace $0x90000060  }
0xb3: {  	_ =	sfence  }
0xb4: {  	s28 =	sld [smem:$0x0];
	_ =	sdelay $0x1  }
0xb5: {  	s29 =	srdreg.scid  }
0xb6: {  	s30 =	sshll.u32 s29, $0xD;
	s31 =	sshrl.u32 s29, $0x2  }
0xb7: {  	s2 =	sand.u32 $0x4000, s30;
	s1 =	sand.u32 $0x1, s29;
	s0 =	sadd.s32 s31, s28  }
0xb8: {  	s1 =	sor.u32 s2, s1;
	s0 =	sshll.u32 s0, $0x11  }
0xb9: {  	s0 =	sor.u32 s0, s1  }
0xba: {  	s0 =	sadd.s32 $0x8F2B, s0  }
0xbb: {  	[sflag:s0] =	ssyncadd.remote.s32 $0x1  }
0xbc: {  	_ =	sfence.sel $0xFFFF  }
0xbd: {  	[dreg:$0x0] =	wrdreg $0xFFFFFFFF;
	(pc) =	sbr.abs _section_cstart, $3  }
0xbe: {  	[dreg:$0x1] =	wrdreg $0xFFFFFFFF  }
0xbf: {  	_ =	task.clear_ibuf [dreg:s5], $0x2FFFF;
	_ =	strace $0x9FFFFFFF  }
0xc0: {  	(tm) =	ssettm $0x7FFFFFFF  }
0xc1: {  	_ =	shalt  }
tec
execute0_lowered:
.L_overlay_start_1:
0x0: {  	(tag) =	ssettag $0x1  }
0x1: {  	s0 =	stileid.u32  }
0x2: {  	s1 =	smul.u32 $0x7, s0  }
0x3: {  	s2 =	smin.u32 s0, $0xD  }
0x4: {  	s1 =	sadd.s32 s2, s1  }
0x5: {  	p0 =	slt.u32 s0, $0xD;
	s2 =	simm.s32 $0xC80;
	s1 =	smul.u32 $0x190, s1  }
0x6: {  	s2 =	simm.s32 @!p0 $0xAF0  }
0x7: {  	s2 =	sadd.s32 s2, s1  }
0x8: {  	s3 =	smin.u32 s2, $0xC350  }
0x9: {  	s7 =	ssub.s32 s3, s1  }
0xa: {  	p0 =	sgt.s32 s7, $0x0  }
0xb: {  	s7 =	simm.s32 @!p0 $0x0  }
0xc: {  	s31 =	sand.u32 $0xFFF0, s7  }
0xd: {  	s2 =	sshrl.u32 s31, $0x4  }
0xe: {  	s9 =	rddreg [dreg:$0x0];
	s2 =	smul.u32 $0xA3E, s2  }
0xf: {  	s4 =	rddreg [dreg:$0x1];
	s6 =	simm.s32 $0x1  }
0x10: {  	s11 =	simm.s32 $0x3;
	s13 =	simm.s32 $0x0;
	s8 =	sshrl.u32 s2, $0x10  }
0x11: {  	s12 =	simm.s32 $0x0;
	s5 =	sadd.s32 $0x94800, s9;
	s10 =	smul.u32 $0x190, s8  }
.Ltmp0:
0x12: {  	s9 =	sadd.s32 $0xC000, s9;
	s2 =	rddreg [dreg:$0x2];
	(pc) =	sbr.rel .LBB2_1-.Ltmp0, $4  }
0x13: {  	_ =	strace $0x8000005F;
	p0 =	sne.s32 s7, s10;
	s10 =	simm.s32 $0x1  }
0x14: {  	[sflag:s6] =	ssyncpa.u1 $0x0;
	s7 =	simm.s32 $0x2;
	s10 =	simm.s32 @!p0 $0x0  }
0x15: {  	[sflag:s7] =	ssyncpa.u1 $0x0;
	p0 =	por $0x0, $0x0;
	s8 =	sadd.s32 s8, s10  }
0x16: {  	vm0 =	vmmov $0xff;
	vm1 =	vcmask $0x3F20;
	[sflag:s11] =	ssyncpa.u1 $0x0;
	s11 =	smov.u32 s1;
	s10 =	sadd.s32 $0x1, s8  }
.LBB2_6:
0x17: {  	[hbm:s17] =	stream.linear.scatter [tilespmem:s14], [sflag:$0x3], $0x400, $0x38;
	[tilespmem:$0x19320] =	vst v63  }
.LBB2_7:
0x18: {  	s13 =	sadd.s32 $0x190, s11  }
0x19: {  	s15 =	smov.u32 s1;
	p2 =	slt.s32 s13, s3  }
0x1a: {  	s15 =	smov.u32 @p2 s13;
	p2 =	sne.s32 s12, s10  }
.Ltmp1:
0x1b: {  	p1 =	slt.u32 s12, $0x2;
	(pc) =	sbr.rel @!p2 .LBB2_8-.Ltmp1, $4  }
0x1c: {  	s14 =	simm.s32 @!p1 $0x3  }
0x1d: {  	s16 =	sadd.s32 $0x1, s12;
	_ =	swait.ge @!p1 [sflag:s14], $0xC800  }
0x1e: {  	p0 =	por !p0, !p0;
	s13 =	smov.u32 s11;
	[sflag:s14] =	ssyncset.done @!p1 $0x0  }
0x1f: {  	s12 =	smov.u32 s16;
	s11 =	smov.u32 s15;
	[sflag:s14] =	ssyncadd.s32 @!p1 $0xFFFF3800  }
.LBB2_1:
0x20: {  	p1 =	sge.u32 s12, s8  }
0x21: {  	s14 =	sxor.u32 @!p1 $0xFFFFFFFF, s12  }
0x22: {  	s14 =	sand.u32 @!p1 $0x1, s14  }
0x23: {  	s14 =	smul.u32 @!p1 $0x640, s14  }
0x24: {  	s31 =	sadd.s32 $0xFFFFFFFF, s12;
	s15 =	sshrl.u32 @!p1 s11, $0x3  }
0x25: {  	s16 =	sand.u32 @!p1 $0x7, s11;
	s15 =	sadd.s32 @!p1 s9, s15;
	s14 =	sshrl.u32 @!p1 s14, $0x2  }
0x26: {  	[tilespmem:s14], [sflag:$0x2] =	stream.linear.gather @!p1 [hbm4b:s15+s16], $0x190, $0x38;
	[tilespmem:$0x19320] =	vst v63  }
0x27: {  	p1 =	sge.u32 s31, s8  }
.Ltmp2:
0x28: {  	_ = 	snop;
	(pc) =	sbr.rel @p1 .LBB2_7-.Ltmp2, $1  }
0x29: {  	_ =	sdelay $0x3  }
0x2a: {  	s14 =	simm.s32 $0x1  }
0x2b: {  	s14 =	simm.s32 @!p0 $0x0  }
0x2c: {  	s15 =	smul.u32 $0x640, s14  }
0x2d: {  	_ =	swait.ge [sflag:s7], $0x190  }
0x2e: {  	[sflag:s7] =	ssyncset.done $0x0;
	s16 =	sshrl.u32 s15, $0x2  }
0x2f: {  	[sflag:s7] =	ssyncadd.s32 $0xFFFFFE70;
	s15 =	sadd.s32 $0x0, s16  }
0x30: {  	v0 =	vld.msk [tilespmem:s15+$0x0 ss:$0x1], $0xffff;
	_ =	sdelay $0x4  }
0x31: {  	vm2 =	vgt.s32 v0, $0x0  }
0x32: {  	v0 =	vnsel vm2, $0x0, v0  }
0x33: {  	v0 =	vmin.u32 v0, $0xC34F  }
0x34: {  	v0 =	vshll.u32 v0, $0x4  }
0x35: {  	s14 =	smul.u32 $0x32000, s14;
	_ =	sdelay $0x1  }
0x36: {  	s14 =	sshrl.u32 s14, $0x2  }
0x37: {  	s14 =	sor.u32 $0x320, s14  }
0x38: {  	[tilespmem:s14], [sflag:$0x1] =	stream.indirect_vreg.gather [hbm:s5], $0x80, v0, vm0, $0x38;
	[tilespmem:$0x19320] =	vst v63  }
0x39: {  	s17 =	sadd.s32 $0x10, s16;
	s15 =	sadd.s32 $0x400, s14  }
0x3a: {  	[tilespmem:s15], [sflag:$0x1] =	stream.indirect_vreg.gather [hbm:s5], $0x80, v0, vm1, $0x38;
	[tilespmem:$0x19320] =	vst v63  }
0x3b: {  	s18 =	simm.s32 $0x80;
	v0 =	vld.msk [tilespmem:s17+$0x0 ss:$0x1], $0xffff;
	s17 =	smov.u32 s14  }
.LBB2_3:
0x3c: {  	p1 =	sne.s32 s18, $0x600;
	_ =	sdelay $0x4  }
0x3d: {  	vm2 =	vgt.s32 v0, $0x0  }
0x3e: {  	v0 =	vnsel vm2, $0x0, v0  }
0x3f: {  	v0 =	vmin.u32 v0, $0xC34F  }
0x40: {  	v0 =	vshll.u32 v0, $0x4;
	_ =	sdelay $0x3  }
.Ltmp3:
0x41: {  	s19 =	sshra.s32 s18, $0x2;
	s17 =	sadd.s32 $0x800, s17;
	(pc) =	sbr.rel @p1 .LBB2_3-.Ltmp3, $4  }
0x42: {  	[tilespmem:s17], [sflag:$0x1] =	stream.indirect_vreg.gather [hbm:s5], $0x80, v0, vm0, $0x38;
	[tilespmem:$0x19320] =	vst v63  }
0x43: {  	s19 =	sadd.s32 s19, s16;
	s20 =	sadd.s32 $0x400, s17  }
0x44: {  	[tilespmem:s20], [sflag:$0x1] =	stream.indirect_vreg.gather [hbm:s5], $0x80, v0, vm1, $0x38;
	[tilespmem:$0x19320] =	vst v63  }
0x45: {  	s18 =	sadd.s32 $0x40, s18;
	v0 =	vld.msk [tilespmem:s19+$0x0 ss:$0x1], $0xffff  }
0x46: {  	_ =	sdelay $0x3  }
0x47: {  	vm2 =	vgt.s32 v0, $0x0  }
0x48: {  	v0 =	vnsel vm2, $0x0, v0  }
0x49: {  	v0 =	vmin.u32 v0, $0xC34F  }
0x4a: {  	v0 =	vshll.u32 v0, $0x4;
	_ =	sdelay $0x3  }
0x4b: {  	s16 =	sadd.s32 $0x800, s17  }
0x4c: {  	[tilespmem:s16], [sflag:$0x1] =	stream.indirect_vreg.gather [hbm:s5], $0x80, v0, vm0, $0x38;
	[tilespmem:$0x19320] =	vst v63  }
0x4d: {  	s16 =	sadd.s32 $0x400, s16  }
0x4e: {  	[tilespmem:s16], [sflag:$0x1] =	stream.indirect_vreg.gather [hbm:s5], $0x80, v0, vm1, $0x38;
	[tilespmem:$0x19320] =	vst v63  }
0x4f: {  	s13 =	sshll.u32 s13, $0x4;
	_ =	swait.ge [sflag:s6], $0xC800  }
0x50: {  	s13 =	sadd.s32 s13, s4;
	[sflag:s6] =	ssyncset.done $0x0  }
0x51: {  	s17 =	sadd.s32 $0x0, s13;
	s16 =	simm.s32 $0x80;
	[sflag:s6] =	ssyncadd.s32 $0xFFFF3800  }
.LBB2_5:
0x52: {  	[hbm:s17] =	stream.linear.scatter [tilespmem:s14], [sflag:$0x3], $0x400, $0x38;
	[tilespmem:$0x19320] =	vst v63  }
0x53: {  	s17 =	smov.u32 s16;
	s14 =	smov.u32 s15;
	p1 =	sne.s32 s16, $0x1880  }
.Ltmp4:
0x54: {  	s16 =	sadd.s32 $0x80, s16;
	(pc) =	sbr.rel @p1 .LBB2_5-.Ltmp4, $2  }
0x55: {  	_ =	sdelay $0x2  }
0x56: {  	s15 =	sadd.s32 $0x400, s15;
	s17 =	sadd.s32 s17, s13  }
.Ltmp5:
0x57: {  	_ = 	snop;
	(pc) =	sbr.rel .LBB2_6-.Ltmp5, $1  }
0x58: {  	_ =	sdelay $0x3  }
.LBB2_8:
0x59: {  	_ =	sfence.sel $0x180000  }
0x5a: {  	s1 =	simm.s32 $0x2;
	[bflag:$0x0] =	sbarrier.arrive $0xFFFF  }
0x5b: {  	s30 =	simm.s32 $0x3;
	[sflag:s1] =	ssyncpa.u1 $0x1  }
0x5c: {  	s31 =	simm.s32 $0x1;
	[sflag:s30] =	ssyncpa.u1 $0x1  }
0x5d: {  	[sflag:s31] =	ssyncpa.u1 $0x1  }
0x5e: {  	p0 =	sne.s32 s0, $0x0;
	_ =	strace $0x9000005F  }
0x5f: {  	s0 =	sadd.s32 @!p0 $0x100000, s2;
	[bflag:$0x2] =	sbarrier.arrive $0xFFFF  }
0x60: {  	[sflag:s0] =	ssyncadd.tile.s32 @!p0 $0x1;
	_ =	shalt  }
.Lfunc_end2:
_tile_overlayer_lowered:
.L_overlay_start_2:
0x61: {  	(tag) =	ssettag $0x2  }
0x62: {  	s0 =	rddreg [dreg:$0x0];
	s2 =	stileid.u32  }
0x63: {  	s1 =	rddreg [dreg:$0x1];
	p0 =	sne.s32 s2, $0x0  }
0x64: {  	s3 =	rddreg [dreg:$0x2];
	[bflag:$0x3] =	sbarrier.arrive $0xFFFF;
	s2 =	simm.s32 @!p0 $0x1C01  }
0x65: {  	[timem:s3], [sflag:s2] =	dma.local @!p0 [hbm:s0], s1  }
0x66: {  	s0 =	simm.s32 @!p0 $0x1  }
0x67: {  	_ =	swait.ge @!p0 [sflag:s0], s1  }
0x68: {  	s1 =	ssub.s32 @!p0 $0x0, s1;
	[sflag:s0] =	ssyncset.done @!p0 $0x0  }
0x69: {  	[sflag:s0] =	ssyncadd.s32 @!p0 s1  }
0x6a: {  	[bflag:$0x3] =	sbarrier.arrive $0xFFFF  }
0x6b: {  	_ =	shalt  }

// kernel: gather_offload_async_start
scs
__scs_entry_jumppad:
0x0: {  	(pc) =	sbr.rel $0x88, $3  }
0x1: {  	(tag) =	ssettag $0x0;
	lr =	simm.s32 $0x1  }
0x2: {  	[smem:$0x3F8A] =	sst lr;
	_ =	strace $0xD0000000  }
0x3: {  	_ = 	snop  }
0x4: {  	_ = 	snop  }
0x5: {  	_ = 	snop  }
0x6: {  	_ = 	snop  }
0x7: {  	_ = 	snop  }
__scs_overlays_trampoline_lowered:
0x8: {  	[smem:$0x3F99] =	sst s0  }
0x9: {  	[smem:$0x3F9A] =	sst s1  }
0xa: {  	[smem:$0x3F9B] =	sst s2  }
0xb: {  	[smem:$0x3F9C] =	sst s3  }
0xc: {  	[smem:$0x3F9D] =	sst s4  }
0xd: {  	[smem:$0x3F9E] =	sst s5  }
0xe: {  	[smem:$0x3F9F] =	sst s6  }
0xf: {  	[smem:$0x3FA0] =	sst s7  }
0x10: {  	[smem:$0x3FA1] =	sst s8  }
0x11: {  	[smem:$0x3FA2] =	sst s9;
	s0 =	simm.s32 @!p0 $0x0  }
0x12: {  	s1 =	sld [smem:$0x3F88];
	s0 =	simm.s32 @p0 $0x1  }
0x13: {  	[smem:$0x3FA3] =	sst s0;
	s0 =	simm.s32 @!p1 $0x0  }
0x14: {  	s2 =	sld [smem:$0x3F87];
	s0 =	simm.s32 @p1 $0x1  }
0x15: {  	[smem:$0x3FA4] =	sst s0;
	s0 =	simm.s32 @!p2 $0x0  }
0x16: {  	s3 =	sld [smem:$0x3FDB];
	s0 =	simm.s32 @p2 $0x1  }
0x17: {  	s4 =	simm.s32 $0x1BF5;
	[smem:$0x3FA6] =	sst s0  }
0x18: {  	s0 =	sld [smem:$0x3F89];
	_ =	swait.ge [sflag:s4], $0x0  }
0x19: {  	s7 =	sld [smem:$0x3F8A]  }
0x1a: {  	s8 =	sadd.s32 $0xFFFFE003, lr  }
0x1b: {  	s9 =	sadd.s32 $0xFFFFFEF7, lr;
	s5 =	simm.s32 $0xFFFFFFFF;
	p2 =	slt.u32 s8, $0xFFFFF086  }
0x1c: {  	p1 =	slt.u32 s9, $0xF7A;
	s5 =	simm.s32 @!p2 $0x0  }
0x1d: {  	s5 =	simm.s32 @p1 $0x1;
	p0 =	seq.s32 s7, s2  }
0x1e: {  	s7 =	smul.u32 @!p0 $0xF7A, s2;
	p2 =	seq.s32 @!p0 s5, $0x0  }
0x1f: {  	s9 =	smul.u32 $0xF7A, s1;
	s8 =	simm.s32 @!p0 $0x1BF5;
	p2 =	por !p2, p0  }
0x20: {  	[sflag:s8] =	ssyncset.s32 @!p0 $0xFFFFF086;
	s6 =	sadd.s32 @!p0 s3, s7;
	s7 =	simm.s32 @!p0 $0x108  }
0x21: {  	s3 =	sadd.s32 s3, s9;
	s6 =	sadd.s32 @!p0 $0x88, s6;
	s7 =	simm.s32 @p2 $0x1082  }
0x22: {  	[simem:s7], [sflag:s8] =	dma.local @!p0 [hbm:s6], $0xF7A  }
0x23: {  	s9 =	sor.u32 $0xD0000000, s2;
	s6 =	simm.s32 $0x108;
	_ =	swait.ge @!p0 [sflag:s8], $0x0  }
0x24: {  	s3 =	sadd.s32 $0x88, s3;
	s6 =	simm.s32 @!p1 $0x1082;
	[sflag:s4] =	ssyncset.s32 $0xFFFFF086  }
0x25: {  	[simem:s6], [sflag:s4] =	dma.local [hbm:s3], $0xF7A  }
0x26: {  	[smem:$0x3F8A] =	sst s1;
	(tag) =	ssettag s2;
	_ =	strace s9  }
0x27: {  	s1 =	sld [smem:$0x3F9A]  }
0x28: {  	s2 =	sld [smem:$0x3F9B]  }
0x29: {  	s4 =	sld [smem:$0x3F9D]  }
0x2a: {  	p0 =	seq.s32 s5, $0x0;
	s5 =	sld [smem:$0x3F9E]  }
0x2b: {  	s6 =	sld [smem:$0x3F9F]  }
0x2c: {  	s7 =	sld [smem:$0x3FA0]  }
0x2d: {  	s3 =	simm.s32 $0x108;
	s8 =	sld [smem:$0x3FA1]  }
0x2e: {  	s3 =	simm.s32 @!p0 $0x1082;
	s9 =	sld [smem:$0x3FA2]  }
0x2f: {  	lr =	sadd.s32 s0, s3;
	s0 =	sld [smem:$0x3F99]  }
0x30: {  	s3 =	sld [smem:$0x3F9C]  }
0x31: {  	[smem:$0x3FA5] =	sst s10  }
0x32: {  	s10 =	sld [smem:$0x3FA3];
	_ =	sdelay $0x3  }
0x33: {  	p0 =	seq.s32 s10, $0x1;
	s10 =	sld [smem:$0x3FA5];
	_ =	sdelay $0x3  }
0x34: {  	[smem:$0x3FA5] =	sst s10  }
0x35: {  	s10 =	sld [smem:$0x3FA4];
	_ =	sdelay $0x3  }
0x36: {  	p1 =	seq.s32 s10, $0x1;
	s10 =	sld [smem:$0x3FA5];
	_ =	sdelay $0x3  }
0x37: {  	[smem:$0x3FA5] =	sst s10  }
0x38: {  	s10 =	sld [smem:$0x3FA6]  }
0x39: {  	_ = 	snop;
	(pc) =	sbr.ind lr, $3  }
0x3a: {  	_ = 	snop  }
0x3b: {  	_ = 	snop  }
0x3c: {  	p2 =	seq.s32 s10, $0x1;
	s10 =	sld [smem:$0x3FA5]  }
0x3d: {  	_ =	shalt  }
0x3e: {  	_ =	shalt  }
0x3f: {  	_ =	shalt  }
0x40: {  	_ =	shalt  }
0x41: {  	_ =	shalt  }
0x42: {  	_ =	shalt  }
0x43: {  	_ =	shalt  }
0x44: {  	_ =	shalt  }
0x45: {  	_ =	shalt  }
0x46: {  	_ =	shalt  }
0x47: {  	_ =	shalt  }
0x48: {  	_ =	shalt  }
0x49: {  	_ =	shalt  }
0x4a: {  	_ =	shalt  }
0x4b: {  	_ =	shalt  }
0x4c: {  	_ =	shalt  }
0x4d: {  	_ =	shalt  }
0x4e: {  	_ =	shalt  }
0x4f: {  	_ =	shalt  }
0x50: {  	_ =	shalt  }
0x51: {  	_ =	shalt  }
0x52: {  	_ =	shalt  }
0x53: {  	_ =	shalt  }
0x54: {  	_ =	shalt  }
0x55: {  	_ =	shalt  }
0x56: {  	_ =	shalt  }
0x57: {  	_ =	shalt  }
0x58: {  	_ =	shalt  }
0x59: {  	_ =	shalt  }
0x5a: {  	_ =	shalt  }
0x5b: {  	_ =	shalt  }
0x5c: {  	_ =	shalt  }
0x5d: {  	_ =	shalt  }
0x5e: {  	_ =	shalt  }
0x5f: {  	_ =	shalt  }
0x60: {  	_ =	shalt  }
0x61: {  	_ =	shalt  }
0x62: {  	_ =	shalt  }
0x63: {  	_ =	shalt  }
0x64: {  	_ =	shalt  }
0x65: {  	_ =	shalt  }
0x66: {  	_ =	shalt  }
0x67: {  	_ =	shalt  }
0x68: {  	_ =	shalt  }
0x69: {  	_ =	shalt  }
0x6a: {  	_ =	shalt  }
0x6b: {  	_ =	shalt  }
0x6c: {  	_ =	shalt  }
0x6d: {  	_ =	shalt  }
0x6e: {  	_ =	shalt  }
0x6f: {  	_ =	shalt  }
0x70: {  	_ =	shalt  }
0x71: {  	_ =	shalt  }
0x72: {  	_ =	shalt  }
0x73: {  	_ =	shalt  }
0x74: {  	_ =	shalt  }
0x75: {  	_ =	shalt  }
0x76: {  	_ =	shalt  }
0x77: {  	_ =	shalt  }
0x78: {  	_ =	shalt  }
0x79: {  	_ =	shalt  }
0x7a: {  	_ =	shalt  }
0x7b: {  	_ =	shalt  }
0x7c: {  	_ =	shalt  }
0x7d: {  	_ =	shalt  }
0x7e: {  	_ =	shalt  }
0x7f: {  	_ =	shalt  }
0x80: {  	_ =	shalt  }
0x81: {  	_ =	shalt  }
0x82: {  	_ =	shalt  }
0x83: {  	_ =	shalt  }
0x84: {  	_ =	shalt  }
0x85: {  	_ =	shalt  }
0x86: {  	_ =	shalt  }
0x87: {  	_ =	shalt  }
.Lfunc_end0:
.L_simem_size_0:
called_computation.3_lowered:
.L_overlay_start_0:
0x88: {  	s2 =	sld [smem:$0x3FD9]  }
0x89: {  	s3 =	sld [smem:$0x3FFE];
	_ =	sdelay $0x1  }
0x8a: {  	s1 =	srdreg.scid  }
0x8b: {  	s0 =	sand.u32 $0x1, s1  }
0x8c: {  	s17 =	sshll.u32 s0, $0xA;
	s2 =	sadd.s32 s3, s2  }
0x8d: {  	s2 =	sadd.s32 s2, s17  }
0x8e: {  	[smem:$0x3FB1] =	sst s2  }
0x8f: {  	_ = 	snop  }
0x90: {  	s18 =	sld [smem:$0x3FB3];
	(tm) =	ssettm $0x1  }
0x91: {  	s19 =	sld [smem:$0x3FFB];
	_ =	sdelay $0x3  }
0x92: {  	_ =	strace s19  }
0x93: {  	s2 =	sld [smem:$0x3FFC];
	_ =	sdelay $0x3  }
0x94: {  	_ =	strace s2  }
0x95: {  	s2 =	sld [smem:$0x3FFD];
	_ =	sdelay $0x3  }
0x96: {  	_ =	strace s2  }
0x97: {  	_ =	strace $0x8FFFFFFF  }
0x98: {  	s20 =	sld [smem:$0x3FDB];
	_ =	sdelay $0x1  }
0x99: {  	s4 =	simm.s32 $_scs_section_size  }
0x9a: {  	s5 =	simm.s32 $_size__tile_overlayer_lowered;
	s6 =	simm.s32 $_tile_overlayer_lowered  }
0x9b: {  	s7 =	simm.s32 $0x1BFF;
	s21 =	sshll.u32 s6, $0x1;
	s4 =	sadd.s32 s4, s20  }
0x9c: {  	s22 =	simm.s32 $0x0;
	s5 =	sshll.u32 s5, $0x1;
	s6 =	sadd.s32 s21, s4  }
0x9d: {  	[timem:s22], [sflag:s7] =	dma.local [hbm:s6], s5  }
0x9e: {  	_ =	swait.ge [sflag:s7], s5  }
0x9f: {  	s5 =	ssub.s32 $0x0, s5;
	[sflag:s7] =	ssyncset.done $0x0  }
0xa0: {  	[sflag:s7] =	ssyncadd.s32 s5;
	_ =	sdelay $0x1  }
0xa1: {  	s23 =	simm.s32 $0x1B8B  }
0xa2: {  	_ =	swait.ge [sflag:s23], $0x1  }
0xa3: {  	[sflag:s23] =	ssyncset.done $0x0  }
0xa4: {  	[sflag:s23] =	ssyncadd.s32 $0xFFFFFFFF  }
0xa5: {  	s5 =	sld [smem:$0x0]  }
0xa6: {  	s6 =	sand.u32 $0xFFFFFFFE, s1  }
0xa7: {  	p0 =	sne.s32 s1, s6  }
0xa8: {  	s6 =	sshll.u32 @p0 s6, $0xE  }
0xa9: {  	s6 =	sadd.s32 @p0 $0x11B8D, s6;
	s7 =	sshll.u32 @p0 s5, $0x11  }
0xaa: {  	s6 =	sor.u32 @p0 s7, s6  }
0xab: {  	[sflag:s6] =	ssyncadd.remote.s32 @p0 $0x1;
	_ =	sdelay $0x1  }
0xac: {  	s6 =	simm.s32 @p0 $0x1B8D  }
0xad: {  	_ =	swait.eq @p0 [sflag:s6], $0x1  }
0xae: {  	[sflag:s6] =	ssyncadd.s32 @p0 $0xFFFFFFFF  }
0xaf: {  	s7 =	sshll.u32 @!p0 s1, $0xE  }
0xb0: {  	s7 =	sor.u32 @!p0 $0x4000, s7;
	s6 =	simm.s32 @!p0 $0x1B8D  }
0xb1: {  	s5 =	sshll.u32 @!p0 s5, $0x11;
	s7 =	sadd.s32 @!p0 $0x11B8D, s7;
	_ =	swait.eq @!p0 [sflag:s6], $0x1  }
0xb2: {  	s5 =	sor.u32 @!p0 s5, s7;
	[sflag:s6] =	ssyncadd.s32 @!p0 $0xFFFFFFFF  }
0xb3: {  	s25 =	simm.s32 $0x1B8E;
	s24 =	sld [smem:$0x3FFE];
	[sflag:s5] =	ssyncadd.remote.s32 @!p0 $0x1  }
0xb4: {  	s26 =	simm.s32 $execute0_lowered;
	[smem:$0x3FD2] =	sst s25  }
0xb5: {  	s6 =	sshll.u32 s26, $0x1;
	_ =	strace $0x80000049;
	[dreg:$0x1] =	wrdreg $0xFFFFFFFF  }
0xb6: {  	s28 =	simm.s32 $_size_execute0_lowered;
	s4 =	sadd.s32 s4, s6;
	[dreg:$0x0] =	wrdreg $0x0  }
0xb7: {  	s6 =	sshll.u32 s28, $0x1;
	[dreg:$0x2] =	wrdreg s4  }
0xb8: {  	[dreg:$0x3] =	wrdreg s6  }
0xb9: {  	[dreg:$0x4] =	wrdreg $0xC0  }
0xba: {  	_ =	task [dreg:s22], $0x5FFFF  }
0xbb: {  	[dreg:$0x1] =	wrdreg $0xFFFFFFFF  }
0xbc: {  	[dreg:$0x0] =	wrdreg $0x60  }
0xbd: {  	[dreg:$0x2] =	wrdreg s18  }
0xbe: {  	[dreg:$0x3] =	wrdreg s24  }
0xbf: {  	[dreg:$0x4] =	wrdreg $0x9  }
0xc0: {  	_ =	task.clear_ibuf [dreg:s22], $0x5FFFF;
	_ =	strace $0x90000049  }
0xc1: {  	s29 =	simm.s32 $0x9;
	_ =	strace $0x8000004B  }
0xc2: {  	_ =	swait.ge [sflag:s29], $0x1  }
0xc3: {  	[sflag:s29] =	ssyncadd.s32 $0xFFFFFFFF  }
0xc4: {  	_ =	strace $0x9000004B  }
0xc5: {  	_ =	sfence  }
0xc6: {  	s30 =	sld [smem:$0x0];
	_ =	sdelay $0x2  }
0xc7: {  	s31 =	sshll.u32 s1, $0xD;
	s1 =	sshrl.u32 s1, $0x2  }
0xc8: {  	s4 =	sand.u32 $0x4000, s31;
	s1 =	sadd.s32 s1, s30  }
0xc9: {  	s0 =	sor.u32 s4, s0;
	s1 =	sshll.u32 s1, $0x11  }
0xca: {  	s0 =	sor.u32 s1, s0  }
0xcb: {  	s0 =	sadd.s32 $0x8F2B, s0  }
0xcc: {  	[sflag:s0] =	ssyncadd.remote.s32 $0x1  }
0xcd: {  	_ =	sfence.sel $0xFFFF  }
0xce: {  	[dreg:$0x0] =	wrdreg $0xFFFFFFFF;
	(pc) =	sbr.abs _section_cstart, $3  }
0xcf: {  	[dreg:$0x1] =	wrdreg $0xFFFFFFFF  }
0xd0: {  	_ =	task.clear_ibuf [dreg:s22], $0x2FFFF;
	_ =	strace $0x9FFFFFFF  }
0xd1: {  	(tm) =	ssettm $0x7FFFFFFF  }
tec
execute0_lowered:
.L_overlay_start_1:
0x0: {  	(tag) =	ssettag $0x1  }
0x1: {  	s2 =	rddreg [dreg:$0x0];
	s0 =	stileid.u32  }
0x2: {  	s1 =	srdreg.scid;
	s8 =	rddreg [dreg:$0x1]  }
0x3: {  	s5 =	simm.s32 $0x1;
	s9 =	simm.s32 $0x1;
	s10 =	simm.s32 $0x3  }
0x4: {  	s13 =	simm.s32 $0x0;
	s3 =	sand.u32 $0x1, s1;
	s4 =	sshll.u32 s0, $0x1  }
0x5: {  	s12 =	simm.s32 $0x0;
	s1 =	rddreg [dreg:$0x2];
	s6 =	sor.u32 s4, s3  }
0x6: {  	_ =	strace $0x8000004A;
	s3 =	sadd.s32 $0x19E00, s8;
	s4 =	smul.u32 $0x2710, s6  }
0x7: {  	[sflag:s5] =	ssyncpa.u1 $0x0;
	p0 =	slt.u32 s6, $0x9;
	s6 =	simm.s32 $0x4E200  }
.Ltmp0:
0x8: {  	s6 =	simm.s32 @!p0 $0x0;
	s7 =	ssub.s32 $0x61A80, s4;
	(pc) =	sbr.rel .LBB2_1-.Ltmp0, $4  }
0x9: {  	s9 =	simm.s32 @!p0 $0x0;
	p0 =	sne.s32 s7, s6;
	s7 =	simm.s32 $0x1  }
0xa: {  	s8 =	sadd.s32 $0x127000, s8;
	s6 =	simm.s32 $0x2;
	s7 =	simm.s32 @!p0 $0x0  }
0xb: {  	s11 =	smov.u32 s4;
	[sflag:s6] =	ssyncpa.u1 $0x0;
	s7 =	sadd.s32 s9, s7  }
0xc: {  	vm0 =	vmmov $0xffff;
	[sflag:s10] =	ssyncpa.u1 $0x0;
	s10 =	simm.s32 $0x0;
	s9 =	sadd.s32 $0x1, s7  }
.LBB2_4:
0xd: {  	v2 =	vnsel vm1, $0x0, v2  }
0xe: {  	vm1 =	vgt.s32 v0, $0x0;
	v2 =	vmin.u32 v2, $0x61A7F  }
0xf: {  	v0 =	vnsel vm1, $0x0, v0  }
0x10: {  	v0 =	vmin.u32 v0, $0x61A7F  }
0x11: {  	[tilespmem:s18], [sflag:$0x1] =	stream.indirect_vreg.gather [hbm4b:s2+s10], $0x1, v1, vm0, $0x4038;
	[tilespmem:$0x9C40] =	vst v63  }
0x12: {  	(ifvalue) =	ssetifvalue $0x7FFFFFFF  }
0x13: {  	[tilespmem:s15], [sflag:$0x1] =	stream.indirect_vreg.gather [hbm4b:s2+s10], $0x1, v2, vm0, $0x4038;
	[tilespmem:$0x9C40] =	vst v63  }
0x14: {  	s29 =	sadd.s32 $0x10, s15;
	(ifvalue) =	ssetifvalue $0x7FFFFFFF  }
0x15: {  	[tilespmem:s29], [sflag:$0x1] =	stream.indirect_vreg.gather [hbm4b:s2+s10], $0x1, v0, vm0, $0x4038;
	[tilespmem:$0x9C40] =	vst v63  }
0x16: {  	_ =	swait.ge [sflag:s5], $0x2710  }
0x17: {  	s30 =	sshrl.u32 s13, $0x3;
	[sflag:s5] =	ssyncset.done $0x0  }
0x18: {  	s31 =	sand.u32 $0x7, s13;
	s15 =	sadd.s32 s8, s30;
	[sflag:s5] =	ssyncadd.s32 $0xFFFFD8F0  }
0x19: {  	[hbm4b:s15+s31] =	stream.linear.scatter [tilespmem:s14], [sflag:$0x3], $0x2710, $0x38;
	[tilespmem:$0x9C40] =	vst v63  }
.LBB2_5:
0x1a: {  	s15 =	sadd.s32 $0x4E200, s11  }
0x1b: {  	p1 =	sgt.s32 s15, $0x61A7F  }
0x1c: {  	s15 =	smov.u32 @p1 s4;
	p1 =	sne.s32 s12, s9  }
.Ltmp1:
0x1d: {  	p0 =	slt.u32 s12, $0x2;
	(pc) =	sbr.rel @!p1 .LBB2_6-.Ltmp1, $4  }
0x1e: {  	s14 =	simm.s32 @!p0 $0x3  }
0x1f: {  	_ =	swait.ge @!p0 [sflag:s14], $0x2710  }
0x20: {  	s16 =	sadd.s32 $0x1, s12;
	s13 =	smov.u32 s11;
	[sflag:s14] =	ssyncset.done @!p0 $0x0  }
0x21: {  	s12 =	smov.u32 s16;
	s11 =	smov.u32 s15;
	[sflag:s14] =	ssyncadd.s32 @!p0 $0xFFFFD8F0  }
.LBB2_1:
0x22: {  	p0 =	sge.u32 s12, s7  }
0x23: {  	s14 =	sxor.u32 @!p0 $0x1, s12  }
0x24: {  	s14 =	smul.u32 @!p0 $0x9C40, s14  }
0x25: {  	s31 =	sadd.s32 $0xFFFFFFFF, s12;
	s15 =	sshrl.u32 @!p0 s11, $0x3  }
0x26: {  	s16 =	sand.u32 @!p0 $0x7, s11;
	s15 =	sadd.s32 @!p0 s3, s15;
	s14 =	sshra.s32 @!p0 s14, $0x2  }
0x27: {  	[tilespmem:s14], [sflag:$0x2] =	stream.linear.gather @!p0 [hbm4b:s15+s16], $0x2710, $0x38;
	[tilespmem:$0x9C40] =	vst v63  }
0x28: {  	p0 =	sge.u32 s31, s7  }
.Ltmp2:
0x29: {  	_ = 	snop;
	(pc) =	sbr.rel @p0 .LBB2_5-.Ltmp2, $1  }
0x2a: {  	_ =	sdelay $0x3  }
0x2b: {  	s14 =	sand.u32 $0x1, s12  }
0x2c: {  	_ =	swait.ge [sflag:s6], $0x2710;
	p0 =	seq.s32 s14, $0x1;
	s14 =	simm.s32 $0x2710  }
0x2d: {  	[sflag:s6] =	ssyncset.done $0x0;
	s14 =	simm.s32 @!p0 $0x0  }
0x2e: {  	[sflag:s6] =	ssyncadd.s32 $0xFFFFD8F0;
	(ifvalue) =	ssetifvalue $0x7FFFFFFF;
	v0 =	vld.msk [tilespmem:s14+$0x0 ss:$0x1], $0xffff;
	_ =	sdelay $0x4  }
0x2f: {  	s15 =	sadd.s32 $0x10, s14;
	vm1 =	vgt.s32 v0, $0x0  }
0x30: {  	v2 =	vld.msk [tilespmem:s15+$0x0 ss:$0x1], $0xffff;
	v1 =	vnsel vm1, $0x0, v0  }
0x31: {  	v1 =	vmin.u32 v1, $0x61A7F;
	_ =	sdelay $0x2  }
0x32: {  	s17 =	simm.s32 $0x20;
	s14 =	sadd.s32 $0x4E20, s14;
	s16 =	sadd.s32 $0x10, s15  }
0x33: {  	s15 =	sadd.s32 $0x10, s14;
	s18 =	smov.u32 s14;
	v0 =	vld.msk [tilespmem:s16+$0x0 ss:$0x1], $0xffff;
	vm1 =	vgt.s32 v2, $0x0;
	(ifvalue) =	ssetifvalue $0x7FFFFFFF  }
.LBB2_3:
0x34: {  	[tilespmem:s18], [sflag:$0x1] =	stream.indirect_vreg.gather [hbm4b:s2+s10], $0x1, v1, vm0, $0x4038;
	[tilespmem:$0x9C40] =	vst v63  }
0x35: {  	s17 =	sadd.s32 $0x10, s17  }
0x36: {  	v2 =	vnsel vm1, $0x0, v2;
	p0 =	slt.u32 s17, $0x2700  }
.Ltmp3:
0x37: {  	s18 =	smov.u32 s15;
	v1 =	vmin.u32 v2, $0x61A7F;
	(pc) =	sbr.rel @p0 .LBB2_3-.Ltmp3, $3  }
0x38: {  	_ =	sdelay $0x1  }
0x39: {  	s16 =	sadd.s32 $0x10, s16  }
0x3a: {  	vm1 =	vgt.s32 v0, $0x0;
	s15 =	sadd.s32 $0x10, s15;
	v2 =	vmov v0;
	(ifvalue) =	ssetifvalue $0x7FFFFFFF;
	v0 =	vld.msk [tilespmem:s16+$0x0 ss:$0x1], $0xffff  }
.Ltmp4:
0x3b: {  	_ = 	snop;
	(pc) =	sbr.rel .LBB2_4-.Ltmp4, $1  }
0x3c: {  	_ =	sdelay $0x3  }
.LBB2_6:
0x3d: {  	_ =	sfence.sel $0x180000  }
0x3e: {  	s2 =	simm.s32 $0x2;
	[bflag:$0x0] =	sbarrier.arrive $0xFFFF  }
0x3f: {  	s30 =	simm.s32 $0x3;
	[sflag:s2] =	ssyncpa.u1 $0x1  }
0x40: {  	s31 =	simm.s32 $0x1;
	[sflag:s30] =	ssyncpa.u1 $0x1  }
0x41: {  	[sflag:s31] =	ssyncpa.u1 $0x1  }
0x42: {  	p0 =	sne.s32 s0, $0x0;
	_ =	strace $0x9000004A  }
0x43: {  	s0 =	sadd.s32 @!p0 $0x100000, s1;
	[bflag:$0x2] =	sbarrier.arrive $0xFFFF  }
0x44: {  	[sflag:s0] =	ssyncadd.tile.s32 @!p0 $0x1;
	_ =	shalt  }
.Lfunc_end2:
_tile_overlayer_lowered:
.L_overlay_start_2:
0x45: {  	(tag) =	ssettag $0x2  }
0x46: {  	s0 =	rddreg [dreg:$0x0];
	s2 =	stileid.u32  }
0x47: {  	s1 =	rddreg [dreg:$0x1];
	p0 =	sne.s32 s2, $0x0  }
0x48: {  	s3 =	rddreg [dreg:$0x2];
	[bflag:$0x3] =	sbarrier.arrive $0xFFFF;
	s2 =	simm.s32 @!p0 $0x1C01  }
0x49: {  	[timem:s3], [sflag:s2] =	dma.local @!p0 [hbm:s0], s1  }
0x4a: {  	s0 =	simm.s32 @!p0 $0x1  }
0x4b: {  	_ =	swait.ge @!p0 [sflag:s0], s1  }
0x4c: {  	s1 =	ssub.s32 @!p0 $0x0, s1;
	[sflag:s0] =	ssyncset.done @!p0 $0x0  }
0x4d: {  	[sflag:s0] =	ssyncadd.s32 @!p0 s1  }
0x4e: {  	[bflag:$0x3] =	sbarrier.arrive $0xFFFF  }
0x4f: {  	_ =	shalt  }

// kernel: scatter_offload_async_start.1
scs
__scs_entry_jumppad:
0x0: {  	(pc) =	sbr.rel $0x88, $3  }
0x1: {  	(tag) =	ssettag $0x0;
	lr =	simm.s32 $0x1  }
0x2: {  	[smem:$0x3F8A] =	sst lr;
	_ =	strace $0xD0000000  }
0x3: {  	_ = 	snop  }
0x4: {  	_ = 	snop  }
0x5: {  	_ = 	snop  }
0x6: {  	_ = 	snop  }
0x7: {  	_ = 	snop  }
__scs_overlays_trampoline_lowered:
0x8: {  	[smem:$0x3F99] =	sst s0  }
0x9: {  	[smem:$0x3F9A] =	sst s1  }
0xa: {  	[smem:$0x3F9B] =	sst s2  }
0xb: {  	[smem:$0x3F9C] =	sst s3  }
0xc: {  	[smem:$0x3F9D] =	sst s4  }
0xd: {  	[smem:$0x3F9E] =	sst s5  }
0xe: {  	[smem:$0x3F9F] =	sst s6  }
0xf: {  	[smem:$0x3FA0] =	sst s7  }
0x10: {  	[smem:$0x3FA1] =	sst s8  }
0x11: {  	[smem:$0x3FA2] =	sst s9;
	s0 =	simm.s32 @!p0 $0x0  }
0x12: {  	s1 =	sld [smem:$0x3F88];
	s0 =	simm.s32 @p0 $0x1  }
0x13: {  	[smem:$0x3FA3] =	sst s0;
	s0 =	simm.s32 @!p1 $0x0  }
0x14: {  	s2 =	sld [smem:$0x3F87];
	s0 =	simm.s32 @p1 $0x1  }
0x15: {  	[smem:$0x3FA4] =	sst s0;
	s0 =	simm.s32 @!p2 $0x0  }
0x16: {  	s3 =	sld [smem:$0x3FDB];
	s0 =	simm.s32 @p2 $0x1  }
0x17: {  	s4 =	simm.s32 $0x1BF5;
	[smem:$0x3FA6] =	sst s0  }
0x18: {  	s0 =	sld [smem:$0x3F89];
	_ =	swait.ge [sflag:s4], $0x0  }
0x19: {  	s7 =	sld [smem:$0x3F8A]  }
0x1a: {  	s8 =	sadd.s32 $0xFFFFE003, lr  }
0x1b: {  	s9 =	sadd.s32 $0xFFFFFEF7, lr;
	s5 =	simm.s32 $0xFFFFFFFF;
	p2 =	slt.u32 s8, $0xFFFFF086  }
0x1c: {  	p1 =	slt.u32 s9, $0xF7A;
	s5 =	simm.s32 @!p2 $0x0  }
0x1d: {  	s5 =	simm.s32 @p1 $0x1;
	p0 =	seq.s32 s7, s2  }
0x1e: {  	s7 =	smul.u32 @!p0 $0xF7A, s2;
	p2 =	seq.s32 @!p0 s5, $0x0  }
0x1f: {  	s9 =	smul.u32 $0xF7A, s1;
	s8 =	simm.s32 @!p0 $0x1BF5;
	p2 =	por !p2, p0  }
0x20: {  	[sflag:s8] =	ssyncset.s32 @!p0 $0xFFFFF086;
	s6 =	sadd.s32 @!p0 s3, s7;
	s7 =	simm.s32 @!p0 $0x108  }
0x21: {  	s3 =	sadd.s32 s3, s9;
	s6 =	sadd.s32 @!p0 $0x88, s6;
	s7 =	simm.s32 @p2 $0x1082  }
0x22: {  	[simem:s7], [sflag:s8] =	dma.local @!p0 [hbm:s6], $0xF7A  }
0x23: {  	s9 =	sor.u32 $0xD0000000, s2;
	s6 =	simm.s32 $0x108;
	_ =	swait.ge @!p0 [sflag:s8], $0x0  }
0x24: {  	s3 =	sadd.s32 $0x88, s3;
	s6 =	simm.s32 @!p1 $0x1082;
	[sflag:s4] =	ssyncset.s32 $0xFFFFF086  }
0x25: {  	[simem:s6], [sflag:s4] =	dma.local [hbm:s3], $0xF7A  }
0x26: {  	[smem:$0x3F8A] =	sst s1;
	(tag) =	ssettag s2;
	_ =	strace s9  }
0x27: {  	s1 =	sld [smem:$0x3F9A]  }
0x28: {  	s2 =	sld [smem:$0x3F9B]  }
0x29: {  	s4 =	sld [smem:$0x3F9D]  }
0x2a: {  	p0 =	seq.s32 s5, $0x0;
	s5 =	sld [smem:$0x3F9E]  }
0x2b: {  	s6 =	sld [smem:$0x3F9F]  }
0x2c: {  	s7 =	sld [smem:$0x3FA0]  }
0x2d: {  	s3 =	simm.s32 $0x108;
	s8 =	sld [smem:$0x3FA1]  }
0x2e: {  	s3 =	simm.s32 @!p0 $0x1082;
	s9 =	sld [smem:$0x3FA2]  }
0x2f: {  	lr =	sadd.s32 s0, s3;
	s0 =	sld [smem:$0x3F99]  }
0x30: {  	s3 =	sld [smem:$0x3F9C]  }
0x31: {  	[smem:$0x3FA5] =	sst s10  }
0x32: {  	s10 =	sld [smem:$0x3FA3];
	_ =	sdelay $0x3  }
0x33: {  	p0 =	seq.s32 s10, $0x1;
	s10 =	sld [smem:$0x3FA5];
	_ =	sdelay $0x3  }
0x34: {  	[smem:$0x3FA5] =	sst s10  }
0x35: {  	s10 =	sld [smem:$0x3FA4];
	_ =	sdelay $0x3  }
0x36: {  	p1 =	seq.s32 s10, $0x1;
	s10 =	sld [smem:$0x3FA5];
	_ =	sdelay $0x3  }
0x37: {  	[smem:$0x3FA5] =	sst s10  }
0x38: {  	s10 =	sld [smem:$0x3FA6]  }
0x39: {  	_ = 	snop;
	(pc) =	sbr.ind lr, $3  }
0x3a: {  	_ = 	snop  }
0x3b: {  	_ = 	snop  }
0x3c: {  	p2 =	seq.s32 s10, $0x1;
	s10 =	sld [smem:$0x3FA5]  }
0x3d: {  	_ =	shalt  }
0x3e: {  	_ =	shalt  }
0x3f: {  	_ =	shalt  }
0x40: {  	_ =	shalt  }
0x41: {  	_ =	shalt  }
0x42: {  	_ =	shalt  }
0x43: {  	_ =	shalt  }
0x44: {  	_ =	shalt  }
0x45: {  	_ =	shalt  }
0x46: {  	_ =	shalt  }
0x47: {  	_ =	shalt  }
0x48: {  	_ =	shalt  }
0x49: {  	_ =	shalt  }
0x4a: {  	_ =	shalt  }
0x4b: {  	_ =	shalt  }
0x4c: {  	_ =	shalt  }
0x4d: {  	_ =	shalt  }
0x4e: {  	_ =	shalt  }
0x4f: {  	_ =	shalt  }
0x50: {  	_ =	shalt  }
0x51: {  	_ =	shalt  }
0x52: {  	_ =	shalt  }
0x53: {  	_ =	shalt  }
0x54: {  	_ =	shalt  }
0x55: {  	_ =	shalt  }
0x56: {  	_ =	shalt  }
0x57: {  	_ =	shalt  }
0x58: {  	_ =	shalt  }
0x59: {  	_ =	shalt  }
0x5a: {  	_ =	shalt  }
0x5b: {  	_ =	shalt  }
0x5c: {  	_ =	shalt  }
0x5d: {  	_ =	shalt  }
0x5e: {  	_ =	shalt  }
0x5f: {  	_ =	shalt  }
0x60: {  	_ =	shalt  }
0x61: {  	_ =	shalt  }
0x62: {  	_ =	shalt  }
0x63: {  	_ =	shalt  }
0x64: {  	_ =	shalt  }
0x65: {  	_ =	shalt  }
0x66: {  	_ =	shalt  }
0x67: {  	_ =	shalt  }
0x68: {  	_ =	shalt  }
0x69: {  	_ =	shalt  }
0x6a: {  	_ =	shalt  }
0x6b: {  	_ =	shalt  }
0x6c: {  	_ =	shalt  }
0x6d: {  	_ =	shalt  }
0x6e: {  	_ =	shalt  }
0x6f: {  	_ =	shalt  }
0x70: {  	_ =	shalt  }
0x71: {  	_ =	shalt  }
0x72: {  	_ =	shalt  }
0x73: {  	_ =	shalt  }
0x74: {  	_ =	shalt  }
0x75: {  	_ =	shalt  }
0x76: {  	_ =	shalt  }
0x77: {  	_ =	shalt  }
0x78: {  	_ =	shalt  }
0x79: {  	_ =	shalt  }
0x7a: {  	_ =	shalt  }
0x7b: {  	_ =	shalt  }
0x7c: {  	_ =	shalt  }
0x7d: {  	_ =	shalt  }
0x7e: {  	_ =	shalt  }
0x7f: {  	_ =	shalt  }
0x80: {  	_ =	shalt  }
0x81: {  	_ =	shalt  }
0x82: {  	_ =	shalt  }
0x83: {  	_ =	shalt  }
0x84: {  	_ =	shalt  }
0x85: {  	_ =	shalt  }
0x86: {  	_ =	shalt  }
0x87: {  	_ =	shalt  }
.Lfunc_end0:
.L_simem_size_0:
called_computation.1_lowered:
.L_overlay_start_0:
0x88: {  	s2 =	sld [smem:$0x3FD9]  }
0x89: {  	s3 =	sld [smem:$0x3FFE];
	_ =	sdelay $0x1  }
0x8a: {  	s1 =	srdreg.scid  }
0x8b: {  	s0 =	sand.u32 $0x1, s1  }
0x8c: {  	s15 =	sshll.u32 s0, $0xA;
	s2 =	sadd.s32 s3, s2  }
0x8d: {  	s2 =	sadd.s32 s2, s15  }
0x8e: {  	[smem:$0x3FB1] =	sst s2  }
0x8f: {  	_ = 	snop  }
0x90: {  	s16 =	sld [smem:$0x3FD0];
	(tm) =	ssettm $0x1  }
0x91: {  	s17 =	sld [smem:$0x3FFB];
	_ =	sdelay $0x3  }
0x92: {  	_ =	strace s17  }
0x93: {  	s2 =	sld [smem:$0x3FFC];
	_ =	sdelay $0x3  }
0x94: {  	_ =	strace s2  }
0x95: {  	s2 =	sld [smem:$0x3FFD];
	_ =	sdelay $0x3  }
0x96: {  	_ =	strace s2  }
0x97: {  	_ =	strace $0x8FFFFFFF  }
0x98: {  	s18 =	sld [smem:$0x3FDB];
	_ =	sdelay $0x1  }
0x99: {  	s4 =	simm.s32 $_scs_section_size  }
0x9a: {  	s5 =	simm.s32 $_size__tile_overlayer_lowered;
	s6 =	simm.s32 $_tile_overlayer_lowered  }
0x9b: {  	s7 =	simm.s32 $0x1BFF;
	s19 =	sshll.u32 s6, $0x1;
	s4 =	sadd.s32 s4, s18  }
0x9c: {  	s20 =	simm.s32 $0x0;
	s5 =	sshll.u32 s5, $0x1;
	s6 =	sadd.s32 s19, s4  }
0x9d: {  	[timem:s20], [sflag:s7] =	dma.local [hbm:s6], s5  }
0x9e: {  	_ =	swait.ge [sflag:s7], s5  }
0x9f: {  	s5 =	ssub.s32 $0x0, s5;
	[sflag:s7] =	ssyncset.done $0x0  }
0xa0: {  	[sflag:s7] =	ssyncadd.s32 s5;
	_ =	sdelay $0x1  }
0xa1: {  	s21 =	simm.s32 $0x1B8B  }
0xa2: {  	_ =	swait.ge [sflag:s21], $0x1  }
0xa3: {  	[sflag:s21] =	ssyncset.done $0x0  }
0xa4: {  	s22 =	sld [smem:$0x3FFE];
	[sflag:s21] =	ssyncadd.s32 $0xFFFFFFFF  }
0xa5: {  	s24 =	simm.s32 $0x1B8E;
	s23 =	sld [smem:$0x0]  }
0xa6: {  	s25 =	simm.s32 $execute0_lowered;
	[smem:$0x3FD2] =	sst s24  }
0xa7: {  	s7 =	sshll.u32 s25, $0x1;
	_ =	strace $0x80000058;
	[dreg:$0x1] =	wrdreg $0xFFFFFFFF  }
0xa8: {  	s8 =	simm.s32 $_size_execute0_lowered;
	s7 =	sadd.s32 s4, s7;
	[dreg:$0x0] =	wrdreg $0x0  }
0xa9: {  	s8 =	sshll.u32 s8, $0x1;
	[dreg:$0x2] =	wrdreg s7  }
0xaa: {  	[dreg:$0x3] =	wrdreg s8  }
0xab: {  	[dreg:$0x4] =	wrdreg $0xC0  }
0xac: {  	s26 =	simm.s32 $execute1_lowered;
	_ =	task [dreg:s20], $0x5FFFF  }
0xad: {  	s7 =	sshll.u32 s26, $0x1;
	[dreg:$0x1] =	wrdreg $0xFFFFFFFF  }
0xae: {  	s4 =	sadd.s32 s4, s7;
	[dreg:$0x0] =	wrdreg $0x60  }
0xaf: {  	[dreg:$0x2] =	wrdreg s4  }
0xb0: {  	[dreg:$0x3] =	wrdreg s22  }
0xb1: {  	[dreg:$0x4] =	wrdreg $0x9  }
0xb2: {  	_ =	task.clear_ibuf [dreg:s20], $0x5FFFF;
	_ =	strace $0x90000058  }
0xb3: {  	s28 =	simm.s32 $0x9;
	_ =	strace $0x8000005A  }
0xb4: {  	_ =	swait.ge [sflag:s28], $0x1  }
0xb5: {  	[sflag:s28] =	ssyncadd.s32 $0xFFFFFFFF  }
0xb6: {  	_ =	strace $0x9000005A  }
0xb7: {  	s4 =	sld [smem:$0x0]  }
0xb8: {  	s7 =	sand.u32 $0xFFFFFFFE, s1  }
0xb9: {  	p0 =	sne.s32 s1, s7  }
0xba: {  	s7 =	sshll.u32 @p0 s7, $0xE  }
0xbb: {  	s7 =	sadd.s32 @p0 $0x11BF3, s7;
	s8 =	sshll.u32 @p0 s4, $0x11  }
0xbc: {  	s7 =	sor.u32 @p0 s8, s7  }
0xbd: {  	[sflag:s7] =	ssyncadd.remote.s32 @p0 $0x1;
	_ =	sdelay $0x1  }
0xbe: {  	s7 =	simm.s32 @p0 $0x1BF3  }
0xbf: {  	_ =	swait.eq @p0 [sflag:s7], $0x1  }
0xc0: {  	[sflag:s7] =	ssyncadd.s32 @p0 $0xFFFFFFFF  }
0xc1: {  	s8 =	sshll.u32 @!p0 s1, $0xE  }
0xc2: {  	s8 =	sor.u32 @!p0 $0x4000, s8;
	s7 =	simm.s32 @!p0 $0x1BF3  }
0xc3: {  	s4 =	sshll.u32 @!p0 s4, $0x11;
	s8 =	sadd.s32 @!p0 $0x11BF3, s8;
	_ =	swait.eq @!p0 [sflag:s7], $0x1  }
0xc4: {  	s4 =	sor.u32 @!p0 s4, s8;
	[sflag:s7] =	ssyncadd.s32 @!p0 $0xFFFFFFFF  }
0xc5: {  	[sflag:s4] =	ssyncadd.remote.s32 @!p0 $0x1  }
0xc6: {  	_ =	strace $0x8000005B;
	[dreg:$0x1] =	wrdreg $0xFFFFFFFF  }
0xc7: {  	[dreg:$0x0] =	wrdreg $0x2030  }
0xc8: {  	[dreg:$0x2] =	wrdreg s22  }
0xc9: {  	[dreg:$0x3] =	wrdreg s16  }
0xca: {  	[dreg:$0x4] =	wrdreg s1  }
0xcb: {  	[dreg:$0x5] =	wrdreg s23  }
0xcc: {  	[dreg:$0x6] =	wrdreg $0xA  }
0xcd: {  	_ =	task.clear_ibuf [dreg:s20], $0x7FFFF;
	_ =	strace $0x9000005B  }
0xce: {  	s29 =	simm.s32 $0xA;
	_ =	strace $0x8000005D  }
0xcf: {  	_ =	swait.ge [sflag:s29], $0x1  }
0xd0: {  	[sflag:s29] =	ssyncadd.s32 $0xFFFFFFFF  }
0xd1: {  	_ =	strace $0x9000005D  }
0xd2: {  	_ =	sfence  }
0xd3: {  	s30 =	sld [smem:$0x0];
	_ =	sdelay $0x2  }
0xd4: {  	s31 =	sshll.u32 s1, $0xD;
	s1 =	sshrl.u32 s1, $0x2  }
0xd5: {  	s4 =	sand.u32 $0x4000, s31;
	s1 =	sadd.s32 s1, s30  }
0xd6: {  	s0 =	sor.u32 s4, s0;
	s1 =	sshll.u32 s1, $0x11  }
0xd7: {  	s0 =	sor.u32 s1, s0  }
0xd8: {  	s0 =	sadd.s32 $0x8F2B, s0  }
0xd9: {  	[sflag:s0] =	ssyncadd.remote.s32 $0x1  }
0xda: {  	_ =	sfence.sel $0xFFFF  }
0xdb: {  	[dreg:$0x0] =	wrdreg $0xFFFFFFFF;
	(pc) =	sbr.abs _section_cstart, $3  }
0xdc: {  	[dreg:$0x1] =	wrdreg $0xFFFFFFFF  }
0xdd: {  	_ =	task.clear_ibuf [dreg:s20], $0x2FFFF;
	_ =	strace $0x9FFFFFFF  }
0xde: {  	(tm) =	ssettm $0x7FFFFFFF  }
0xdf: {  	_ =	shalt  }
tec
execute0_lowered:
.L_overlay_start_1:
0x0: {  	(tag) =	ssettag $0x1  }
0x1: {  	s2 =	rddreg [dreg:$0x0]  }
0x2: {  	s4 =	rddreg [dreg:$0x1]  }
0x3: {  	s0 =	rddreg [dreg:$0x2];
	s3 =	stileid.u32  }
0x4: {  	[bflag:$0x3] =	sbarrier.arrive $0xFFFF;
	s1 =	simm.s32 $_size_execute1_lowered;
	s29 =	srdreg.scid  }
0x5: {  	s7 =	simm.s32 $0x2;
	s8 =	simm.s32 $0x0;
	p0 =	sne.s32 s3, $0x0  }
0x6: {  	s1 =	sshll.u32 s1, $0x1;
	s5 =	simm.s32 @!p0 $0x1C3F;
	s6 =	simm.s32 @!p0 $0x4060  }
0x7: {  	[timem:s6], [sflag:s5] =	dma.local @!p0 [hbm:s2], s1  }
0x8: {  	s12 =	simm.s32 $0x0;
	s10 =	simm.s32 $0x0;
	s2 =	sshll.u32 s29, $0x8  }
.Ltmp0:
0x9: {  	s3 =	sshll.u32 s3, $0x9;
	s30 =	sand.u32 $0x100, s2;
	(pc) =	sbr.rel .LBB2_1-.Ltmp0, $4  }
0xa: {  	s11 =	simm.s32 $0x0;
	_ =	strace $0x80000059;
	s3 =	sor.u32 s3, s30  }
0xb: {  	s5 =	simm.s32 $0x1;
	s2 =	sadd.s32 $0x188C00, s4;
	s31 =	ssub.s32 $0xC300, s3  }
0xc: {  	s4 =	sadd.s32 $0x94800, s4;
	[sflag:s5] =	ssyncpa.u1 $0x0;
	s6 =	sshrl.u32 s31, $0xD  }
0xd: {  	[sflag:s7] =	ssyncpa.u1 $0x0;
	s9 =	smov.u32 s3;
	s7 =	sadd.s32 $0x2, s6  }
.LBB2_5:
0xe: {  	_ =	sdelay $0x3  }
0xf: {  	[tilespmem:v1+s16+$0x0 ss:$0x1] =	vst.idx.msk $0xffff, v7  }
0x10: {  	v62 =	vld.idx.msk [tilespmem:v0+s16+$0x20 ss:$0x1], $0xffff;
	[tilespmem:v1+s17+$0x30 ss:$0x1] =	vst.idx.msk $0xffff, v4  }
0x11: {  	v63 =	vld.idx.msk [tilespmem:v0+s16+$0x30 ss:$0x1], $0xffff;
	[tilespmem:v1+s17+$0x0 ss:$0x1] =	vst.idx.msk $0xffff, v2  }
0x12: {  	[tilespmem:v1+s17+$0x10 ss:$0x1] =	vst.idx.msk $0xffff, v3  }
0x13: {  	[tilespmem:v1+s17+$0x20 ss:$0x1] =	vst.idx.msk $0xffff, v5  }
0x14: {  	[tilespmem:v1+s16+$0x10 ss:$0x1] =	vst.idx.msk $0xffff, v6  }
0x15: {  	[tilespmem:v1+s16+$0x20 ss:$0x1] =	vst.idx.msk $0xffff, v62  }
0x16: {  	[tilespmem:v1+s16+$0x30 ss:$0x1] =	vst.idx.msk $0xffff, v63  }
.LBB2_6:
0x17: {  	s15 =	sand.u32 $0x1FFFFFE, s10  }
0x18: {  	s16 =	smulhi.u32 $0x14F8B59, s15;
	_ =	sdelay $0x1  }
0x19: {  	s16 =	sshrl.u32 s16, $0x8  }
0x1a: {  	s16 =	smul.u32 $0xC350, s16;
	_ =	sdelay $0x1  }
0x1b: {  	s15 =	ssub.s32 s15, s16  }
0x1c: {  	s15 =	sshll.u32 s15, $0x3  }
0x1d: {  	s15 =	sadd.s32 s4, s15  }
0x1e: {  	[hbm4b:s15+s8] =	stream.linear.scatter [tilespmem:s14], [sflag:$0x2], s13, $0x38;
	[tilespmem:$0x10000] =	vst v63  }
.LBB2_7:
0x1f: {  	p1 =	slt.u32 s11, $0x2  }
0x20: {  	p2 =	sgt.s32 @!p1 s12, $0xC250  }
0x21: {  	s13 =	smov.u32 s12;
	s14 =	sshra.s32 @!p1 s12, $0x1F;
	p2 =	por !p2, p1  }
0x22: {  	s12 =	sand.u32 @!p1 s14, s12;
	s13 =	simm.s32 @p2 $0xC250  }
0x23: {  	s12 =	ssub.s32 @!p1 s13, s12  }
0x24: {  	s12 =	sadd.s32 @!p1 $0xFFFF3DB0, s12  }
0x25: {  	s13 =	sshll.u32 @!p1 s12, $0x8  }
0x26: {  	p2 =	sgt.s32 @!p1 s12, $0xFF;
	s12 =	ssub.s32 @!p1 $0x10000, s13  }
0x27: {  	s14 =	sadd.s32 $0x2000, s9;
	p2 =	por !p2, p1;
	s12 =	sshrl.u32 @!p1 s12, $0x2  }
0x28: {  	s12 =	simm.s32 @!p2 $0x0;
	p2 =	sgt.s32 s14, $0xC34F  }
0x29: {  	s14 =	smov.u32 @p2 s3;
	p2 =	sne.s32 s11, s7  }
.Ltmp1:
0x2a: {  	_ = 	snop;
	(pc) =	sbr.rel @!p2 .LBB2_8-.Ltmp1, $4  }
0x2b: {  	s13 =	simm.s32 @!p1 $0x2  }
0x2c: {  	_ =	swait.ge @!p1 [sflag:s13], s12;
	s15 =	ssub.s32 @!p1 $0x0, s12  }
0x2d: {  	s12 =	smov.u32 s10;
	s11 =	sadd.s32 $0x1, s11;
	[sflag:s13] =	ssyncset.done @!p1 $0x0  }
0x2e: {  	s10 =	smov.u32 s9;
	s9 =	smov.u32 s14;
	[sflag:s13] =	ssyncadd.s32 @!p1 s15  }
.LBB2_1:
0x2f: {  	p1 =	sgt.u32 s11, s6  }
0x30: {  	s14 =	smov.u32 s9;
	p2 =	sgt.s32 @!p1 s9, $0xC250  }
0x31: {  	s13 =	sand.u32 @!p1 $0x1FFFFFE, s9;
	s15 =	sshra.s32 @!p1 s9, $0x1F;
	p2 =	por !p2, p1  }
0x32: {  	s16 =	smulhi.u32 @!p1 $0x14F8B59, s13;
	s15 =	sand.u32 @!p1 s15, s9;
	s14 =	simm.s32 @p2 $0xC250  }
0x33: {  	s14 =	ssub.s32 @!p1 s14, s15  }
0x34: {  	s15 =	sshrl.u32 @!p1 s16, $0x8;
	s14 =	sadd.s32 @!p1 $0xFFFF3DB0, s14  }
0x35: {  	s15 =	smul.u32 @!p1 $0xC350, s15;
	s16 =	sshll.u32 @!p1 s14, $0x8  }
0x36: {  	p2 =	sgt.s32 @!p1 s14, $0xFF;
	s14 =	sxor.u32 @!p1 $0xFFFFFFFF, s11;
	s16 =	ssub.s32 @!p1 $0x10000, s16  }
0x37: {  	s13 =	ssub.s32 @!p1 s13, s15;
	p2 =	por !p2, p1;
	s14 =	sshll.u32 @!p1 s14, $0xE  }
0x38: {  	s15 =	sshrl.u32 @!p1 s16, $0x2;
	s13 =	sshll.u32 @!p1 s13, $0x3;
	s14 =	sand.u32 @!p1 $0x4000, s14  }
0x39: {  	s16 =	simm.s32 @!p1 $0x0;
	s15 =	simm.s32 @!p2 $0x0;
	s13 =	sadd.s32 @!p1 s2, s13  }
0x3a: {  	[tilespmem:s14], [sflag:$0x1] =	stream.linear.gather @!p1 [hbm4b:s13+s16], s15, $0x38;
	[tilespmem:$0x10000] =	vst v63  }
0x3b: {  	p1 =	seq.s32 s11, $0x0  }
0x3c: {  	p2 =	sge.u32 @!p1 s11, s7  }
0x3d: {  	p1 =	por p1, p2  }
.Ltmp2:
0x3e: {  	_ = 	snop;
	(pc) =	sbr.rel @p1 .LBB2_7-.Ltmp2, $1  }
0x3f: {  	_ =	sdelay $0x3  }
0x40: {  	p1 =	sgt.s32 s10, $0xC250;
	s13 =	smov.u32 s10;
	s14 =	sshra.s32 s10, $0x1F  }
0x41: {  	s13 =	simm.s32 @!p1 $0xC250;
	s14 =	sand.u32 s14, s10  }
0x42: {  	s13 =	ssub.s32 s13, s14  }
0x43: {  	s13 =	sadd.s32 $0xFFFF3DB0, s13  }
0x44: {  	s31 =	sshll.u32 s13, $0x8  }
0x45: {  	s14 =	ssub.s32 $0x10000, s31  }
0x46: {  	p1 =	sgt.s32 s13, $0xFF;
	s13 =	sshrl.u32 s14, $0x2;
	s14 =	sadd.s32 $0x100, s10  }
0x47: {  	s13 =	simm.s32 @p1 $0x0;
	p1 =	slt.s32 s14, $0xC350  }
0x48: {  	s15 =	sshll.u32 s11, $0xF;
	s14 =	simm.s32 @!p1 $0xC350  }
0x49: {  	s16 =	sand.u32 $0x8000, s15;
	s15 =	ssub.s32 s14, s10  }
0x4a: {  	p1 =	slt.s32 s15, $0x1  }
.Ltmp3:
0x4b: {  	_ = 	snop;
	(pc) =	sbr.rel @p1 .LBB2_6-.Ltmp3, $4  }
0x4c: {  	_ = 	snop  }
0x4d: {  	_ =	swait.ge [sflag:s5], s13  }
0x4e: {  	s16 =	sshrl.u32 s16, $0x1;
	s17 =	ssub.s32 $0x0, s13;
	[sflag:s5] =	ssyncset.done $0x0  }
0x4f: {  	s14 =	sor.u32 $0x8000, s16;
	[sflag:s5] =	ssyncadd.s32 s17  }
0x50: {  	v0 =	vmov s16;
	_ =	sdelay $0x1  }
0x51: {  	s31 =	simm.s32 $0x0  }
0x52: {  	s17 =	sand.u32 $0xFE00, s31  }
0x53: {  	s16 =	sshrl.u32 s17, $0x2;
	s17 =	sor.u32 $0x100, s17  }
0x54: {  	p1 =	sgt.s32 s15, $0x2;
	s17 =	sshrl.u32 s17, $0x2;
	v7 =	vld.idx.msk [tilespmem:v0+s16+$0x0 ss:$0x1], $0xffff  }
.Ltmp4:
0x55: {  	v1 =	vmov s14;
	v4 =	vld.idx.msk [tilespmem:v0+s17+$0x30 ss:$0x1], $0xffff;
	(pc) =	sbr.rel @!p1 .LBB2_5-.Ltmp4, $4  }
0x56: {  	v2 =	vld.idx.msk [tilespmem:v0+s17+$0x0 ss:$0x1], $0xffff  }
0x57: {  	v3 =	vld.idx.msk [tilespmem:v0+s17+$0x10 ss:$0x1], $0xffff  }
0x58: {  	v5 =	vld.idx.msk [tilespmem:v0+s17+$0x20 ss:$0x1], $0xffff  }
0x59: {  	s18 =	simm.s32 $0x2;
	s19 =	simm.s32 $0x200;
	v6 =	vld.idx.msk [tilespmem:v0+s16+$0x10 ss:$0x1], $0xffff  }
.LBB2_4:
0x5a: {  	s20 =	sand.u32 $0xFE00, s19;
	s18 =	sadd.s32 $0x2, s18;
	[tilespmem:v1+s16+$0x0 ss:$0x1] =	vst.idx.msk $0xffff, v7;
	v8 =	vld.idx.msk [tilespmem:v0+s16+$0x20 ss:$0x1], $0xffff  }
0x5b: {  	s21 =	sshrl.u32 s20, $0x2;
	s20 =	sor.u32 $0x100, s20;
	p1 =	slt.s32 s18, s15;
	v9 =	vld.idx.msk [tilespmem:v0+s16+$0x30 ss:$0x1], $0xffff;
	[tilespmem:v1+s17+$0x30 ss:$0x1] =	vst.idx.msk $0xffff, v4  }
0x5c: {  	v7 =	vld.idx.msk [tilespmem:v0+s21+$0x0 ss:$0x1], $0xffff;
	s20 =	sshrl.u32 s20, $0x2;
	[tilespmem:v1+s17+$0x0 ss:$0x1] =	vst.idx.msk $0xffff, v2  }
.Ltmp5:
0x5d: {  	v4 =	vld.idx.msk [tilespmem:v0+s20+$0x30 ss:$0x1], $0xffff;
	[tilespmem:v1+s17+$0x10 ss:$0x1] =	vst.idx.msk $0xffff, v3;
	(pc) =	sbr.rel @p1 .LBB2_4-.Ltmp5, $4  }
0x5e: {  	v2 =	vld.idx.msk [tilespmem:v0+s20+$0x0 ss:$0x1], $0xffff;
	[tilespmem:v1+s17+$0x20 ss:$0x1] =	vst.idx.msk $0xffff, v5;
	s17 =	smov.u32 s20  }
0x5f: {  	v3 =	vld.idx.msk [tilespmem:v0+s17+$0x10 ss:$0x1], $0xffff;
	[tilespmem:v1+s16+$0x10 ss:$0x1] =	vst.idx.msk $0xffff, v6  }
0x60: {  	v5 =	vld.idx.msk [tilespmem:v0+s17+$0x20 ss:$0x1], $0xffff;
	[tilespmem:v1+s16+$0x20 ss:$0x1] =	vst.idx.msk $0xffff, v8  }
0x61: {  	s19 =	sadd.s32 $0x200, s19;
	v6 =	vld.idx.msk [tilespmem:v0+s21+$0x10 ss:$0x1], $0xffff;
	[tilespmem:v1+s16+$0x30 ss:$0x1] =	vst.idx.msk $0xffff, v9;
	s16 =	smov.u32 s21  }
.Ltmp6:
0x62: {  	_ = 	snop;
	(pc) =	sbr.rel .LBB2_5-.Ltmp6, $1  }
0x63: {  	_ =	sdelay $0x3  }
.LBB2_8:
0x64: {  	_ =	sfence.sel $0x180000  }
0x65: {  	s2 =	simm.s32 $0x1;
	[bflag:$0x0] =	sbarrier.arrive $0xFFFF  }
0x66: {  	s31 =	simm.s32 $0x2;
	[sflag:s2] =	ssyncpa.u1 $0x1  }
0x67: {  	[sflag:s31] =	ssyncpa.u1 $0x1  }
0x68: {  	_ =	strace $0x90000059  }
0x69: {  	s0 =	sadd.s32 @!p0 $0x100000, s0;
	[bflag:$0x2] =	sbarrier.arrive $0xFFFF  }
0x6a: {  	[sflag:s0] =	ssyncadd.tile.s32 @!p0 $0x1;
	s0 =	simm.s32 @!p0 $0x3F  }
0x6b: {  	_ =	swait.ge @!p0 [sflag:s0], s1  }
0x6c: {  	s1 =	ssub.s32 @!p0 $0x0, s1;
	[sflag:s0] =	ssyncset.done @!p0 $0x0  }
0x6d: {  	[sflag:s0] =	ssyncadd.s32 @!p0 s1  }
0x6e: {  	[bflag:$0x3] =	sbarrier.arrive $0xFFFF  }
0x6f: {  	_ =	shalt  }
.Lfunc_end2:
execute1_lowered:
.L_overlay_start_2:
0x70: {  	(tag) =	ssettag $0x2  }
0x71: {  	s2 =	rddreg [dreg:$0x0]  }
0x72: {  	s5 =	rddreg [dreg:$0x1]  }
0x73: {  	s4 =	rddreg [dreg:$0x2];
	_ =	strace $0x8000005C;
	s1 =	simm.s32 $0x1  }
0x74: {  	s9 =	simm.s32 $0x108;
	v0 =	vimm.s32 $0x0;
	[sflag:s1] =	ssyncpa.u1 $0x0  }
0x75: {  	[tilespmem:s9+$0x70] =	vst v0  }
0x76: {  	[tilespmem:s9+$0x60] =	vst v0  }
0x77: {  	[tilespmem:s9+$0x50] =	vst v0  }
0x78: {  	[tilespmem:s9+$0x40] =	vst v0  }
0x79: {  	[tilespmem:s9+$0x30] =	vst v0  }
0x7a: {  	[tilespmem:s9+$0x20] =	vst v0  }
0x7b: {  	s1 =	sadd.s32 $0x94800, s2;
	s6 =	sadd.s32 $0x57600, s2;
	s2 =	simm.s32 $0x40;
	[tilespmem:s9+$0x10] =	vst v0  }
.LBB3_1:
0x7c: {  	s2 =	sadd.s32 $0x40, s2;
	[tilespmem:s9+$0x0] =	vst v0;
	s9 =	sadd.s32 $0x80, s9  }
0x7d: {  	p0 =	slt.u32 s2, $0x5040;
	[tilespmem:s9+$0x70] =	vst v0  }
0x7e: {  	[tilespmem:s9+$0x60] =	vst v0  }
.Ltmp7:
0x7f: {  	[tilespmem:s9+$0x50] =	vst v0;
	(pc) =	sbr.rel @p0 .LBB3_1-.Ltmp7, $4  }
0x80: {  	[tilespmem:s9+$0x40] =	vst v0  }
0x81: {  	[tilespmem:s9+$0x30] =	vst v0  }
0x82: {  	[tilespmem:s9+$0x20] =	vst v0  }
0x83: {  	[tilespmem:s9+$0x10] =	vst v0  }
0x84: {  	s2 =	srdreg.scid  }
0x85: {  	s7 =	sshll.u32 s2, $0x4  }
0x86: {  	s2 =	stileid.u32;
	s7 =	sand.u32 $0x10, s7  }
0x87: {  	s8 =	sor.u32 s2, s7  }
0x88: {  	s7 =	smul.u32 $0x27, s8  }
0x89: {  	s10 =	smin.u32 s8, $0x2  }
0x8a: {  	s7 =	sadd.s32 s10, s7  }
0x8b: {  	p0 =	slt.u32 s8, $0x2;
	s8 =	simm.s32 $0x3200;
	s7 =	smul.u32 $0x140, s7  }
0x8c: {  	s8 =	simm.s32 @!p0 $0x30C0  }
0x8d: {  	s8 =	sadd.s32 s8, s7  }
0x8e: {  	s8 =	smin.u32 s8, $0x61A80  }
0x8f: {  	s11 =	ssub.s32 s8, s7  }
0x90: {  	p0 =	sgt.s32 s11, $0x0  }
0x91: {  	s11 =	simm.s32 @!p0 $0x0  }
0x92: {  	s31 =	smulhi.u32 $0x66666667, s11;
	_ =	sdelay $0x1  }
0x93: {  	s12 =	sshrl.u32 s31, $0x7  }
0x94: {  	[tilespmem:s9+$0x0] =	vst v0;
	s9 =	simm.s32 $0x2;
	s13 =	smul.u32 $0x140, s12  }
.Ltmp8:
0x95: {  	s17 =	simm.s32 $0x0;
	s14 =	simm.s32 $0xA;
	(pc) =	sbr.rel .LBB3_3-.Ltmp8, $4  }
0x96: {  	v0 =	vimm.s32 $0xFFFFFFFF;
	s16 =	simm.s32 $0x0;
	[sflag:s9] =	ssyncpa.u1 $0x0;
	s10 =	simm.s32 $0x9  }
0x97: {  	[tilespmem:$0x14208] =	vst v0;
	[sflag:s10] =	ssyncpa.u1 $0x0;
	p0 =	sne.s32 s11, s13;
	s13 =	simm.s32 $0x1  }
0x98: {  	s15 =	smov.u32 s7;
	s11 =	simm.s32 $0x1;
	s13 =	simm.s32 @!p0 $0x0  }
0x99: {  	v0 =	vlaneseq.u32;
	p0 =	por $0x0, $0x0;
	s12 =	sadd.s32 s13, s12;
	s13 =	sshll.u32 s2, $0x8  }
.LBB3_20:
0x9a: {  	s17 =	sshrl.u32 s24, $0x2  }
.LBB3_22:
0x9b: {  	_ =	swait.ge [sflag:s14], s17;
	v1 =	vmov s20;
	vm0 =	veq.s32 v0, $0x0  }
0x9c: {  	s0 =	ssub.s32 $0x0, s17;
	vm14 =	veq.s32 v0, $0x2;
	[sflag:s14] =	ssyncset.done $0x0;
	v1 =	vsel vm0, s19, v1  }
0x9d: {  	vm15 =	veq.s32 v0, $0x3;
	[sflag:s14] =	ssyncadd.s32 s0;
	v1 =	vsel vm14, s21, v1  }
0x9e: {  	[sflag:s14] =	ssyncpa.u1 $0x1;
	v1 =	vsel vm15, s28, v1  }
0x9f: {  	[tilespmem:$0x14208] =	vst v1  }
.LBB3_23:
0xa0: {  	s0 =	sadd.s32 $0x140, s15  }
0xa1: {  	s3 =	smov.u32 s7;
	p1 =	slt.s32 s0, s8  }
0xa2: {  	s3 =	smov.u32 @p1 s0;
	p1 =	sne.s32 s16, s12  }
.Ltmp9:
0xa3: {  	_ = 	snop;
	(pc) =	sbr.rel @!p1 .LBB3_24-.Ltmp9, $3  }
0xa4: {  	_ =	sdelay $0x1  }
0xa5: {  	s31 =	sadd.s32 $0x1, s16;
	s17 =	smov.u32 s15  }
0xa6: {  	p0 =	por !p0, !p0;
	s16 =	smov.u32 s31;
	s15 =	smov.u32 s3  }
.LBB3_3:
0xa7: {  	p1 =	sge.u32 s16, s12  }
0xa8: {  	p2 =	sgt.s32 @!p1 s15, $0x61940  }
0xa9: {  	s18 =	smov.u32 s15;
	s19 =	sshra.s32 @!p1 s15, $0x1F;
	p2 =	por !p2, p1  }
0xaa: {  	s19 =	sand.u32 @!p1 s19, s15;
	s18 =	simm.s32 @p2 $0x61940  }
0xab: {  	s18 =	ssub.s32 @!p1 s18, s19  }
0xac: {  	s19 =	sxor.u32 @!p1 $0xFFFFFFFF, s16;
	s18 =	sadd.s32 @!p1 $0xFFF9E6C0, s18  }
0xad: {  	s19 =	sand.u32 @!p1 $0x1, s19;
	s20 =	sshll.u32 @!p1 s18, $0x2  }
0xae: {  	p2 =	sgt.s32 @!p1 s18, $0x13F;
	s18 =	ssub.s32 @!p1 $0x500, s20;
	s20 =	smul.u32 @!p1 $0x500, s19  }
0xaf: {  	s21 =	sshrl.u32 @!p1 s15, $0x3;
	s22 =	sand.u32 @!p1 $0x7, s15  }
0xb0: {  	p2 =	por !p2, p1;
	s18 =	sshrl.u32 @!p1 s18, $0x2;
	s20 =	sshrl.u32 @!p1 s20, $0x2  }
0xb1: {  	s21 =	sadd.s32 @!p1 s6, s21;
	s18 =	simm.s32 @!p2 $0x0;
	s20 =	sadd.s32 @!p1 $0x15248, s20  }
0xb2: {  	[tilespmem:s20], [sflag:$0x9] =	stream.linear.gather @!p1 [hbm4b:s21+s22], s18, $0x38;
	[tilespmem:$0x1F4C8] =	vst v63  }
0xb3: {  	s18 =	ssub.s32 @!p1 $0x61A80, s15  }
0xb4: {  	p2 =	sgt.s32 @!p1 s18, $0x0  }
0xb5: {  	s19 =	smul.u32 @!p1 $0x14000, s19;
	p2 =	por !p2, p1  }
0xb6: {  	s18 =	simm.s32 @p2 $0x0  }
0xb7: {  	s19 =	sshrl.u32 @!p1 s19, $0x2;
	s20 =	sshll.u32 @!p1 s15, $0x3;
	s18 =	smin.u32 @!p1 s18, $0x140  }
0xb8: {  	s19 =	sadd.s32 @!p1 $0x154C8, s19;
	s20 =	sadd.s32 @!p1 s5, s20;
	s18 =	sshll.u32 @!p1 s18, $0x6  }
0xb9: {  	[tilespmem:s19], [sflag:$0x9] =	stream.linear.gather @!p1 [hbm:s20], s18, $0x38;
	[tilespmem:$0x1F4C8] =	vst v63  }
0xba: {  	p1 =	seq.s32 s16, $0x0  }
.Ltmp10:
0xbb: {  	_ = 	snop;
	(pc) =	sbr.rel @p1 .LBB3_23-.Ltmp10, $1  }
0xbc: {  	_ =	sdelay $0x3  }
0xbd: {  	p1 =	sgt.s32 s17, $0x61940  }
0xbe: {  	s18 =	smov.u32 s17;
	s19 =	sshra.s32 s17, $0x1F;
	s20 =	ssub.s32 $0x61A80, s17  }
0xbf: {  	s18 =	simm.s32 @!p1 $0x61940;
	s19 =	sand.u32 s19, s17;
	p1 =	sgt.s32 s20, $0x0  }
0xc0: {  	s18 =	ssub.s32 s18, s19;
	s20 =	simm.s32 @!p1 $0x0  }
0xc1: {  	s18 =	sadd.s32 $0xFFF9E6C0, s18;
	s29 =	smin.u32 s20, $0x140  }
0xc2: {  	s21 =	sshll.u32 s18, $0x2;
	s19 =	sshll.u32 s29, $0x6  }
0xc3: {  	p1 =	sgt.s32 s18, $0x13F;
	s30 =	ssub.s32 $0x500, s21;
	_ =	swait.ge [sflag:s10], s19  }
0xc4: {  	s19 =	ssub.s32 $0x0, s19;
	[sflag:s10] =	ssyncset.done $0x0;
	s18 =	sshrl.u32 s30, $0x2  }
0xc5: {  	[sflag:s10] =	ssyncadd.s32 s19;
	s18 =	simm.s32 @p1 $0x0  }
0xc6: {  	_ =	swait.ge [sflag:s10], s18  }
0xc7: {  	s18 =	ssub.s32 $0x0, s18;
	[sflag:s10] =	ssyncset.done $0x0  }
0xc8: {  	[sflag:s10] =	ssyncadd.s32 s18  }
0xc9: {  	v1 =	vld [tilespmem:$0x14208];
	_ =	sdelay $0x4  }
0xca: {  	(v2sf) =	vpush v1, $0x0  }
0xcb: {  	(v2sf) =	vpush v1, $0x1  }
0xcc: {  	(v2sf) =	vpush v1, $0x2  }
0xcd: {  	(v2sf) =	vpush v1, $0x3;
	_ =	sdelay $0x3  }
0xce: {  	s18 =	sadd.s32 $0x140, s17  }
0xcf: {  	p1 =	slt.s32 s8, s18  }
0xd0: {  	s18 =	smov.u32 @p1 s8  }
0xd1: {  	s17 =	ssub.s32 s18, s17  }
0xd2: {  	p1 =	slt.s32 s20, s17  }
0xd3: {  	s17 =	smov.u32 @p1 s20  }
0xd4: {  	s19 =	simm.s32 $0x1;
	p1 =	slt.s32 s17, $0x1  }
.Ltmp11:
0xd5: {  	s19 =	simm.s32 @!p0 $0x0;
	(pc) =	sbr.rel @p1 .LBB3_8-.Ltmp11, $4  }
0xd6: {  	s31 =	smul.u32 $0x500, s19;
	s24 =	spop (v2sf)  }
0xd7: {  	s25 =	spop (v2sf)  }
0xd8: {  	s18 =	sshrl.u32 s31, $0x2;
	s21 =	spop (v2sf)  }
0xd9: {  	s23 =	simm.s32 $0x0;
	s18 =	sadd.s32 $0x15248, s18;
	s28 =	spop (v2sf)  }
0xda: {  	s19 =	smin.u32 s17, $0x10  }
0xdb: {  	v1 =	vmov s19  }
0xdc: {  	vm1 =	vgt.u32 v1, v0  }
0xdd: {  	p2 =	sgt.s32 s17, $0x10  }
.Ltmp12:
0xde: {  	_ = 	snop;
	(pc) =	sbr.rel @!p2 .LBB3_7-.Ltmp12, $2  }
0xdf: {  	_ =	sdelay $0x2  }
0xe0: {  	s20 =	simm.s32 $0x10;
	s22 =	sadd.s32 $0xFFFFFFF0, s17;
	s19 =	smov.u32 s18;
	vm0 =	vmmov vm1;
	v1 =	vld.msk [tilespmem:s18+$0x0 ss:$0x1], vm1  }
.LBB3_6:
0xe1: {  	s26 =	smin.u32 s22, $0x10;
	s20 =	sadd.s32 $0x10, s20  }
0xe2: {  	v2 =	vmov s26;
	p2 =	slt.s32 s20, s17  }
0xe3: {  	vm1 =	vgt.u32 v2, v0;
	_ =	sdelay $0x1  }
0xe4: {  	v2 =	vshll.u32 v1, $0x7  }
.Ltmp13:
0xe5: {  	v1 =	vand.u32 $0x1, v1;
	v2 =	vand.u32 $0xFFFFFF00, v2;
	(pc) =	sbr.rel @p2 .LBB3_6-.Ltmp13, $4  }
0xe6: {  	v1 =	vor.u32 v1, v2  }
0xe7: {  	[tilespmem:s19+$0x0] =	vst.msk vm0, v1;
	s19 =	sadd.s32 $0x10, s19;
	vm0 =	vmmov vm1  }
0xe8: {  	v1 =	vld.msk [tilespmem:s19+$0x0 ss:$0x1], vm1  }
0xe9: {  	s22 =	sadd.s32 $0xFFFFFFF0, s22  }
.LBB3_7:
0xea: {  	_ =	sdelay $0x3  }
0xeb: {  	v2 =	vshll.u32 v1, $0x7  }
0xec: {  	v1 =	vand.u32 $0x1, v1;
	v2 =	vand.u32 $0xFFFFFF00, v2  }
0xed: {  	v1 =	vor.u32 v1, v2  }
0xee: {  	[tilespmem:s19+$0x0] =	vst.msk vm0, v1  }
.LBB3_8:
0xef: {  	s22 =	sand.u32 $0x1, s16  }
0xf0: {  	s19 =	smul.u32 $0x140, s22  }
0xf1: {  	p2 =	sne.s32 s25, $0xFFFFFFFF  }
0xf2: {  	v1 =	vld.msk @!p2 [tilespmem:s19+$0x15248], $0x1;
	_ =	sdelay $0x4  }
0xf3: {  	(v2sf) =	vpush @!p2 v1, $0x0;
	_ =	sdelay $0xc  }
.Ltmp14:
0xf4: {  	_ = 	snop;
	(pc) =	sbr.rel @p1 .LBB3_21-.Ltmp14, $4  }
0xf5: {  	_ = 	snop  }
0xf6: {  	s19 =	spop @!p2 (v2sf)  }
0xf7: {  	s28 =	simm.s32 @!p2 $0x1;
	s21 =	simm.s32 @!p2 $0x0;
	s20 =	smov.u32 s19  }
0xf8: {  	[sflag:s14] =	ssyncpa.u1 $0x0;
	s19 =	smov.u32 @p2 s24;
	s20 =	smov.u32 @p2 s25  }
0xf9: {  	v1 =	vld.msk [tilespmem:s18+$0x0], $0x1;
	_ =	sdelay $0x4  }
0xfa: {  	(v2sf) =	vpush v1, $0x0;
	_ =	sdelay $0xe  }
0xfb: {  	s25 =	spop (v2sf)  }
0xfc: {  	s24 =	sxor.u32 s19, s25  }
0xfd: {  	p2 =	slt.u32 s24, $0x2;
	s24 =	sadd.s32 $0xFFFFFFFF, s17  }
0xfe: {  	p1 =	sgt.s32 @!p2 s19, $0x0;
	p3 =	sne.s32 s24, $0x0  }
.Ltmp15:
0xff: {  	s30 =	smov.u32 s19;
	p1 =	por !p1, p2;
	(pc) =	sbr.rel @!p3 .LBB3_11-.Ltmp15, $4  }
0x100: {  	s30 =	simm.s32 @p1 $0x0  }
0x101: {  	s26 =	simm.s32 @!p2 $0x1;
	s29 =	simm.s32 @!p2 $0xA188;
	s30 =	smin.u32 @!p2 s30, $0x61A701  }
0x102: {  	s26 =	smov.u32 @p2 s23;
	s23 =	sshrl.u32 @!p2 s30, $0x1;
	s30 =	sshrl.u32 @!p2 s30, $0x4  }
0x103: {  	s30 =	sadd.s32 @!p2 s1, s30;
	s31 =	sand.u32 @!p2 $0x7, s23;
	s23 =	sadd.s32 $0x1, s18  }
.LBB3_10:
0x104: {  	s0 =	smov.u32 s26  }
0x105: {  	[tilespmem:s29], [sflag:$0x2] =	stream.linear.gather @!p2 [hbm4b:s30+s31], $0x80, $0x38;
	[tilespmem:$0x1F4C8] =	vst v63  }
0x106: {  	s24 =	sadd.s32 $0xFFFFFFFF, s24;
	s30 =	smov.u32 s25;
	v1 =	vld.msk [tilespmem:s23+$0x0], $0x1  }
0x107: {  	p1 =	sne.s32 s24, $0x0;
	_ =	sdelay $0x3  }
0x108: {  	(v2sf) =	vpush v1, $0x0;
	_ =	sdelay $0xe  }
0x109: {  	s25 =	spop (v2sf)  }
0x10a: {  	s26 =	sxor.u32 s30, s25  }
0x10b: {  	p2 =	slt.u32 s26, $0x2  }
0x10c: {  	p3 =	sgt.s32 @!p2 s30, $0x0;
	s29 =	sshll.u32 @!p2 s0, $0x9;
	s26 =	sadd.s32 @!p2 $0x1, s0  }
.Ltmp16:
0x10d: {  	p3 =	por !p3, p2;
	s29 =	sshra.s32 @!p2 s29, $0x2;
	(pc) =	sbr.rel @p1 .LBB3_10-.Ltmp16, $4  }
0x10e: {  	s26 =	smov.u32 @p2 s0;
	s30 =	simm.s32 @p3 $0x0;
	s29 =	sadd.s32 @!p2 $0xA188, s29  }
0x10f: {  	s0 =	smin.u32 @!p2 s30, $0x61A701  }
0x110: {  	s31 =	sshrl.u32 @!p2 s0, $0x1;
	s0 =	sshrl.u32 @!p2 s0, $0x4  }
0x111: {  	s23 =	sadd.s32 $0x1, s23;
	s30 =	sadd.s32 @!p2 s1, s0;
	s31 =	sand.u32 @!p2 $0x7, s31  }
.LBB3_11:
0x112: {  	[tilespmem:s29], [sflag:$0x2] =	stream.linear.gather @!p2 [hbm4b:s30+s31], $0x80, $0x38;
	[tilespmem:$0x1F4C8] =	vst v63  }
0x113: {  	s0 =	sshll.u32 s26, $0x7;
	s22 =	smul.u32 $0x14000, s22  }
.Ltmp17:
0x114: {  	s0 =	sand.u32 $0x3FFFFF80, s0;
	(pc) =	sbr.rel .LBB3_12-.Ltmp17, $4  }
0x115: {  	s23 =	simm.s32 $0x0;
	_ =	swait.ge [sflag:s9], s0  }
0x116: {  	s0 =	ssub.s32 $0x0, s0;
	s31 =	sshrl.u32 s22, $0x2;
	[sflag:s9] =	ssyncset.done $0x0  }
0x117: {  	s25 =	simm.s32 $0x0;
	[sflag:s9] =	ssyncadd.s32 s0;
	s0 =	sadd.s32 $0x154C8, s31  }
0x118: {  	s24 =	simm.s32 $0x0;
	s26 =	simm.s32 $0x0;
	s22 =	sand.u32 $0xFFFFFFFE, s20;
	v1 =	vmov s0  }
.LBB3_13:
0x119: {  	_ =	sdelay $0x2  }
0x11a: {  	s0 =	sand.u32 $0x7FFFFF80, s23  }
0x11b: {  	v2 =	vld.idx.msk [tilespmem:v1+s0+$0x0 ss:$0x1], $0xffff;
	_ =	sdelay $0x3  }
0x11c: {  	s29 =	sand.u32 $0x1, s26  }
0x11d: {  	s31 =	sshll.u32 s21, $0x9;
	p1 =	seq.s32 s29, $0x1;
	v3 =	vunpack.i.u.bf16.f32 v2;
	v2 =	vunpack.i.l.bf16.f32 v2  }
0x11e: {  	s29 =	sshra.s32 s31, $0x2;
	v2 =	vpsel p1, v3, v2  }
0x11f: {  	[tilespmem:s29+$0x108] =	vst.add.f32.msk $0xffff, v2  }
0x120: {  	v2 =	vld.idx.msk [tilespmem:v1+s0+$0x10 ss:$0x1], $0xffff  }
0x121: {  	s30 =	sand.u32 $0x7FFFFFC0, s23;
	v3 =	vld.idx.msk [tilespmem:v1+s0+$0x20 ss:$0x1], $0xffff  }
0x122: {  	v4 =	vld.idx.msk [tilespmem:v1+s0+$0x30 ss:$0x1], $0xffff;
	s3 =	sor.u32 $0x40, s30  }
0x123: {  	s31 =	sor.u32 $0x50, s30;
	v5 =	vld.idx.msk [tilespmem:v1+s3+$0x0 ss:$0x1], $0xffff  }
0x124: {  	v6 =	vld.idx.msk [tilespmem:v1+s31+$0x0 ss:$0x1], $0xffff;
	s3 =	sor.u32 $0x60, s30  }
0x125: {  	s31 =	sor.u32 $0x70, s30;
	v8 =	vld.idx.msk [tilespmem:v1+s3+$0x0 ss:$0x1], $0xffff;
	v7 =	vunpack.i.u.bf16.f32 v2;
	v2 =	vunpack.i.l.bf16.f32 v2  }
0x126: {  	v9 =	vld.idx.msk [tilespmem:v1+s31+$0x0 ss:$0x1], $0xffff;
	v59 =	vunpack.i.u.bf16.f32 v3;
	v3 =	vunpack.i.l.bf16.f32 v3;
	v2 =	vpsel p1, v7, v2  }
0x127: {  	[tilespmem:s29+$0x118] =	vst.add.f32.msk $0xffff, v2;
	v2 =	vpsel p1, v59, v3;
	v3 =	vunpack.i.u.bf16.f32 v4;
	v4 =	vunpack.i.l.bf16.f32 v4  }
0x128: {  	v60 =	vunpack.i.l.bf16.f32 v5;
	[tilespmem:s29+$0x128] =	vst.add.f32.msk $0xffff, v2;
	v2 =	vpsel p1, v3, v4;
	v3 =	vunpack.i.u.bf16.f32 v5  }
0x129: {  	v61 =	vunpack.i.l.bf16.f32 v6;
	[tilespmem:s29+$0x138] =	vst.add.f32.msk $0xffff, v2;
	v2 =	vpsel p1, v3, v60;
	v3 =	vunpack.i.u.bf16.f32 v6  }
0x12a: {  	v62 =	vunpack.i.l.bf16.f32 v8;
	[tilespmem:s29+$0x148] =	vst.add.f32.msk $0xffff, v2;
	v2 =	vpsel p1, v3, v61;
	v3 =	vunpack.i.u.bf16.f32 v8  }
0x12b: {  	v63 =	vunpack.i.l.bf16.f32 v9;
	[tilespmem:s29+$0x158] =	vst.add.f32.msk $0xffff, v2;
	v2 =	vpsel p1, v3, v62;
	v3 =	vunpack.i.u.bf16.f32 v9  }
0x12c: {  	[tilespmem:s29+$0x168] =	vst.add.f32.msk $0xffff, v2;
	v2 =	vpsel p1, v3, v63  }
0x12d: {  	[tilespmem:s29+$0x178] =	vst.add.f32.msk $0xffff, v2  }
.LBB3_19:
0x12e: {  	s26 =	sadd.s32 $0x1, s26  }
0x12f: {  	p1 =	sne.s32 s17, s26  }
.Ltmp18:
0x130: {  	_ = 	snop;
	(pc) =	sbr.rel @!p1 .LBB3_20-.Ltmp18, $2  }
0x131: {  	_ =	sdelay $0x2  }
0x132: {  	s23 =	sadd.s32 $0x40, s23;
	s18 =	sadd.s32 $0x1, s18  }
.LBB3_12:
0x133: {  	v2 =	vld.msk [tilespmem:s18+$0x0], $0x1;
	_ =	sdelay $0x4  }
0x134: {  	(v2sf) =	vpush v2, $0x0;
	_ =	sdelay $0xe  }
0x135: {  	s30 =	smov.u32 s19;
	s19 =	spop (v2sf)  }
0x136: {  	p1 =	sne.s32 s30, s19  }
.Ltmp19:
0x137: {  	_ = 	snop;
	(pc) =	sbr.rel @!p1 .LBB3_13-.Ltmp19, $1  }
0x138: {  	_ =	sdelay $0x3  }
0x139: {  	s31 =	sand.u32 $0xFFFFFFFE, s30;
	s0 =	sand.u32 $0xFFFFFFFE, s19  }
0x13a: {  	p1 =	sne.s32 s31, s0  }
.Ltmp20:
0x13b: {  	_ = 	snop;
	(pc) =	sbr.rel @p1 .LBB3_16-.Ltmp20, $2  }
0x13c: {  	_ =	sdelay $0x2  }
0x13d: {  	s29 =	sadd.s32 $0x1, s21  }
0x13e: {  	_ =	sdelay $0x2  }
0x13f: {  	s0 =	sand.u32 $0x7FFFFF80, s23  }
0x140: {  	s21 =	smulhi.u32 $0xCCCCCCCD, s29;
	v2 =	vld.idx.msk [tilespmem:v1+s0+$0x0 ss:$0x1], $0xffff  }
0x141: {  	v3 =	vld.idx.msk [tilespmem:v1+s0+$0x10 ss:$0x1], $0xffff  }
0x142: {  	s30 =	sand.u32 $0x7FFFFFC0, s23;
	v4 =	vld.idx.msk [tilespmem:v1+s0+$0x20 ss:$0x1], $0xffff;
	s21 =	sshrl.u32 s21, $0x8  }
0x143: {  	v5 =	vld.idx.msk [tilespmem:v1+s0+$0x30 ss:$0x1], $0xffff;
	s3 =	sor.u32 $0x40, s30;
	s21 =	smul.u32 $0x140, s21  }
0x144: {  	s31 =	sand.u32 $0x1, s26;
	v6 =	vld.idx.msk [tilespmem:v1+s3+$0x0 ss:$0x1], $0xffff;
	s3 =	sor.u32 $0x50, s30  }
0x145: {  	p1 =	seq.s32 s31, $0x1;
	v8 =	vld.idx.msk [tilespmem:v1+s3+$0x0 ss:$0x1], $0xffff;
	s3 =	sor.u32 $0x60, s30;
	s21 =	ssub.s32 s29, s21;
	v7 =	vunpack.i.u.bf16.f32 v2;
	v2 =	vunpack.i.l.bf16.f32 v2  }
0x146: {  	s31 =	sor.u32 $0x70, s30;
	v9 =	vld.idx.msk [tilespmem:v1+s3+$0x0 ss:$0x1], $0xffff;
	s29 =	sshll.u32 s21, $0x7;
	v57 =	vunpack.i.u.bf16.f32 v3;
	v3 =	vunpack.i.l.bf16.f32 v3;
	v2 =	vpsel p1, v7, v2  }
0x147: {  	v58 =	vld.idx.msk [tilespmem:v1+s31+$0x0 ss:$0x1], $0xffff;
	[tilespmem:s29+$0x108] =	vst v2;
	v2 =	vpsel p1, v57, v3;
	v3 =	vunpack.i.u.bf16.f32 v4;
	v4 =	vunpack.i.l.bf16.f32 v4  }
0x148: {  	v59 =	vunpack.i.l.bf16.f32 v5;
	[tilespmem:s29+$0x118] =	vst v2;
	v2 =	vpsel p1, v3, v4;
	v3 =	vunpack.i.u.bf16.f32 v5  }
0x149: {  	v60 =	vunpack.i.l.bf16.f32 v6;
	[tilespmem:s29+$0x128] =	vst v2;
	v2 =	vpsel p1, v3, v59;
	v3 =	vunpack.i.u.bf16.f32 v6  }
.Ltmp21:
0x14a: {  	v61 =	vunpack.i.l.bf16.f32 v8;
	[tilespmem:s29+$0x138] =	vst v2;
	v2 =	vpsel p1, v3, v60;
	v3 =	vunpack.i.u.bf16.f32 v8;
	(pc) =	sbr.rel .LBB3_19-.Ltmp21, $4  }
0x14b: {  	v62 =	vunpack.i.l.bf16.f32 v9;
	[tilespmem:s29+$0x148] =	vst v2;
	v2 =	vpsel p1, v3, v61;
	v3 =	vunpack.i.u.bf16.f32 v9  }
0x14c: {  	v63 =	vunpack.i.l.bf16.f32 v58;
	[tilespmem:s29+$0x158] =	vst v2;
	v2 =	vpsel p1, v3, v62;
	v3 =	vunpack.i.u.bf16.f32 v58  }
0x14d: {  	[tilespmem:s29+$0x168] =	vst v2;
	v2 =	vpsel p1, v3, v63  }
0x14e: {  	s28 =	sadd.s32 $0x1, s28;
	[tilespmem:s29+$0x178] =	vst v2  }
.LBB3_16:
0x14f: {  	p1 =	sne.s32 s28, $0x2  }
0x150: {  	s0 =	sand.u32 @p1 $0x1, s30;
	s28 =	sshll.u32 @p1 s21, $0x9  }
0x151: {  	p2 =	seq.s32 @p1 s0, $0x0;
	s0 =	sshra.s32 @p1 s28, $0x2  }
0x152: {  	v2 =	vld @p1 [tilespmem:s0+$0x108];
	p3 =	por !p2, !p1  }
0x153: {  	v3 =	vld @!p3 [tilespmem:s0+$0x118]  }
0x154: {  	v4 =	vld @!p3 [tilespmem:s0+$0x128]  }
0x155: {  	v5 =	vld @!p3 [tilespmem:s0+$0x138]  }
0x156: {  	v6 =	vimm.f32 @!p3 $0.0e+00;
	v7 =	vld @!p3 [tilespmem:s0+$0x148]  }
0x157: {  	v9 =	vld @!p3 [tilespmem:s0+$0x158];
	v8 =	vpack.i.f32.bf16 @!p3 v6, v2  }
0x158: {  	[tilespmem:s0+$0x108] =	vst @!p3 v8;
	v3 =	vpack.i.f32.bf16 @!p3 v6, v3;
	v8 =	vld @!p3 [tilespmem:s0+$0x168]  }
0x159: {  	[tilespmem:s0+$0x118] =	vst @!p3 v3;
	v3 =	vpack.i.f32.bf16 @!p3 v6, v4;
	v4 =	vld @!p3 [tilespmem:s0+$0x178]  }
0x15a: {  	p2 =	por p2, !p1;
	[tilespmem:s0+$0x128] =	vst @!p3 v3;
	v3 =	vpack.i.f32.bf16 @!p3 v6, v5  }
0x15b: {  	v5 =	vld @!p2 [tilespmem:s0+$0x118];
	[tilespmem:s0+$0x138] =	vst @!p3 v3;
	v3 =	vpack.i.f32.bf16 @!p3 v6, v7  }
0x15c: {  	v7 =	vld @!p2 [tilespmem:s0+$0x128];
	[tilespmem:s0+$0x148] =	vst @!p3 v3;
	v3 =	vpack.i.f32.bf16 @!p3 v6, v9  }
0x15d: {  	[tilespmem:s0+$0x158] =	vst @!p3 v3;
	v3 =	vpack.i.f32.bf16 @!p3 v6, v8;
	v8 =	vld @!p2 [tilespmem:s0+$0x138]  }
0x15e: {  	[tilespmem:s0+$0x168] =	vst @!p3 v3;
	v3 =	vpack.i.f32.bf16 @!p3 v6, v4;
	v4 =	vimm.f32 @!p2 $0.0e+00;
	v6 =	vld @!p2 [tilespmem:s0+$0x148]  }
0x15f: {  	[tilespmem:s0+$0x178] =	vst @!p3 v3;
	v2 =	vpack.i.f32.bf16 @!p2 v2, v4;
	v3 =	vld @!p2 [tilespmem:s0+$0x158]  }
0x160: {  	s28 =	sadd.s32 @!p1 $0x13F, s21;
	[tilespmem:s0+$0x108] =	vst @!p2 v2;
	v2 =	vpack.i.f32.bf16 @!p2 v5, v4;
	v5 =	vld @!p2 [tilespmem:s0+$0x168]  }
0x161: {  	s3 =	smulhi.u32 @!p1 $0xCCCCCCCD, s28;
	[tilespmem:s0+$0x118] =	vst @!p2 v2;
	v2 =	vpack.i.f32.bf16 @!p2 v7, v4;
	v7 =	vld @!p2 [tilespmem:s0+$0x178]  }
0x162: {  	[tilespmem:s0+$0x128] =	vst @!p2 v2;
	v2 =	vpack.i.f32.bf16 @!p2 v8, v4  }
0x163: {  	s3 =	sshrl.u32 @!p1 s3, $0x8;
	[tilespmem:s0+$0x138] =	vst @!p2 v2;
	v2 =	vpack.i.f32.bf16 @!p2 v6, v4  }
0x164: {  	s3 =	smul.u32 @!p1 $0x140, s3;
	[tilespmem:s0+$0x148] =	vst @!p2 v2;
	v2 =	vpack.i.f32.bf16 @!p2 v3, v4  }
0x165: {  	[tilespmem:s0+$0x158] =	vst @!p2 v2;
	v2 =	vpack.i.f32.bf16 @!p2 v5, v4  }
0x166: {  	s3 =	ssub.s32 @!p1 s28, s3;
	[tilespmem:s0+$0x168] =	vst @!p2 v2;
	v2 =	vpack.i.f32.bf16 @!p2 v7, v4  }
0x167: {  	[tilespmem:s0+$0x178] =	vst @!p2 v2;
	s0 =	sshll.u32 @!p1 s3, $0x7;
	s3 =	sshll.u32 @!p1 s21, $0x9  }
0x168: {  	s3 =	sshra.s32 @!p1 s3, $0x2;
	v2 =	vld @!p1 [tilespmem:s0+$0x108]  }
0x169: {  	v3 =	vld @!p1 [tilespmem:s3+$0x108];
	_ =	sdelay $0x4  }
0x16a: {  	v2 =	vpack.i.f32.bf16 @!p1 v3, v2  }
0x16b: {  	v3 =	vld @!p1 [tilespmem:s3+$0x118];
	[tilespmem:s3+$0x108] =	vst @!p1 v2  }
0x16c: {  	v2 =	vld @!p1 [tilespmem:s0+$0x118];
	_ =	sdelay $0x4  }
0x16d: {  	v2 =	vpack.i.f32.bf16 @!p1 v3, v2  }
0x16e: {  	v3 =	vld @!p1 [tilespmem:s3+$0x128];
	[tilespmem:s3+$0x118] =	vst @!p1 v2  }
0x16f: {  	v2 =	vld @!p1 [tilespmem:s0+$0x128];
	_ =	sdelay $0x4  }
0x170: {  	v2 =	vpack.i.f32.bf16 @!p1 v3, v2  }
0x171: {  	v3 =	vld @!p1 [tilespmem:s3+$0x138];
	[tilespmem:s3+$0x128] =	vst @!p1 v2  }
0x172: {  	v2 =	vld @!p1 [tilespmem:s0+$0x138];
	_ =	sdelay $0x4  }
0x173: {  	v2 =	vpack.i.f32.bf16 @!p1 v3, v2  }
0x174: {  	v3 =	vld @!p1 [tilespmem:s3+$0x148];
	[tilespmem:s3+$0x138] =	vst @!p1 v2  }
0x175: {  	v2 =	vld @!p1 [tilespmem:s0+$0x148];
	_ =	sdelay $0x4  }
0x176: {  	v2 =	vpack.i.f32.bf16 @!p1 v3, v2  }
0x177: {  	v3 =	vld @!p1 [tilespmem:s3+$0x158];
	[tilespmem:s3+$0x148] =	vst @!p1 v2  }
0x178: {  	v2 =	vld @!p1 [tilespmem:s0+$0x158];
	_ =	sdelay $0x4  }
0x179: {  	v2 =	vpack.i.f32.bf16 @!p1 v3, v2  }
0x17a: {  	v3 =	vld @!p1 [tilespmem:s3+$0x168];
	[tilespmem:s3+$0x158] =	vst @!p1 v2  }
0x17b: {  	v2 =	vld @!p1 [tilespmem:s0+$0x168];
	_ =	sdelay $0x4  }
0x17c: {  	v2 =	vpack.i.f32.bf16 @!p1 v3, v2  }
0x17d: {  	v3 =	vld @!p1 [tilespmem:s3+$0x178];
	[tilespmem:s3+$0x168] =	vst @!p1 v2  }
0x17e: {  	v2 =	vld @!p1 [tilespmem:s0+$0x178]  }
0x17f: {  	p2 =	seq.s32 s31, s22  }
.Ltmp22:
0x180: {  	_ = 	snop;
	(pc) =	sbr.rel @!p2 .LBB3_17-.Ltmp22, $3  }
0x181: {  	_ =	sdelay $0x1  }
0x182: {  	s28 =	sshll.u32 s21, $0x9;
	v2 =	vpack.i.f32.bf16 @!p1 v3, v2  }
0x183: {  	s21 =	sshra.s32 s28, $0x2;
	[tilespmem:s3+$0x178] =	vst @!p1 v2  }
.Ltmp23:
0x184: {  	s0 =	sadd.s32 $0x108, s21;
	(pc) =	sbr.rel .LBB3_18-.Ltmp23, $4  }
0x185: {  	[spmem:s13] =	stream.linear.scatter [tilespmem:s0], [sflag:$0x1], $0x80, $0x38;
	[tilespmem:$0x1F4C8] =	vst v63  }
0x186: {  	_ =	swait.ge [sflag:s11], $0x80  }
0x187: {  	[sflag:s11] =	ssyncset.done $0x0  }
0x188: {  	[sflag:s11] =	ssyncadd.s32 $0xFFFFFF80  }
.LBB3_17:
0x189: {  	s0 =	sshll.u32 s25, $0x9  }
0x18a: {  	v3 =	vld [tilespmem:s21+$0x108];
	s28 =	sshra.s32 s0, $0x2  }
0x18b: {  	v2 =	vld [tilespmem:s28+$0xA188];
	_ =	sdelay $0x3  }
0x18c: {  	v5 =	vunpack.i.u.bf16.f32 v3  }
0x18d: {  	v3 =	vunpack.i.l.bf16.f32 v3;
	v4 =	vunpack.i.u.bf16.f32 v2;
	v2 =	vunpack.i.l.bf16.f32 v2  }
0x18e: {  	v4 =	vadd.f32 v5, v4;
	v2 =	vadd.f32 v3, v2;
	_ =	sdelay $0x1  }
0x18f: {  	v2 =	vpack.i.f32.bf16 v4, v2  }
0x190: {  	v3 =	vld [tilespmem:s21+$0x118];
	[tilespmem:s21+$0x108] =	vst v2  }
0x191: {  	v2 =	vld [tilespmem:s28+$0xA198];
	_ =	sdelay $0x3  }
0x192: {  	v51 =	vunpack.i.u.bf16.f32 v3  }
0x193: {  	v3 =	vunpack.i.l.bf16.f32 v3;
	v50 =	vunpack.i.u.bf16.f32 v2;
	v2 =	vunpack.i.l.bf16.f32 v2  }
0x194: {  	v4 =	vadd.f32 v51, v50;
	v2 =	vadd.f32 v3, v2;
	_ =	sdelay $0x1  }
0x195: {  	v2 =	vpack.i.f32.bf16 v4, v2  }
0x196: {  	v3 =	vld [tilespmem:s21+$0x128];
	[tilespmem:s21+$0x118] =	vst v2  }
0x197: {  	v2 =	vld [tilespmem:s28+$0xA1A8];
	_ =	sdelay $0x3  }
0x198: {  	v53 =	vunpack.i.u.bf16.f32 v3  }
0x199: {  	v3 =	vunpack.i.l.bf16.f32 v3;
	v52 =	vunpack.i.u.bf16.f32 v2;
	v2 =	vunpack.i.l.bf16.f32 v2  }
0x19a: {  	v4 =	vadd.f32 v53, v52;
	v2 =	vadd.f32 v3, v2;
	_ =	sdelay $0x1  }
0x19b: {  	v2 =	vpack.i.f32.bf16 v4, v2  }
0x19c: {  	v3 =	vld [tilespmem:s21+$0x138];
	[tilespmem:s21+$0x128] =	vst v2  }
0x19d: {  	v2 =	vld [tilespmem:s28+$0xA1B8];
	_ =	sdelay $0x3  }
0x19e: {  	v55 =	vunpack.i.u.bf16.f32 v3  }
0x19f: {  	v3 =	vunpack.i.l.bf16.f32 v3;
	v54 =	vunpack.i.u.bf16.f32 v2;
	v2 =	vunpack.i.l.bf16.f32 v2  }
0x1a0: {  	v4 =	vadd.f32 v55, v54;
	v2 =	vadd.f32 v3, v2;
	_ =	sdelay $0x1  }
0x1a1: {  	v2 =	vpack.i.f32.bf16 v4, v2  }
0x1a2: {  	v3 =	vld [tilespmem:s21+$0x148];
	[tilespmem:s21+$0x138] =	vst v2  }
0x1a3: {  	v2 =	vld [tilespmem:s28+$0xA1C8];
	_ =	sdelay $0x3  }
0x1a4: {  	v57 =	vunpack.i.u.bf16.f32 v3  }
0x1a5: {  	v3 =	vunpack.i.l.bf16.f32 v3;
	v56 =	vunpack.i.u.bf16.f32 v2;
	v2 =	vunpack.i.l.bf16.f32 v2  }
0x1a6: {  	v4 =	vadd.f32 v57, v56;
	v2 =	vadd.f32 v3, v2;
	_ =	sdelay $0x1  }
0x1a7: {  	v2 =	vpack.i.f32.bf16 v4, v2  }
0x1a8: {  	v3 =	vld [tilespmem:s21+$0x158];
	[tilespmem:s21+$0x148] =	vst v2  }
0x1a9: {  	v2 =	vld [tilespmem:s28+$0xA1D8];
	_ =	sdelay $0x3  }
0x1aa: {  	v59 =	vunpack.i.u.bf16.f32 v3  }
0x1ab: {  	v3 =	vunpack.i.l.bf16.f32 v3;
	v58 =	vunpack.i.u.bf16.f32 v2;
	v2 =	vunpack.i.l.bf16.f32 v2  }
0x1ac: {  	v4 =	vadd.f32 v59, v58;
	v2 =	vadd.f32 v3, v2;
	_ =	sdelay $0x1  }
0x1ad: {  	v2 =	vpack.i.f32.bf16 v4, v2  }
0x1ae: {  	v3 =	vld [tilespmem:s21+$0x168];
	[tilespmem:s21+$0x158] =	vst v2  }
0x1af: {  	v2 =	vld [tilespmem:s28+$0xA1E8];
	_ =	sdelay $0x3  }
0x1b0: {  	v61 =	vunpack.i.u.bf16.f32 v3  }
0x1b1: {  	v3 =	vunpack.i.l.bf16.f32 v3;
	v60 =	vunpack.i.u.bf16.f32 v2;
	v2 =	vunpack.i.l.bf16.f32 v2  }
0x1b2: {  	v4 =	vadd.f32 v61, v60;
	v2 =	vadd.f32 v3, v2;
	_ =	sdelay $0x1  }
0x1b3: {  	v2 =	vpack.i.f32.bf16 v4, v2  }
0x1b4: {  	v3 =	vld [tilespmem:s21+$0x178];
	[tilespmem:s21+$0x168] =	vst v2  }
0x1b5: {  	v2 =	vld [tilespmem:s28+$0xA1F8];
	_ =	sdelay $0x3  }
0x1b6: {  	v63 =	vunpack.i.u.bf16.f32 v3  }
0x1b7: {  	p1 =	slt.s32 s30, $0x0;
	p2 =	sgt.s32 s31, $0x61A701;
	v3 =	vunpack.i.l.bf16.f32 v3;
	v62 =	vunpack.i.u.bf16.f32 v2;
	v2 =	vunpack.i.l.bf16.f32 v2  }
0x1b8: {  	p1 =	por p1, p2;
	v4 =	vadd.f32 v63, v62;
	v2 =	vadd.f32 v3, v2  }
0x1b9: {  	s3 =	sshrl.u32 @!p1 s30, $0x4  }
0x1ba: {  	s0 =	sshrl.u32 @!p1 s30, $0x1;
	s3 =	sadd.s32 @!p1 s1, s3;
	v2 =	vpack.i.f32.bf16 v4, v2  }
0x1bb: {  	s0 =	sand.u32 @!p1 $0x7, s0;
	s28 =	sadd.s32 $0x108, s21;
	[tilespmem:s21+$0x178] =	vst v2;
	s21 =	simm.s32 $0x0  }
0x1bc: {  	[hbm4b:s3+s0] =	stream.linear.scatter @!p1 [tilespmem:s28], [sflag:$0xA], $0x80, $0x38;
	[tilespmem:$0x1F4C8] =	vst v63  }
0x1bd: {  	s21 =	simm.s32 @!p1 $0x200  }
0x1be: {  	s24 =	sadd.s32 s24, s21  }
.LBB3_18:
0x1bf: {  	_ =	sdelay $0x2  }
0x1c0: {  	s0 =	sand.u32 $0x7FFFFF80, s23  }
0x1c1: {  	s3 =	smulhi.u32 $0xCCCCCCCD, s29;
	v2 =	vld.idx.msk [tilespmem:v1+s0+$0x0 ss:$0x1], $0xffff  }
0x1c2: {  	v3 =	vld.idx.msk [tilespmem:v1+s0+$0x10 ss:$0x1], $0xffff  }
0x1c3: {  	s28 =	sand.u32 $0x7FFFFFC0, s23;
	v4 =	vld.idx.msk [tilespmem:v1+s0+$0x20 ss:$0x1], $0xffff;
	s3 =	sshrl.u32 s3, $0x8  }
0x1c4: {  	v5 =	vld.idx.msk [tilespmem:v1+s0+$0x30 ss:$0x1], $0xffff;
	s21 =	sor.u32 $0x40, s28;
	s3 =	smul.u32 $0x140, s3  }
0x1c5: {  	s30 =	sand.u32 $0x1, s26;
	s31 =	sor.u32 $0x50, s28;
	v6 =	vld.idx.msk [tilespmem:v1+s21+$0x0 ss:$0x1], $0xffff  }
0x1c6: {  	p1 =	seq.s32 s30, $0x1;
	s30 =	sor.u32 $0x60, s28;
	v8 =	vld.idx.msk [tilespmem:v1+s31+$0x0 ss:$0x1], $0xffff;
	s21 =	ssub.s32 s29, s3;
	v7 =	vunpack.i.u.bf16.f32 v2;
	v2 =	vunpack.i.l.bf16.f32 v2  }
0x1c7: {  	v9 =	vld.idx.msk [tilespmem:v1+s30+$0x0 ss:$0x1], $0xffff;
	s31 =	sor.u32 $0x70, s28;
	s3 =	sshll.u32 s21, $0x7;
	v57 =	vunpack.i.u.bf16.f32 v3;
	v3 =	vunpack.i.l.bf16.f32 v3;
	v2 =	vpsel p1, v7, v2  }
0x1c8: {  	v58 =	vld.idx.msk [tilespmem:v1+s31+$0x0 ss:$0x1], $0xffff;
	[tilespmem:s3+$0x108] =	vst v2;
	v2 =	vpsel p1, v57, v3;
	v3 =	vunpack.i.u.bf16.f32 v4;
	v4 =	vunpack.i.l.bf16.f32 v4  }
0x1c9: {  	v59 =	vunpack.i.l.bf16.f32 v5;
	[tilespmem:s3+$0x118] =	vst v2;
	v2 =	vpsel p1, v3, v4;
	v3 =	vunpack.i.u.bf16.f32 v5  }
0x1ca: {  	v60 =	vunpack.i.l.bf16.f32 v6;
	[tilespmem:s3+$0x128] =	vst v2;
	v2 =	vpsel p1, v3, v59;
	v3 =	vunpack.i.u.bf16.f32 v6  }
.Ltmp24:
0x1cb: {  	v61 =	vunpack.i.l.bf16.f32 v8;
	[tilespmem:s3+$0x138] =	vst v2;
	v2 =	vpsel p1, v3, v60;
	v3 =	vunpack.i.u.bf16.f32 v8;
	(pc) =	sbr.rel .LBB3_19-.Ltmp24, $4  }
0x1cc: {  	v62 =	vunpack.i.l.bf16.f32 v9;
	[tilespmem:s3+$0x148] =	vst v2;
	v2 =	vpsel p1, v3, v61;
	v3 =	vunpack.i.u.bf16.f32 v9  }
0x1cd: {  	v63 =	vunpack.i.l.bf16.f32 v58;
	[tilespmem:s3+$0x158] =	vst v2;
	v2 =	vpsel p1, v3, v62;
	v3 =	vunpack.i.u.bf16.f32 v58  }
0x1ce: {  	[tilespmem:s3+$0x168] =	vst v2;
	v2 =	vpsel p1, v3, v63  }
0x1cf: {  	s25 =	sadd.s32 $0x1, s25;
	s28 =	simm.s32 $0x1;
	[tilespmem:s3+$0x178] =	vst v2  }
.LBB3_21:
.Ltmp25:
0x1d0: {  	(pc) =	sbr.rel .LBB3_22-.Ltmp25, $3  }
0x1d1: {  	_ =	sdelay $0x1  }
0x1d2: {  	_ =	swait.ge [sflag:s9], $0x0  }
0x1d3: {  	s17 =	simm.s32 $0x0;
	[sflag:s9] =	ssyncset.done $0x0  }
.LBB3_24:
0x1d4: {  	_ =	sfence.sel $0x180000  }
0x1d5: {  	s0 =	simm.s32 $0x9;
	[bflag:$0x0] =	sbarrier.arrive $0xFFFF  }
0x1d6: {  	s7 =	simm.s32 $0x2;
	[sflag:s0] =	ssyncpa.u1 $0x1  }
0x1d7: {  	[sflag:s7] =	ssyncpa.u1 $0x1  }
0x1d8: {  	v0 =	vld [tilespmem:$0x14208];
	_ =	sdelay $0x4  }
0x1d9: {  	(v2sf) =	vpush v0, $0x0  }
0x1da: {  	(v2sf) =	vpush v0, $0x1;
	_ =	sdelay $0x2  }
0x1db: {  	(v2sf) =	vpush v0, $0x2;
	_ =	sdelay $0xa  }
0x1dc: {  	s9 =	spop (v2sf)  }
0x1dd: {  	s30 =	spop (v2sf)  }
0x1de: {  	s0 =	sxor.u32 s30, s9  }
0x1df: {  	p0 =	sgt.u32 s0, $0x1;
	s0 =	smov.u32 s9  }
0x1e0: {  	s8 =	spop (v2sf);
	s0 =	simm.s32 @!p0 $0xFFFFFFFF  }
0x1e1: {  	v2 =	vimm.s32 $0x1;
	v3 =	vlaneseq.u32;
	p1 =	seq.s32 s8, $0xFFFFFFFF;
	v1 =	vmov s0  }
.Ltmp26:
0x1e2: {  	v2 =	vperm.xlane v0, v2;
	v1 =	vperm.xlane v1, v3;
	(pc) =	sbr.rel @p1 .LBB3_26-.Ltmp26, $4  }
0x1e3: {  	vm0 =	vcmask $0x3F04  }
0x1e4: {  	s6 =	sshll.u32 s2, $0x1;
	v1 =	vsel vm0, v1, v2  }
0x1e5: {  	s3 =	simm.s32 $0x14208;
	s5 =	simm.s32 $0x1;
	s31 =	sor.u32 $0x1000, s6;
	[tilespmem:$0x14208] =	vst v1  }
0x1e6: {  	[spmem:s31] =	stream.linear.scatter [tilespmem:s3], [sflag:$0x1], $0x2, $0x38;
	[tilespmem:$0x1F4C8] =	vst v63  }
0x1e7: {  	(v2sf) =	vpush v0, $0x3;
	_ =	sdelay $0xe  }
0x1e8: {  	s0 =	spop (v2sf)  }
0x1e9: {  	p1 =	sne.s32 s0, $0x2  }
0x1ea: {  	s0 =	sand.u32 @p1 $0x1, s9;
	s7 =	sshll.u32 @p1 s8, $0x9  }
0x1eb: {  	p2 =	seq.s32 @p1 s0, $0x0;
	s0 =	sshra.s32 @p1 s7, $0x2  }
0x1ec: {  	v0 =	vld @p1 [tilespmem:s0+$0x108];
	p3 =	por !p2, !p1  }
0x1ed: {  	v1 =	vld @!p3 [tilespmem:s0+$0x118]  }
0x1ee: {  	v2 =	vld @!p3 [tilespmem:s0+$0x128]  }
0x1ef: {  	v3 =	vld @!p3 [tilespmem:s0+$0x138]  }
0x1f0: {  	v4 =	vimm.f32 @!p3 $0.0e+00;
	v5 =	vld @!p3 [tilespmem:s0+$0x148]  }
0x1f1: {  	v7 =	vld @!p3 [tilespmem:s0+$0x158];
	v6 =	vpack.i.f32.bf16 @!p3 v4, v0  }
0x1f2: {  	[tilespmem:s0+$0x108] =	vst @!p3 v6;
	v1 =	vpack.i.f32.bf16 @!p3 v4, v1;
	v6 =	vld @!p3 [tilespmem:s0+$0x168]  }
0x1f3: {  	[tilespmem:s0+$0x118] =	vst @!p3 v1;
	v1 =	vpack.i.f32.bf16 @!p3 v4, v2;
	v2 =	vld @!p3 [tilespmem:s0+$0x178]  }
0x1f4: {  	p2 =	por p2, !p1;
	[tilespmem:s0+$0x128] =	vst @!p3 v1;
	v1 =	vpack.i.f32.bf16 @!p3 v4, v3  }
0x1f5: {  	v3 =	vld @!p2 [tilespmem:s0+$0x118];
	[tilespmem:s0+$0x138] =	vst @!p3 v1;
	v1 =	vpack.i.f32.bf16 @!p3 v4, v5  }
0x1f6: {  	v5 =	vld @!p2 [tilespmem:s0+$0x128];
	[tilespmem:s0+$0x148] =	vst @!p3 v1;
	v1 =	vpack.i.f32.bf16 @!p3 v4, v7  }
0x1f7: {  	[tilespmem:s0+$0x158] =	vst @!p3 v1;
	v1 =	vpack.i.f32.bf16 @!p3 v4, v6;
	v6 =	vld @!p2 [tilespmem:s0+$0x138]  }
0x1f8: {  	[tilespmem:s0+$0x168] =	vst @!p3 v1;
	v1 =	vpack.i.f32.bf16 @!p3 v4, v2;
	v2 =	vimm.f32 @!p2 $0.0e+00;
	v4 =	vld @!p2 [tilespmem:s0+$0x148]  }
0x1f9: {  	[tilespmem:s0+$0x178] =	vst @!p3 v1;
	v0 =	vpack.i.f32.bf16 @!p2 v0, v2;
	v1 =	vld @!p2 [tilespmem:s0+$0x158]  }
0x1fa: {  	s3 =	sadd.s32 @!p1 $0x13F, s8;
	[tilespmem:s0+$0x108] =	vst @!p2 v0;
	v0 =	vpack.i.f32.bf16 @!p2 v3, v2;
	v3 =	vld @!p2 [tilespmem:s0+$0x168]  }
0x1fb: {  	s9 =	smulhi.u32 @!p1 $0xCCCCCCCD, s3;
	[tilespmem:s0+$0x118] =	vst @!p2 v0;
	v0 =	vpack.i.f32.bf16 @!p2 v5, v2;
	v5 =	vld @!p2 [tilespmem:s0+$0x178]  }
0x1fc: {  	[tilespmem:s0+$0x128] =	vst @!p2 v0;
	v0 =	vpack.i.f32.bf16 @!p2 v6, v2  }
0x1fd: {  	s9 =	sshrl.u32 @!p1 s9, $0x8;
	[tilespmem:s0+$0x138] =	vst @!p2 v0;
	v0 =	vpack.i.f32.bf16 @!p2 v4, v2  }
0x1fe: {  	s9 =	smul.u32 @!p1 $0x140, s9;
	[tilespmem:s0+$0x148] =	vst @!p2 v0;
	v0 =	vpack.i.f32.bf16 @!p2 v1, v2  }
0x1ff: {  	[tilespmem:s0+$0x158] =	vst @!p2 v0;
	v0 =	vpack.i.f32.bf16 @!p2 v3, v2  }
0x200: {  	s3 =	ssub.s32 @!p1 s3, s9;
	[tilespmem:s0+$0x168] =	vst @!p2 v0;
	v0 =	vpack.i.f32.bf16 @!p2 v5, v2  }
0x201: {  	[tilespmem:s0+$0x178] =	vst @!p2 v0;
	s0 =	sshll.u32 @!p1 s3, $0x7;
	s3 =	sshll.u32 @!p1 s8, $0x9  }
0x202: {  	s8 =	sshra.s32 @!p1 s3, $0x2;
	v0 =	vld @!p1 [tilespmem:s0+$0x108]  }
0x203: {  	v1 =	vld @!p1 [tilespmem:s8+$0x108];
	_ =	sdelay $0x4  }
0x204: {  	v0 =	vpack.i.f32.bf16 @!p1 v1, v0  }
0x205: {  	v1 =	vld @!p1 [tilespmem:s8+$0x118];
	[tilespmem:s8+$0x108] =	vst @!p1 v0  }
0x206: {  	v0 =	vld @!p1 [tilespmem:s0+$0x118];
	_ =	sdelay $0x4  }
0x207: {  	v0 =	vpack.i.f32.bf16 @!p1 v1, v0  }
0x208: {  	v1 =	vld @!p1 [tilespmem:s8+$0x128];
	[tilespmem:s8+$0x118] =	vst @!p1 v0  }
0x209: {  	v0 =	vld @!p1 [tilespmem:s0+$0x128];
	_ =	sdelay $0x4  }
0x20a: {  	v0 =	vpack.i.f32.bf16 @!p1 v1, v0  }
0x20b: {  	v1 =	vld @!p1 [tilespmem:s8+$0x138];
	[tilespmem:s8+$0x128] =	vst @!p1 v0  }
0x20c: {  	v0 =	vld @!p1 [tilespmem:s0+$0x138];
	_ =	sdelay $0x4  }
0x20d: {  	v0 =	vpack.i.f32.bf16 @!p1 v1, v0  }
0x20e: {  	v1 =	vld @!p1 [tilespmem:s8+$0x148];
	[tilespmem:s8+$0x138] =	vst @!p1 v0  }
0x20f: {  	v0 =	vld @!p1 [tilespmem:s0+$0x148];
	_ =	sdelay $0x4  }
0x210: {  	v0 =	vpack.i.f32.bf16 @!p1 v1, v0  }
0x211: {  	v1 =	vld @!p1 [tilespmem:s8+$0x158];
	[tilespmem:s8+$0x148] =	vst @!p1 v0  }
0x212: {  	v0 =	vld @!p1 [tilespmem:s0+$0x158];
	_ =	sdelay $0x4  }
0x213: {  	v0 =	vpack.i.f32.bf16 @!p1 v1, v0  }
0x214: {  	v1 =	vld @!p1 [tilespmem:s8+$0x168];
	[tilespmem:s8+$0x158] =	vst @!p1 v0  }
0x215: {  	v0 =	vld @!p1 [tilespmem:s0+$0x168];
	_ =	sdelay $0x4  }
0x216: {  	v0 =	vpack.i.f32.bf16 @!p1 v1, v0  }
0x217: {  	v1 =	vld @!p1 [tilespmem:s8+$0x178];
	[tilespmem:s8+$0x168] =	vst @!p1 v0  }
0x218: {  	v0 =	vld @!p1 [tilespmem:s0+$0x178];
	_ =	sdelay $0x2  }
0x219: {  	s0 =	simm.s32 $0x1  }
0x21a: {  	s3 =	smov.u32 @p1 s7;
	s0 =	simm.s32 @!p0 $0x0  }
0x21b: {  	s3 =	sshra.s32 s3, $0x2;
	s0 =	sor.u32 s0, s6;
	v0 =	vpack.i.f32.bf16 @!p1 v1, v0  }
0x21c: {  	s7 =	simm.s32 $0x82;
	s3 =	sadd.s32 $0x108, s3;
	s0 =	sshll.u32 s0, $0x7;
	[tilespmem:s8+$0x178] =	vst @!p1 v0  }
0x21d: {  	[spmem:s0] =	stream.linear.scatter [tilespmem:s3], [sflag:$0x1], $0x80, $0x38;
	[tilespmem:$0x1F4C8] =	vst v63  }
.LBB3_26:
0x21e: {  	_ =	swait.ge [sflag:s5], s7  }
0x21f: {  	s0 =	ssub.s32 $0x0, s7;
	[sflag:s5] =	ssyncset.done $0x0  }
0x220: {  	p0 =	sne.s32 s2, $0x0;
	[sflag:s5] =	ssyncadd.s32 s0  }
.Ltmp27:
0x221: {  	_ =	sfence.stream.spmem;
	(pc) =	sbr.rel @p0 .LBB3_46-.Ltmp27, $4  }
0x222: {  	s29 =	simm.s32 $0x3;
	[bflag:$0x0] =	sbarrier.arrive $0xFFFF  }
0x223: {  	s30 =	simm.s32 $0x4;
	[sflag:s29] =	ssyncpa.u1 $0x1  }
0x224: {  	s31 =	simm.s32 $0x3C;
	[sflag:s30] =	ssyncpa.u1 $0x1  }
0x225: {  	s5 =	sand.u32 $0x1, s4;
	[sflag:s31] =	ssyncpa.u1 $0x1  }
0x226: {  	_ =	sfence.stream.spmem;
	s0 =	simm.s32 $0x5  }
0x227: {  	s3 =	simm.s32 $0x1000;
	s6 =	simm.s32 $0x14218;
	[sflag:s0] =	ssyncpa.u1 $0x0  }
0x228: {  	[tilespmem:s6], [sflag:$0x5] =	stream.linear.gather [spmem:s3], $0x20, $0x38;
	[tilespmem:$0x1F4C8] =	vst v63  }
0x229: {  	s26 =	simm.s32 $0x0;
	s28 =	simm.s32 $0x14238  }
0x22a: {  	[tilespmem:s28], [sflag:$0x5] =	stream.linear.gather [spmem:s26], $0x1000, $0x38;
	[tilespmem:$0x1F4C8] =	vst v63  }
0x22b: {  	_ =	swait.ge [sflag:s0], $0x1020  }
0x22c: {  	[sflag:s0] =	ssyncset.done $0x0  }
0x22d: {  	s29 =	simm.s32 $0x0;
	[sflag:s0] =	ssyncadd.s32 $0xFFFFEFE0  }
0x22e: {  	v0 =	vld.msk [tilespmem:s29+$0x14218], $0x1;
	_ =	sdelay $0x1  }
0x22f: {  	s30 =	simm.s32 $0x1  }
0x230: {  	v1 =	vld.msk [tilespmem:s30+$0x14218], $0x1;
	_ =	sdelay $0x1  }
0x231: {  	(v2sf) =	vpush v0, $0x0;
	_ =	sdelay $0x2  }
0x232: {  	(v2sf) =	vpush v1, $0x0;
	_ =	sdelay $0x2  }
0x233: {  	s31 =	simm.s32 $0x2  }
0x234: {  	v0 =	vld.msk [tilespmem:s31+$0x14218], $0x1;
	_ =	sdelay $0x2  }
0x235: {  	s8 =	simm.s32 $0xFFFFFFFF;
	s7 =	simm.s32 $0xFFFFFFFF;
	s6 =	simm.s32 $0xC  }
.LBB3_28:
0x236: {  	s0 =	smov.u32 s7;
	s3 =	smov.u32 s8  }
0x237: {  	s7 =	sshra.s32 s6, $0x2;
	p1 =	sne.s32 s6, $0x7C;
	s6 =	sadd.s32 $0x4, s6;
	(v2sf) =	vpush v0, $0x0  }
0x238: {  	v0 =	vld.msk [tilespmem:s7+$0x14218], $0x1  }
.Ltmp28:
0x239: {  	(pc) =	sbr.rel @p1 .LBB3_28-.Ltmp28, $4  }
0x23a: {  	s7 =	spop (v2sf)  }
0x23b: {  	p2 =	sne.s32 s8, $0xFFFFFFFF;
	s8 =	smov.u32 s7  }
0x23c: {  	p3 =	seq.s32 s7, $0xFFFFFFFF;
	s8 =	smov.u32 @p2 s3  }
0x23d: {  	s7 =	smov.u32 @p3 s0;
	s8 =	smov.u32 @p3 s3  }
0x23e: {  	(v2sf) =	vpush v0, $0x0;
	_ =	sdelay $0x8  }
0x23f: {  	s0 =	spop (v2sf)  }
0x240: {  	p1 =	sne.s32 s8, $0xFFFFFFFF;
	s3 =	smov.u32 s0  }
0x241: {  	p2 =	seq.s32 s0, $0xFFFFFFFF;
	s3 =	smov.u32 @p1 s8  }
0x242: {  	s9 =	simm.s32 $0x6;
	s3 =	smov.u32 @p2 s8;
	s6 =	spop (v2sf)  }
0x243: {  	s10 =	simm.s32 $0x14188;
	p1 =	sne.s32 s3, $0xFFFFFFFF;
	s8 =	smov.u32 s6  }
0x244: {  	s11 =	simm.s32 $0x0;
	s8 =	smov.u32 @p1 s3;
	p1 =	seq.s32 s6, $0xFFFFFFFF  }
.Ltmp29:
0x245: {  	s8 =	smov.u32 @p1 s3;
	s3 =	spop (v2sf);
	(pc) =	sbr.rel .LBB3_30-.Ltmp29, $4  }
0x246: {  	s0 =	smov.u32 @p2 s7;
	p2 =	sne.s32 s8, $0xFFFFFFFF;
	s7 =	smov.u32 s3  }
0x247: {  	s6 =	smov.u32 @p1 s0;
	p1 =	seq.s32 s3, $0xFFFFFFFF;
	s7 =	smov.u32 @p2 s8  }
0x248: {  	[sflag:s9] =	ssyncpa.u1 $0x0;
	s3 =	smov.u32 @p1 s6;
	s7 =	smov.u32 @p1 s8  }
0x249: {  	s6 =	simm.s32 $0x0;
	s8 =	sand.u32 $0xFFFFFFFE, s3;
	s7 =	sand.u32 $0xFFFFFFFE, s7  }
.LBB3_35:
0x24a: {  	s0 =	sshll.u32 s11, $0x7  }
0x24b: {  	s31 =	sshll.u32 s15, $0x9;
	s13 =	sand.u32 $0x3FFFFF80, s0  }
0x24c: {  	s12 =	sshra.s32 s31, $0x2;
	v0 =	vld [tilespmem:s13+$0x14238]  }
0x24d: {  	v1 =	vld [tilespmem:s12+$0x14238];
	_ =	sdelay $0x3  }
0x24e: {  	v2 =	vunpack.i.u.bf16.f32 v0  }
0x24f: {  	v0 =	vunpack.i.l.bf16.f32 v0;
	v3 =	vunpack.i.u.bf16.f32 v1;
	v1 =	vunpack.i.l.bf16.f32 v1  }
0x250: {  	v2 =	vadd.f32 v3, v2;
	v0 =	vadd.f32 v1, v0;
	_ =	sdelay $0x1  }
0x251: {  	v0 =	vpack.i.f32.bf16 v2, v0  }
0x252: {  	v43 =	vld [tilespmem:s12+$0x14248];
	[tilespmem:s12+$0x14238] =	vst v0  }
0x253: {  	v0 =	vld [tilespmem:s13+$0x14248];
	_ =	sdelay $0x3  }
0x254: {  	v45 =	vunpack.i.u.bf16.f32 v43  }
0x255: {  	v1 =	vunpack.i.l.bf16.f32 v43;
	v44 =	vunpack.i.u.bf16.f32 v0;
	v0 =	vunpack.i.l.bf16.f32 v0  }
0x256: {  	v2 =	vadd.f32 v45, v44;
	v0 =	vadd.f32 v1, v0;
	_ =	sdelay $0x1  }
0x257: {  	v0 =	vpack.i.f32.bf16 v2, v0  }
0x258: {  	v46 =	vld [tilespmem:s12+$0x14258];
	[tilespmem:s12+$0x14248] =	vst v0  }
0x259: {  	v0 =	vld [tilespmem:s13+$0x14258];
	_ =	sdelay $0x3  }
0x25a: {  	v48 =	vunpack.i.u.bf16.f32 v46  }
0x25b: {  	v1 =	vunpack.i.l.bf16.f32 v46;
	v47 =	vunpack.i.u.bf16.f32 v0;
	v0 =	vunpack.i.l.bf16.f32 v0  }
0x25c: {  	v2 =	vadd.f32 v48, v47;
	v0 =	vadd.f32 v1, v0;
	_ =	sdelay $0x1  }
0x25d: {  	v0 =	vpack.i.f32.bf16 v2, v0  }
0x25e: {  	v49 =	vld [tilespmem:s12+$0x14268];
	[tilespmem:s12+$0x14258] =	vst v0  }
0x25f: {  	v0 =	vld [tilespmem:s13+$0x14268];
	_ =	sdelay $0x3  }
0x260: {  	v51 =	vunpack.i.u.bf16.f32 v49  }
0x261: {  	v1 =	vunpack.i.l.bf16.f32 v49;
	v50 =	vunpack.i.u.bf16.f32 v0;
	v0 =	vunpack.i.l.bf16.f32 v0  }
0x262: {  	v2 =	vadd.f32 v51, v50;
	v0 =	vadd.f32 v1, v0;
	_ =	sdelay $0x1  }
0x263: {  	v0 =	vpack.i.f32.bf16 v2, v0  }
0x264: {  	v52 =	vld [tilespmem:s12+$0x14278];
	[tilespmem:s12+$0x14268] =	vst v0  }
0x265: {  	v0 =	vld [tilespmem:s13+$0x14278];
	_ =	sdelay $0x3  }
0x266: {  	v54 =	vunpack.i.u.bf16.f32 v52  }
0x267: {  	v1 =	vunpack.i.l.bf16.f32 v52;
	v53 =	vunpack.i.u.bf16.f32 v0;
	v0 =	vunpack.i.l.bf16.f32 v0  }
0x268: {  	v2 =	vadd.f32 v54, v53;
	v0 =	vadd.f32 v1, v0;
	_ =	sdelay $0x1  }
0x269: {  	v0 =	vpack.i.f32.bf16 v2, v0  }
0x26a: {  	v55 =	vld [tilespmem:s12+$0x14288];
	[tilespmem:s12+$0x14278] =	vst v0  }
0x26b: {  	v0 =	vld [tilespmem:s13+$0x14288];
	_ =	sdelay $0x3  }
0x26c: {  	v57 =	vunpack.i.u.bf16.f32 v55  }
0x26d: {  	v1 =	vunpack.i.l.bf16.f32 v55;
	v56 =	vunpack.i.u.bf16.f32 v0;
	v0 =	vunpack.i.l.bf16.f32 v0  }
0x26e: {  	v2 =	vadd.f32 v57, v56;
	v0 =	vadd.f32 v1, v0;
	_ =	sdelay $0x1  }
0x26f: {  	v0 =	vpack.i.f32.bf16 v2, v0  }
0x270: {  	v58 =	vld [tilespmem:s12+$0x14298];
	[tilespmem:s12+$0x14288] =	vst v0  }
0x271: {  	v0 =	vld [tilespmem:s13+$0x14298];
	_ =	sdelay $0x3  }
0x272: {  	v60 =	vunpack.i.u.bf16.f32 v58  }
0x273: {  	v1 =	vunpack.i.l.bf16.f32 v58;
	v59 =	vunpack.i.u.bf16.f32 v0;
	v0 =	vunpack.i.l.bf16.f32 v0  }
0x274: {  	v2 =	vadd.f32 v60, v59;
	v0 =	vadd.f32 v1, v0;
	_ =	sdelay $0x1  }
0x275: {  	v0 =	vpack.i.f32.bf16 v2, v0  }
0x276: {  	v61 =	vld [tilespmem:s12+$0x142A8];
	[tilespmem:s12+$0x14298] =	vst v0  }
0x277: {  	v0 =	vld [tilespmem:s13+$0x142A8];
	_ =	sdelay $0x3  }
0x278: {  	v63 =	vunpack.i.u.bf16.f32 v61  }
0x279: {  	v1 =	vunpack.i.l.bf16.f32 v61;
	v62 =	vunpack.i.u.bf16.f32 v0;
	v0 =	vunpack.i.l.bf16.f32 v0  }
0x27a: {  	v2 =	vadd.f32 v63, v62;
	v0 =	vadd.f32 v1, v0;
	_ =	sdelay $0x1  }
0x27b: {  	v0 =	vpack.i.f32.bf16 v2, v0  }
0x27c: {  	[tilespmem:s12+$0x142A8] =	vst v0  }
.LBB3_40:
0x27d: {  	s11 =	sadd.s32 $0x1, s11  }
0x27e: {  	p1 =	sne.s32 s11, $0x20  }
.Ltmp30:
0x27f: {  	_ = 	snop;
	(pc) =	sbr.rel @!p1 .LBB3_41-.Ltmp30, $1  }
0x280: {  	_ =	sdelay $0x3  }
.LBB3_30:
0x281: {  	v0 =	vld.msk [tilespmem:s11+$0x14218], $0x1;
	_ =	sdelay $0x4  }
0x282: {  	(v2sf) =	vpush v0, $0x0;
	_ =	sdelay $0xe  }
0x283: {  	s12 =	spop (v2sf)  }
0x284: {  	p1 =	seq.s32 s12, $0xFFFFFFFF  }
.Ltmp31:
0x285: {  	_ = 	snop;
	(pc) =	sbr.rel @p1 .LBB3_40-.Ltmp31, $1  }
0x286: {  	_ =	sdelay $0x3  }
0x287: {  	p1 =	slt.s32 s6, $0x1  }
.Ltmp32:
0x288: {  	_ = 	snop;
	(pc) =	sbr.rel @p1 .LBB3_36-.Ltmp32, $2  }
0x289: {  	_ =	sdelay $0x2  }
0x28a: {  	s13 =	sand.u32 $0xFFFFFFFE, s12  }
0x28b: {  	s14 =	simm.s32 $0x14218;
	p1 =	por $0x0, $0x0  }
0x28c: {  	v1 =	vld.msk @!p1 [tilespmem:s14+$0x0], $0x1;
	_ =	sdelay $0x4  }
0x28d: {  	(v2sf) =	vpush @!p1 v1, $0x0;
	_ =	sdelay $0xe  }
0x28e: {  	p3 =	sne.s32 s6, $0x1;
	s0 =	spop @!p1 (v2sf)  }
.Ltmp33:
0x28f: {  	s0 =	sand.u32 @!p1 $0xFFFFFFFE, s0;
	(pc) =	sbr.rel @!p3 .LBB3_34-.Ltmp33, $4  }
0x290: {  	p2 =	seq.s32 @!p1 s13, s0  }
0x291: {  	s15 =	simm.s32 $0x0;
	p2 =	por !p2, p1  }
0x292: {  	s0 =	simm.s32 $0xFFFFFFFF;
	s15 =	simm.s32 @p2 $0xFFFFFFFF  }
0x293: {  	s16 =	simm.s32 $0x1;
	s15 =	smov.u32 @p1 s0  }
.LBB3_33:
0x294: {  	s0 =	smov.u32 s15;
	p1 =	sne.s32 s15, $0xFFFFFFFF  }
0x295: {  	s14 =	sadd.s32 $0x1, s14;
	s15 =	smov.u32 s16;
	s16 =	sadd.s32 $0x1, s16  }
0x296: {  	p2 =	sne.s32 s6, s16;
	v1 =	vld.msk @!p1 [tilespmem:s14+$0x0], $0x1;
	_ =	sdelay $0x4  }
0x297: {  	(v2sf) =	vpush @!p1 v1, $0x0;
	_ =	sdelay $0xe  }
0x298: {  	s3 =	spop @!p1 (v2sf)  }
.Ltmp34:
0x299: {  	s3 =	sand.u32 @!p1 $0xFFFFFFFE, s3;
	(pc) =	sbr.rel @p2 .LBB3_33-.Ltmp34, $4  }
0x29a: {  	p3 =	seq.s32 @!p1 s13, s3  }
0x29b: {  	p3 =	por !p3, p1  }
0x29c: {  	s15 =	simm.s32 @p3 $0xFFFFFFFF  }
0x29d: {  	s15 =	smov.u32 @p1 s0  }
.LBB3_34:
0x29e: {  	p1 =	seq.s32 s15, $0xFFFFFFFF  }
.Ltmp35:
0x29f: {  	_ = 	snop;
	(pc) =	sbr.rel @!p1 .LBB3_35-.Ltmp35, $1  }
0x2a0: {  	_ =	sdelay $0x3  }
.LBB3_36:
0x2a1: {  	p1 =	sgt.u32 s12, $0x61A701  }
0x2a2: {  	p2 =	seq.s32 @!p1 s13, s7  }
0x2a3: {  	p1 =	por p1, p2  }
0x2a4: {  	p2 =	sne.s32 @!p1 s13, s8  }
0x2a5: {  	p1 =	por p1, !p2  }
.Ltmp36:
0x2a6: {  	_ = 	snop;
	(pc) =	sbr.rel @p1 .LBB3_37-.Ltmp36, $1  }
0x2a7: {  	_ =	sdelay $0x3  }
0x2a8: {  	s0 =	sshrl.u32 s12, $0x1;
	s3 =	sshrl.u32 s12, $0x4  }
0x2a9: {  	s3 =	sadd.s32 s1, s3;
	s0 =	sand.u32 $0x7, s0  }
0x2aa: {  	[tilespmem:s10], [sflag:$0x6] =	stream.linear.gather [hbm4b:s3+s0], $0x80, $0x38;
	[tilespmem:$0x1F4C8] =	vst v63  }
0x2ab: {  	_ =	swait.ge [sflag:s9], $0x80  }
0x2ac: {  	[sflag:s9] =	ssyncset.done $0x0  }
0x2ad: {  	s12 =	sshll.u32 s11, $0x9;
	[sflag:s9] =	ssyncadd.s32 $0xFFFFFF80  }
0x2ae: {  	s13 =	sshrl.u32 s12, $0x2;
	v1 =	vld [tilespmem:$0x14188]  }
0x2af: {  	v2 =	vld [tilespmem:s13+$0x14238]  }
0x2b0: {  	v4 =	vld [tilespmem:s13+$0x14248]  }
0x2b1: {  	v5 =	vld [tilespmem:$0x141A8]  }
0x2b2: {  	v7 =	vld [tilespmem:s13+$0x14258]  }
0x2b3: {  	v9 =	vld [tilespmem:$0x141B8]  }
0x2b4: {  	v44 =	vld [tilespmem:s13+$0x14268]  }
0x2b5: {  	v11 =	vld [tilespmem:$0x141C8]  }
0x2b6: {  	v46 =	vld [tilespmem:s13+$0x14278]  }
0x2b7: {  	v13 =	vld [tilespmem:$0x141D8]  }
0x2b8: {  	v50 =	vld [tilespmem:s13+$0x14288]  }
0x2b9: {  	v15 =	vld [tilespmem:$0x141E8]  }
0x2ba: {  	v51 =	vld [tilespmem:s13+$0x14298];
	v6 =	vunpack.i.u.bf16.f32 v1;
	v1 =	vunpack.i.l.bf16.f32 v1;
	v8 =	vunpack.i.u.bf16.f32 v2  }
0x2bb: {  	v52 =	vld [tilespmem:$0x141F8];
	v2 =	vunpack.i.l.bf16.f32 v2;
	v10 =	vunpack.i.u.bf16.f32 v4;
	v4 =	vunpack.i.l.bf16.f32 v4  }
0x2bc: {  	v56 =	vld [tilespmem:s13+$0x142A8];
	v45 =	vunpack.i.u.bf16.f32 v5;
	v5 =	vunpack.i.l.bf16.f32 v5;
	v12 =	vunpack.i.u.bf16.f32 v7  }
0x2bd: {  	v3 =	vld [tilespmem:$0x14198];
	v7 =	vunpack.i.l.bf16.f32 v7;
	v47 =	vunpack.i.u.bf16.f32 v9;
	v9 =	vunpack.i.l.bf16.f32 v9  }
0x2be: {  	v48 =	vunpack.i.u.bf16.f32 v44;
	v49 =	vunpack.i.u.bf16.f32 v11;
	v11 =	vunpack.i.l.bf16.f32 v11  }
0x2bf: {  	v14 =	vunpack.i.u.bf16.f32 v46;
	v55 =	vunpack.i.u.bf16.f32 v13;
	v57 =	vunpack.i.l.bf16.f32 v13  }
0x2c0: {  	v58 =	vunpack.i.u.bf16.f32 v50;
	v60 =	vunpack.i.u.bf16.f32 v15;
	v61 =	vunpack.i.u.bf16.f32 v51  }
0x2c1: {  	v62 =	vunpack.i.u.bf16.f32 v52;
	v63 =	vunpack.i.u.bf16.f32 v56;
	v6 =	vadd.f32 v8, v6  }
0x2c2: {  	v1 =	vadd.f32 v2, v1;
	v2 =	vunpack.i.u.bf16.f32 v3;
	v5 =	vadd.f32 v7, v5  }
0x2c3: {  	v3 =	vunpack.i.l.bf16.f32 v3;
	v7 =	vadd.f32 v48, v47;
	v2 =	vadd.f32 v10, v2  }
0x2c4: {  	v8 =	vunpack.i.l.bf16.f32 v44;
	v3 =	vadd.f32 v4, v3;
	v4 =	vadd.f32 v12, v45  }
0x2c5: {  	v8 =	vadd.f32 v8, v9;
	v10 =	vunpack.i.l.bf16.f32 v46;
	v9 =	vadd.f32 v14, v49  }
0x2c6: {  	v12 =	vunpack.i.l.bf16.f32 v50;
	v10 =	vadd.f32 v10, v11;
	v1 =	vpack.i.f32.bf16 v6, v1  }
0x2c7: {  	v59 =	vadd.f32 v12, v57;
	v11 =	vunpack.i.l.bf16.f32 v51;
	v2 =	vpack.i.f32.bf16 v2, v3;
	[tilespmem:s13+$0x14238] =	vst v1  }
0x2c8: {  	v3 =	vpack.i.f32.bf16 v4, v5;
	v53 =	vpack.i.f32.bf16 v7, v8;
	v1 =	vadd.f32 v58, v55;
	[tilespmem:s13+$0x14248] =	vst v2  }
0x2c9: {  	v4 =	vunpack.i.l.bf16.f32 v52;
	v8 =	vunpack.i.l.bf16.f32 v56;
	v2 =	vunpack.i.l.bf16.f32 v15;
	[tilespmem:s13+$0x14258] =	vst v3  }
0x2ca: {  	v54 =	vpack.i.f32.bf16 v9, v10;
	v3 =	vadd.f32 v61, v60;
	[tilespmem:s13+$0x14268] =	vst v53;
	v2 =	vadd.f32 v11, v2  }
0x2cb: {  	v5 =	vadd.f32 v63, v62;
	v4 =	vadd.f32 v8, v4;
	[tilespmem:s13+$0x14278] =	vst v54;
	v1 =	vpack.i.f32.bf16 v1, v59  }
0x2cc: {  	[tilespmem:s13+$0x14288] =	vst v1;
	v1 =	vpack.i.f32.bf16 v3, v2  }
0x2cd: {  	[tilespmem:s13+$0x14298] =	vst v1;
	v1 =	vpack.i.f32.bf16 v5, v4  }
0x2ce: {  	[tilespmem:s13+$0x142A8] =	vst v1  }
.LBB3_39:
0x2cf: {  	[tilespmem:s6+$0x14218] =	vst.msk $0x1, v0;
	s0 =	sshrl.u32 s12, $0x2  }
0x2d0: {  	v0 =	vld [tilespmem:s0+$0x14238];
	_ =	sdelay $0x2  }
0x2d1: {  	s3 =	sshll.u32 s6, $0x9  }
0x2d2: {  	s3 =	sshra.s32 s3, $0x2  }
0x2d3: {  	[tilespmem:s3+$0x14238] =	vst v0  }
0x2d4: {  	v0 =	vld [tilespmem:s0+$0x14248];
	_ =	sdelay $0x4  }
0x2d5: {  	[tilespmem:s3+$0x14248] =	vst v0  }
0x2d6: {  	v0 =	vld [tilespmem:s0+$0x14258];
	_ =	sdelay $0x4  }
0x2d7: {  	[tilespmem:s3+$0x14258] =	vst v0  }
0x2d8: {  	v0 =	vld [tilespmem:s0+$0x14268];
	_ =	sdelay $0x4  }
0x2d9: {  	[tilespmem:s3+$0x14268] =	vst v0  }
0x2da: {  	v0 =	vld [tilespmem:s0+$0x14278];
	_ =	sdelay $0x4  }
0x2db: {  	[tilespmem:s3+$0x14278] =	vst v0  }
0x2dc: {  	v0 =	vld [tilespmem:s0+$0x14288];
	_ =	sdelay $0x4  }
0x2dd: {  	[tilespmem:s3+$0x14288] =	vst v0  }
0x2de: {  	v0 =	vld [tilespmem:s0+$0x14298];
	_ =	sdelay $0x4  }
0x2df: {  	[tilespmem:s3+$0x14298] =	vst v0  }
0x2e0: {  	v0 =	vld [tilespmem:s0+$0x142A8]  }
.Ltmp37:
0x2e1: {  	_ = 	snop;
	(pc) =	sbr.rel .LBB3_40-.Ltmp37, $2  }
0x2e2: {  	_ =	sdelay $0x2  }
0x2e3: {  	s6 =	sadd.s32 $0x1, s6;
	[tilespmem:s3+$0x142A8] =	vst v0  }
.LBB3_37:
.Ltmp38:
0x2e4: {  	(pc) =	sbr.rel .LBB3_39-.Ltmp38, $2  }
0x2e5: {  	_ =	sdelay $0x2  }
0x2e6: {  	s12 =	sshll.u32 s11, $0x9  }
.LBB3_41:
0x2e7: {  	s0 =	simm.s32 $0x6;
	p1 =	seq.s32 s6, $0x0  }
0x2e8: {  	[sflag:s0] =	ssyncpa.u1 $0x1;
	v0 =	vimm.s32 @p1 $0xFFFFFFFF  }
0x2e9: {  	s9 =	sadd.s32 $0xFFFFFFFF, s6;
	[tilespmem:$0x15238] =	vst @p1 v0  }
0x2ea: {  	v0 =	vld.msk @!p1 [tilespmem:s9+$0x14218], $0x1;
	_ =	sdelay $0x1  }
0x2eb: {  	v1 =	vld.msk @!p1 [tilespmem:$0x14218], $0x1;
	_ =	sdelay $0x2  }
0x2ec: {  	p2 =	seq.s32 @!p1 s9, $0x0;
	v0 =	vbroadcast @!p1 v0, $0x0  }
0x2ed: {  	vm0 =	vmmov @!p1 $0x1;
	p2 =	por !p2, p1  }
0x2ee: {  	v1 =	vnsel @!p1 vm0, $0xFFFFFFFF, v1;
	vm0 =	vcmask @!p1 $0x308;
	v0 =	vpsel !p2, $0xFFFFFFFF, v0  }
0x2ef: {  	p2 =	sne.s32 @!p1 s7, s8;
	v0 =	vsel @!p1 vm0, v1, v0  }
0x2f0: {  	s0 =	simm.s32 @!p1 $0x14238;
	s3 =	simm.s32 @!p1 $0x0;
	p3 =	por !p2, p1;
	[tilespmem:$0x15238] =	vst @!p1 v0  }
0x2f1: {  	[spmem:s3] =	stream.linear.scatter @!p1 [tilespmem:s0], [sflag:$0x1], $0x80, $0x38;
	[tilespmem:$0x1F4C8] =	vst v63  }
0x2f2: {  	s0 =	sshll.u32 @!p3 s9, $0x9  }
0x2f3: {  	s0 =	sshra.s32 @!p3 s0, $0x2  }
0x2f4: {  	s3 =	simm.s32 @!p3 $0x80;
	s0 =	sadd.s32 @!p3 $0x14238, s0  }
0x2f5: {  	[spmem:s3] =	stream.linear.scatter @!p3 [tilespmem:s0], [sflag:$0x1], $0x80, $0x38;
	[tilespmem:$0x1F4C8] =	vst v63  }
0x2f6: {  	s0 =	simm.s32 @!p3 $0x1  }
0x2f7: {  	_ =	swait.ge @!p3 [sflag:s0], $0x100  }
0x2f8: {  	p1 =	por p2, p1;
	[sflag:s0] =	ssyncset.done @!p3 $0x0  }
0x2f9: {  	[sflag:s0] =	ssyncadd.s32 @!p3 $0xFFFFFF00;
	s0 =	simm.s32 @!p1 $0x1  }
0x2fa: {  	_ =	swait.ge @!p1 [sflag:s0], $0x80  }
0x2fb: {  	s29 =	simm.s32 $0x15238;
	[sflag:s0] =	ssyncset.done @!p1 $0x0  }
0x2fc: {  	s30 =	simm.s32 $0x1000;
	s31 =	simm.s32 $0x1;
	[sflag:s0] =	ssyncadd.s32 @!p1 $0xFFFFFF80  }
0x2fd: {  	[spmem:s30] =	stream.linear.scatter [tilespmem:s29], [sflag:$0x1], $0x10, $0x38;
	[tilespmem:$0x1F4C8] =	vst v63  }
0x2fe: {  	_ =	swait.ge [sflag:s31], $0x10  }
0x2ff: {  	[sflag:s31] =	ssyncset.done $0x0  }
0x300: {  	p1 =	seq.s32 s5, $0x0;
	[sflag:s31] =	ssyncadd.s32 $0xFFFFFFF0  }
0x301: {  	s3 =	sshll.u32 @p1 s4, $0xE;
	s11 =	rddreg [dreg:$0x3]  }
0x302: {  	s0 =	sadd.s32 @p1 $0x15C3C, s3;
	s3 =	sshll.u32 @p1 s11, $0x11  }
0x303: {  	_ =	sfence.stream.spmem;
	s0 =	sor.u32 @p1 s3, s0  }
0x304: {  	[sflag:s0] =	ssyncadd.remote.s32 @p1 $0x1;
	s0 =	simm.s32 @p1 $0x4  }
0x305: {  	s7 =	simm.s32 @!p1 $0x3C;
	s3 =	sand.u32 $0xFFFFFFFE, s4;
	_ =	swait.ge @p1 [sflag:s0], $0x22  }
0x306: {  	s8 =	simm.s32 @!p1 $0x0;
	s3 =	sadd.s32 @!p1 $0x4, s3;
	[sflag:s0] =	ssyncset.done @p1 $0x0  }
0x307: {  	s10 =	simm.s32 @!p1 $0x100;
	[sflag:s0] =	ssyncadd.s32 @p1 $0xFFFFFFDE;
	s0 =	sshll.u32 @!p1 s3, $0x1A  }
0x308: {  	s3 =	sshll.u32 @!p1 s3, $0xD;
	s0 =	sor.u32 @!p1 s0, s11;
	_ =	swait.eq @!p1 [sflag:s7], $0x1  }
0x309: {  	s3 =	sor.u32 @!p1 $0x1C04, s3;
	s7 =	simm.s32 @!p1 $0x1C03;
	s0 =	sor.u32 @!p1 $0x80004000, s0  }
0x30a: {  	[spmem:s10], [sflag:s3] =	dma.general @!p1 [spmem:s8], [sflag:s7], length:$0x20, [dreg:$0x0], stride_count:$0x0, ici_dest:s0, dma_misc:DstOpCode:WRITE  }
0x30b: {  	p2 =	slt.s32 s9, $0x2;
	s8 =	simm.s32 @!p1 $0x200;
	s10 =	simm.s32 @!p1 $0x202  }
0x30c: {  	[spmem:s10], [sflag:s3] =	dma.general @!p1 [spmem:s8], [sflag:s7], length:$0x2, [dreg:$0x0], stride_count:$0x0, ici_dest:s0, dma_misc:DstOpCode:WRITE  }
.Ltmp39:
0x30d: {  	s0 =	simm.s32 @!p1 $0x3;
	(pc) =	sbr.rel @p2 .LBB3_45-.Ltmp39, $4  }
0x30e: {  	s3 =	sshll.u32 @!p1 s4, $0xE;
	_ =	swait.ge @!p1 [sflag:s0], $0x22  }
0x30f: {  	s4 =	sshll.u32 @!p1 s11, $0x11;
	s3 =	sadd.s32 @!p1 $0x11C3C, s3;
	[sflag:s0] =	ssyncset.done @!p1 $0x0  }
0x310: {  	[sflag:s0] =	ssyncadd.s32 @!p1 $0xFFFFFFDE;
	s0 =	sor.u32 @!p1 s4, s3  }
0x311: {  	s3 =	simm.s32 $0x0;
	[sflag:s0] =	ssyncadd.remote.s32 @!p1 $0xFFFFFFFF  }
0x312: {  	s0 =	simm.s32 $0x14219  }
0x313: {  	v0 =	vld.msk [tilespmem:s0+$0x0], $0x1;
	_ =	sdelay $0x4  }
0x314: {  	(v2sf) =	vpush v0, $0x0;
	_ =	sdelay $0xc  }
0x315: {  	s4 =	sadd.s32 $0xFFFFFFFE, s6  }
0x316: {  	s4 =	sadd.s32 $0xFFFFFFFF, s4  }
0x317: {  	p1 =	sne.s32 s4, $0x0;
	s0 =	spop (v2sf)  }
.Ltmp40:
0x318: {  	p2 =	sgt.u32 s0, $0x61A701;
	(pc) =	sbr.rel @!p1 .LBB3_44-.Ltmp40, $4  }
0x319: {  	s6 =	sshrl.u32 @!p2 s0, $0x1;
	s0 =	sshrl.u32 @!p2 s0, $0x4  }
0x31a: {  	s3 =	simm.s32 $0x142B8;
	s0 =	sadd.s32 @!p2 s1, s0;
	s6 =	sand.u32 @!p2 $0x7, s6  }
0x31b: {  	[hbm4b:s0+s6] =	stream.linear.scatter @!p2 [tilespmem:s3], [sflag:$0x5], $0x80, $0x38;
	[tilespmem:$0x1F4C8] =	vst v63  }
0x31c: {  	s8 =	simm.s32 $0x1421A;
	s7 =	simm.s32 $0x0;
	s6 =	simm.s32 $0x0  }
.LBB3_43:
0x31d: {  	s0 =	simm.s32 $0x0  }
0x31e: {  	v0 =	vld.msk [tilespmem:s8+$0x0], $0x1;
	s4 =	sadd.s32 $0xFFFFFFFF, s4;
	s0 =	simm.s32 @!p2 $0x200  }
0x31f: {  	p1 =	sne.s32 s4, $0x0;
	s7 =	sadd.s32 s7, s0;
	_ =	sdelay $0x3  }
0x320: {  	(v2sf) =	vpush v0, $0x0;
	_ =	sdelay $0xe  }
.Ltmp41:
0x321: {  	s0 =	spop (v2sf);
	(pc) =	sbr.rel @p1 .LBB3_43-.Ltmp41, $4  }
0x322: {  	p2 =	sgt.u32 s0, $0x61A701  }
0x323: {  	s3 =	sadd.s32 $0x80, s3;
	s9 =	sshrl.u32 @!p2 s0, $0x1;
	s0 =	sshrl.u32 @!p2 s0, $0x4  }
0x324: {  	s8 =	sadd.s32 $0x1, s8;
	s0 =	sadd.s32 @!p2 s1, s0;
	s9 =	sand.u32 @!p2 $0x7, s9  }
0x325: {  	[hbm4b:s0+s9] =	stream.linear.scatter @!p2 [tilespmem:s3], [sflag:$0x5], $0x80, $0x38;
	[tilespmem:$0x1F4C8] =	vst v63  }
.LBB3_44:
0x326: {  	s6 =	simm.s32 @!p2 $0x200  }
0x327: {  	s0 =	sadd.s32 s7, s6  }
0x328: {  	s3 =	sshrl.u32 s0, $0x2  }
.LBB3_45:
0x329: {  	s0 =	simm.s32 $0x5  }
0x32a: {  	_ =	swait.ge [sflag:s0], s3  }
0x32b: {  	s31 =	ssub.s32 $0x0, s3;
	[sflag:s0] =	ssyncset.done $0x0  }
0x32c: {  	[sflag:s0] =	ssyncadd.s32 s31  }
0x32d: {  	[sflag:s0] =	ssyncpa.u1 $0x1  }
.LBB3_46:
0x32e: {  	s0 =	sor.u32 s5, s2  }
0x32f: {  	p1 =	sne.s32 s0, $0x0  }
.Ltmp42:
0x330: {  	_ = 	snop;
	(pc) =	sbr.rel @p1 .LBB3_64-.Ltmp42, $3  }
0x331: {  	_ =	sdelay $0x1  }
0x332: {  	[bflag:$0x0] =	sbarrier.arrive $0xFFFF  }
0x333: {  	_ =	sfence  }
0x334: {  	s0 =	simm.s32 $0x7  }
0x335: {  	s2 =	simm.s32 $0x1000;
	s3 =	simm.s32 $0x14218;
	[sflag:s0] =	ssyncpa.u1 $0x0  }
0x336: {  	[tilespmem:s3], [sflag:$0x7] =	stream.linear.gather [spmem:s2], $0x20, $0x38;
	[tilespmem:$0x1F4C8] =	vst v63  }
0x337: {  	s31 =	simm.s32 $0x14238;
	s2 =	simm.s32 $0x0  }
0x338: {  	[tilespmem:s31], [sflag:$0x7] =	stream.linear.gather [spmem:s2], $0x1000, $0x38;
	[tilespmem:$0x1F4C8] =	vst v63  }
.Ltmp43:
0x339: {  	_ = 	snop;
	(pc) =	sbr.rel .LBB3_48-.Ltmp43, $4  }
0x33a: {  	_ =	swait.ge [sflag:s0], $0x1020  }
0x33b: {  	[sflag:s0] =	ssyncset.done $0x0  }
0x33c: {  	s3 =	simm.s32 $0x8;
	[sflag:s0] =	ssyncadd.s32 $0xFFFFEFE0  }
0x33d: {  	s4 =	simm.s32 $0x14188;
	s5 =	simm.s32 $0x0;
	[sflag:s3] =	ssyncpa.u1 $0x0  }
.LBB3_56:
0x33e: {  	s0 =	sshrl.u32 s6, $0x1;
	s31 =	sshrl.u32 s6, $0x4  }
0x33f: {  	s6 =	sadd.s32 s1, s31;
	s0 =	sand.u32 $0x7, s0  }
0x340: {  	[tilespmem:s4], [sflag:$0x8] =	stream.linear.gather [hbm4b:s6+s0], $0x80, $0x38;
	[tilespmem:$0x1F4C8] =	vst v63  }
0x341: {  	_ =	swait.ge [sflag:s3], $0x80  }
0x342: {  	[sflag:s3] =	ssyncset.done $0x0  }
0x343: {  	s6 =	sshll.u32 s5, $0x9;
	[sflag:s3] =	ssyncadd.s32 $0xFFFFFF80  }
0x344: {  	s7 =	sshrl.u32 s6, $0x2;
	v1 =	vld [tilespmem:$0x14188]  }
0x345: {  	v2 =	vld [tilespmem:s7+$0x14238]  }
0x346: {  	v4 =	vld [tilespmem:s7+$0x14248]  }
0x347: {  	v5 =	vld [tilespmem:$0x141A8]  }
0x348: {  	v7 =	vld [tilespmem:s7+$0x14258]  }
0x349: {  	v9 =	vld [tilespmem:$0x141B8]  }
0x34a: {  	v44 =	vld [tilespmem:s7+$0x14268]  }
0x34b: {  	v11 =	vld [tilespmem:$0x141C8]  }
0x34c: {  	v46 =	vld [tilespmem:s7+$0x14278]  }
0x34d: {  	v13 =	vld [tilespmem:$0x141D8]  }
0x34e: {  	v50 =	vld [tilespmem:s7+$0x14288]  }
0x34f: {  	v15 =	vld [tilespmem:$0x141E8]  }
0x350: {  	v51 =	vld [tilespmem:s7+$0x14298];
	v6 =	vunpack.i.u.bf16.f32 v1;
	v1 =	vunpack.i.l.bf16.f32 v1;
	v8 =	vunpack.i.u.bf16.f32 v2  }
0x351: {  	v52 =	vld [tilespmem:$0x141F8];
	v2 =	vunpack.i.l.bf16.f32 v2;
	v10 =	vunpack.i.u.bf16.f32 v4;
	v4 =	vunpack.i.l.bf16.f32 v4  }
0x352: {  	v56 =	vld [tilespmem:s7+$0x142A8];
	v45 =	vunpack.i.u.bf16.f32 v5;
	v5 =	vunpack.i.l.bf16.f32 v5;
	v12 =	vunpack.i.u.bf16.f32 v7  }
0x353: {  	v3 =	vld [tilespmem:$0x14198];
	v7 =	vunpack.i.l.bf16.f32 v7;
	v47 =	vunpack.i.u.bf16.f32 v9;
	v9 =	vunpack.i.l.bf16.f32 v9  }
0x354: {  	v48 =	vunpack.i.u.bf16.f32 v44;
	v49 =	vunpack.i.u.bf16.f32 v11;
	v11 =	vunpack.i.l.bf16.f32 v11  }
0x355: {  	v14 =	vunpack.i.u.bf16.f32 v46;
	v55 =	vunpack.i.u.bf16.f32 v13;
	v57 =	vunpack.i.l.bf16.f32 v13  }
0x356: {  	v58 =	vunpack.i.u.bf16.f32 v50;
	v60 =	vunpack.i.u.bf16.f32 v15;
	v61 =	vunpack.i.u.bf16.f32 v51  }
0x357: {  	v62 =	vunpack.i.u.bf16.f32 v52;
	v63 =	vunpack.i.u.bf16.f32 v56;
	v6 =	vadd.f32 v8, v6  }
0x358: {  	v1 =	vadd.f32 v2, v1;
	v2 =	vunpack.i.u.bf16.f32 v3;
	v5 =	vadd.f32 v7, v5  }
0x359: {  	v3 =	vunpack.i.l.bf16.f32 v3;
	v7 =	vadd.f32 v48, v47;
	v2 =	vadd.f32 v10, v2  }
0x35a: {  	v8 =	vunpack.i.l.bf16.f32 v44;
	v3 =	vadd.f32 v4, v3;
	v4 =	vadd.f32 v12, v45  }
0x35b: {  	v8 =	vadd.f32 v8, v9;
	v10 =	vunpack.i.l.bf16.f32 v46;
	v9 =	vadd.f32 v14, v49  }
0x35c: {  	v12 =	vunpack.i.l.bf16.f32 v50;
	v10 =	vadd.f32 v10, v11;
	v1 =	vpack.i.f32.bf16 v6, v1  }
0x35d: {  	v59 =	vadd.f32 v12, v57;
	v11 =	vunpack.i.l.bf16.f32 v51;
	v2 =	vpack.i.f32.bf16 v2, v3;
	[tilespmem:s7+$0x14238] =	vst v1  }
0x35e: {  	v3 =	vpack.i.f32.bf16 v4, v5;
	v53 =	vpack.i.f32.bf16 v7, v8;
	v1 =	vadd.f32 v58, v55;
	[tilespmem:s7+$0x14248] =	vst v2  }
0x35f: {  	v4 =	vunpack.i.l.bf16.f32 v52;
	v8 =	vunpack.i.l.bf16.f32 v56;
	v2 =	vunpack.i.l.bf16.f32 v15;
	[tilespmem:s7+$0x14258] =	vst v3  }
0x360: {  	v54 =	vpack.i.f32.bf16 v9, v10;
	v3 =	vadd.f32 v61, v60;
	[tilespmem:s7+$0x14268] =	vst v53;
	v2 =	vadd.f32 v11, v2  }
0x361: {  	v5 =	vadd.f32 v63, v62;
	v4 =	vadd.f32 v8, v4;
	[tilespmem:s7+$0x14278] =	vst v54;
	v1 =	vpack.i.f32.bf16 v1, v59  }
0x362: {  	[tilespmem:s7+$0x14288] =	vst v1;
	v1 =	vpack.i.f32.bf16 v3, v2  }
0x363: {  	[tilespmem:s7+$0x14298] =	vst v1;
	v1 =	vpack.i.f32.bf16 v5, v4  }
0x364: {  	[tilespmem:s7+$0x142A8] =	vst v1  }
.LBB3_57:
0x365: {  	[tilespmem:s2+$0x14218] =	vst.msk $0x1, v0;
	s0 =	sshrl.u32 s6, $0x2  }
0x366: {  	v0 =	vld [tilespmem:s0+$0x14238];
	_ =	sdelay $0x2  }
0x367: {  	s31 =	sshll.u32 s2, $0x9  }
0x368: {  	s6 =	sshra.s32 s31, $0x2  }
0x369: {  	[tilespmem:s6+$0x14238] =	vst v0  }
0x36a: {  	v0 =	vld [tilespmem:s0+$0x14248];
	_ =	sdelay $0x4  }
0x36b: {  	[tilespmem:s6+$0x14248] =	vst v0  }
0x36c: {  	v0 =	vld [tilespmem:s0+$0x14258];
	_ =	sdelay $0x4  }
0x36d: {  	[tilespmem:s6+$0x14258] =	vst v0  }
0x36e: {  	v0 =	vld [tilespmem:s0+$0x14268];
	_ =	sdelay $0x4  }
0x36f: {  	[tilespmem:s6+$0x14268] =	vst v0  }
0x370: {  	v0 =	vld [tilespmem:s0+$0x14278];
	_ =	sdelay $0x4  }
0x371: {  	[tilespmem:s6+$0x14278] =	vst v0  }
0x372: {  	v0 =	vld [tilespmem:s0+$0x14288];
	_ =	sdelay $0x4  }
0x373: {  	[tilespmem:s6+$0x14288] =	vst v0  }
0x374: {  	v0 =	vld [tilespmem:s0+$0x14298];
	_ =	sdelay $0x4  }
0x375: {  	[tilespmem:s6+$0x14298] =	vst v0  }
0x376: {  	v0 =	vld [tilespmem:s0+$0x142A8];
	_ =	sdelay $0x4  }
0x377: {  	s2 =	sadd.s32 $0x1, s2;
	[tilespmem:s6+$0x142A8] =	vst v0  }
.LBB3_58:
0x378: {  	s5 =	sadd.s32 $0x1, s5  }
0x379: {  	p1 =	sne.s32 s5, $0x20  }
.Ltmp44:
0x37a: {  	_ = 	snop;
	(pc) =	sbr.rel @!p1 .LBB3_59-.Ltmp44, $1  }
0x37b: {  	_ =	sdelay $0x3  }
.LBB3_48:
0x37c: {  	v0 =	vld.msk [tilespmem:s5+$0x14218], $0x1;
	_ =	sdelay $0x4  }
0x37d: {  	(v2sf) =	vpush v0, $0x0;
	_ =	sdelay $0xe  }
0x37e: {  	s6 =	spop (v2sf)  }
0x37f: {  	p1 =	seq.s32 s6, $0xFFFFFFFF  }
.Ltmp45:
0x380: {  	_ = 	snop;
	(pc) =	sbr.rel @p1 .LBB3_58-.Ltmp45, $1  }
0x381: {  	_ =	sdelay $0x3  }
0x382: {  	p1 =	slt.s32 s2, $0x1  }
.Ltmp46:
0x383: {  	_ = 	snop;
	(pc) =	sbr.rel @p1 .LBB3_54-.Ltmp46, $1  }
0x384: {  	_ =	sdelay $0x3  }
0x385: {  	s7 =	simm.s32 $0x14218;
	p1 =	por $0x0, $0x0  }
0x386: {  	v1 =	vld.msk @!p1 [tilespmem:s7+$0x0], $0x1;
	_ =	sdelay $0x4  }
0x387: {  	(v2sf) =	vpush @!p1 v1, $0x0;
	_ =	sdelay $0xe  }
0x388: {  	p3 =	sne.s32 s2, $0x1;
	s0 =	spop @!p1 (v2sf)  }
.Ltmp47:
0x389: {  	s0 =	sxor.u32 @!p1 s6, s0;
	(pc) =	sbr.rel @!p3 .LBB3_52-.Ltmp47, $4  }
0x38a: {  	p2 =	slt.u32 @!p1 s0, $0x2  }
0x38b: {  	s8 =	simm.s32 $0x0;
	p2 =	por !p2, p1  }
0x38c: {  	s0 =	simm.s32 $0xFFFFFFFF;
	s8 =	simm.s32 @p2 $0xFFFFFFFF  }
0x38d: {  	s9 =	simm.s32 $0x1;
	s8 =	smov.u32 @p1 s0  }
.LBB3_51:
0x38e: {  	s0 =	smov.u32 s8;
	p1 =	sne.s32 s8, $0xFFFFFFFF  }
0x38f: {  	s7 =	sadd.s32 $0x1, s7;
	s8 =	smov.u32 s9;
	s9 =	sadd.s32 $0x1, s9  }
0x390: {  	p2 =	sne.s32 s2, s9;
	v1 =	vld.msk @!p1 [tilespmem:s7+$0x0], $0x1;
	_ =	sdelay $0x4  }
0x391: {  	(v2sf) =	vpush @!p1 v1, $0x0;
	_ =	sdelay $0xe  }
0x392: {  	s10 =	spop @!p1 (v2sf)  }
.Ltmp48:
0x393: {  	s10 =	sxor.u32 @!p1 s6, s10;
	(pc) =	sbr.rel @p2 .LBB3_51-.Ltmp48, $4  }
0x394: {  	p3 =	slt.u32 @!p1 s10, $0x2  }
0x395: {  	p3 =	por !p3, p1  }
0x396: {  	s8 =	simm.s32 @p3 $0xFFFFFFFF  }
0x397: {  	s8 =	smov.u32 @p1 s0  }
.LBB3_52:
0x398: {  	p1 =	seq.s32 s8, $0xFFFFFFFF  }
.Ltmp49:
0x399: {  	_ = 	snop;
	(pc) =	sbr.rel @p1 .LBB3_54-.Ltmp49, $1  }
0x39a: {  	_ =	sdelay $0x3  }
0x39b: {  	s0 =	sshll.u32 s5, $0x7  }
0x39c: {  	s31 =	sshll.u32 s8, $0x9;
	s7 =	sand.u32 $0x3FFFFF80, s0  }
0x39d: {  	s6 =	sshra.s32 s31, $0x2;
	v0 =	vld [tilespmem:s7+$0x14238]  }
0x39e: {  	v1 =	vld [tilespmem:s6+$0x14238];
	_ =	sdelay $0x3  }
0x39f: {  	v2 =	vunpack.i.u.bf16.f32 v0  }
0x3a0: {  	v0 =	vunpack.i.l.bf16.f32 v0;
	v3 =	vunpack.i.u.bf16.f32 v1;
	v1 =	vunpack.i.l.bf16.f32 v1  }
0x3a1: {  	v2 =	vadd.f32 v3, v2;
	v0 =	vadd.f32 v1, v0;
	_ =	sdelay $0x1  }
0x3a2: {  	v0 =	vpack.i.f32.bf16 v2, v0  }
0x3a3: {  	v43 =	vld [tilespmem:s6+$0x14248];
	[tilespmem:s6+$0x14238] =	vst v0  }
0x3a4: {  	v0 =	vld [tilespmem:s7+$0x14248];
	_ =	sdelay $0x3  }
0x3a5: {  	v45 =	vunpack.i.u.bf16.f32 v43  }
0x3a6: {  	v1 =	vunpack.i.l.bf16.f32 v43;
	v44 =	vunpack.i.u.bf16.f32 v0;
	v0 =	vunpack.i.l.bf16.f32 v0  }
0x3a7: {  	v2 =	vadd.f32 v45, v44;
	v0 =	vadd.f32 v1, v0;
	_ =	sdelay $0x1  }
0x3a8: {  	v0 =	vpack.i.f32.bf16 v2, v0  }
0x3a9: {  	v46 =	vld [tilespmem:s6+$0x14258];
	[tilespmem:s6+$0x14248] =	vst v0  }
0x3aa: {  	v0 =	vld [tilespmem:s7+$0x14258];
	_ =	sdelay $0x3  }
0x3ab: {  	v48 =	vunpack.i.u.bf16.f32 v46  }
0x3ac: {  	v1 =	vunpack.i.l.bf16.f32 v46;
	v47 =	vunpack.i.u.bf16.f32 v0;
	v0 =	vunpack.i.l.bf16.f32 v0  }
0x3ad: {  	v2 =	vadd.f32 v48, v47;
	v0 =	vadd.f32 v1, v0;
	_ =	sdelay $0x1  }
0x3ae: {  	v0 =	vpack.i.f32.bf16 v2, v0  }
0x3af: {  	v49 =	vld [tilespmem:s6+$0x14268];
	[tilespmem:s6+$0x14258] =	vst v0  }
0x3b0: {  	v0 =	vld [tilespmem:s7+$0x14268];
	_ =	sdelay $0x3  }
0x3b1: {  	v51 =	vunpack.i.u.bf16.f32 v49  }
0x3b2: {  	v1 =	vunpack.i.l.bf16.f32 v49;
	v50 =	vunpack.i.u.bf16.f32 v0;
	v0 =	vunpack.i.l.bf16.f32 v0  }
0x3b3: {  	v2 =	vadd.f32 v51, v50;
	v0 =	vadd.f32 v1, v0;
	_ =	sdelay $0x1  }
0x3b4: {  	v0 =	vpack.i.f32.bf16 v2, v0  }
0x3b5: {  	v52 =	vld [tilespmem:s6+$0x14278];
	[tilespmem:s6+$0x14268] =	vst v0  }
0x3b6: {  	v0 =	vld [tilespmem:s7+$0x14278];
	_ =	sdelay $0x3  }
0x3b7: {  	v54 =	vunpack.i.u.bf16.f32 v52  }
0x3b8: {  	v1 =	vunpack.i.l.bf16.f32 v52;
	v53 =	vunpack.i.u.bf16.f32 v0;
	v0 =	vunpack.i.l.bf16.f32 v0  }
0x3b9: {  	v2 =	vadd.f32 v54, v53;
	v0 =	vadd.f32 v1, v0;
	_ =	sdelay $0x1  }
0x3ba: {  	v0 =	vpack.i.f32.bf16 v2, v0  }
0x3bb: {  	v55 =	vld [tilespmem:s6+$0x14288];
	[tilespmem:s6+$0x14278] =	vst v0  }
0x3bc: {  	v0 =	vld [tilespmem:s7+$0x14288];
	_ =	sdelay $0x3  }
0x3bd: {  	v57 =	vunpack.i.u.bf16.f32 v55  }
0x3be: {  	v1 =	vunpack.i.l.bf16.f32 v55;
	v56 =	vunpack.i.u.bf16.f32 v0;
	v0 =	vunpack.i.l.bf16.f32 v0  }
0x3bf: {  	v2 =	vadd.f32 v57, v56;
	v0 =	vadd.f32 v1, v0;
	_ =	sdelay $0x1  }
0x3c0: {  	v0 =	vpack.i.f32.bf16 v2, v0  }
0x3c1: {  	v58 =	vld [tilespmem:s6+$0x14298];
	[tilespmem:s6+$0x14288] =	vst v0  }
0x3c2: {  	v0 =	vld [tilespmem:s7+$0x14298];
	_ =	sdelay $0x3  }
0x3c3: {  	v60 =	vunpack.i.u.bf16.f32 v58  }
0x3c4: {  	v1 =	vunpack.i.l.bf16.f32 v58;
	v59 =	vunpack.i.u.bf16.f32 v0;
	v0 =	vunpack.i.l.bf16.f32 v0  }
0x3c5: {  	v2 =	vadd.f32 v60, v59;
	v0 =	vadd.f32 v1, v0;
	_ =	sdelay $0x1  }
0x3c6: {  	v0 =	vpack.i.f32.bf16 v2, v0  }
0x3c7: {  	v61 =	vld [tilespmem:s6+$0x142A8];
	[tilespmem:s6+$0x14298] =	vst v0  }
0x3c8: {  	v0 =	vld [tilespmem:s7+$0x142A8];
	_ =	sdelay $0x3  }
0x3c9: {  	v63 =	vunpack.i.u.bf16.f32 v61  }
.Ltmp50:
0x3ca: {  	v1 =	vunpack.i.l.bf16.f32 v61;
	v62 =	vunpack.i.u.bf16.f32 v0;
	v0 =	vunpack.i.l.bf16.f32 v0;
	(pc) =	sbr.rel .LBB3_58-.Ltmp50, $3  }
0x3cb: {  	v2 =	vadd.f32 v63, v62;
	v0 =	vadd.f32 v1, v0;
	_ =	sdelay $0x1  }
0x3cc: {  	v0 =	vpack.i.f32.bf16 v2, v0  }
0x3cd: {  	[tilespmem:s6+$0x142A8] =	vst v0  }
.LBB3_54:
0x3ce: {  	p1 =	slt.u32 s6, $0x61A702  }
.Ltmp51:
0x3cf: {  	_ = 	snop;
	(pc) =	sbr.rel @p1 .LBB3_56-.Ltmp51, $1  }
0x3d0: {  	_ =	sdelay $0x3  }
.Ltmp52:
0x3d1: {  	(pc) =	sbr.rel .LBB3_57-.Ltmp52, $2  }
0x3d2: {  	_ =	sdelay $0x2  }
0x3d3: {  	s6 =	sshll.u32 s5, $0x9  }
.LBB3_59:
0x3d4: {  	p1 =	slt.s32 s2, $0x1  }
.Ltmp53:
0x3d5: {  	_ = 	snop;
	(pc) =	sbr.rel @p1 .LBB3_63-.Ltmp53, $3  }
0x3d6: {  	_ =	sdelay $0x1  }
0x3d7: {  	s0 =	simm.s32 $0x8  }
0x3d8: {  	s3 =	simm.s32 $0x0;
	[sflag:s0] =	ssyncpa.u1 $0x1  }
0x3d9: {  	s0 =	simm.s32 $0x14218  }
0x3da: {  	v0 =	vld.msk [tilespmem:s0+$0x0], $0x1;
	_ =	sdelay $0x4  }
0x3db: {  	(v2sf) =	vpush v0, $0x0;
	_ =	sdelay $0xd  }
0x3dc: {  	s2 =	sadd.s32 $0xFFFFFFFF, s2  }
0x3dd: {  	p1 =	sne.s32 s2, $0x0;
	s0 =	spop (v2sf)  }
.Ltmp54:
0x3de: {  	p2 =	sgt.u32 s0, $0x61A701;
	(pc) =	sbr.rel @!p1 .LBB3_62-.Ltmp54, $4  }
0x3df: {  	s5 =	sshrl.u32 @!p2 s0, $0x1;
	s0 =	sshrl.u32 @!p2 s0, $0x4  }
0x3e0: {  	s4 =	simm.s32 $0x14238;
	s0 =	sadd.s32 @!p2 s1, s0;
	s5 =	sand.u32 @!p2 $0x7, s5  }
0x3e1: {  	[hbm4b:s0+s5] =	stream.linear.scatter @!p2 [tilespmem:s4], [sflag:$0x7], $0x80, $0x38;
	[tilespmem:$0x1F4C8] =	vst v63  }
0x3e2: {  	s6 =	simm.s32 $0x14219;
	s5 =	simm.s32 $0x0  }
.LBB3_61:
0x3e3: {  	s0 =	simm.s32 $0x0  }
0x3e4: {  	v0 =	vld.msk [tilespmem:s6+$0x0], $0x1;
	s2 =	sadd.s32 $0xFFFFFFFF, s2;
	s0 =	simm.s32 @!p2 $0x200  }
0x3e5: {  	p1 =	sne.s32 s2, $0x0;
	s3 =	sadd.s32 s3, s0;
	_ =	sdelay $0x3  }
0x3e6: {  	(v2sf) =	vpush v0, $0x0;
	_ =	sdelay $0xe  }
.Ltmp55:
0x3e7: {  	s0 =	spop (v2sf);
	(pc) =	sbr.rel @p1 .LBB3_61-.Ltmp55, $4  }
0x3e8: {  	p2 =	sgt.u32 s0, $0x61A701  }
0x3e9: {  	s4 =	sadd.s32 $0x80, s4;
	s7 =	sshrl.u32 @!p2 s0, $0x1;
	s0 =	sshrl.u32 @!p2 s0, $0x4  }
0x3ea: {  	s6 =	sadd.s32 $0x1, s6;
	s0 =	sadd.s32 @!p2 s1, s0;
	s7 =	sand.u32 @!p2 $0x7, s7  }
0x3eb: {  	[hbm4b:s0+s7] =	stream.linear.scatter @!p2 [tilespmem:s4], [sflag:$0x7], $0x80, $0x38;
	[tilespmem:$0x1F4C8] =	vst v63  }
.LBB3_62:
0x3ec: {  	s5 =	simm.s32 @!p2 $0x200  }
0x3ed: {  	s0 =	sadd.s32 s3, s5  }
0x3ee: {  	s3 =	sshrl.u32 s0, $0x2  }
.LBB3_63:
0x3ef: {  	s0 =	simm.s32 $0x7  }
0x3f0: {  	_ =	swait.ge [sflag:s0], s3  }
0x3f1: {  	s1 =	ssub.s32 $0x0, s3;
	[sflag:s0] =	ssyncset.done $0x0  }
0x3f2: {  	[sflag:s0] =	ssyncadd.s32 s1  }
0x3f3: {  	[sflag:s0] =	ssyncpa.u1 $0x1  }
.LBB3_64:
0x3f4: {  	_ =	sfence;
	s0 =	simm.s32 $0x1  }
0x3f5: {  	[sflag:s0] =	ssyncpa.u1 $0x1  }
0x3f6: {  	_ =	strace $0x9000005C  }
0x3f7: {  	[bflag:$0x2] =	sbarrier.arrive $0xFFFF  }
0x3f8: {  	s0 =	rddreg [dreg:$0x4]  }
0x3f9: {  	s0 =	sadd.s32 @!p0 $0x100000, s0  }
0x3fa: {  	[sflag:s0] =	ssyncadd.tile.s32 @!p0 $0x1;
	_ =	shalt  }
.Lfunc_end3:
_tile_overlayer_lowered:
.L_overlay_start_3:
0x3fb: {  	(tag) =	ssettag $0x3  }
0x3fc: {  	s0 =	rddreg [dreg:$0x0];
	s2 =	stileid.u32  }
0x3fd: {  	s1 =	rddreg [dreg:$0x1];
	p0 =	sne.s32 s2, $0x0  }
0x3fe: {  	s3 =	rddreg [dreg:$0x2];
	[bflag:$0x3] =	sbarrier.arrive $0xFFFF;
	s2 =	simm.s32 @!p0 $0x1C01  }
0x3ff: {  	[timem:s3], [sflag:s2] =	dma.local @!p0 [hbm:s0], s1  }
0x400: {  	s0 =	simm.s32 @!p0 $0x1  }
0x401: {  	_ =	swait.ge @!p0 [sflag:s0], s1  }
0x402: {  	s1 =	ssub.s32 @!p0 $0x0, s1;
	[sflag:s0] =	ssyncset.done @!p0 $0x0  }
0x403: {  	[sflag:s0] =	ssyncadd.s32 @!p0 s1  }
0x404: {  	[bflag:$0x3] =	sbarrier.arrive $0xFFFF  }
0x405: {  	_ =	shalt  }

// kernel: scatter_offload_async_start.2
scs
__scs_entry_jumppad:
0x0: {  	(pc) =	sbr.rel $0x88, $3  }
0x1: {  	(tag) =	ssettag $0x0;
	lr =	simm.s32 $0x1  }
0x2: {  	[smem:$0x3F8A] =	sst lr;
	_ =	strace $0xD0000000  }
0x3: {  	_ = 	snop  }
0x4: {  	_ = 	snop  }
0x5: {  	_ = 	snop  }
0x6: {  	_ = 	snop  }
0x7: {  	_ = 	snop  }
__scs_overlays_trampoline_lowered:
0x8: {  	[smem:$0x3F99] =	sst s0  }
0x9: {  	[smem:$0x3F9A] =	sst s1  }
0xa: {  	[smem:$0x3F9B] =	sst s2  }
0xb: {  	[smem:$0x3F9C] =	sst s3  }
0xc: {  	[smem:$0x3F9D] =	sst s4  }
0xd: {  	[smem:$0x3F9E] =	sst s5  }
0xe: {  	[smem:$0x3F9F] =	sst s6  }
0xf: {  	[smem:$0x3FA0] =	sst s7  }
0x10: {  	[smem:$0x3FA1] =	sst s8  }
0x11: {  	[smem:$0x3FA2] =	sst s9;
	s0 =	simm.s32 @!p0 $0x0  }
0x12: {  	s1 =	sld [smem:$0x3F88];
	s0 =	simm.s32 @p0 $0x1  }
0x13: {  	[smem:$0x3FA3] =	sst s0;
	s0 =	simm.s32 @!p1 $0x0  }
0x14: {  	s2 =	sld [smem:$0x3F87];
	s0 =	simm.s32 @p1 $0x1  }
0x15: {  	[smem:$0x3FA4] =	sst s0;
	s0 =	simm.s32 @!p2 $0x0  }
0x16: {  	s3 =	sld [smem:$0x3FDB];
	s0 =	simm.s32 @p2 $0x1  }
0x17: {  	s4 =	simm.s32 $0x1BF5;
	[smem:$0x3FA6] =	sst s0  }
0x18: {  	s0 =	sld [smem:$0x3F89];
	_ =	swait.ge [sflag:s4], $0x0  }
0x19: {  	s7 =	sld [smem:$0x3F8A]  }
0x1a: {  	s8 =	sadd.s32 $0xFFFFE003, lr  }
0x1b: {  	s9 =	sadd.s32 $0xFFFFFEF7, lr;
	s5 =	simm.s32 $0xFFFFFFFF;
	p2 =	slt.u32 s8, $0xFFFFF086  }
0x1c: {  	p1 =	slt.u32 s9, $0xF7A;
	s5 =	simm.s32 @!p2 $0x0  }
0x1d: {  	s5 =	simm.s32 @p1 $0x1;
	p0 =	seq.s32 s7, s2  }
0x1e: {  	s7 =	smul.u32 @!p0 $0xF7A, s2;
	p2 =	seq.s32 @!p0 s5, $0x0  }
0x1f: {  	s9 =	smul.u32 $0xF7A, s1;
	s8 =	simm.s32 @!p0 $0x1BF5;
	p2 =	por !p2, p0  }
0x20: {  	[sflag:s8] =	ssyncset.s32 @!p0 $0xFFFFF086;
	s6 =	sadd.s32 @!p0 s3, s7;
	s7 =	simm.s32 @!p0 $0x108  }
0x21: {  	s3 =	sadd.s32 s3, s9;
	s6 =	sadd.s32 @!p0 $0x88, s6;
	s7 =	simm.s32 @p2 $0x1082  }
0x22: {  	[simem:s7], [sflag:s8] =	dma.local @!p0 [hbm:s6], $0xF7A  }
0x23: {  	s9 =	sor.u32 $0xD0000000, s2;
	s6 =	simm.s32 $0x108;
	_ =	swait.ge @!p0 [sflag:s8], $0x0  }
0x24: {  	s3 =	sadd.s32 $0x88, s3;
	s6 =	simm.s32 @!p1 $0x1082;
	[sflag:s4] =	ssyncset.s32 $0xFFFFF086  }
0x25: {  	[simem:s6], [sflag:s4] =	dma.local [hbm:s3], $0xF7A  }
0x26: {  	[smem:$0x3F8A] =	sst s1;
	(tag) =	ssettag s2;
	_ =	strace s9  }
0x27: {  	s1 =	sld [smem:$0x3F9A]  }
0x28: {  	s2 =	sld [smem:$0x3F9B]  }
0x29: {  	s4 =	sld [smem:$0x3F9D]  }
0x2a: {  	p0 =	seq.s32 s5, $0x0;
	s5 =	sld [smem:$0x3F9E]  }
0x2b: {  	s6 =	sld [smem:$0x3F9F]  }
0x2c: {  	s7 =	sld [smem:$0x3FA0]  }
0x2d: {  	s3 =	simm.s32 $0x108;
	s8 =	sld [smem:$0x3FA1]  }
0x2e: {  	s3 =	simm.s32 @!p0 $0x1082;
	s9 =	sld [smem:$0x3FA2]  }
0x2f: {  	lr =	sadd.s32 s0, s3;
	s0 =	sld [smem:$0x3F99]  }
0x30: {  	s3 =	sld [smem:$0x3F9C]  }
0x31: {  	[smem:$0x3FA5] =	sst s10  }
0x32: {  	s10 =	sld [smem:$0x3FA3];
	_ =	sdelay $0x3  }
0x33: {  	p0 =	seq.s32 s10, $0x1;
	s10 =	sld [smem:$0x3FA5];
	_ =	sdelay $0x3  }
0x34: {  	[smem:$0x3FA5] =	sst s10  }
0x35: {  	s10 =	sld [smem:$0x3FA4];
	_ =	sdelay $0x3  }
0x36: {  	p1 =	seq.s32 s10, $0x1;
	s10 =	sld [smem:$0x3FA5];
	_ =	sdelay $0x3  }
0x37: {  	[smem:$0x3FA5] =	sst s10  }
0x38: {  	s10 =	sld [smem:$0x3FA6]  }
0x39: {  	_ = 	snop;
	(pc) =	sbr.ind lr, $3  }
0x3a: {  	_ = 	snop  }
0x3b: {  	_ = 	snop  }
0x3c: {  	p2 =	seq.s32 s10, $0x1;
	s10 =	sld [smem:$0x3FA5]  }
0x3d: {  	_ =	shalt  }
0x3e: {  	_ =	shalt  }
0x3f: {  	_ =	shalt  }
0x40: {  	_ =	shalt  }
0x41: {  	_ =	shalt  }
0x42: {  	_ =	shalt  }
0x43: {  	_ =	shalt  }
0x44: {  	_ =	shalt  }
0x45: {  	_ =	shalt  }
0x46: {  	_ =	shalt  }
0x47: {  	_ =	shalt  }
0x48: {  	_ =	shalt  }
0x49: {  	_ =	shalt  }
0x4a: {  	_ =	shalt  }
0x4b: {  	_ =	shalt  }
0x4c: {  	_ =	shalt  }
0x4d: {  	_ =	shalt  }
0x4e: {  	_ =	shalt  }
0x4f: {  	_ =	shalt  }
0x50: {  	_ =	shalt  }
0x51: {  	_ =	shalt  }
0x52: {  	_ =	shalt  }
0x53: {  	_ =	shalt  }
0x54: {  	_ =	shalt  }
0x55: {  	_ =	shalt  }
0x56: {  	_ =	shalt  }
0x57: {  	_ =	shalt  }
0x58: {  	_ =	shalt  }
0x59: {  	_ =	shalt  }
0x5a: {  	_ =	shalt  }
0x5b: {  	_ =	shalt  }
0x5c: {  	_ =	shalt  }
0x5d: {  	_ =	shalt  }
0x5e: {  	_ =	shalt  }
0x5f: {  	_ =	shalt  }
0x60: {  	_ =	shalt  }
0x61: {  	_ =	shalt  }
0x62: {  	_ =	shalt  }
0x63: {  	_ =	shalt  }
0x64: {  	_ =	shalt  }
0x65: {  	_ =	shalt  }
0x66: {  	_ =	shalt  }
0x67: {  	_ =	shalt  }
0x68: {  	_ =	shalt  }
0x69: {  	_ =	shalt  }
0x6a: {  	_ =	shalt  }
0x6b: {  	_ =	shalt  }
0x6c: {  	_ =	shalt  }
0x6d: {  	_ =	shalt  }
0x6e: {  	_ =	shalt  }
0x6f: {  	_ =	shalt  }
0x70: {  	_ =	shalt  }
0x71: {  	_ =	shalt  }
0x72: {  	_ =	shalt  }
0x73: {  	_ =	shalt  }
0x74: {  	_ =	shalt  }
0x75: {  	_ =	shalt  }
0x76: {  	_ =	shalt  }
0x77: {  	_ =	shalt  }
0x78: {  	_ =	shalt  }
0x79: {  	_ =	shalt  }
0x7a: {  	_ =	shalt  }
0x7b: {  	_ =	shalt  }
0x7c: {  	_ =	shalt  }
0x7d: {  	_ =	shalt  }
0x7e: {  	_ =	shalt  }
0x7f: {  	_ =	shalt  }
0x80: {  	_ =	shalt  }
0x81: {  	_ =	shalt  }
0x82: {  	_ =	shalt  }
0x83: {  	_ =	shalt  }
0x84: {  	_ =	shalt  }
0x85: {  	_ =	shalt  }
0x86: {  	_ =	shalt  }
0x87: {  	_ =	shalt  }
.Lfunc_end0:
.L_simem_size_0:
called_computation.2_lowered:
.L_overlay_start_0:
0x88: {  	s2 =	sld [smem:$0x3FD9]  }
0x89: {  	s3 =	sld [smem:$0x3FFE];
	_ =	sdelay $0x1  }
0x8a: {  	s1 =	srdreg.scid  }
0x8b: {  	s0 =	sand.u32 $0x1, s1  }
0x8c: {  	s16 =	sshll.u32 s0, $0xA;
	s2 =	sadd.s32 s3, s2  }
0x8d: {  	s2 =	sadd.s32 s2, s16  }
0x8e: {  	[smem:$0x3FB1] =	sst s2  }
0x8f: {  	_ = 	snop  }
0x90: {  	s2 =	sld [smem:$0x3FD0];
	(tm) =	ssettm $0x1  }
0x91: {  	s17 =	sld [smem:$0x3FFB];
	_ =	sdelay $0x3  }
0x92: {  	_ =	strace s17  }
0x93: {  	s3 =	sld [smem:$0x3FFC];
	_ =	sdelay $0x3  }
0x94: {  	_ =	strace s3  }
0x95: {  	s3 =	sld [smem:$0x3FFD];
	_ =	sdelay $0x3  }
0x96: {  	_ =	strace s3  }
0x97: {  	_ =	strace $0x8FFFFFFF  }
0x98: {  	s18 =	sld [smem:$0x3FDB];
	_ =	sdelay $0x1  }
0x99: {  	s4 =	simm.s32 $_scs_section_size  }
0x9a: {  	s5 =	simm.s32 $_size__tile_overlayer_lowered;
	s6 =	simm.s32 $_tile_overlayer_lowered  }
0x9b: {  	s21 =	simm.s32 $0x1BFF;
	s20 =	sshll.u32 s6, $0x1;
	s3 =	sadd.s32 s4, s18  }
0x9c: {  	s7 =	simm.s32 $0x0;
	s19 =	sshll.u32 s5, $0x1;
	s5 =	sadd.s32 s20, s3  }
0x9d: {  	[timem:s7], [sflag:s21] =	dma.local [hbm:s5], s19  }
0x9e: {  	_ =	swait.ge [sflag:s21], s19  }
0x9f: {  	s4 =	ssub.s32 $0x0, s19;
	[sflag:s21] =	ssyncset.done $0x0  }
0xa0: {  	[sflag:s21] =	ssyncadd.s32 s4;
	_ =	sdelay $0x1  }
0xa1: {  	s22 =	simm.s32 $0x1B8B  }
0xa2: {  	_ =	swait.ge [sflag:s22], $0x1  }
0xa3: {  	[sflag:s22] =	ssyncset.done $0x0  }
0xa4: {  	s23 =	sld [smem:$0x3FFE];
	[sflag:s22] =	ssyncadd.s32 $0xFFFFFFFF  }
0xa5: {  	s25 =	simm.s32 $0x1B8E;
	s24 =	sld [smem:$0x0]  }
0xa6: {  	s26 =	simm.s32 $execute0_lowered;
	[smem:$0x3FD2] =	sst s25  }
0xa7: {  	s6 =	sshll.u32 s26, $0x1;
	_ =	strace $0x80000061;
	[dreg:$0x1] =	wrdreg $0xFFFFFFFF  }
0xa8: {  	s28 =	simm.s32 $_size_execute0_lowered;
	s3 =	sadd.s32 s3, s6;
	[dreg:$0x0] =	wrdreg $0x0  }
0xa9: {  	s6 =	sshll.u32 s28, $0x1;
	[dreg:$0x2] =	wrdreg s3  }
0xaa: {  	[dreg:$0x3] =	wrdreg s6  }
0xab: {  	[dreg:$0x4] =	wrdreg $0xC0  }
0xac: {  	_ =	task [dreg:s7], $0x5FFFF  }
0xad: {  	[dreg:$0x1] =	wrdreg $0xFFFFFFFF  }
0xae: {  	[dreg:$0x0] =	wrdreg $0x60  }
0xaf: {  	[dreg:$0x2] =	wrdreg s23  }
0xb0: {  	[dreg:$0x3] =	wrdreg s2  }
0xb1: {  	[dreg:$0x4] =	wrdreg s1  }
0xb2: {  	[dreg:$0x5] =	wrdreg s24  }
0xb3: {  	[dreg:$0x6] =	wrdreg $0x9  }
0xb4: {  	_ =	task.clear_ibuf [dreg:s7], $0x7FFFF;
	_ =	strace $0x90000061  }
0xb5: {  	s29 =	simm.s32 $0x9;
	_ =	strace $0x80000063  }
0xb6: {  	_ =	swait.ge [sflag:s29], $0x1  }
0xb7: {  	[sflag:s29] =	ssyncadd.s32 $0xFFFFFFFF  }
0xb8: {  	_ =	strace $0x90000063  }
0xb9: {  	_ =	sfence  }
0xba: {  	s30 =	sld [smem:$0x0];
	_ =	sdelay $0x2  }
0xbb: {  	s31 =	sshll.u32 s1, $0xD;
	s1 =	sshrl.u32 s1, $0x2  }
0xbc: {  	s3 =	sand.u32 $0x4000, s31;
	s1 =	sadd.s32 s1, s30  }
0xbd: {  	s0 =	sor.u32 s3, s0;
	s1 =	sshll.u32 s1, $0x11  }
0xbe: {  	s0 =	sor.u32 s1, s0  }
0xbf: {  	s0 =	sadd.s32 $0x8F2B, s0  }
0xc0: {  	[sflag:s0] =	ssyncadd.remote.s32 $0x1  }
0xc1: {  	_ =	sfence.sel $0xFFFF  }
0xc2: {  	[dreg:$0x0] =	wrdreg $0xFFFFFFFF;
	(pc) =	sbr.abs _section_cstart, $3  }
0xc3: {  	[dreg:$0x1] =	wrdreg $0xFFFFFFFF  }
0xc4: {  	_ =	task.clear_ibuf [dreg:s7], $0x2FFFF;
	_ =	strace $0x9FFFFFFF  }
0xc5: {  	(tm) =	ssettm $0x7FFFFFFF  }
tec
execute0_lowered:
.L_overlay_start_1:
0x0: {  	(tag) =	ssettag $0x1  }
0x1: {  	s2 =	rddreg [dreg:$0x0]  }
0x2: {  	s5 =	rddreg [dreg:$0x1]  }
0x3: {  	s4 =	rddreg [dreg:$0x2];
	_ =	strace $0x80000062;
	s1 =	simm.s32 $0x1  }
0x4: {  	s9 =	simm.s32 $0x108;
	v0 =	vimm.s32 $0x0;
	[sflag:s1] =	ssyncpa.u1 $0x0  }
0x5: {  	[tilespmem:s9+$0x70] =	vst v0  }
0x6: {  	[tilespmem:s9+$0x60] =	vst v0  }
0x7: {  	[tilespmem:s9+$0x50] =	vst v0  }
0x8: {  	[tilespmem:s9+$0x40] =	vst v0  }
0x9: {  	[tilespmem:s9+$0x30] =	vst v0  }
0xa: {  	[tilespmem:s9+$0x20] =	vst v0  }
0xb: {  	s1 =	sadd.s32 $0x188C00, s2;
	s6 =	sadd.s32 $0x57600, s2;
	s2 =	simm.s32 $0x40;
	[tilespmem:s9+$0x10] =	vst v0  }
.LBB2_1:
0xc: {  	s2 =	sadd.s32 $0x40, s2;
	[tilespmem:s9+$0x0] =	vst v0;
	s9 =	sadd.s32 $0x80, s9  }
0xd: {  	p0 =	slt.u32 s2, $0x5040;
	[tilespmem:s9+$0x70] =	vst v0  }
0xe: {  	[tilespmem:s9+$0x60] =	vst v0  }
.Ltmp0:
0xf: {  	[tilespmem:s9+$0x50] =	vst v0;
	(pc) =	sbr.rel @p0 .LBB2_1-.Ltmp0, $4  }
0x10: {  	[tilespmem:s9+$0x40] =	vst v0  }
0x11: {  	[tilespmem:s9+$0x30] =	vst v0  }
0x12: {  	[tilespmem:s9+$0x20] =	vst v0  }
0x13: {  	[tilespmem:s9+$0x10] =	vst v0  }
0x14: {  	s2 =	srdreg.scid  }
0x15: {  	s7 =	sshll.u32 s2, $0x4  }
0x16: {  	s2 =	stileid.u32;
	s7 =	sand.u32 $0x10, s7  }
0x17: {  	s8 =	sor.u32 s2, s7  }
0x18: {  	s7 =	smul.u32 $0x27, s8  }
0x19: {  	s10 =	smin.u32 s8, $0x2  }
0x1a: {  	s7 =	sadd.s32 s10, s7  }
0x1b: {  	p0 =	slt.u32 s8, $0x2;
	s8 =	simm.s32 $0x3200;
	s7 =	smul.u32 $0x140, s7  }
0x1c: {  	s8 =	simm.s32 @!p0 $0x30C0  }
0x1d: {  	s8 =	sadd.s32 s8, s7  }
0x1e: {  	s8 =	smin.u32 s8, $0x61A80  }
0x1f: {  	s11 =	ssub.s32 s8, s7  }
0x20: {  	p0 =	sgt.s32 s11, $0x0  }
0x21: {  	s11 =	simm.s32 @!p0 $0x0  }
0x22: {  	s31 =	smulhi.u32 $0x66666667, s11;
	_ =	sdelay $0x1  }
0x23: {  	s12 =	sshrl.u32 s31, $0x7  }
0x24: {  	[tilespmem:s9+$0x0] =	vst v0;
	s9 =	simm.s32 $0x2;
	s13 =	smul.u32 $0x140, s12  }
.Ltmp1:
0x25: {  	s17 =	simm.s32 $0x0;
	s14 =	simm.s32 $0xA;
	(pc) =	sbr.rel .LBB2_3-.Ltmp1, $4  }
0x26: {  	v0 =	vimm.s32 $0xFFFFFFFF;
	s16 =	simm.s32 $0x0;
	[sflag:s9] =	ssyncpa.u1 $0x0;
	s10 =	simm.s32 $0x9  }
0x27: {  	[tilespmem:$0x14208] =	vst v0;
	[sflag:s10] =	ssyncpa.u1 $0x0;
	p0 =	sne.s32 s11, s13;
	s13 =	simm.s32 $0x1  }
0x28: {  	s15 =	smov.u32 s7;
	s11 =	simm.s32 $0x1;
	s13 =	simm.s32 @!p0 $0x0  }
0x29: {  	v0 =	vlaneseq.u32;
	p0 =	por $0x0, $0x0;
	s12 =	sadd.s32 s13, s12;
	s13 =	sshll.u32 s2, $0x8  }
.LBB2_20:
0x2a: {  	s17 =	sshrl.u32 s24, $0x2  }
.LBB2_22:
0x2b: {  	_ =	swait.ge [sflag:s14], s17;
	v1 =	vmov s20;
	vm0 =	veq.s32 v0, $0x0  }
0x2c: {  	s0 =	ssub.s32 $0x0, s17;
	vm14 =	veq.s32 v0, $0x2;
	[sflag:s14] =	ssyncset.done $0x0;
	v1 =	vsel vm0, s19, v1  }
0x2d: {  	vm15 =	veq.s32 v0, $0x3;
	[sflag:s14] =	ssyncadd.s32 s0;
	v1 =	vsel vm14, s21, v1  }
0x2e: {  	[sflag:s14] =	ssyncpa.u1 $0x1;
	v1 =	vsel vm15, s28, v1  }
0x2f: {  	[tilespmem:$0x14208] =	vst v1  }
.LBB2_23:
0x30: {  	s0 =	sadd.s32 $0x140, s15  }
0x31: {  	s3 =	smov.u32 s7;
	p1 =	slt.s32 s0, s8  }
0x32: {  	s3 =	smov.u32 @p1 s0;
	p1 =	sne.s32 s16, s12  }
.Ltmp2:
0x33: {  	_ = 	snop;
	(pc) =	sbr.rel @!p1 .LBB2_24-.Ltmp2, $3  }
0x34: {  	_ =	sdelay $0x1  }
0x35: {  	s31 =	sadd.s32 $0x1, s16;
	s17 =	smov.u32 s15  }
0x36: {  	p0 =	por !p0, !p0;
	s16 =	smov.u32 s31;
	s15 =	smov.u32 s3  }
.LBB2_3:
0x37: {  	p1 =	sge.u32 s16, s12  }
0x38: {  	p2 =	sgt.s32 @!p1 s15, $0x61940  }
0x39: {  	s18 =	smov.u32 s15;
	s19 =	sshra.s32 @!p1 s15, $0x1F;
	p2 =	por !p2, p1  }
0x3a: {  	s19 =	sand.u32 @!p1 s19, s15;
	s18 =	simm.s32 @p2 $0x61940  }
0x3b: {  	s18 =	ssub.s32 @!p1 s18, s19  }
0x3c: {  	s19 =	sxor.u32 @!p1 $0xFFFFFFFF, s16;
	s18 =	sadd.s32 @!p1 $0xFFF9E6C0, s18  }
0x3d: {  	s19 =	sand.u32 @!p1 $0x1, s19;
	s20 =	sshll.u32 @!p1 s18, $0x2  }
0x3e: {  	p2 =	sgt.s32 @!p1 s18, $0x13F;
	s18 =	ssub.s32 @!p1 $0x500, s20;
	s20 =	smul.u32 @!p1 $0x500, s19  }
0x3f: {  	s21 =	sshrl.u32 @!p1 s15, $0x3;
	s22 =	sand.u32 @!p1 $0x7, s15  }
0x40: {  	p2 =	por !p2, p1;
	s18 =	sshrl.u32 @!p1 s18, $0x2;
	s20 =	sshrl.u32 @!p1 s20, $0x2  }
0x41: {  	s21 =	sadd.s32 @!p1 s6, s21;
	s18 =	simm.s32 @!p2 $0x0;
	s20 =	sadd.s32 @!p1 $0x15248, s20  }
0x42: {  	[tilespmem:s20], [sflag:$0x9] =	stream.linear.gather @!p1 [hbm4b:s21+s22], s18, $0x38;
	[tilespmem:$0x1F4C8] =	vst v63  }
0x43: {  	s18 =	ssub.s32 @!p1 $0x61A80, s15  }
0x44: {  	p2 =	sgt.s32 @!p1 s18, $0x0  }
0x45: {  	s19 =	smul.u32 @!p1 $0x14000, s19;
	p2 =	por !p2, p1  }
0x46: {  	s18 =	simm.s32 @p2 $0x0  }
0x47: {  	s19 =	sshrl.u32 @!p1 s19, $0x2;
	s20 =	sshll.u32 @!p1 s15, $0x3;
	s18 =	smin.u32 @!p1 s18, $0x140  }
0x48: {  	s19 =	sadd.s32 @!p1 $0x154C8, s19;
	s20 =	sadd.s32 @!p1 s5, s20;
	s18 =	sshll.u32 @!p1 s18, $0x6  }
0x49: {  	[tilespmem:s19], [sflag:$0x9] =	stream.linear.gather @!p1 [hbm:s20], s18, $0x38;
	[tilespmem:$0x1F4C8] =	vst v63  }
0x4a: {  	p1 =	seq.s32 s16, $0x0  }
.Ltmp3:
0x4b: {  	_ = 	snop;
	(pc) =	sbr.rel @p1 .LBB2_23-.Ltmp3, $1  }
0x4c: {  	_ =	sdelay $0x3  }
0x4d: {  	p1 =	sgt.s32 s17, $0x61940  }
0x4e: {  	s18 =	smov.u32 s17;
	s19 =	sshra.s32 s17, $0x1F;
	s20 =	ssub.s32 $0x61A80, s17  }
0x4f: {  	s18 =	simm.s32 @!p1 $0x61940;
	s19 =	sand.u32 s19, s17;
	p1 =	sgt.s32 s20, $0x0  }
0x50: {  	s18 =	ssub.s32 s18, s19;
	s20 =	simm.s32 @!p1 $0x0  }
0x51: {  	s18 =	sadd.s32 $0xFFF9E6C0, s18;
	s29 =	smin.u32 s20, $0x140  }
0x52: {  	s21 =	sshll.u32 s18, $0x2;
	s19 =	sshll.u32 s29, $0x6  }
0x53: {  	p1 =	sgt.s32 s18, $0x13F;
	s30 =	ssub.s32 $0x500, s21;
	_ =	swait.ge [sflag:s10], s19  }
0x54: {  	s19 =	ssub.s32 $0x0, s19;
	[sflag:s10] =	ssyncset.done $0x0;
	s18 =	sshrl.u32 s30, $0x2  }
0x55: {  	[sflag:s10] =	ssyncadd.s32 s19;
	s18 =	simm.s32 @p1 $0x0  }
0x56: {  	_ =	swait.ge [sflag:s10], s18  }
0x57: {  	s18 =	ssub.s32 $0x0, s18;
	[sflag:s10] =	ssyncset.done $0x0  }
0x58: {  	[sflag:s10] =	ssyncadd.s32 s18  }
0x59: {  	v1 =	vld [tilespmem:$0x14208];
	_ =	sdelay $0x4  }
0x5a: {  	(v2sf) =	vpush v1, $0x0  }
0x5b: {  	(v2sf) =	vpush v1, $0x1  }
0x5c: {  	(v2sf) =	vpush v1, $0x2  }
0x5d: {  	(v2sf) =	vpush v1, $0x3;
	_ =	sdelay $0x3  }
0x5e: {  	s18 =	sadd.s32 $0x140, s17  }
0x5f: {  	p1 =	slt.s32 s8, s18  }
0x60: {  	s18 =	smov.u32 @p1 s8  }
0x61: {  	s17 =	ssub.s32 s18, s17  }
0x62: {  	p1 =	slt.s32 s20, s17  }
0x63: {  	s17 =	smov.u32 @p1 s20  }
0x64: {  	s19 =	simm.s32 $0x1;
	p1 =	slt.s32 s17, $0x1  }
.Ltmp4:
0x65: {  	s19 =	simm.s32 @!p0 $0x0;
	(pc) =	sbr.rel @p1 .LBB2_8-.Ltmp4, $4  }
0x66: {  	s31 =	smul.u32 $0x500, s19;
	s24 =	spop (v2sf)  }
0x67: {  	s25 =	spop (v2sf)  }
0x68: {  	s18 =	sshrl.u32 s31, $0x2;
	s21 =	spop (v2sf)  }
0x69: {  	s23 =	simm.s32 $0x0;
	s18 =	sadd.s32 $0x15248, s18;
	s28 =	spop (v2sf)  }
0x6a: {  	s19 =	smin.u32 s17, $0x10  }
0x6b: {  	v1 =	vmov s19  }
0x6c: {  	vm1 =	vgt.u32 v1, v0  }
0x6d: {  	p2 =	sgt.s32 s17, $0x10  }
.Ltmp5:
0x6e: {  	_ = 	snop;
	(pc) =	sbr.rel @!p2 .LBB2_7-.Ltmp5, $2  }
0x6f: {  	_ =	sdelay $0x2  }
0x70: {  	s20 =	simm.s32 $0x10;
	s22 =	sadd.s32 $0xFFFFFFF0, s17;
	s19 =	smov.u32 s18;
	vm0 =	vmmov vm1;
	v1 =	vld.msk [tilespmem:s18+$0x0 ss:$0x1], vm1  }
.LBB2_6:
0x71: {  	s26 =	smin.u32 s22, $0x10;
	s20 =	sadd.s32 $0x10, s20  }
0x72: {  	v2 =	vmov s26;
	p2 =	slt.s32 s20, s17  }
0x73: {  	vm1 =	vgt.u32 v2, v0;
	_ =	sdelay $0x1  }
0x74: {  	v2 =	vshll.u32 v1, $0x7  }
.Ltmp6:
0x75: {  	v1 =	vand.u32 $0x1, v1;
	v2 =	vand.u32 $0xFFFFFF00, v2;
	(pc) =	sbr.rel @p2 .LBB2_6-.Ltmp6, $4  }
0x76: {  	v1 =	vor.u32 v1, v2  }
0x77: {  	[tilespmem:s19+$0x0] =	vst.msk vm0, v1;
	s19 =	sadd.s32 $0x10, s19;
	vm0 =	vmmov vm1  }
0x78: {  	v1 =	vld.msk [tilespmem:s19+$0x0 ss:$0x1], vm1  }
0x79: {  	s22 =	sadd.s32 $0xFFFFFFF0, s22  }
.LBB2_7:
0x7a: {  	_ =	sdelay $0x3  }
0x7b: {  	v2 =	vshll.u32 v1, $0x7  }
0x7c: {  	v1 =	vand.u32 $0x1, v1;
	v2 =	vand.u32 $0xFFFFFF00, v2  }
0x7d: {  	v1 =	vor.u32 v1, v2  }
0x7e: {  	[tilespmem:s19+$0x0] =	vst.msk vm0, v1  }
.LBB2_8:
0x7f: {  	s22 =	sand.u32 $0x1, s16  }
0x80: {  	s19 =	smul.u32 $0x140, s22  }
0x81: {  	p2 =	sne.s32 s25, $0xFFFFFFFF  }
0x82: {  	v1 =	vld.msk @!p2 [tilespmem:s19+$0x15248], $0x1;
	_ =	sdelay $0x4  }
0x83: {  	(v2sf) =	vpush @!p2 v1, $0x0;
	_ =	sdelay $0xc  }
.Ltmp7:
0x84: {  	_ = 	snop;
	(pc) =	sbr.rel @p1 .LBB2_21-.Ltmp7, $4  }
0x85: {  	_ = 	snop  }
0x86: {  	s19 =	spop @!p2 (v2sf)  }
0x87: {  	s28 =	simm.s32 @!p2 $0x1;
	s21 =	simm.s32 @!p2 $0x0;
	s20 =	smov.u32 s19  }
0x88: {  	[sflag:s14] =	ssyncpa.u1 $0x0;
	s19 =	smov.u32 @p2 s24;
	s20 =	smov.u32 @p2 s25  }
0x89: {  	v1 =	vld.msk [tilespmem:s18+$0x0], $0x1;
	_ =	sdelay $0x4  }
0x8a: {  	(v2sf) =	vpush v1, $0x0;
	_ =	sdelay $0xe  }
0x8b: {  	s25 =	spop (v2sf)  }
0x8c: {  	s24 =	sxor.u32 s19, s25  }
0x8d: {  	p2 =	slt.u32 s24, $0x2;
	s24 =	sadd.s32 $0xFFFFFFFF, s17  }
0x8e: {  	p1 =	sgt.s32 @!p2 s19, $0x0;
	p3 =	sne.s32 s24, $0x0  }
.Ltmp8:
0x8f: {  	s30 =	smov.u32 s19;
	p1 =	por !p1, p2;
	(pc) =	sbr.rel @!p3 .LBB2_11-.Ltmp8, $4  }
0x90: {  	s30 =	simm.s32 @p1 $0x0  }
0x91: {  	s26 =	simm.s32 @!p2 $0x1;
	s29 =	simm.s32 @!p2 $0xA188;
	s30 =	smin.u32 @!p2 s30, $0x61A701  }
0x92: {  	s26 =	smov.u32 @p2 s23;
	s23 =	sshrl.u32 @!p2 s30, $0x1;
	s30 =	sshrl.u32 @!p2 s30, $0x4  }
0x93: {  	s30 =	sadd.s32 @!p2 s1, s30;
	s31 =	sand.u32 @!p2 $0x7, s23;
	s23 =	sadd.s32 $0x1, s18  }
.LBB2_10:
0x94: {  	s0 =	smov.u32 s26  }
0x95: {  	[tilespmem:s29], [sflag:$0x2] =	stream.linear.gather @!p2 [hbm4b:s30+s31], $0x80, $0x38;
	[tilespmem:$0x1F4C8] =	vst v63  }
0x96: {  	s24 =	sadd.s32 $0xFFFFFFFF, s24;
	s30 =	smov.u32 s25;
	v1 =	vld.msk [tilespmem:s23+$0x0], $0x1  }
0x97: {  	p1 =	sne.s32 s24, $0x0;
	_ =	sdelay $0x3  }
0x98: {  	(v2sf) =	vpush v1, $0x0;
	_ =	sdelay $0xe  }
0x99: {  	s25 =	spop (v2sf)  }
0x9a: {  	s26 =	sxor.u32 s30, s25  }
0x9b: {  	p2 =	slt.u32 s26, $0x2  }
0x9c: {  	p3 =	sgt.s32 @!p2 s30, $0x0;
	s29 =	sshll.u32 @!p2 s0, $0x9;
	s26 =	sadd.s32 @!p2 $0x1, s0  }
.Ltmp9:
0x9d: {  	p3 =	por !p3, p2;
	s29 =	sshra.s32 @!p2 s29, $0x2;
	(pc) =	sbr.rel @p1 .LBB2_10-.Ltmp9, $4  }
0x9e: {  	s26 =	smov.u32 @p2 s0;
	s30 =	simm.s32 @p3 $0x0;
	s29 =	sadd.s32 @!p2 $0xA188, s29  }
0x9f: {  	s0 =	smin.u32 @!p2 s30, $0x61A701  }
0xa0: {  	s31 =	sshrl.u32 @!p2 s0, $0x1;
	s0 =	sshrl.u32 @!p2 s0, $0x4  }
0xa1: {  	s23 =	sadd.s32 $0x1, s23;
	s30 =	sadd.s32 @!p2 s1, s0;
	s31 =	sand.u32 @!p2 $0x7, s31  }
.LBB2_11:
0xa2: {  	[tilespmem:s29], [sflag:$0x2] =	stream.linear.gather @!p2 [hbm4b:s30+s31], $0x80, $0x38;
	[tilespmem:$0x1F4C8] =	vst v63  }
0xa3: {  	s0 =	sshll.u32 s26, $0x7;
	s22 =	smul.u32 $0x14000, s22  }
.Ltmp10:
0xa4: {  	s0 =	sand.u32 $0x3FFFFF80, s0;
	(pc) =	sbr.rel .LBB2_12-.Ltmp10, $4  }
0xa5: {  	s23 =	simm.s32 $0x0;
	_ =	swait.ge [sflag:s9], s0  }
0xa6: {  	s0 =	ssub.s32 $0x0, s0;
	s31 =	sshrl.u32 s22, $0x2;
	[sflag:s9] =	ssyncset.done $0x0  }
0xa7: {  	s25 =	simm.s32 $0x0;
	[sflag:s9] =	ssyncadd.s32 s0;
	s0 =	sadd.s32 $0x154C8, s31  }
0xa8: {  	s24 =	simm.s32 $0x0;
	s26 =	simm.s32 $0x0;
	s22 =	sand.u32 $0xFFFFFFFE, s20;
	v1 =	vmov s0  }
.LBB2_13:
0xa9: {  	_ =	sdelay $0x2  }
0xaa: {  	s0 =	sand.u32 $0x7FFFFF80, s23  }
0xab: {  	v2 =	vld.idx.msk [tilespmem:v1+s0+$0x0 ss:$0x1], $0xffff;
	_ =	sdelay $0x3  }
0xac: {  	s29 =	sand.u32 $0x1, s26  }
0xad: {  	s31 =	sshll.u32 s21, $0x9;
	p1 =	seq.s32 s29, $0x1;
	v3 =	vunpack.i.u.bf16.f32 v2;
	v2 =	vunpack.i.l.bf16.f32 v2  }
0xae: {  	s29 =	sshra.s32 s31, $0x2;
	v2 =	vpsel p1, v3, v2  }
0xaf: {  	[tilespmem:s29+$0x108] =	vst.add.f32.msk $0xffff, v2  }
0xb0: {  	v2 =	vld.idx.msk [tilespmem:v1+s0+$0x10 ss:$0x1], $0xffff  }
0xb1: {  	s30 =	sand.u32 $0x7FFFFFC0, s23;
	v3 =	vld.idx.msk [tilespmem:v1+s0+$0x20 ss:$0x1], $0xffff  }
0xb2: {  	v4 =	vld.idx.msk [tilespmem:v1+s0+$0x30 ss:$0x1], $0xffff;
	s3 =	sor.u32 $0x40, s30  }
0xb3: {  	s31 =	sor.u32 $0x50, s30;
	v5 =	vld.idx.msk [tilespmem:v1+s3+$0x0 ss:$0x1], $0xffff  }
0xb4: {  	v6 =	vld.idx.msk [tilespmem:v1+s31+$0x0 ss:$0x1], $0xffff;
	s3 =	sor.u32 $0x60, s30  }
0xb5: {  	s31 =	sor.u32 $0x70, s30;
	v8 =	vld.idx.msk [tilespmem:v1+s3+$0x0 ss:$0x1], $0xffff;
	v7 =	vunpack.i.u.bf16.f32 v2;
	v2 =	vunpack.i.l.bf16.f32 v2  }
0xb6: {  	v9 =	vld.idx.msk [tilespmem:v1+s31+$0x0 ss:$0x1], $0xffff;
	v59 =	vunpack.i.u.bf16.f32 v3;
	v3 =	vunpack.i.l.bf16.f32 v3;
	v2 =	vpsel p1, v7, v2  }
0xb7: {  	[tilespmem:s29+$0x118] =	vst.add.f32.msk $0xffff, v2;
	v2 =	vpsel p1, v59, v3;
	v3 =	vunpack.i.u.bf16.f32 v4;
	v4 =	vunpack.i.l.bf16.f32 v4  }
0xb8: {  	v60 =	vunpack.i.l.bf16.f32 v5;
	[tilespmem:s29+$0x128] =	vst.add.f32.msk $0xffff, v2;
	v2 =	vpsel p1, v3, v4;
	v3 =	vunpack.i.u.bf16.f32 v5  }
0xb9: {  	v61 =	vunpack.i.l.bf16.f32 v6;
	[tilespmem:s29+$0x138] =	vst.add.f32.msk $0xffff, v2;
	v2 =	vpsel p1, v3, v60;
	v3 =	vunpack.i.u.bf16.f32 v6  }
0xba: {  	v62 =	vunpack.i.l.bf16.f32 v8;
	[tilespmem:s29+$0x148] =	vst.add.f32.msk $0xffff, v2;
	v2 =	vpsel p1, v3, v61;
	v3 =	vunpack.i.u.bf16.f32 v8  }
0xbb: {  	v63 =	vunpack.i.l.bf16.f32 v9;
	[tilespmem:s29+$0x158] =	vst.add.f32.msk $0xffff, v2;
	v2 =	vpsel p1, v3, v62;
	v3 =	vunpack.i.u.bf16.f32 v9  }
0xbc: {  	[tilespmem:s29+$0x168] =	vst.add.f32.msk $0xffff, v2;
	v2 =	vpsel p1, v3, v63  }
0xbd: {  	[tilespmem:s29+$0x178] =	vst.add.f32.msk $0xffff, v2  }
.LBB2_19:
0xbe: {  	s26 =	sadd.s32 $0x1, s26  }
0xbf: {  	p1 =	sne.s32 s17, s26  }
.Ltmp11:
0xc0: {  	_ = 	snop;
	(pc) =	sbr.rel @!p1 .LBB2_20-.Ltmp11, $2  }
0xc1: {  	_ =	sdelay $0x2  }
0xc2: {  	s23 =	sadd.s32 $0x40, s23;
	s18 =	sadd.s32 $0x1, s18  }
.LBB2_12:
0xc3: {  	v2 =	vld.msk [tilespmem:s18+$0x0], $0x1;
	_ =	sdelay $0x4  }
0xc4: {  	(v2sf) =	vpush v2, $0x0;
	_ =	sdelay $0xe  }
0xc5: {  	s30 =	smov.u32 s19;
	s19 =	spop (v2sf)  }
0xc6: {  	p1 =	sne.s32 s30, s19  }
.Ltmp12:
0xc7: {  	_ = 	snop;
	(pc) =	sbr.rel @!p1 .LBB2_13-.Ltmp12, $1  }
0xc8: {  	_ =	sdelay $0x3  }
0xc9: {  	s31 =	sand.u32 $0xFFFFFFFE, s30;
	s0 =	sand.u32 $0xFFFFFFFE, s19  }
0xca: {  	p1 =	sne.s32 s31, s0  }
.Ltmp13:
0xcb: {  	_ = 	snop;
	(pc) =	sbr.rel @p1 .LBB2_16-.Ltmp13, $2  }
0xcc: {  	_ =	sdelay $0x2  }
0xcd: {  	s29 =	sadd.s32 $0x1, s21  }
0xce: {  	_ =	sdelay $0x2  }
0xcf: {  	s0 =	sand.u32 $0x7FFFFF80, s23  }
0xd0: {  	s21 =	smulhi.u32 $0xCCCCCCCD, s29;
	v2 =	vld.idx.msk [tilespmem:v1+s0+$0x0 ss:$0x1], $0xffff  }
0xd1: {  	v3 =	vld.idx.msk [tilespmem:v1+s0+$0x10 ss:$0x1], $0xffff  }
0xd2: {  	s30 =	sand.u32 $0x7FFFFFC0, s23;
	v4 =	vld.idx.msk [tilespmem:v1+s0+$0x20 ss:$0x1], $0xffff;
	s21 =	sshrl.u32 s21, $0x8  }
0xd3: {  	v5 =	vld.idx.msk [tilespmem:v1+s0+$0x30 ss:$0x1], $0xffff;
	s3 =	sor.u32 $0x40, s30;
	s21 =	smul.u32 $0x140, s21  }
0xd4: {  	s31 =	sand.u32 $0x1, s26;
	v6 =	vld.idx.msk [tilespmem:v1+s3+$0x0 ss:$0x1], $0xffff;
	s3 =	sor.u32 $0x50, s30  }
0xd5: {  	p1 =	seq.s32 s31, $0x1;
	v8 =	vld.idx.msk [tilespmem:v1+s3+$0x0 ss:$0x1], $0xffff;
	s3 =	sor.u32 $0x60, s30;
	s21 =	ssub.s32 s29, s21;
	v7 =	vunpack.i.u.bf16.f32 v2;
	v2 =	vunpack.i.l.bf16.f32 v2  }
0xd6: {  	s31 =	sor.u32 $0x70, s30;
	v9 =	vld.idx.msk [tilespmem:v1+s3+$0x0 ss:$0x1], $0xffff;
	s29 =	sshll.u32 s21, $0x7;
	v57 =	vunpack.i.u.bf16.f32 v3;
	v3 =	vunpack.i.l.bf16.f32 v3;
	v2 =	vpsel p1, v7, v2  }
0xd7: {  	v58 =	vld.idx.msk [tilespmem:v1+s31+$0x0 ss:$0x1], $0xffff;
	[tilespmem:s29+$0x108] =	vst v2;
	v2 =	vpsel p1, v57, v3;
	v3 =	vunpack.i.u.bf16.f32 v4;
	v4 =	vunpack.i.l.bf16.f32 v4  }
0xd8: {  	v59 =	vunpack.i.l.bf16.f32 v5;
	[tilespmem:s29+$0x118] =	vst v2;
	v2 =	vpsel p1, v3, v4;
	v3 =	vunpack.i.u.bf16.f32 v5  }
0xd9: {  	v60 =	vunpack.i.l.bf16.f32 v6;
	[tilespmem:s29+$0x128] =	vst v2;
	v2 =	vpsel p1, v3, v59;
	v3 =	vunpack.i.u.bf16.f32 v6  }
.Ltmp14:
0xda: {  	v61 =	vunpack.i.l.bf16.f32 v8;
	[tilespmem:s29+$0x138] =	vst v2;
	v2 =	vpsel p1, v3, v60;
	v3 =	vunpack.i.u.bf16.f32 v8;
	(pc) =	sbr.rel .LBB2_19-.Ltmp14, $4  }
0xdb: {  	v62 =	vunpack.i.l.bf16.f32 v9;
	[tilespmem:s29+$0x148] =	vst v2;
	v2 =	vpsel p1, v3, v61;
	v3 =	vunpack.i.u.bf16.f32 v9  }
0xdc: {  	v63 =	vunpack.i.l.bf16.f32 v58;
	[tilespmem:s29+$0x158] =	vst v2;
	v2 =	vpsel p1, v3, v62;
	v3 =	vunpack.i.u.bf16.f32 v58  }
0xdd: {  	[tilespmem:s29+$0x168] =	vst v2;
	v2 =	vpsel p1, v3, v63  }
0xde: {  	s28 =	sadd.s32 $0x1, s28;
	[tilespmem:s29+$0x178] =	vst v2  }
.LBB2_16:
0xdf: {  	p1 =	sne.s32 s28, $0x2  }
0xe0: {  	s0 =	sand.u32 @p1 $0x1, s30;
	s28 =	sshll.u32 @p1 s21, $0x9  }
0xe1: {  	p2 =	seq.s32 @p1 s0, $0x0;
	s0 =	sshra.s32 @p1 s28, $0x2  }
0xe2: {  	v2 =	vld @p1 [tilespmem:s0+$0x108];
	p3 =	por !p2, !p1  }
0xe3: {  	v3 =	vld @!p3 [tilespmem:s0+$0x118]  }
0xe4: {  	v4 =	vld @!p3 [tilespmem:s0+$0x128]  }
0xe5: {  	v5 =	vld @!p3 [tilespmem:s0+$0x138]  }
0xe6: {  	v6 =	vimm.f32 @!p3 $0.0e+00;
	v7 =	vld @!p3 [tilespmem:s0+$0x148]  }
0xe7: {  	v9 =	vld @!p3 [tilespmem:s0+$0x158];
	v8 =	vpack.i.f32.bf16 @!p3 v6, v2  }
0xe8: {  	[tilespmem:s0+$0x108] =	vst @!p3 v8;
	v3 =	vpack.i.f32.bf16 @!p3 v6, v3;
	v8 =	vld @!p3 [tilespmem:s0+$0x168]  }
0xe9: {  	[tilespmem:s0+$0x118] =	vst @!p3 v3;
	v3 =	vpack.i.f32.bf16 @!p3 v6, v4;
	v4 =	vld @!p3 [tilespmem:s0+$0x178]  }
0xea: {  	p2 =	por p2, !p1;
	[tilespmem:s0+$0x128] =	vst @!p3 v3;
	v3 =	vpack.i.f32.bf16 @!p3 v6, v5  }
0xeb: {  	v5 =	vld @!p2 [tilespmem:s0+$0x118];
	[tilespmem:s0+$0x138] =	vst @!p3 v3;
	v3 =	vpack.i.f32.bf16 @!p3 v6, v7  }
0xec: {  	v7 =	vld @!p2 [tilespmem:s0+$0x128];
	[tilespmem:s0+$0x148] =	vst @!p3 v3;
	v3 =	vpack.i.f32.bf16 @!p3 v6, v9  }
0xed: {  	[tilespmem:s0+$0x158] =	vst @!p3 v3;
	v3 =	vpack.i.f32.bf16 @!p3 v6, v8;
	v8 =	vld @!p2 [tilespmem:s0+$0x138]  }
0xee: {  	[tilespmem:s0+$0x168] =	vst @!p3 v3;
	v3 =	vpack.i.f32.bf16 @!p3 v6, v4;
	v4 =	vimm.f32 @!p2 $0.0e+00;
	v6 =	vld @!p2 [tilespmem:s0+$0x148]  }
0xef: {  	[tilespmem:s0+$0x178] =	vst @!p3 v3;
	v2 =	vpack.i.f32.bf16 @!p2 v2, v4;
	v3 =	vld @!p2 [tilespmem:s0+$0x158]  }
0xf0: {  	s28 =	sadd.s32 @!p1 $0x13F, s21;
	[tilespmem:s0+$0x108] =	vst @!p2 v2;
	v2 =	vpack.i.f32.bf16 @!p2 v5, v4;
	v5 =	vld @!p2 [tilespmem:s0+$0x168]  }
0xf1: {  	s3 =	smulhi.u32 @!p1 $0xCCCCCCCD, s28;
	[tilespmem:s0+$0x118] =	vst @!p2 v2;
	v2 =	vpack.i.f32.bf16 @!p2 v7, v4;
	v7 =	vld @!p2 [tilespmem:s0+$0x178]  }
0xf2: {  	[tilespmem:s0+$0x128] =	vst @!p2 v2;
	v2 =	vpack.i.f32.bf16 @!p2 v8, v4  }
0xf3: {  	s3 =	sshrl.u32 @!p1 s3, $0x8;
	[tilespmem:s0+$0x138] =	vst @!p2 v2;
	v2 =	vpack.i.f32.bf16 @!p2 v6, v4  }
0xf4: {  	s3 =	smul.u32 @!p1 $0x140, s3;
	[tilespmem:s0+$0x148] =	vst @!p2 v2;
	v2 =	vpack.i.f32.bf16 @!p2 v3, v4  }
0xf5: {  	[tilespmem:s0+$0x158] =	vst @!p2 v2;
	v2 =	vpack.i.f32.bf16 @!p2 v5, v4  }
0xf6: {  	s3 =	ssub.s32 @!p1 s28, s3;
	[tilespmem:s0+$0x168] =	vst @!p2 v2;
	v2 =	vpack.i.f32.bf16 @!p2 v7, v4  }
0xf7: {  	[tilespmem:s0+$0x178] =	vst @!p2 v2;
	s0 =	sshll.u32 @!p1 s3, $0x7;
	s3 =	sshll.u32 @!p1 s21, $0x9  }
0xf8: {  	s3 =	sshra.s32 @!p1 s3, $0x2;
	v2 =	vld @!p1 [tilespmem:s0+$0x108]  }
0xf9: {  	v3 =	vld @!p1 [tilespmem:s3+$0x108];
	_ =	sdelay $0x4  }
0xfa: {  	v2 =	vpack.i.f32.bf16 @!p1 v3, v2  }
0xfb: {  	v3 =	vld @!p1 [tilespmem:s3+$0x118];
	[tilespmem:s3+$0x108] =	vst @!p1 v2  }
0xfc: {  	v2 =	vld @!p1 [tilespmem:s0+$0x118];
	_ =	sdelay $0x4  }
0xfd: {  	v2 =	vpack.i.f32.bf16 @!p1 v3, v2  }
0xfe: {  	v3 =	vld @!p1 [tilespmem:s3+$0x128];
	[tilespmem:s3+$0x118] =	vst @!p1 v2  }
0xff: {  	v2 =	vld @!p1 [tilespmem:s0+$0x128];
	_ =	sdelay $0x4  }
0x100: {  	v2 =	vpack.i.f32.bf16 @!p1 v3, v2  }
0x101: {  	v3 =	vld @!p1 [tilespmem:s3+$0x138];
	[tilespmem:s3+$0x128] =	vst @!p1 v2  }
0x102: {  	v2 =	vld @!p1 [tilespmem:s0+$0x138];
	_ =	sdelay $0x4  }
0x103: {  	v2 =	vpack.i.f32.bf16 @!p1 v3, v2  }
0x104: {  	v3 =	vld @!p1 [tilespmem:s3+$0x148];
	[tilespmem:s3+$0x138] =	vst @!p1 v2  }
0x105: {  	v2 =	vld @!p1 [tilespmem:s0+$0x148];
	_ =	sdelay $0x4  }
0x106: {  	v2 =	vpack.i.f32.bf16 @!p1 v3, v2  }
0x107: {  	v3 =	vld @!p1 [tilespmem:s3+$0x158];
	[tilespmem:s3+$0x148] =	vst @!p1 v2  }
0x108: {  	v2 =	vld @!p1 [tilespmem:s0+$0x158];
	_ =	sdelay $0x4  }
0x109: {  	v2 =	vpack.i.f32.bf16 @!p1 v3, v2  }
0x10a: {  	v3 =	vld @!p1 [tilespmem:s3+$0x168];
	[tilespmem:s3+$0x158] =	vst @!p1 v2  }
0x10b: {  	v2 =	vld @!p1 [tilespmem:s0+$0x168];
	_ =	sdelay $0x4  }
0x10c: {  	v2 =	vpack.i.f32.bf16 @!p1 v3, v2  }
0x10d: {  	v3 =	vld @!p1 [tilespmem:s3+$0x178];
	[tilespmem:s3+$0x168] =	vst @!p1 v2  }
0x10e: {  	v2 =	vld @!p1 [tilespmem:s0+$0x178]  }
0x10f: {  	p2 =	seq.s32 s31, s22  }
.Ltmp15:
0x110: {  	_ = 	snop;
	(pc) =	sbr.rel @!p2 .LBB2_17-.Ltmp15, $3  }
0x111: {  	_ =	sdelay $0x1  }
0x112: {  	s28 =	sshll.u32 s21, $0x9;
	v2 =	vpack.i.f32.bf16 @!p1 v3, v2  }
0x113: {  	s21 =	sshra.s32 s28, $0x2;
	[tilespmem:s3+$0x178] =	vst @!p1 v2  }
.Ltmp16:
0x114: {  	s0 =	sadd.s32 $0x108, s21;
	(pc) =	sbr.rel .LBB2_18-.Ltmp16, $4  }
0x115: {  	[spmem:s13] =	stream.linear.scatter [tilespmem:s0], [sflag:$0x1], $0x80, $0x38;
	[tilespmem:$0x1F4C8] =	vst v63  }
0x116: {  	_ =	swait.ge [sflag:s11], $0x80  }
0x117: {  	[sflag:s11] =	ssyncset.done $0x0  }
0x118: {  	[sflag:s11] =	ssyncadd.s32 $0xFFFFFF80  }
.LBB2_17:
0x119: {  	s0 =	sshll.u32 s25, $0x9  }
0x11a: {  	v3 =	vld [tilespmem:s21+$0x108];
	s28 =	sshra.s32 s0, $0x2  }
0x11b: {  	v2 =	vld [tilespmem:s28+$0xA188];
	_ =	sdelay $0x3  }
0x11c: {  	v5 =	vunpack.i.u.bf16.f32 v3  }
0x11d: {  	v3 =	vunpack.i.l.bf16.f32 v3;
	v4 =	vunpack.i.u.bf16.f32 v2;
	v2 =	vunpack.i.l.bf16.f32 v2  }
0x11e: {  	v4 =	vadd.f32 v5, v4;
	v2 =	vadd.f32 v3, v2;
	_ =	sdelay $0x1  }
0x11f: {  	v2 =	vpack.i.f32.bf16 v4, v2  }
0x120: {  	v3 =	vld [tilespmem:s21+$0x118];
	[tilespmem:s21+$0x108] =	vst v2  }
0x121: {  	v2 =	vld [tilespmem:s28+$0xA198];
	_ =	sdelay $0x3  }
0x122: {  	v51 =	vunpack.i.u.bf16.f32 v3  }
0x123: {  	v3 =	vunpack.i.l.bf16.f32 v3;
	v50 =	vunpack.i.u.bf16.f32 v2;
	v2 =	vunpack.i.l.bf16.f32 v2  }
0x124: {  	v4 =	vadd.f32 v51, v50;
	v2 =	vadd.f32 v3, v2;
	_ =	sdelay $0x1  }
0x125: {  	v2 =	vpack.i.f32.bf16 v4, v2  }
0x126: {  	v3 =	vld [tilespmem:s21+$0x128];
	[tilespmem:s21+$0x118] =	vst v2  }
0x127: {  	v2 =	vld [tilespmem:s28+$0xA1A8];
	_ =	sdelay $0x3  }
0x128: {  	v53 =	vunpack.i.u.bf16.f32 v3  }
0x129: {  	v3 =	vunpack.i.l.bf16.f32 v3;
	v52 =	vunpack.i.u.bf16.f32 v2;
	v2 =	vunpack.i.l.bf16.f32 v2  }
0x12a: {  	v4 =	vadd.f32 v53, v52;
	v2 =	vadd.f32 v3, v2;
	_ =	sdelay $0x1  }
0x12b: {  	v2 =	vpack.i.f32.bf16 v4, v2  }
0x12c: {  	v3 =	vld [tilespmem:s21+$0x138];
	[tilespmem:s21+$0x128] =	vst v2  }
0x12d: {  	v2 =	vld [tilespmem:s28+$0xA1B8];
	_ =	sdelay $0x3  }
0x12e: {  	v55 =	vunpack.i.u.bf16.f32 v3  }
0x12f: {  	v3 =	vunpack.i.l.bf16.f32 v3;
	v54 =	vunpack.i.u.bf16.f32 v2;
	v2 =	vunpack.i.l.bf16.f32 v2  }
0x130: {  	v4 =	vadd.f32 v55, v54;
	v2 =	vadd.f32 v3, v2;
	_ =	sdelay $0x1  }
0x131: {  	v2 =	vpack.i.f32.bf16 v4, v2  }
0x132: {  	v3 =	vld [tilespmem:s21+$0x148];
	[tilespmem:s21+$0x138] =	vst v2  }
0x133: {  	v2 =	vld [tilespmem:s28+$0xA1C8];
	_ =	sdelay $0x3  }
0x134: {  	v57 =	vunpack.i.u.bf16.f32 v3  }
0x135: {  	v3 =	vunpack.i.l.bf16.f32 v3;
	v56 =	vunpack.i.u.bf16.f32 v2;
	v2 =	vunpack.i.l.bf16.f32 v2  }
0x136: {  	v4 =	vadd.f32 v57, v56;
	v2 =	vadd.f32 v3, v2;
	_ =	sdelay $0x1  }
0x137: {  	v2 =	vpack.i.f32.bf16 v4, v2  }
0x138: {  	v3 =	vld [tilespmem:s21+$0x158];
	[tilespmem:s21+$0x148] =	vst v2  }
0x139: {  	v2 =	vld [tilespmem:s28+$0xA1D8];
	_ =	sdelay $0x3  }
0x13a: {  	v59 =	vunpack.i.u.bf16.f32 v3  }
0x13b: {  	v3 =	vunpack.i.l.bf16.f32 v3;
	v58 =	vunpack.i.u.bf16.f32 v2;
	v2 =	vunpack.i.l.bf16.f32 v2  }
0x13c: {  	v4 =	vadd.f32 v59, v58;
	v2 =	vadd.f32 v3, v2;
	_ =	sdelay $0x1  }
0x13d: {  	v2 =	vpack.i.f32.bf16 v4, v2  }
0x13e: {  	v3 =	vld [tilespmem:s21+$0x168];
	[tilespmem:s21+$0x158] =	vst v2  }
0x13f: {  	v2 =	vld [tilespmem:s28+$0xA1E8];
	_ =	sdelay $0x3  }
0x140: {  	v61 =	vunpack.i.u.bf16.f32 v3  }
0x141: {  	v3 =	vunpack.i.l.bf16.f32 v3;
	v60 =	vunpack.i.u.bf16.f32 v2;
	v2 =	vunpack.i.l.bf16.f32 v2  }
0x142: {  	v4 =	vadd.f32 v61, v60;
	v2 =	vadd.f32 v3, v2;
	_ =	sdelay $0x1  }
0x143: {  	v2 =	vpack.i.f32.bf16 v4, v2  }
0x144: {  	v3 =	vld [tilespmem:s21+$0x178];
	[tilespmem:s21+$0x168] =	vst v2  }
0x145: {  	v2 =	vld [tilespmem:s28+$0xA1F8];
	_ =	sdelay $0x3  }
0x146: {  	v63 =	vunpack.i.u.bf16.f32 v3  }
0x147: {  	p1 =	slt.s32 s30, $0x0;
	p2 =	sgt.s32 s31, $0x61A701;
	v3 =	vunpack.i.l.bf16.f32 v3;
	v62 =	vunpack.i.u.bf16.f32 v2;
	v2 =	vunpack.i.l.bf16.f32 v2  }
0x148: {  	p1 =	por p1, p2;
	v4 =	vadd.f32 v63, v62;
	v2 =	vadd.f32 v3, v2  }
0x149: {  	s3 =	sshrl.u32 @!p1 s30, $0x4  }
0x14a: {  	s0 =	sshrl.u32 @!p1 s30, $0x1;
	s3 =	sadd.s32 @!p1 s1, s3;
	v2 =	vpack.i.f32.bf16 v4, v2  }
0x14b: {  	s0 =	sand.u32 @!p1 $0x7, s0;
	s28 =	sadd.s32 $0x108, s21;
	[tilespmem:s21+$0x178] =	vst v2;
	s21 =	simm.s32 $0x0  }
0x14c: {  	[hbm4b:s3+s0] =	stream.linear.scatter @!p1 [tilespmem:s28], [sflag:$0xA], $0x80, $0x38;
	[tilespmem:$0x1F4C8] =	vst v63  }
0x14d: {  	s21 =	simm.s32 @!p1 $0x200  }
0x14e: {  	s24 =	sadd.s32 s24, s21  }
.LBB2_18:
0x14f: {  	_ =	sdelay $0x2  }
0x150: {  	s0 =	sand.u32 $0x7FFFFF80, s23  }
0x151: {  	s3 =	smulhi.u32 $0xCCCCCCCD, s29;
	v2 =	vld.idx.msk [tilespmem:v1+s0+$0x0 ss:$0x1], $0xffff  }
0x152: {  	v3 =	vld.idx.msk [tilespmem:v1+s0+$0x10 ss:$0x1], $0xffff  }
0x153: {  	s28 =	sand.u32 $0x7FFFFFC0, s23;
	v4 =	vld.idx.msk [tilespmem:v1+s0+$0x20 ss:$0x1], $0xffff;
	s3 =	sshrl.u32 s3, $0x8  }
0x154: {  	v5 =	vld.idx.msk [tilespmem:v1+s0+$0x30 ss:$0x1], $0xffff;
	s21 =	sor.u32 $0x40, s28;
	s3 =	smul.u32 $0x140, s3  }
0x155: {  	s30 =	sand.u32 $0x1, s26;
	s31 =	sor.u32 $0x50, s28;
	v6 =	vld.idx.msk [tilespmem:v1+s21+$0x0 ss:$0x1], $0xffff  }
0x156: {  	p1 =	seq.s32 s30, $0x1;
	s30 =	sor.u32 $0x60, s28;
	v8 =	vld.idx.msk [tilespmem:v1+s31+$0x0 ss:$0x1], $0xffff;
	s21 =	ssub.s32 s29, s3;
	v7 =	vunpack.i.u.bf16.f32 v2;
	v2 =	vunpack.i.l.bf16.f32 v2  }
0x157: {  	v9 =	vld.idx.msk [tilespmem:v1+s30+$0x0 ss:$0x1], $0xffff;
	s31 =	sor.u32 $0x70, s28;
	s3 =	sshll.u32 s21, $0x7;
	v57 =	vunpack.i.u.bf16.f32 v3;
	v3 =	vunpack.i.l.bf16.f32 v3;
	v2 =	vpsel p1, v7, v2  }
0x158: {  	v58 =	vld.idx.msk [tilespmem:v1+s31+$0x0 ss:$0x1], $0xffff;
	[tilespmem:s3+$0x108] =	vst v2;
	v2 =	vpsel p1, v57, v3;
	v3 =	vunpack.i.u.bf16.f32 v4;
	v4 =	vunpack.i.l.bf16.f32 v4  }
0x159: {  	v59 =	vunpack.i.l.bf16.f32 v5;
	[tilespmem:s3+$0x118] =	vst v2;
	v2 =	vpsel p1, v3, v4;
	v3 =	vunpack.i.u.bf16.f32 v5  }
0x15a: {  	v60 =	vunpack.i.l.bf16.f32 v6;
	[tilespmem:s3+$0x128] =	vst v2;
	v2 =	vpsel p1, v3, v59;
	v3 =	vunpack.i.u.bf16.f32 v6  }
.Ltmp17:
0x15b: {  	v61 =	vunpack.i.l.bf16.f32 v8;
	[tilespmem:s3+$0x138] =	vst v2;
	v2 =	vpsel p1, v3, v60;
	v3 =	vunpack.i.u.bf16.f32 v8;
	(pc) =	sbr.rel .LBB2_19-.Ltmp17, $4  }
0x15c: {  	v62 =	vunpack.i.l.bf16.f32 v9;
	[tilespmem:s3+$0x148] =	vst v2;
	v2 =	vpsel p1, v3, v61;
	v3 =	vunpack.i.u.bf16.f32 v9  }
0x15d: {  	v63 =	vunpack.i.l.bf16.f32 v58;
	[tilespmem:s3+$0x158] =	vst v2;
	v2 =	vpsel p1, v3, v62;
	v3 =	vunpack.i.u.bf16.f32 v58  }
0x15e: {  	[tilespmem:s3+$0x168] =	vst v2;
	v2 =	vpsel p1, v3, v63  }
0x15f: {  	s25 =	sadd.s32 $0x1, s25;
	s28 =	simm.s32 $0x1;
	[tilespmem:s3+$0x178] =	vst v2  }
.LBB2_21:
.Ltmp18:
0x160: {  	(pc) =	sbr.rel .LBB2_22-.Ltmp18, $3  }
0x161: {  	_ =	sdelay $0x1  }
0x162: {  	_ =	swait.ge [sflag:s9], $0x0  }
0x163: {  	s17 =	simm.s32 $0x0;
	[sflag:s9] =	ssyncset.done $0x0  }
.LBB2_24:
0x164: {  	_ =	sfence.sel $0x180000  }
0x165: {  	s0 =	simm.s32 $0x9;
	[bflag:$0x0] =	sbarrier.arrive $0xFFFF  }
0x166: {  	s7 =	simm.s32 $0x2;
	[sflag:s0] =	ssyncpa.u1 $0x1  }
0x167: {  	[sflag:s7] =	ssyncpa.u1 $0x1  }
0x168: {  	v0 =	vld [tilespmem:$0x14208];
	_ =	sdelay $0x4  }
0x169: {  	(v2sf) =	vpush v0, $0x0  }
0x16a: {  	(v2sf) =	vpush v0, $0x1;
	_ =	sdelay $0x2  }
0x16b: {  	(v2sf) =	vpush v0, $0x2;
	_ =	sdelay $0xa  }
0x16c: {  	s9 =	spop (v2sf)  }
0x16d: {  	s30 =	spop (v2sf)  }
0x16e: {  	s0 =	sxor.u32 s30, s9  }
0x16f: {  	p0 =	sgt.u32 s0, $0x1;
	s0 =	smov.u32 s9  }
0x170: {  	s8 =	spop (v2sf);
	s0 =	simm.s32 @!p0 $0xFFFFFFFF  }
0x171: {  	v2 =	vimm.s32 $0x1;
	v3 =	vlaneseq.u32;
	p1 =	seq.s32 s8, $0xFFFFFFFF;
	v1 =	vmov s0  }
.Ltmp19:
0x172: {  	v2 =	vperm.xlane v0, v2;
	v1 =	vperm.xlane v1, v3;
	(pc) =	sbr.rel @p1 .LBB2_26-.Ltmp19, $4  }
0x173: {  	vm0 =	vcmask $0x3F04  }
0x174: {  	s6 =	sshll.u32 s2, $0x1;
	v1 =	vsel vm0, v1, v2  }
0x175: {  	s3 =	simm.s32 $0x14208;
	s5 =	simm.s32 $0x1;
	s31 =	sor.u32 $0x1000, s6;
	[tilespmem:$0x14208] =	vst v1  }
0x176: {  	[spmem:s31] =	stream.linear.scatter [tilespmem:s3], [sflag:$0x1], $0x2, $0x38;
	[tilespmem:$0x1F4C8] =	vst v63  }
0x177: {  	(v2sf) =	vpush v0, $0x3;
	_ =	sdelay $0xe  }
0x178: {  	s0 =	spop (v2sf)  }
0x179: {  	p1 =	sne.s32 s0, $0x2  }
0x17a: {  	s0 =	sand.u32 @p1 $0x1, s9;
	s7 =	sshll.u32 @p1 s8, $0x9  }
0x17b: {  	p2 =	seq.s32 @p1 s0, $0x0;
	s0 =	sshra.s32 @p1 s7, $0x2  }
0x17c: {  	v0 =	vld @p1 [tilespmem:s0+$0x108];
	p3 =	por !p2, !p1  }
0x17d: {  	v1 =	vld @!p3 [tilespmem:s0+$0x118]  }
0x17e: {  	v2 =	vld @!p3 [tilespmem:s0+$0x128]  }
0x17f: {  	v3 =	vld @!p3 [tilespmem:s0+$0x138]  }
0x180: {  	v4 =	vimm.f32 @!p3 $0.0e+00;
	v5 =	vld @!p3 [tilespmem:s0+$0x148]  }
0x181: {  	v7 =	vld @!p3 [tilespmem:s0+$0x158];
	v6 =	vpack.i.f32.bf16 @!p3 v4, v0  }
0x182: {  	[tilespmem:s0+$0x108] =	vst @!p3 v6;
	v1 =	vpack.i.f32.bf16 @!p3 v4, v1;
	v6 =	vld @!p3 [tilespmem:s0+$0x168]  }
0x183: {  	[tilespmem:s0+$0x118] =	vst @!p3 v1;
	v1 =	vpack.i.f32.bf16 @!p3 v4, v2;
	v2 =	vld @!p3 [tilespmem:s0+$0x178]  }
0x184: {  	p2 =	por p2, !p1;
	[tilespmem:s0+$0x128] =	vst @!p3 v1;
	v1 =	vpack.i.f32.bf16 @!p3 v4, v3  }
0x185: {  	v3 =	vld @!p2 [tilespmem:s0+$0x118];
	[tilespmem:s0+$0x138] =	vst @!p3 v1;
	v1 =	vpack.i.f32.bf16 @!p3 v4, v5  }
0x186: {  	v5 =	vld @!p2 [tilespmem:s0+$0x128];
	[tilespmem:s0+$0x148] =	vst @!p3 v1;
	v1 =	vpack.i.f32.bf16 @!p3 v4, v7  }
0x187: {  	[tilespmem:s0+$0x158] =	vst @!p3 v1;
	v1 =	vpack.i.f32.bf16 @!p3 v4, v6;
	v6 =	vld @!p2 [tilespmem:s0+$0x138]  }
0x188: {  	[tilespmem:s0+$0x168] =	vst @!p3 v1;
	v1 =	vpack.i.f32.bf16 @!p3 v4, v2;
	v2 =	vimm.f32 @!p2 $0.0e+00;
	v4 =	vld @!p2 [tilespmem:s0+$0x148]  }
0x189: {  	[tilespmem:s0+$0x178] =	vst @!p3 v1;
	v0 =	vpack.i.f32.bf16 @!p2 v0, v2;
	v1 =	vld @!p2 [tilespmem:s0+$0x158]  }
0x18a: {  	s3 =	sadd.s32 @!p1 $0x13F, s8;
	[tilespmem:s0+$0x108] =	vst @!p2 v0;
	v0 =	vpack.i.f32.bf16 @!p2 v3, v2;
	v3 =	vld @!p2 [tilespmem:s0+$0x168]  }
0x18b: {  	s9 =	smulhi.u32 @!p1 $0xCCCCCCCD, s3;
	[tilespmem:s0+$0x118] =	vst @!p2 v0;
	v0 =	vpack.i.f32.bf16 @!p2 v5, v2;
	v5 =	vld @!p2 [tilespmem:s0+$0x178]  }
0x18c: {  	[tilespmem:s0+$0x128] =	vst @!p2 v0;
	v0 =	vpack.i.f32.bf16 @!p2 v6, v2  }
0x18d: {  	s9 =	sshrl.u32 @!p1 s9, $0x8;
	[tilespmem:s0+$0x138] =	vst @!p2 v0;
	v0 =	vpack.i.f32.bf16 @!p2 v4, v2  }
0x18e: {  	s9 =	smul.u32 @!p1 $0x140, s9;
	[tilespmem:s0+$0x148] =	vst @!p2 v0;
	v0 =	vpack.i.f32.bf16 @!p2 v1, v2  }
0x18f: {  	[tilespmem:s0+$0x158] =	vst @!p2 v0;
	v0 =	vpack.i.f32.bf16 @!p2 v3, v2  }
0x190: {  	s3 =	ssub.s32 @!p1 s3, s9;
	[tilespmem:s0+$0x168] =	vst @!p2 v0;
	v0 =	vpack.i.f32.bf16 @!p2 v5, v2  }
0x191: {  	[tilespmem:s0+$0x178] =	vst @!p2 v0;
	s0 =	sshll.u32 @!p1 s3, $0x7;
	s3 =	sshll.u32 @!p1 s8, $0x9  }
0x192: {  	s8 =	sshra.s32 @!p1 s3, $0x2;
	v0 =	vld @!p1 [tilespmem:s0+$0x108]  }
0x193: {  	v1 =	vld @!p1 [tilespmem:s8+$0x108];
	_ =	sdelay $0x4  }
0x194: {  	v0 =	vpack.i.f32.bf16 @!p1 v1, v0  }
0x195: {  	v1 =	vld @!p1 [tilespmem:s8+$0x118];
	[tilespmem:s8+$0x108] =	vst @!p1 v0  }
0x196: {  	v0 =	vld @!p1 [tilespmem:s0+$0x118];
	_ =	sdelay $0x4  }
0x197: {  	v0 =	vpack.i.f32.bf16 @!p1 v1, v0  }
0x198: {  	v1 =	vld @!p1 [tilespmem:s8+$0x128];
	[tilespmem:s8+$0x118] =	vst @!p1 v0  }
0x199: {  	v0 =	vld @!p1 [tilespmem:s0+$0x128];
	_ =	sdelay $0x4  }
0x19a: {  	v0 =	vpack.i.f32.bf16 @!p1 v1, v0  }
0x19b: {  	v1 =	vld @!p1 [tilespmem:s8+$0x138];
	[tilespmem:s8+$0x128] =	vst @!p1 v0  }
0x19c: {  	v0 =	vld @!p1 [tilespmem:s0+$0x138];
	_ =	sdelay $0x4  }
0x19d: {  	v0 =	vpack.i.f32.bf16 @!p1 v1, v0  }
0x19e: {  	v1 =	vld @!p1 [tilespmem:s8+$0x148];
	[tilespmem:s8+$0x138] =	vst @!p1 v0  }
0x19f: {  	v0 =	vld @!p1 [tilespmem:s0+$0x148];
	_ =	sdelay $0x4  }
0x1a0: {  	v0 =	vpack.i.f32.bf16 @!p1 v1, v0  }
0x1a1: {  	v1 =	vld @!p1 [tilespmem:s8+$0x158];
	[tilespmem:s8+$0x148] =	vst @!p1 v0  }
0x1a2: {  	v0 =	vld @!p1 [tilespmem:s0+$0x158];
	_ =	sdelay $0x4  }
0x1a3: {  	v0 =	vpack.i.f32.bf16 @!p1 v1, v0  }
0x1a4: {  	v1 =	vld @!p1 [tilespmem:s8+$0x168];
	[tilespmem:s8+$0x158] =	vst @!p1 v0  }
0x1a5: {  	v0 =	vld @!p1 [tilespmem:s0+$0x168];
	_ =	sdelay $0x4  }
0x1a6: {  	v0 =	vpack.i.f32.bf16 @!p1 v1, v0  }
0x1a7: {  	v1 =	vld @!p1 [tilespmem:s8+$0x178];
	[tilespmem:s8+$0x168] =	vst @!p1 v0  }
0x1a8: {  	v0 =	vld @!p1 [tilespmem:s0+$0x178];
	_ =	sdelay $0x2  }
0x1a9: {  	s0 =	simm.s32 $0x1  }
0x1aa: {  	s3 =	smov.u32 @p1 s7;
	s0 =	simm.s32 @!p0 $0x0  }
0x1ab: {  	s3 =	sshra.s32 s3, $0x2;
	s0 =	sor.u32 s0, s6;
	v0 =	vpack.i.f32.bf16 @!p1 v1, v0  }
0x1ac: {  	s7 =	simm.s32 $0x82;
	s3 =	sadd.s32 $0x108, s3;
	s0 =	sshll.u32 s0, $0x7;
	[tilespmem:s8+$0x178] =	vst @!p1 v0  }
0x1ad: {  	[spmem:s0] =	stream.linear.scatter [tilespmem:s3], [sflag:$0x1], $0x80, $0x38;
	[tilespmem:$0x1F4C8] =	vst v63  }
.LBB2_26:
0x1ae: {  	_ =	swait.ge [sflag:s5], s7  }
0x1af: {  	s0 =	ssub.s32 $0x0, s7;
	[sflag:s5] =	ssyncset.done $0x0  }
0x1b0: {  	p0 =	sne.s32 s2, $0x0;
	[sflag:s5] =	ssyncadd.s32 s0  }
.Ltmp20:
0x1b1: {  	_ =	sfence.stream.spmem;
	(pc) =	sbr.rel @p0 .LBB2_46-.Ltmp20, $4  }
0x1b2: {  	s29 =	simm.s32 $0x3;
	[bflag:$0x0] =	sbarrier.arrive $0xFFFF  }
0x1b3: {  	s30 =	simm.s32 $0x4;
	[sflag:s29] =	ssyncpa.u1 $0x1  }
0x1b4: {  	s31 =	simm.s32 $0x3C;
	[sflag:s30] =	ssyncpa.u1 $0x1  }
0x1b5: {  	s5 =	sand.u32 $0x1, s4;
	[sflag:s31] =	ssyncpa.u1 $0x1  }
0x1b6: {  	_ =	sfence.stream.spmem;
	s0 =	simm.s32 $0x5  }
0x1b7: {  	s3 =	simm.s32 $0x1000;
	s6 =	simm.s32 $0x14218;
	[sflag:s0] =	ssyncpa.u1 $0x0  }
0x1b8: {  	[tilespmem:s6], [sflag:$0x5] =	stream.linear.gather [spmem:s3], $0x20, $0x38;
	[tilespmem:$0x1F4C8] =	vst v63  }
0x1b9: {  	s26 =	simm.s32 $0x0;
	s28 =	simm.s32 $0x14238  }
0x1ba: {  	[tilespmem:s28], [sflag:$0x5] =	stream.linear.gather [spmem:s26], $0x1000, $0x38;
	[tilespmem:$0x1F4C8] =	vst v63  }
0x1bb: {  	_ =	swait.ge [sflag:s0], $0x1020  }
0x1bc: {  	[sflag:s0] =	ssyncset.done $0x0  }
0x1bd: {  	s29 =	simm.s32 $0x0;
	[sflag:s0] =	ssyncadd.s32 $0xFFFFEFE0  }
0x1be: {  	v0 =	vld.msk [tilespmem:s29+$0x14218], $0x1;
	_ =	sdelay $0x1  }
0x1bf: {  	s30 =	simm.s32 $0x1  }
0x1c0: {  	v1 =	vld.msk [tilespmem:s30+$0x14218], $0x1;
	_ =	sdelay $0x1  }
0x1c1: {  	(v2sf) =	vpush v0, $0x0;
	_ =	sdelay $0x2  }
0x1c2: {  	(v2sf) =	vpush v1, $0x0;
	_ =	sdelay $0x2  }
0x1c3: {  	s31 =	simm.s32 $0x2  }
0x1c4: {  	v0 =	vld.msk [tilespmem:s31+$0x14218], $0x1;
	_ =	sdelay $0x2  }
0x1c5: {  	s8 =	simm.s32 $0xFFFFFFFF;
	s7 =	simm.s32 $0xFFFFFFFF;
	s6 =	simm.s32 $0xC  }
.LBB2_28:
0x1c6: {  	s0 =	smov.u32 s7;
	s3 =	smov.u32 s8  }
0x1c7: {  	s7 =	sshra.s32 s6, $0x2;
	p1 =	sne.s32 s6, $0x7C;
	s6 =	sadd.s32 $0x4, s6;
	(v2sf) =	vpush v0, $0x0  }
0x1c8: {  	v0 =	vld.msk [tilespmem:s7+$0x14218], $0x1  }
.Ltmp21:
0x1c9: {  	(pc) =	sbr.rel @p1 .LBB2_28-.Ltmp21, $4  }
0x1ca: {  	s7 =	spop (v2sf)  }
0x1cb: {  	p2 =	sne.s32 s8, $0xFFFFFFFF;
	s8 =	smov.u32 s7  }
0x1cc: {  	p3 =	seq.s32 s7, $0xFFFFFFFF;
	s8 =	smov.u32 @p2 s3  }
0x1cd: {  	s7 =	smov.u32 @p3 s0;
	s8 =	smov.u32 @p3 s3  }
0x1ce: {  	(v2sf) =	vpush v0, $0x0;
	_ =	sdelay $0x8  }
0x1cf: {  	s0 =	spop (v2sf)  }
0x1d0: {  	p1 =	sne.s32 s8, $0xFFFFFFFF;
	s3 =	smov.u32 s0  }
0x1d1: {  	p2 =	seq.s32 s0, $0xFFFFFFFF;
	s3 =	smov.u32 @p1 s8  }
0x1d2: {  	s9 =	simm.s32 $0x6;
	s3 =	smov.u32 @p2 s8;
	s6 =	spop (v2sf)  }
0x1d3: {  	s10 =	simm.s32 $0x14188;
	p1 =	sne.s32 s3, $0xFFFFFFFF;
	s8 =	smov.u32 s6  }
0x1d4: {  	s11 =	simm.s32 $0x0;
	s8 =	smov.u32 @p1 s3;
	p1 =	seq.s32 s6, $0xFFFFFFFF  }
.Ltmp22:
0x1d5: {  	s8 =	smov.u32 @p1 s3;
	s3 =	spop (v2sf);
	(pc) =	sbr.rel .LBB2_30-.Ltmp22, $4  }
0x1d6: {  	s0 =	smov.u32 @p2 s7;
	p2 =	sne.s32 s8, $0xFFFFFFFF;
	s7 =	smov.u32 s3  }
0x1d7: {  	s6 =	smov.u32 @p1 s0;
	p1 =	seq.s32 s3, $0xFFFFFFFF;
	s7 =	smov.u32 @p2 s8  }
0x1d8: {  	[sflag:s9] =	ssyncpa.u1 $0x0;
	s3 =	smov.u32 @p1 s6;
	s7 =	smov.u32 @p1 s8  }
0x1d9: {  	s6 =	simm.s32 $0x0;
	s8 =	sand.u32 $0xFFFFFFFE, s3;
	s7 =	sand.u32 $0xFFFFFFFE, s7  }
.LBB2_35:
0x1da: {  	s0 =	sshll.u32 s11, $0x7  }
0x1db: {  	s31 =	sshll.u32 s15, $0x9;
	s13 =	sand.u32 $0x3FFFFF80, s0  }
0x1dc: {  	s12 =	sshra.s32 s31, $0x2;
	v0 =	vld [tilespmem:s13+$0x14238]  }
0x1dd: {  	v1 =	vld [tilespmem:s12+$0x14238];
	_ =	sdelay $0x3  }
0x1de: {  	v2 =	vunpack.i.u.bf16.f32 v0  }
0x1df: {  	v0 =	vunpack.i.l.bf16.f32 v0;
	v3 =	vunpack.i.u.bf16.f32 v1;
	v1 =	vunpack.i.l.bf16.f32 v1  }
0x1e0: {  	v2 =	vadd.f32 v3, v2;
	v0 =	vadd.f32 v1, v0;
	_ =	sdelay $0x1  }
0x1e1: {  	v0 =	vpack.i.f32.bf16 v2, v0  }
0x1e2: {  	v43 =	vld [tilespmem:s12+$0x14248];
	[tilespmem:s12+$0x14238] =	vst v0  }
0x1e3: {  	v0 =	vld [tilespmem:s13+$0x14248];
	_ =	sdelay $0x3  }
0x1e4: {  	v45 =	vunpack.i.u.bf16.f32 v43  }
0x1e5: {  	v1 =	vunpack.i.l.bf16.f32 v43;
	v44 =	vunpack.i.u.bf16.f32 v0;
	v0 =	vunpack.i.l.bf16.f32 v0  }
0x1e6: {  	v2 =	vadd.f32 v45, v44;
	v0 =	vadd.f32 v1, v0;
	_ =	sdelay $0x1  }
0x1e7: {  	v0 =	vpack.i.f32.bf16 v2, v0  }
0x1e8: {  	v46 =	vld [tilespmem:s12+$0x14258];
	[tilespmem:s12+$0x14248] =	vst v0  }
0x1e9: {  	v0 =	vld [tilespmem:s13+$0x14258];
	_ =	sdelay $0x3  }
0x1ea: {  	v48 =	vunpack.i.u.bf16.f32 v46  }
0x1eb: {  	v1 =	vunpack.i.l.bf16.f32 v46;
	v47 =	vunpack.i.u.bf16.f32 v0;
	v0 =	vunpack.i.l.bf16.f32 v0  }
0x1ec: {  	v2 =	vadd.f32 v48, v47;
	v0 =	vadd.f32 v1, v0;
	_ =	sdelay $0x1  }
0x1ed: {  	v0 =	vpack.i.f32.bf16 v2, v0  }
0x1ee: {  	v49 =	vld [tilespmem:s12+$0x14268];
	[tilespmem:s12+$0x14258] =	vst v0  }
0x1ef: {  	v0 =	vld [tilespmem:s13+$0x14268];
	_ =	sdelay $0x3  }
0x1f0: {  	v51 =	vunpack.i.u.bf16.f32 v49  }
0x1f1: {  	v1 =	vunpack.i.l.bf16.f32 v49;
	v50 =	vunpack.i.u.bf16.f32 v0;
	v0 =	vunpack.i.l.bf16.f32 v0  }
0x1f2: {  	v2 =	vadd.f32 v51, v50;
	v0 =	vadd.f32 v1, v0;
	_ =	sdelay $0x1  }
0x1f3: {  	v0 =	vpack.i.f32.bf16 v2, v0  }
0x1f4: {  	v52 =	vld [tilespmem:s12+$0x14278];
	[tilespmem:s12+$0x14268] =	vst v0  }
0x1f5: {  	v0 =	vld [tilespmem:s13+$0x14278];
	_ =	sdelay $0x3  }
0x1f6: {  	v54 =	vunpack.i.u.bf16.f32 v52  }
0x1f7: {  	v1 =	vunpack.i.l.bf16.f32 v52;
	v53 =	vunpack.i.u.bf16.f32 v0;
	v0 =	vunpack.i.l.bf16.f32 v0  }
0x1f8: {  	v2 =	vadd.f32 v54, v53;
	v0 =	vadd.f32 v1, v0;
	_ =	sdelay $0x1  }
0x1f9: {  	v0 =	vpack.i.f32.bf16 v2, v0  }
0x1fa: {  	v55 =	vld [tilespmem:s12+$0x14288];
	[tilespmem:s12+$0x14278] =	vst v0  }
0x1fb: {  	v0 =	vld [tilespmem:s13+$0x14288];
	_ =	sdelay $0x3  }
0x1fc: {  	v57 =	vunpack.i.u.bf16.f32 v55  }
0x1fd: {  	v1 =	vunpack.i.l.bf16.f32 v55;
	v56 =	vunpack.i.u.bf16.f32 v0;
	v0 =	vunpack.i.l.bf16.f32 v0  }
0x1fe: {  	v2 =	vadd.f32 v57, v56;
	v0 =	vadd.f32 v1, v0;
	_ =	sdelay $0x1  }
0x1ff: {  	v0 =	vpack.i.f32.bf16 v2, v0  }
0x200: {  	v58 =	vld [tilespmem:s12+$0x14298];
	[tilespmem:s12+$0x14288] =	vst v0  }
0x201: {  	v0 =	vld [tilespmem:s13+$0x14298];
	_ =	sdelay $0x3  }
0x202: {  	v60 =	vunpack.i.u.bf16.f32 v58  }
0x203: {  	v1 =	vunpack.i.l.bf16.f32 v58;
	v59 =	vunpack.i.u.bf16.f32 v0;
	v0 =	vunpack.i.l.bf16.f32 v0  }
0x204: {  	v2 =	vadd.f32 v60, v59;
	v0 =	vadd.f32 v1, v0;
	_ =	sdelay $0x1  }
0x205: {  	v0 =	vpack.i.f32.bf16 v2, v0  }
0x206: {  	v61 =	vld [tilespmem:s12+$0x142A8];
	[tilespmem:s12+$0x14298] =	vst v0  }
0x207: {  	v0 =	vld [tilespmem:s13+$0x142A8];
	_ =	sdelay $0x3  }
0x208: {  	v63 =	vunpack.i.u.bf16.f32 v61  }
0x209: {  	v1 =	vunpack.i.l.bf16.f32 v61;
	v62 =	vunpack.i.u.bf16.f32 v0;
	v0 =	vunpack.i.l.bf16.f32 v0  }
0x20a: {  	v2 =	vadd.f32 v63, v62;
	v0 =	vadd.f32 v1, v0;
	_ =	sdelay $0x1  }
0x20b: {  	v0 =	vpack.i.f32.bf16 v2, v0  }
0x20c: {  	[tilespmem:s12+$0x142A8] =	vst v0  }
.LBB2_40:
0x20d: {  	s11 =	sadd.s32 $0x1, s11  }
0x20e: {  	p1 =	sne.s32 s11, $0x20  }
.Ltmp23:
0x20f: {  	_ = 	snop;
	(pc) =	sbr.rel @!p1 .LBB2_41-.Ltmp23, $1  }
0x210: {  	_ =	sdelay $0x3  }
.LBB2_30:
0x211: {  	v0 =	vld.msk [tilespmem:s11+$0x14218], $0x1;
	_ =	sdelay $0x4  }
0x212: {  	(v2sf) =	vpush v0, $0x0;
	_ =	sdelay $0xe  }
0x213: {  	s12 =	spop (v2sf)  }
0x214: {  	p1 =	seq.s32 s12, $0xFFFFFFFF  }
.Ltmp24:
0x215: {  	_ = 	snop;
	(pc) =	sbr.rel @p1 .LBB2_40-.Ltmp24, $1  }
0x216: {  	_ =	sdelay $0x3  }
0x217: {  	p1 =	slt.s32 s6, $0x1  }
.Ltmp25:
0x218: {  	_ = 	snop;
	(pc) =	sbr.rel @p1 .LBB2_36-.Ltmp25, $2  }
0x219: {  	_ =	sdelay $0x2  }
0x21a: {  	s13 =	sand.u32 $0xFFFFFFFE, s12  }
0x21b: {  	s14 =	simm.s32 $0x14218;
	p1 =	por $0x0, $0x0  }
0x21c: {  	v1 =	vld.msk @!p1 [tilespmem:s14+$0x0], $0x1;
	_ =	sdelay $0x4  }
0x21d: {  	(v2sf) =	vpush @!p1 v1, $0x0;
	_ =	sdelay $0xe  }
0x21e: {  	p3 =	sne.s32 s6, $0x1;
	s0 =	spop @!p1 (v2sf)  }
.Ltmp26:
0x21f: {  	s0 =	sand.u32 @!p1 $0xFFFFFFFE, s0;
	(pc) =	sbr.rel @!p3 .LBB2_34-.Ltmp26, $4  }
0x220: {  	p2 =	seq.s32 @!p1 s13, s0  }
0x221: {  	s15 =	simm.s32 $0x0;
	p2 =	por !p2, p1  }
0x222: {  	s0 =	simm.s32 $0xFFFFFFFF;
	s15 =	simm.s32 @p2 $0xFFFFFFFF  }
0x223: {  	s16 =	simm.s32 $0x1;
	s15 =	smov.u32 @p1 s0  }
.LBB2_33:
0x224: {  	s0 =	smov.u32 s15;
	p1 =	sne.s32 s15, $0xFFFFFFFF  }
0x225: {  	s14 =	sadd.s32 $0x1, s14;
	s15 =	smov.u32 s16;
	s16 =	sadd.s32 $0x1, s16  }
0x226: {  	p2 =	sne.s32 s6, s16;
	v1 =	vld.msk @!p1 [tilespmem:s14+$0x0], $0x1;
	_ =	sdelay $0x4  }
0x227: {  	(v2sf) =	vpush @!p1 v1, $0x0;
	_ =	sdelay $0xe  }
0x228: {  	s3 =	spop @!p1 (v2sf)  }
.Ltmp27:
0x229: {  	s3 =	sand.u32 @!p1 $0xFFFFFFFE, s3;
	(pc) =	sbr.rel @p2 .LBB2_33-.Ltmp27, $4  }
0x22a: {  	p3 =	seq.s32 @!p1 s13, s3  }
0x22b: {  	p3 =	por !p3, p1  }
0x22c: {  	s15 =	simm.s32 @p3 $0xFFFFFFFF  }
0x22d: {  	s15 =	smov.u32 @p1 s0  }
.LBB2_34:
0x22e: {  	p1 =	seq.s32 s15, $0xFFFFFFFF  }
.Ltmp28:
0x22f: {  	_ = 	snop;
	(pc) =	sbr.rel @!p1 .LBB2_35-.Ltmp28, $1  }
0x230: {  	_ =	sdelay $0x3  }
.LBB2_36:
0x231: {  	p1 =	sgt.u32 s12, $0x61A701  }
0x232: {  	p2 =	seq.s32 @!p1 s13, s7  }
0x233: {  	p1 =	por p1, p2  }
0x234: {  	p2 =	sne.s32 @!p1 s13, s8  }
0x235: {  	p1 =	por p1, !p2  }
.Ltmp29:
0x236: {  	_ = 	snop;
	(pc) =	sbr.rel @p1 .LBB2_37-.Ltmp29, $1  }
0x237: {  	_ =	sdelay $0x3  }
0x238: {  	s0 =	sshrl.u32 s12, $0x1;
	s3 =	sshrl.u32 s12, $0x4  }
0x239: {  	s3 =	sadd.s32 s1, s3;
	s0 =	sand.u32 $0x7, s0  }
0x23a: {  	[tilespmem:s10], [sflag:$0x6] =	stream.linear.gather [hbm4b:s3+s0], $0x80, $0x38;
	[tilespmem:$0x1F4C8] =	vst v63  }
0x23b: {  	_ =	swait.ge [sflag:s9], $0x80  }
0x23c: {  	[sflag:s9] =	ssyncset.done $0x0  }
0x23d: {  	s12 =	sshll.u32 s11, $0x9;
	[sflag:s9] =	ssyncadd.s32 $0xFFFFFF80  }
0x23e: {  	s13 =	sshrl.u32 s12, $0x2;
	v1 =	vld [tilespmem:$0x14188]  }
0x23f: {  	v2 =	vld [tilespmem:s13+$0x14238]  }
0x240: {  	v4 =	vld [tilespmem:s13+$0x14248]  }
0x241: {  	v5 =	vld [tilespmem:$0x141A8]  }
0x242: {  	v7 =	vld [tilespmem:s13+$0x14258]  }
0x243: {  	v9 =	vld [tilespmem:$0x141B8]  }
0x244: {  	v44 =	vld [tilespmem:s13+$0x14268]  }
0x245: {  	v11 =	vld [tilespmem:$0x141C8]  }
0x246: {  	v46 =	vld [tilespmem:s13+$0x14278]  }
0x247: {  	v13 =	vld [tilespmem:$0x141D8]  }
0x248: {  	v50 =	vld [tilespmem:s13+$0x14288]  }
0x249: {  	v15 =	vld [tilespmem:$0x141E8]  }
0x24a: {  	v51 =	vld [tilespmem:s13+$0x14298];
	v6 =	vunpack.i.u.bf16.f32 v1;
	v1 =	vunpack.i.l.bf16.f32 v1;
	v8 =	vunpack.i.u.bf16.f32 v2  }
0x24b: {  	v52 =	vld [tilespmem:$0x141F8];
	v2 =	vunpack.i.l.bf16.f32 v2;
	v10 =	vunpack.i.u.bf16.f32 v4;
	v4 =	vunpack.i.l.bf16.f32 v4  }
0x24c: {  	v56 =	vld [tilespmem:s13+$0x142A8];
	v45 =	vunpack.i.u.bf16.f32 v5;
	v5 =	vunpack.i.l.bf16.f32 v5;
	v12 =	vunpack.i.u.bf16.f32 v7  }
0x24d: {  	v3 =	vld [tilespmem:$0x14198];
	v7 =	vunpack.i.l.bf16.f32 v7;
	v47 =	vunpack.i.u.bf16.f32 v9;
	v9 =	vunpack.i.l.bf16.f32 v9  }
0x24e: {  	v48 =	vunpack.i.u.bf16.f32 v44;
	v49 =	vunpack.i.u.bf16.f32 v11;
	v11 =	vunpack.i.l.bf16.f32 v11  }
0x24f: {  	v14 =	vunpack.i.u.bf16.f32 v46;
	v55 =	vunpack.i.u.bf16.f32 v13;
	v57 =	vunpack.i.l.bf16.f32 v13  }
0x250: {  	v58 =	vunpack.i.u.bf16.f32 v50;
	v60 =	vunpack.i.u.bf16.f32 v15;
	v61 =	vunpack.i.u.bf16.f32 v51  }
0x251: {  	v62 =	vunpack.i.u.bf16.f32 v52;
	v63 =	vunpack.i.u.bf16.f32 v56;
	v6 =	vadd.f32 v8, v6  }
0x252: {  	v1 =	vadd.f32 v2, v1;
	v2 =	vunpack.i.u.bf16.f32 v3;
	v5 =	vadd.f32 v7, v5  }
0x253: {  	v3 =	vunpack.i.l.bf16.f32 v3;
	v7 =	vadd.f32 v48, v47;
	v2 =	vadd.f32 v10, v2  }
0x254: {  	v8 =	vunpack.i.l.bf16.f32 v44;
	v3 =	vadd.f32 v4, v3;
	v4 =	vadd.f32 v12, v45  }
0x255: {  	v8 =	vadd.f32 v8, v9;
	v10 =	vunpack.i.l.bf16.f32 v46;
	v9 =	vadd.f32 v14, v49  }
0x256: {  	v12 =	vunpack.i.l.bf16.f32 v50;
	v10 =	vadd.f32 v10, v11;
	v1 =	vpack.i.f32.bf16 v6, v1  }
0x257: {  	v59 =	vadd.f32 v12, v57;
	v11 =	vunpack.i.l.bf16.f32 v51;
	v2 =	vpack.i.f32.bf16 v2, v3;
	[tilespmem:s13+$0x14238] =	vst v1  }
0x258: {  	v3 =	vpack.i.f32.bf16 v4, v5;
	v53 =	vpack.i.f32.bf16 v7, v8;
	v1 =	vadd.f32 v58, v55;
	[tilespmem:s13+$0x14248] =	vst v2  }
0x259: {  	v4 =	vunpack.i.l.bf16.f32 v52;
	v8 =	vunpack.i.l.bf16.f32 v56;
	v2 =	vunpack.i.l.bf16.f32 v15;
	[tilespmem:s13+$0x14258] =	vst v3  }
0x25a: {  	v54 =	vpack.i.f32.bf16 v9, v10;
	v3 =	vadd.f32 v61, v60;
	[tilespmem:s13+$0x14268] =	vst v53;
	v2 =	vadd.f32 v11, v2  }
0x25b: {  	v5 =	vadd.f32 v63, v62;
	v4 =	vadd.f32 v8, v4;
	[tilespmem:s13+$0x14278] =	vst v54;
	v1 =	vpack.i.f32.bf16 v1, v59  }
0x25c: {  	[tilespmem:s13+$0x14288] =	vst v1;
	v1 =	vpack.i.f32.bf16 v3, v2  }
0x25d: {  	[tilespmem:s13+$0x14298] =	vst v1;
	v1 =	vpack.i.f32.bf16 v5, v4  }
0x25e: {  	[tilespmem:s13+$0x142A8] =	vst v1  }
.LBB2_39:
0x25f: {  	[tilespmem:s6+$0x14218] =	vst.msk $0x1, v0;
	s0 =	sshrl.u32 s12, $0x2  }
0x260: {  	v0 =	vld [tilespmem:s0+$0x14238];
	_ =	sdelay $0x2  }
0x261: {  	s3 =	sshll.u32 s6, $0x9  }
0x262: {  	s3 =	sshra.s32 s3, $0x2  }
0x263: {  	[tilespmem:s3+$0x14238] =	vst v0  }
0x264: {  	v0 =	vld [tilespmem:s0+$0x14248];
	_ =	sdelay $0x4  }
0x265: {  	[tilespmem:s3+$0x14248] =	vst v0  }
0x266: {  	v0 =	vld [tilespmem:s0+$0x14258];
	_ =	sdelay $0x4  }
0x267: {  	[tilespmem:s3+$0x14258] =	vst v0  }
0x268: {  	v0 =	vld [tilespmem:s0+$0x14268];
	_ =	sdelay $0x4  }
0x269: {  	[tilespmem:s3+$0x14268] =	vst v0  }
0x26a: {  	v0 =	vld [tilespmem:s0+$0x14278];
	_ =	sdelay $0x4  }
0x26b: {  	[tilespmem:s3+$0x14278] =	vst v0  }
0x26c: {  	v0 =	vld [tilespmem:s0+$0x14288];
	_ =	sdelay $0x4  }
0x26d: {  	[tilespmem:s3+$0x14288] =	vst v0  }
0x26e: {  	v0 =	vld [tilespmem:s0+$0x14298];
	_ =	sdelay $0x4  }
0x26f: {  	[tilespmem:s3+$0x14298] =	vst v0  }
0x270: {  	v0 =	vld [tilespmem:s0+$0x142A8]  }
.Ltmp30:
0x271: {  	_ = 	snop;
	(pc) =	sbr.rel .LBB2_40-.Ltmp30, $2  }
0x272: {  	_ =	sdelay $0x2  }
0x273: {  	s6 =	sadd.s32 $0x1, s6;
	[tilespmem:s3+$0x142A8] =	vst v0  }
.LBB2_37:
.Ltmp31:
0x274: {  	(pc) =	sbr.rel .LBB2_39-.Ltmp31, $2  }
0x275: {  	_ =	sdelay $0x2  }
0x276: {  	s12 =	sshll.u32 s11, $0x9  }
.LBB2_41:
0x277: {  	s0 =	simm.s32 $0x6;
	p1 =	seq.s32 s6, $0x0  }
0x278: {  	[sflag:s0] =	ssyncpa.u1 $0x1;
	v0 =	vimm.s32 @p1 $0xFFFFFFFF  }
0x279: {  	s9 =	sadd.s32 $0xFFFFFFFF, s6;
	[tilespmem:$0x15238] =	vst @p1 v0  }
0x27a: {  	v0 =	vld.msk @!p1 [tilespmem:s9+$0x14218], $0x1;
	_ =	sdelay $0x1  }
0x27b: {  	v1 =	vld.msk @!p1 [tilespmem:$0x14218], $0x1;
	_ =	sdelay $0x2  }
0x27c: {  	p2 =	seq.s32 @!p1 s9, $0x0;
	v0 =	vbroadcast @!p1 v0, $0x0  }
0x27d: {  	vm0 =	vmmov @!p1 $0x1;
	p2 =	por !p2, p1  }
0x27e: {  	v1 =	vnsel @!p1 vm0, $0xFFFFFFFF, v1;
	vm0 =	vcmask @!p1 $0x308;
	v0 =	vpsel !p2, $0xFFFFFFFF, v0  }
0x27f: {  	p2 =	sne.s32 @!p1 s7, s8;
	v0 =	vsel @!p1 vm0, v1, v0  }
0x280: {  	s0 =	simm.s32 @!p1 $0x14238;
	s3 =	simm.s32 @!p1 $0x0;
	p3 =	por !p2, p1;
	[tilespmem:$0x15238] =	vst @!p1 v0  }
0x281: {  	[spmem:s3] =	stream.linear.scatter @!p1 [tilespmem:s0], [sflag:$0x1], $0x80, $0x38;
	[tilespmem:$0x1F4C8] =	vst v63  }
0x282: {  	s0 =	sshll.u32 @!p3 s9, $0x9  }
0x283: {  	s0 =	sshra.s32 @!p3 s0, $0x2  }
0x284: {  	s3 =	simm.s32 @!p3 $0x80;
	s0 =	sadd.s32 @!p3 $0x14238, s0  }
0x285: {  	[spmem:s3] =	stream.linear.scatter @!p3 [tilespmem:s0], [sflag:$0x1], $0x80, $0x38;
	[tilespmem:$0x1F4C8] =	vst v63  }
0x286: {  	s0 =	simm.s32 @!p3 $0x1  }
0x287: {  	_ =	swait.ge @!p3 [sflag:s0], $0x100  }
0x288: {  	p1 =	por p2, p1;
	[sflag:s0] =	ssyncset.done @!p3 $0x0  }
0x289: {  	[sflag:s0] =	ssyncadd.s32 @!p3 $0xFFFFFF00;
	s0 =	simm.s32 @!p1 $0x1  }
0x28a: {  	_ =	swait.ge @!p1 [sflag:s0], $0x80  }
0x28b: {  	s29 =	simm.s32 $0x15238;
	[sflag:s0] =	ssyncset.done @!p1 $0x0  }
0x28c: {  	s30 =	simm.s32 $0x1000;
	s31 =	simm.s32 $0x1;
	[sflag:s0] =	ssyncadd.s32 @!p1 $0xFFFFFF80  }
0x28d: {  	[spmem:s30] =	stream.linear.scatter [tilespmem:s29], [sflag:$0x1], $0x10, $0x38;
	[tilespmem:$0x1F4C8] =	vst v63  }
0x28e: {  	_ =	swait.ge [sflag:s31], $0x10  }
0x28f: {  	[sflag:s31] =	ssyncset.done $0x0  }
0x290: {  	p1 =	seq.s32 s5, $0x0;
	[sflag:s31] =	ssyncadd.s32 $0xFFFFFFF0  }
0x291: {  	s3 =	sshll.u32 @p1 s4, $0xE;
	s11 =	rddreg [dreg:$0x3]  }
0x292: {  	s0 =	sadd.s32 @p1 $0x15C3C, s3;
	s3 =	sshll.u32 @p1 s11, $0x11  }
0x293: {  	_ =	sfence.stream.spmem;
	s0 =	sor.u32 @p1 s3, s0  }
0x294: {  	[sflag:s0] =	ssyncadd.remote.s32 @p1 $0x1;
	s0 =	simm.s32 @p1 $0x4  }
0x295: {  	s7 =	simm.s32 @!p1 $0x3C;
	s3 =	sand.u32 $0xFFFFFFFE, s4;
	_ =	swait.ge @p1 [sflag:s0], $0x22  }
0x296: {  	s8 =	simm.s32 @!p1 $0x0;
	s3 =	sadd.s32 @!p1 $0x4, s3;
	[sflag:s0] =	ssyncset.done @p1 $0x0  }
0x297: {  	s10 =	simm.s32 @!p1 $0x100;
	[sflag:s0] =	ssyncadd.s32 @p1 $0xFFFFFFDE;
	s0 =	sshll.u32 @!p1 s3, $0x1A  }
0x298: {  	s3 =	sshll.u32 @!p1 s3, $0xD;
	s0 =	sor.u32 @!p1 s0, s11;
	_ =	swait.eq @!p1 [sflag:s7], $0x1  }
0x299: {  	s3 =	sor.u32 @!p1 $0x1C04, s3;
	s7 =	simm.s32 @!p1 $0x1C03;
	s0 =	sor.u32 @!p1 $0x80004000, s0  }
0x29a: {  	[spmem:s10], [sflag:s3] =	dma.general @!p1 [spmem:s8], [sflag:s7], length:$0x20, [dreg:$0x0], stride_count:$0x0, ici_dest:s0, dma_misc:DstOpCode:WRITE  }
0x29b: {  	p2 =	slt.s32 s9, $0x2;
	s8 =	simm.s32 @!p1 $0x200;
	s10 =	simm.s32 @!p1 $0x202  }
0x29c: {  	[spmem:s10], [sflag:s3] =	dma.general @!p1 [spmem:s8], [sflag:s7], length:$0x2, [dreg:$0x0], stride_count:$0x0, ici_dest:s0, dma_misc:DstOpCode:WRITE  }
.Ltmp32:
0x29d: {  	s0 =	simm.s32 @!p1 $0x3;
	(pc) =	sbr.rel @p2 .LBB2_45-.Ltmp32, $4  }
0x29e: {  	s3 =	sshll.u32 @!p1 s4, $0xE;
	_ =	swait.ge @!p1 [sflag:s0], $0x22  }
0x29f: {  	s4 =	sshll.u32 @!p1 s11, $0x11;
	s3 =	sadd.s32 @!p1 $0x11C3C, s3;
	[sflag:s0] =	ssyncset.done @!p1 $0x0  }
0x2a0: {  	[sflag:s0] =	ssyncadd.s32 @!p1 $0xFFFFFFDE;
	s0 =	sor.u32 @!p1 s4, s3  }
0x2a1: {  	s3 =	simm.s32 $0x0;
	[sflag:s0] =	ssyncadd.remote.s32 @!p1 $0xFFFFFFFF  }
0x2a2: {  	s0 =	simm.s32 $0x14219  }
0x2a3: {  	v0 =	vld.msk [tilespmem:s0+$0x0], $0x1;
	_ =	sdelay $0x4  }
0x2a4: {  	(v2sf) =	vpush v0, $0x0;
	_ =	sdelay $0xc  }
0x2a5: {  	s4 =	sadd.s32 $0xFFFFFFFE, s6  }
0x2a6: {  	s4 =	sadd.s32 $0xFFFFFFFF, s4  }
0x2a7: {  	p1 =	sne.s32 s4, $0x0;
	s0 =	spop (v2sf)  }
.Ltmp33:
0x2a8: {  	p2 =	sgt.u32 s0, $0x61A701;
	(pc) =	sbr.rel @!p1 .LBB2_44-.Ltmp33, $4  }
0x2a9: {  	s6 =	sshrl.u32 @!p2 s0, $0x1;
	s0 =	sshrl.u32 @!p2 s0, $0x4  }
0x2aa: {  	s3 =	simm.s32 $0x142B8;
	s0 =	sadd.s32 @!p2 s1, s0;
	s6 =	sand.u32 @!p2 $0x7, s6  }
0x2ab: {  	[hbm4b:s0+s6] =	stream.linear.scatter @!p2 [tilespmem:s3], [sflag:$0x5], $0x80, $0x38;
	[tilespmem:$0x1F4C8] =	vst v63  }
0x2ac: {  	s8 =	simm.s32 $0x1421A;
	s7 =	simm.s32 $0x0;
	s6 =	simm.s32 $0x0  }
.LBB2_43:
0x2ad: {  	s0 =	simm.s32 $0x0  }
0x2ae: {  	v0 =	vld.msk [tilespmem:s8+$0x0], $0x1;
	s4 =	sadd.s32 $0xFFFFFFFF, s4;
	s0 =	simm.s32 @!p2 $0x200  }
0x2af: {  	p1 =	sne.s32 s4, $0x0;
	s7 =	sadd.s32 s7, s0;
	_ =	sdelay $0x3  }
0x2b0: {  	(v2sf) =	vpush v0, $0x0;
	_ =	sdelay $0xe  }
.Ltmp34:
0x2b1: {  	s0 =	spop (v2sf);
	(pc) =	sbr.rel @p1 .LBB2_43-.Ltmp34, $4  }
0x2b2: {  	p2 =	sgt.u32 s0, $0x61A701  }
0x2b3: {  	s3 =	sadd.s32 $0x80, s3;
	s9 =	sshrl.u32 @!p2 s0, $0x1;
	s0 =	sshrl.u32 @!p2 s0, $0x4  }
0x2b4: {  	s8 =	sadd.s32 $0x1, s8;
	s0 =	sadd.s32 @!p2 s1, s0;
	s9 =	sand.u32 @!p2 $0x7, s9  }
0x2b5: {  	[hbm4b:s0+s9] =	stream.linear.scatter @!p2 [tilespmem:s3], [sflag:$0x5], $0x80, $0x38;
	[tilespmem:$0x1F4C8] =	vst v63  }
.LBB2_44:
0x2b6: {  	s6 =	simm.s32 @!p2 $0x200  }
0x2b7: {  	s0 =	sadd.s32 s7, s6  }
0x2b8: {  	s3 =	sshrl.u32 s0, $0x2  }
.LBB2_45:
0x2b9: {  	s0 =	simm.s32 $0x5  }
0x2ba: {  	_ =	swait.ge [sflag:s0], s3  }
0x2bb: {  	s31 =	ssub.s32 $0x0, s3;
	[sflag:s0] =	ssyncset.done $0x0  }
0x2bc: {  	[sflag:s0] =	ssyncadd.s32 s31  }
0x2bd: {  	[sflag:s0] =	ssyncpa.u1 $0x1  }
.LBB2_46:
0x2be: {  	s0 =	sor.u32 s5, s2  }
0x2bf: {  	p1 =	sne.s32 s0, $0x0  }
.Ltmp35:
0x2c0: {  	_ = 	snop;
	(pc) =	sbr.rel @p1 .LBB2_64-.Ltmp35, $3  }
0x2c1: {  	_ =	sdelay $0x1  }
0x2c2: {  	[bflag:$0x0] =	sbarrier.arrive $0xFFFF  }
0x2c3: {  	_ =	sfence  }
0x2c4: {  	s0 =	simm.s32 $0x7  }
0x2c5: {  	s2 =	simm.s32 $0x1000;
	s3 =	simm.s32 $0x14218;
	[sflag:s0] =	ssyncpa.u1 $0x0  }
0x2c6: {  	[tilespmem:s3], [sflag:$0x7] =	stream.linear.gather [spmem:s2], $0x20, $0x38;
	[tilespmem:$0x1F4C8] =	vst v63  }
0x2c7: {  	s31 =	simm.s32 $0x14238;
	s2 =	simm.s32 $0x0  }
0x2c8: {  	[tilespmem:s31], [sflag:$0x7] =	stream.linear.gather [spmem:s2], $0x1000, $0x38;
	[tilespmem:$0x1F4C8] =	vst v63  }
.Ltmp36:
0x2c9: {  	_ = 	snop;
	(pc) =	sbr.rel .LBB2_48-.Ltmp36, $4  }
0x2ca: {  	_ =	swait.ge [sflag:s0], $0x1020  }
0x2cb: {  	[sflag:s0] =	ssyncset.done $0x0  }
0x2cc: {  	s3 =	simm.s32 $0x8;
	[sflag:s0] =	ssyncadd.s32 $0xFFFFEFE0  }
0x2cd: {  	s4 =	simm.s32 $0x14188;
	s5 =	simm.s32 $0x0;
	[sflag:s3] =	ssyncpa.u1 $0x0  }
.LBB2_56:
0x2ce: {  	s0 =	sshrl.u32 s6, $0x1;
	s31 =	sshrl.u32 s6, $0x4  }
0x2cf: {  	s6 =	sadd.s32 s1, s31;
	s0 =	sand.u32 $0x7, s0  }
0x2d0: {  	[tilespmem:s4], [sflag:$0x8] =	stream.linear.gather [hbm4b:s6+s0], $0x80, $0x38;
	[tilespmem:$0x1F4C8] =	vst v63  }
0x2d1: {  	_ =	swait.ge [sflag:s3], $0x80  }
0x2d2: {  	[sflag:s3] =	ssyncset.done $0x0  }
0x2d3: {  	s6 =	sshll.u32 s5, $0x9;
	[sflag:s3] =	ssyncadd.s32 $0xFFFFFF80  }
0x2d4: {  	s7 =	sshrl.u32 s6, $0x2;
	v1 =	vld [tilespmem:$0x14188]  }
0x2d5: {  	v2 =	vld [tilespmem:s7+$0x14238]  }
0x2d6: {  	v4 =	vld [tilespmem:s7+$0x14248]  }
0x2d7: {  	v5 =	vld [tilespmem:$0x141A8]  }
0x2d8: {  	v7 =	vld [tilespmem:s7+$0x14258]  }
0x2d9: {  	v9 =	vld [tilespmem:$0x141B8]  }
0x2da: {  	v44 =	vld [tilespmem:s7+$0x14268]  }
0x2db: {  	v11 =	vld [tilespmem:$0x141C8]  }
0x2dc: {  	v46 =	vld [tilespmem:s7+$0x14278]  }
0x2dd: {  	v13 =	vld [tilespmem:$0x141D8]  }
0x2de: {  	v50 =	vld [tilespmem:s7+$0x14288]  }
0x2df: {  	v15 =	vld [tilespmem:$0x141E8]  }
0x2e0: {  	v51 =	vld [tilespmem:s7+$0x14298];
	v6 =	vunpack.i.u.bf16.f32 v1;
	v1 =	vunpack.i.l.bf16.f32 v1;
	v8 =	vunpack.i.u.bf16.f32 v2  }
0x2e1: {  	v52 =	vld [tilespmem:$0x141F8];
	v2 =	vunpack.i.l.bf16.f32 v2;
	v10 =	vunpack.i.u.bf16.f32 v4;
	v4 =	vunpack.i.l.bf16.f32 v4  }
0x2e2: {  	v56 =	vld [tilespmem:s7+$0x142A8];
	v45 =	vunpack.i.u.bf16.f32 v5;
	v5 =	vunpack.i.l.bf16.f32 v5;
	v12 =	vunpack.i.u.bf16.f32 v7  }
0x2e3: {  	v3 =	vld [tilespmem:$0x14198];
	v7 =	vunpack.i.l.bf16.f32 v7;
	v47 =	vunpack.i.u.bf16.f32 v9;
	v9 =	vunpack.i.l.bf16.f32 v9  }
0x2e4: {  	v48 =	vunpack.i.u.bf16.f32 v44;
	v49 =	vunpack.i.u.bf16.f32 v11;
	v11 =	vunpack.i.l.bf16.f32 v11  }
0x2e5: {  	v14 =	vunpack.i.u.bf16.f32 v46;
	v55 =	vunpack.i.u.bf16.f32 v13;
	v57 =	vunpack.i.l.bf16.f32 v13  }
0x2e6: {  	v58 =	vunpack.i.u.bf16.f32 v50;
	v60 =	vunpack.i.u.bf16.f32 v15;
	v61 =	vunpack.i.u.bf16.f32 v51  }
0x2e7: {  	v62 =	vunpack.i.u.bf16.f32 v52;
	v63 =	vunpack.i.u.bf16.f32 v56;
	v6 =	vadd.f32 v8, v6  }
0x2e8: {  	v1 =	vadd.f32 v2, v1;
	v2 =	vunpack.i.u.bf16.f32 v3;
	v5 =	vadd.f32 v7, v5  }
0x2e9: {  	v3 =	vunpack.i.l.bf16.f32 v3;
	v7 =	vadd.f32 v48, v47;
	v2 =	vadd.f32 v10, v2  }
0x2ea: {  	v8 =	vunpack.i.l.bf16.f32 v44;
	v3 =	vadd.f32 v4, v3;
	v4 =	vadd.f32 v12, v45  }
0x2eb: {  	v8 =	vadd.f32 v8, v9;
	v10 =	vunpack.i.l.bf16.f32 v46;
	v9 =	vadd.f32 v14, v49  }
0x2ec: {  	v12 =	vunpack.i.l.bf16.f32 v50;
	v10 =	vadd.f32 v10, v11;
	v1 =	vpack.i.f32.bf16 v6, v1  }
0x2ed: {  	v59 =	vadd.f32 v12, v57;
	v11 =	vunpack.i.l.bf16.f32 v51;
	v2 =	vpack.i.f32.bf16 v2, v3;
	[tilespmem:s7+$0x14238] =	vst v1  }
0x2ee: {  	v3 =	vpack.i.f32.bf16 v4, v5;
	v53 =	vpack.i.f32.bf16 v7, v8;
	v1 =	vadd.f32 v58, v55;
	[tilespmem:s7+$0x14248] =	vst v2  }
0x2ef: {  	v4 =	vunpack.i.l.bf16.f32 v52;
	v8 =	vunpack.i.l.bf16.f32 v56;
	v2 =	vunpack.i.l.bf16.f32 v15;
	[tilespmem:s7+$0x14258] =	vst v3  }
0x2f0: {  	v54 =	vpack.i.f32.bf16 v9, v10;
	v3 =	vadd.f32 v61, v60;
	[tilespmem:s7+$0x14268] =	vst v53;
	v2 =	vadd.f32 v11, v2  }
0x2f1: {  	v5 =	vadd.f32 v63, v62;
	v4 =	vadd.f32 v8, v4;
	[tilespmem:s7+$0x14278] =	vst v54;
	v1 =	vpack.i.f32.bf16 v1, v59  }
0x2f2: {  	[tilespmem:s7+$0x14288] =	vst v1;
	v1 =	vpack.i.f32.bf16 v3, v2  }
0x2f3: {  	[tilespmem:s7+$0x14298] =	vst v1;
	v1 =	vpack.i.f32.bf16 v5, v4  }
0x2f4: {  	[tilespmem:s7+$0x142A8] =	vst v1  }
.LBB2_57:
0x2f5: {  	[tilespmem:s2+$0x14218] =	vst.msk $0x1, v0;
	s0 =	sshrl.u32 s6, $0x2  }
0x2f6: {  	v0 =	vld [tilespmem:s0+$0x14238];
	_ =	sdelay $0x2  }
0x2f7: {  	s31 =	sshll.u32 s2, $0x9  }
0x2f8: {  	s6 =	sshra.s32 s31, $0x2  }
0x2f9: {  	[tilespmem:s6+$0x14238] =	vst v0  }
0x2fa: {  	v0 =	vld [tilespmem:s0+$0x14248];
	_ =	sdelay $0x4  }
0x2fb: {  	[tilespmem:s6+$0x14248] =	vst v0  }
0x2fc: {  	v0 =	vld [tilespmem:s0+$0x14258];
	_ =	sdelay $0x4  }
0x2fd: {  	[tilespmem:s6+$0x14258] =	vst v0  }
0x2fe: {  	v0 =	vld [tilespmem:s0+$0x14268];
	_ =	sdelay $0x4  }
0x2ff: {  	[tilespmem:s6+$0x14268] =	vst v0  }
0x300: {  	v0 =	vld [tilespmem:s0+$0x14278];
	_ =	sdelay $0x4  }
0x301: {  	[tilespmem:s6+$0x14278] =	vst v0  }
0x302: {  	v0 =	vld [tilespmem:s0+$0x14288];
	_ =	sdelay $0x4  }
0x303: {  	[tilespmem:s6+$0x14288] =	vst v0  }
0x304: {  	v0 =	vld [tilespmem:s0+$0x14298];
	_ =	sdelay $0x4  }
0x305: {  	[tilespmem:s6+$0x14298] =	vst v0  }
0x306: {  	v0 =	vld [tilespmem:s0+$0x142A8];
	_ =	sdelay $0x4  }
0x307: {  	s2 =	sadd.s32 $0x1, s2;
	[tilespmem:s6+$0x142A8] =	vst v0  }
.LBB2_58:
0x308: {  	s5 =	sadd.s32 $0x1, s5  }
0x309: {  	p1 =	sne.s32 s5, $0x20  }
.Ltmp37:
0x30a: {  	_ = 	snop;
	(pc) =	sbr.rel @!p1 .LBB2_59-.Ltmp37, $1  }
0x30b: {  	_ =	sdelay $0x3  }
.LBB2_48:
0x30c: {  	v0 =	vld.msk [tilespmem:s5+$0x14218], $0x1;
	_ =	sdelay $0x4  }
0x30d: {  	(v2sf) =	vpush v0, $0x0;
	_ =	sdelay $0xe  }
0x30e: {  	s6 =	spop (v2sf)  }
0x30f: {  	p1 =	seq.s32 s6, $0xFFFFFFFF  }
.Ltmp38:
0x310: {  	_ = 	snop;
	(pc) =	sbr.rel @p1 .LBB2_58-.Ltmp38, $1  }
0x311: {  	_ =	sdelay $0x3  }
0x312: {  	p1 =	slt.s32 s2, $0x1  }
.Ltmp39:
0x313: {  	_ = 	snop;
	(pc) =	sbr.rel @p1 .LBB2_54-.Ltmp39, $1  }
0x314: {  	_ =	sdelay $0x3  }
0x315: {  	s7 =	simm.s32 $0x14218;
	p1 =	por $0x0, $0x0  }
0x316: {  	v1 =	vld.msk @!p1 [tilespmem:s7+$0x0], $0x1;
	_ =	sdelay $0x4  }
0x317: {  	(v2sf) =	vpush @!p1 v1, $0x0;
	_ =	sdelay $0xe  }
0x318: {  	p3 =	sne.s32 s2, $0x1;
	s0 =	spop @!p1 (v2sf)  }
.Ltmp40:
0x319: {  	s0 =	sxor.u32 @!p1 s6, s0;
	(pc) =	sbr.rel @!p3 .LBB2_52-.Ltmp40, $4  }
0x31a: {  	p2 =	slt.u32 @!p1 s0, $0x2  }
0x31b: {  	s8 =	simm.s32 $0x0;
	p2 =	por !p2, p1  }
0x31c: {  	s0 =	simm.s32 $0xFFFFFFFF;
	s8 =	simm.s32 @p2 $0xFFFFFFFF  }
0x31d: {  	s9 =	simm.s32 $0x1;
	s8 =	smov.u32 @p1 s0  }
.LBB2_51:
0x31e: {  	s0 =	smov.u32 s8;
	p1 =	sne.s32 s8, $0xFFFFFFFF  }
0x31f: {  	s7 =	sadd.s32 $0x1, s7;
	s8 =	smov.u32 s9;
	s9 =	sadd.s32 $0x1, s9  }
0x320: {  	p2 =	sne.s32 s2, s9;
	v1 =	vld.msk @!p1 [tilespmem:s7+$0x0], $0x1;
	_ =	sdelay $0x4  }
0x321: {  	(v2sf) =	vpush @!p1 v1, $0x0;
	_ =	sdelay $0xe  }
0x322: {  	s10 =	spop @!p1 (v2sf)  }
.Ltmp41:
0x323: {  	s10 =	sxor.u32 @!p1 s6, s10;
	(pc) =	sbr.rel @p2 .LBB2_51-.Ltmp41, $4  }
0x324: {  	p3 =	slt.u32 @!p1 s10, $0x2  }
0x325: {  	p3 =	por !p3, p1  }
0x326: {  	s8 =	simm.s32 @p3 $0xFFFFFFFF  }
0x327: {  	s8 =	smov.u32 @p1 s0  }
.LBB2_52:
0x328: {  	p1 =	seq.s32 s8, $0xFFFFFFFF  }
.Ltmp42:
0x329: {  	_ = 	snop;
	(pc) =	sbr.rel @p1 .LBB2_54-.Ltmp42, $1  }
0x32a: {  	_ =	sdelay $0x3  }
0x32b: {  	s0 =	sshll.u32 s5, $0x7  }
0x32c: {  	s31 =	sshll.u32 s8, $0x9;
	s7 =	sand.u32 $0x3FFFFF80, s0  }
0x32d: {  	s6 =	sshra.s32 s31, $0x2;
	v0 =	vld [tilespmem:s7+$0x14238]  }
0x32e: {  	v1 =	vld [tilespmem:s6+$0x14238];
	_ =	sdelay $0x3  }
0x32f: {  	v2 =	vunpack.i.u.bf16.f32 v0  }
0x330: {  	v0 =	vunpack.i.l.bf16.f32 v0;
	v3 =	vunpack.i.u.bf16.f32 v1;
	v1 =	vunpack.i.l.bf16.f32 v1  }
0x331: {  	v2 =	vadd.f32 v3, v2;
	v0 =	vadd.f32 v1, v0;
	_ =	sdelay $0x1  }
0x332: {  	v0 =	vpack.i.f32.bf16 v2, v0  }
0x333: {  	v43 =	vld [tilespmem:s6+$0x14248];
	[tilespmem:s6+$0x14238] =	vst v0  }
0x334: {  	v0 =	vld [tilespmem:s7+$0x14248];
	_ =	sdelay $0x3  }
0x335: {  	v45 =	vunpack.i.u.bf16.f32 v43  }
0x336: {  	v1 =	vunpack.i.l.bf16.f32 v43;
	v44 =	vunpack.i.u.bf16.f32 v0;
	v0 =	vunpack.i.l.bf16.f32 v0  }
0x337: {  	v2 =	vadd.f32 v45, v44;
	v0 =	vadd.f32 v1, v0;
	_ =	sdelay $0x1  }
0x338: {  	v0 =	vpack.i.f32.bf16 v2, v0  }
0x339: {  	v46 =	vld [tilespmem:s6+$0x14258];
	[tilespmem:s6+$0x14248] =	vst v0  }
0x33a: {  	v0 =	vld [tilespmem:s7+$0x14258];
	_ =	sdelay $0x3  }
0x33b: {  	v48 =	vunpack.i.u.bf16.f32 v46  }
0x33c: {  	v1 =	vunpack.i.l.bf16.f32 v46;
	v47 =	vunpack.i.u.bf16.f32 v0;
	v0 =	vunpack.i.l.bf16.f32 v0  }
0x33d: {  	v2 =	vadd.f32 v48, v47;
	v0 =	vadd.f32 v1, v0;
	_ =	sdelay $0x1  }
0x33e: {  	v0 =	vpack.i.f32.bf16 v2, v0  }
0x33f: {  	v49 =	vld [tilespmem:s6+$0x14268];
	[tilespmem:s6+$0x14258] =	vst v0  }
0x340: {  	v0 =	vld [tilespmem:s7+$0x14268];
	_ =	sdelay $0x3  }
0x341: {  	v51 =	vunpack.i.u.bf16.f32 v49  }
0x342: {  	v1 =	vunpack.i.l.bf16.f32 v49;
	v50 =	vunpack.i.u.bf16.f32 v0;
	v0 =	vunpack.i.l.bf16.f32 v0  }
0x343: {  	v2 =	vadd.f32 v51, v50;
	v0 =	vadd.f32 v1, v0;
	_ =	sdelay $0x1  }
0x344: {  	v0 =	vpack.i.f32.bf16 v2, v0  }
0x345: {  	v52 =	vld [tilespmem:s6+$0x14278];
	[tilespmem:s6+$0x14268] =	vst v0  }
0x346: {  	v0 =	vld [tilespmem:s7+$0x14278];
	_ =	sdelay $0x3  }
0x347: {  	v54 =	vunpack.i.u.bf16.f32 v52  }
0x348: {  	v1 =	vunpack.i.l.bf16.f32 v52;
	v53 =	vunpack.i.u.bf16.f32 v0;
	v0 =	vunpack.i.l.bf16.f32 v0  }
0x349: {  	v2 =	vadd.f32 v54, v53;
	v0 =	vadd.f32 v1, v0;
	_ =	sdelay $0x1  }
0x34a: {  	v0 =	vpack.i.f32.bf16 v2, v0  }
0x34b: {  	v55 =	vld [tilespmem:s6+$0x14288];
	[tilespmem:s6+$0x14278] =	vst v0  }
0x34c: {  	v0 =	vld [tilespmem:s7+$0x14288];
	_ =	sdelay $0x3  }
0x34d: {  	v57 =	vunpack.i.u.bf16.f32 v55  }
0x34e: {  	v1 =	vunpack.i.l.bf16.f32 v55;
	v56 =	vunpack.i.u.bf16.f32 v0;
	v0 =	vunpack.i.l.bf16.f32 v0  }
0x34f: {  	v2 =	vadd.f32 v57, v56;
	v0 =	vadd.f32 v1, v0;
	_ =	sdelay $0x1  }
0x350: {  	v0 =	vpack.i.f32.bf16 v2, v0  }
0x351: {  	v58 =	vld [tilespmem:s6+$0x14298];
	[tilespmem:s6+$0x14288] =	vst v0  }
0x352: {  	v0 =	vld [tilespmem:s7+$0x14298];
	_ =	sdelay $0x3  }
0x353: {  	v60 =	vunpack.i.u.bf16.f32 v58  }
0x354: {  	v1 =	vunpack.i.l.bf16.f32 v58;
	v59 =	vunpack.i.u.bf16.f32 v0;
	v0 =	vunpack.i.l.bf16.f32 v0  }
0x355: {  	v2 =	vadd.f32 v60, v59;
	v0 =	vadd.f32 v1, v0;
	_ =	sdelay $0x1  }
0x356: {  	v0 =	vpack.i.f32.bf16 v2, v0  }
0x357: {  	v61 =	vld [tilespmem:s6+$0x142A8];
	[tilespmem:s6+$0x14298] =	vst v0  }
0x358: {  	v0 =	vld [tilespmem:s7+$0x142A8];
	_ =	sdelay $0x3  }
0x359: {  	v63 =	vunpack.i.u.bf16.f32 v61  }
.Ltmp43:
0x35a: {  	v1 =	vunpack.i.l.bf16.f32 v61;
	v62 =	vunpack.i.u.bf16.f32 v0;
	v0 =	vunpack.i.l.bf16.f32 v0;
	(pc) =	sbr.rel .LBB2_58-.Ltmp43, $3  }
0x35b: {  	v2 =	vadd.f32 v63, v62;
	v0 =	vadd.f32 v1, v0;
	_ =	sdelay $0x1  }
0x35c: {  	v0 =	vpack.i.f32.bf16 v2, v0  }
0x35d: {  	[tilespmem:s6+$0x142A8] =	vst v0  }
.LBB2_54:
0x35e: {  	p1 =	slt.u32 s6, $0x61A702  }
.Ltmp44:
0x35f: {  	_ = 	snop;
	(pc) =	sbr.rel @p1 .LBB2_56-.Ltmp44, $1  }
0x360: {  	_ =	sdelay $0x3  }
.Ltmp45:
0x361: {  	(pc) =	sbr.rel .LBB2_57-.Ltmp45, $2  }
0x362: {  	_ =	sdelay $0x2  }
0x363: {  	s6 =	sshll.u32 s5, $0x9  }
.LBB2_59:
0x364: {  	p1 =	slt.s32 s2, $0x1  }
.Ltmp46:
0x365: {  	_ = 	snop;
	(pc) =	sbr.rel @p1 .LBB2_63-.Ltmp46, $3  }
0x366: {  	_ =	sdelay $0x1  }
0x367: {  	s0 =	simm.s32 $0x8  }
0x368: {  	s3 =	simm.s32 $0x0;
	[sflag:s0] =	ssyncpa.u1 $0x1  }
0x369: {  	s0 =	simm.s32 $0x14218  }
0x36a: {  	v0 =	vld.msk [tilespmem:s0+$0x0], $0x1;
	_ =	sdelay $0x4  }
0x36b: {  	(v2sf) =	vpush v0, $0x0;
	_ =	sdelay $0xd  }
0x36c: {  	s2 =	sadd.s32 $0xFFFFFFFF, s2  }
0x36d: {  	p1 =	sne.s32 s2, $0x0;
	s0 =	spop (v2sf)  }
.Ltmp47:
0x36e: {  	p2 =	sgt.u32 s0, $0x61A701;
	(pc) =	sbr.rel @!p1 .LBB2_62-.Ltmp47, $4  }
0x36f: {  	s5 =	sshrl.u32 @!p2 s0, $0x1;
	s0 =	sshrl.u32 @!p2 s0, $0x4  }
0x370: {  	s4 =	simm.s32 $0x14238;
	s0 =	sadd.s32 @!p2 s1, s0;
	s5 =	sand.u32 @!p2 $0x7, s5  }
0x371: {  	[hbm4b:s0+s5] =	stream.linear.scatter @!p2 [tilespmem:s4], [sflag:$0x7], $0x80, $0x38;
	[tilespmem:$0x1F4C8] =	vst v63  }
0x372: {  	s6 =	simm.s32 $0x14219;
	s5 =	simm.s32 $0x0  }
.LBB2_61:
0x373: {  	s0 =	simm.s32 $0x0  }
0x374: {  	v0 =	vld.msk [tilespmem:s6+$0x0], $0x1;
	s2 =	sadd.s32 $0xFFFFFFFF, s2;
	s0 =	simm.s32 @!p2 $0x200  }
0x375: {  	p1 =	sne.s32 s2, $0x0;
	s3 =	sadd.s32 s3, s0;
	_ =	sdelay $0x3  }
0x376: {  	(v2sf) =	vpush v0, $0x0;
	_ =	sdelay $0xe  }
.Ltmp48:
0x377: {  	s0 =	spop (v2sf);
	(pc) =	sbr.rel @p1 .LBB2_61-.Ltmp48, $4  }
0x378: {  	p2 =	sgt.u32 s0, $0x61A701  }
0x379: {  	s4 =	sadd.s32 $0x80, s4;
	s7 =	sshrl.u32 @!p2 s0, $0x1;
	s0 =	sshrl.u32 @!p2 s0, $0x4  }
0x37a: {  	s6 =	sadd.s32 $0x1, s6;
	s0 =	sadd.s32 @!p2 s1, s0;
	s7 =	sand.u32 @!p2 $0x7, s7  }
0x37b: {  	[hbm4b:s0+s7] =	stream.linear.scatter @!p2 [tilespmem:s4], [sflag:$0x7], $0x80, $0x38;
	[tilespmem:$0x1F4C8] =	vst v63  }
.LBB2_62:
0x37c: {  	s5 =	simm.s32 @!p2 $0x200  }
0x37d: {  	s0 =	sadd.s32 s3, s5  }
0x37e: {  	s3 =	sshrl.u32 s0, $0x2  }
.LBB2_63:
0x37f: {  	s0 =	simm.s32 $0x7  }
0x380: {  	_ =	swait.ge [sflag:s0], s3  }
0x381: {  	s1 =	ssub.s32 $0x0, s3;
	[sflag:s0] =	ssyncset.done $0x0  }
0x382: {  	[sflag:s0] =	ssyncadd.s32 s1  }
0x383: {  	[sflag:s0] =	ssyncpa.u1 $0x1  }
.LBB2_64:
0x384: {  	_ =	sfence;
	s0 =	simm.s32 $0x1  }
0x385: {  	[sflag:s0] =	ssyncpa.u1 $0x1  }
0x386: {  	_ =	strace $0x90000062  }
0x387: {  	[bflag:$0x2] =	sbarrier.arrive $0xFFFF  }
0x388: {  	s0 =	rddreg [dreg:$0x4]  }
0x389: {  	s0 =	sadd.s32 @!p0 $0x100000, s0  }
0x38a: {  	[sflag:s0] =	ssyncadd.tile.s32 @!p0 $0x1;
	_ =	shalt  }
.Lfunc_end2:
_tile_overlayer_lowered:
.L_overlay_start_2:
0x38b: {  	(tag) =	ssettag $0x2  }
0x38c: {  	s0 =	rddreg [dreg:$0x0];
	s2 =	stileid.u32  }
0x38d: {  	s1 =	rddreg [dreg:$0x1];
	p0 =	sne.s32 s2, $0x0  }
0x38e: {  	s3 =	rddreg [dreg:$0x2];
	[bflag:$0x3] =	sbarrier.arrive $0xFFFF;
	s2 =	simm.s32 @!p0 $0x1C01  }
0x38f: {  	[timem:s3], [sflag:s2] =	dma.local @!p0 [hbm:s0], s1  }
0x390: {  	s0 =	simm.s32 @!p0 $0x1  }
0x391: {  	_ =	swait.ge @!p0 [sflag:s0], s1  }
0x392: {  	s1 =	ssub.s32 @!p0 $0x0, s1;
	[sflag:s0] =	ssyncset.done @!p0 $0x0  }
0x393: {  	[sflag:s0] =	ssyncadd.s32 @!p0 s1  }
0x394: {  	[bflag:$0x3] =	sbarrier.arrive $0xFFFF  }
0x395: {  	_ =	shalt  }

// kernel: scatter_offload_async_start
scs
__scs_entry_jumppad:
0x0: {  	(pc) =	sbr.rel $0x88, $3  }
0x1: {  	(tag) =	ssettag $0x0;
	lr =	simm.s32 $0x1  }
0x2: {  	[smem:$0x3F8A] =	sst lr;
	_ =	strace $0xD0000000  }
0x3: {  	_ = 	snop  }
0x4: {  	_ = 	snop  }
0x5: {  	_ = 	snop  }
0x6: {  	_ = 	snop  }
0x7: {  	_ = 	snop  }
__scs_overlays_trampoline_lowered:
0x8: {  	[smem:$0x3F99] =	sst s0  }
0x9: {  	[smem:$0x3F9A] =	sst s1  }
0xa: {  	[smem:$0x3F9B] =	sst s2  }
0xb: {  	[smem:$0x3F9C] =	sst s3  }
0xc: {  	[smem:$0x3F9D] =	sst s4  }
0xd: {  	[smem:$0x3F9E] =	sst s5  }
0xe: {  	[smem:$0x3F9F] =	sst s6  }
0xf: {  	[smem:$0x3FA0] =	sst s7  }
0x10: {  	[smem:$0x3FA1] =	sst s8  }
0x11: {  	[smem:$0x3FA2] =	sst s9;
	s0 =	simm.s32 @!p0 $0x0  }
0x12: {  	s1 =	sld [smem:$0x3F88];
	s0 =	simm.s32 @p0 $0x1  }
0x13: {  	[smem:$0x3FA3] =	sst s0;
	s0 =	simm.s32 @!p1 $0x0  }
0x14: {  	s2 =	sld [smem:$0x3F87];
	s0 =	simm.s32 @p1 $0x1  }
0x15: {  	[smem:$0x3FA4] =	sst s0;
	s0 =	simm.s32 @!p2 $0x0  }
0x16: {  	s3 =	sld [smem:$0x3FDB];
	s0 =	simm.s32 @p2 $0x1  }
0x17: {  	s4 =	simm.s32 $0x1BF5;
	[smem:$0x3FA6] =	sst s0  }
0x18: {  	s0 =	sld [smem:$0x3F89];
	_ =	swait.ge [sflag:s4], $0x0  }
0x19: {  	s7 =	sld [smem:$0x3F8A]  }
0x1a: {  	s8 =	sadd.s32 $0xFFFFE003, lr  }
0x1b: {  	s9 =	sadd.s32 $0xFFFFFEF7, lr;
	s5 =	simm.s32 $0xFFFFFFFF;
	p2 =	slt.u32 s8, $0xFFFFF086  }
0x1c: {  	p1 =	slt.u32 s9, $0xF7A;
	s5 =	simm.s32 @!p2 $0x0  }
0x1d: {  	s5 =	simm.s32 @p1 $0x1;
	p0 =	seq.s32 s7, s2  }
0x1e: {  	s7 =	smul.u32 @!p0 $0xF7A, s2;
	p2 =	seq.s32 @!p0 s5, $0x0  }
0x1f: {  	s9 =	smul.u32 $0xF7A, s1;
	s8 =	simm.s32 @!p0 $0x1BF5;
	p2 =	por !p2, p0  }
0x20: {  	[sflag:s8] =	ssyncset.s32 @!p0 $0xFFFFF086;
	s6 =	sadd.s32 @!p0 s3, s7;
	s7 =	simm.s32 @!p0 $0x108  }
0x21: {  	s3 =	sadd.s32 s3, s9;
	s6 =	sadd.s32 @!p0 $0x88, s6;
	s7 =	simm.s32 @p2 $0x1082  }
0x22: {  	[simem:s7], [sflag:s8] =	dma.local @!p0 [hbm:s6], $0xF7A  }
0x23: {  	s9 =	sor.u32 $0xD0000000, s2;
	s6 =	simm.s32 $0x108;
	_ =	swait.ge @!p0 [sflag:s8], $0x0  }
0x24: {  	s3 =	sadd.s32 $0x88, s3;
	s6 =	simm.s32 @!p1 $0x1082;
	[sflag:s4] =	ssyncset.s32 $0xFFFFF086  }
0x25: {  	[simem:s6], [sflag:s4] =	dma.local [hbm:s3], $0xF7A  }
0x26: {  	[smem:$0x3F8A] =	sst s1;
	(tag) =	ssettag s2;
	_ =	strace s9  }
0x27: {  	s1 =	sld [smem:$0x3F9A]  }
0x28: {  	s2 =	sld [smem:$0x3F9B]  }
0x29: {  	s4 =	sld [smem:$0x3F9D]  }
0x2a: {  	p0 =	seq.s32 s5, $0x0;
	s5 =	sld [smem:$0x3F9E]  }
0x2b: {  	s6 =	sld [smem:$0x3F9F]  }
0x2c: {  	s7 =	sld [smem:$0x3FA0]  }
0x2d: {  	s3 =	simm.s32 $0x108;
	s8 =	sld [smem:$0x3FA1]  }
0x2e: {  	s3 =	simm.s32 @!p0 $0x1082;
	s9 =	sld [smem:$0x3FA2]  }
0x2f: {  	lr =	sadd.s32 s0, s3;
	s0 =	sld [smem:$0x3F99]  }
0x30: {  	s3 =	sld [smem:$0x3F9C]  }
0x31: {  	[smem:$0x3FA5] =	sst s10  }
0x32: {  	s10 =	sld [smem:$0x3FA3];
	_ =	sdelay $0x3  }
0x33: {  	p0 =	seq.s32 s10, $0x1;
	s10 =	sld [smem:$0x3FA5];
	_ =	sdelay $0x3  }
0x34: {  	[smem:$0x3FA5] =	sst s10  }
0x35: {  	s10 =	sld [smem:$0x3FA4];
	_ =	sdelay $0x3  }
0x36: {  	p1 =	seq.s32 s10, $0x1;
	s10 =	sld [smem:$0x3FA5];
	_ =	sdelay $0x3  }
0x37: {  	[smem:$0x3FA5] =	sst s10  }
0x38: {  	s10 =	sld [smem:$0x3FA6]  }
0x39: {  	_ = 	snop;
	(pc) =	sbr.ind lr, $3  }
0x3a: {  	_ = 	snop  }
0x3b: {  	_ = 	snop  }
0x3c: {  	p2 =	seq.s32 s10, $0x1;
	s10 =	sld [smem:$0x3FA5]  }
0x3d: {  	_ =	shalt  }
0x3e: {  	_ =	shalt  }
0x3f: {  	_ =	shalt  }
0x40: {  	_ =	shalt  }
0x41: {  	_ =	shalt  }
0x42: {  	_ =	shalt  }
0x43: {  	_ =	shalt  }
0x44: {  	_ =	shalt  }
0x45: {  	_ =	shalt  }
0x46: {  	_ =	shalt  }
0x47: {  	_ =	shalt  }
0x48: {  	_ =	shalt  }
0x49: {  	_ =	shalt  }
0x4a: {  	_ =	shalt  }
0x4b: {  	_ =	shalt  }
0x4c: {  	_ =	shalt  }
0x4d: {  	_ =	shalt  }
0x4e: {  	_ =	shalt  }
0x4f: {  	_ =	shalt  }
0x50: {  	_ =	shalt  }
0x51: {  	_ =	shalt  }
0x52: {  	_ =	shalt  }
0x53: {  	_ =	shalt  }
0x54: {  	_ =	shalt  }
0x55: {  	_ =	shalt  }
0x56: {  	_ =	shalt  }
0x57: {  	_ =	shalt  }
0x58: {  	_ =	shalt  }
0x59: {  	_ =	shalt  }
0x5a: {  	_ =	shalt  }
0x5b: {  	_ =	shalt  }
0x5c: {  	_ =	shalt  }
0x5d: {  	_ =	shalt  }
0x5e: {  	_ =	shalt  }
0x5f: {  	_ =	shalt  }
0x60: {  	_ =	shalt  }
0x61: {  	_ =	shalt  }
0x62: {  	_ =	shalt  }
0x63: {  	_ =	shalt  }
0x64: {  	_ =	shalt  }
0x65: {  	_ =	shalt  }
0x66: {  	_ =	shalt  }
0x67: {  	_ =	shalt  }
0x68: {  	_ =	shalt  }
0x69: {  	_ =	shalt  }
0x6a: {  	_ =	shalt  }
0x6b: {  	_ =	shalt  }
0x6c: {  	_ =	shalt  }
0x6d: {  	_ =	shalt  }
0x6e: {  	_ =	shalt  }
0x6f: {  	_ =	shalt  }
0x70: {  	_ =	shalt  }
0x71: {  	_ =	shalt  }
0x72: {  	_ =	shalt  }
0x73: {  	_ =	shalt  }
0x74: {  	_ =	shalt  }
0x75: {  	_ =	shalt  }
0x76: {  	_ =	shalt  }
0x77: {  	_ =	shalt  }
0x78: {  	_ =	shalt  }
0x79: {  	_ =	shalt  }
0x7a: {  	_ =	shalt  }
0x7b: {  	_ =	shalt  }
0x7c: {  	_ =	shalt  }
0x7d: {  	_ =	shalt  }
0x7e: {  	_ =	shalt  }
0x7f: {  	_ =	shalt  }
0x80: {  	_ =	shalt  }
0x81: {  	_ =	shalt  }
0x82: {  	_ =	shalt  }
0x83: {  	_ =	shalt  }
0x84: {  	_ =	shalt  }
0x85: {  	_ =	shalt  }
0x86: {  	_ =	shalt  }
0x87: {  	_ =	shalt  }
.Lfunc_end0:
.L_simem_size_0:
called_computation_lowered:
.L_overlay_start_0:
0x88: {  	s2 =	sld [smem:$0x3FD9]  }
0x89: {  	s3 =	sld [smem:$0x3FFE];
	_ =	sdelay $0x1  }
0x8a: {  	s1 =	srdreg.scid  }
0x8b: {  	s0 =	sand.u32 $0x1, s1  }
0x8c: {  	s15 =	sshll.u32 s0, $0xA;
	s2 =	sadd.s32 s3, s2  }
0x8d: {  	s2 =	sadd.s32 s2, s15  }
0x8e: {  	[smem:$0x3FB1] =	sst s2  }
0x8f: {  	_ = 	snop  }
0x90: {  	s16 =	sld [smem:$0x3FD0];
	(tm) =	ssettm $0x1  }
0x91: {  	s17 =	sld [smem:$0x3FFB];
	_ =	sdelay $0x3  }
0x92: {  	_ =	strace s17  }
0x93: {  	s2 =	sld [smem:$0x3FFC];
	_ =	sdelay $0x3  }
0x94: {  	_ =	strace s2  }
0x95: {  	s2 =	sld [smem:$0x3FFD];
	_ =	sdelay $0x3  }
0x96: {  	_ =	strace s2  }
0x97: {  	_ =	strace $0x8FFFFFFF  }
0x98: {  	s18 =	sld [smem:$0x3FDB];
	_ =	sdelay $0x1  }
0x99: {  	s4 =	simm.s32 $_scs_section_size  }
0x9a: {  	s5 =	simm.s32 $_size__tile_overlayer_lowered;
	s6 =	simm.s32 $_tile_overlayer_lowered  }
0x9b: {  	s7 =	simm.s32 $0x1BFF;
	s19 =	sshll.u32 s6, $0x1;
	s4 =	sadd.s32 s4, s18  }
0x9c: {  	s20 =	simm.s32 $0x0;
	s5 =	sshll.u32 s5, $0x1;
	s6 =	sadd.s32 s19, s4  }
0x9d: {  	[timem:s20], [sflag:s7] =	dma.local [hbm:s6], s5  }
0x9e: {  	_ =	swait.ge [sflag:s7], s5  }
0x9f: {  	s5 =	ssub.s32 $0x0, s5;
	[sflag:s7] =	ssyncset.done $0x0  }
0xa0: {  	[sflag:s7] =	ssyncadd.s32 s5;
	_ =	sdelay $0x1  }
0xa1: {  	s21 =	simm.s32 $0x1B8B  }
0xa2: {  	_ =	swait.ge [sflag:s21], $0x1  }
0xa3: {  	[sflag:s21] =	ssyncset.done $0x0  }
0xa4: {  	s22 =	sld [smem:$0x3FFE];
	[sflag:s21] =	ssyncadd.s32 $0xFFFFFFFF  }
0xa5: {  	s24 =	simm.s32 $0x1B8E;
	s23 =	sld [smem:$0x0]  }
0xa6: {  	s25 =	simm.s32 $execute0_lowered;
	[smem:$0x3FD2] =	sst s24  }
0xa7: {  	s7 =	sshll.u32 s25, $0x1;
	_ =	strace $0x8000004F;
	[dreg:$0x1] =	wrdreg $0xFFFFFFFF  }
0xa8: {  	s8 =	simm.s32 $_size_execute0_lowered;
	s7 =	sadd.s32 s4, s7;
	[dreg:$0x0] =	wrdreg $0x0  }
0xa9: {  	s8 =	sshll.u32 s8, $0x1;
	[dreg:$0x2] =	wrdreg s7  }
0xaa: {  	[dreg:$0x3] =	wrdreg s8  }
0xab: {  	[dreg:$0x4] =	wrdreg $0xC0  }
0xac: {  	s26 =	simm.s32 $execute1_lowered;
	_ =	task [dreg:s20], $0x5FFFF  }
0xad: {  	s7 =	sshll.u32 s26, $0x1;
	[dreg:$0x1] =	wrdreg $0xFFFFFFFF  }
0xae: {  	s4 =	sadd.s32 s4, s7;
	[dreg:$0x0] =	wrdreg $0x60  }
0xaf: {  	[dreg:$0x2] =	wrdreg s4  }
0xb0: {  	[dreg:$0x3] =	wrdreg s22  }
0xb1: {  	[dreg:$0x4] =	wrdreg $0x9  }
0xb2: {  	_ =	task.clear_ibuf [dreg:s20], $0x5FFFF;
	_ =	strace $0x9000004F  }
0xb3: {  	s28 =	simm.s32 $0x9;
	_ =	strace $0x80000051  }
0xb4: {  	_ =	swait.ge [sflag:s28], $0x1  }
0xb5: {  	[sflag:s28] =	ssyncadd.s32 $0xFFFFFFFF  }
0xb6: {  	_ =	strace $0x90000051  }
0xb7: {  	s4 =	sld [smem:$0x0]  }
0xb8: {  	s7 =	sand.u32 $0xFFFFFFFE, s1  }
0xb9: {  	p0 =	sne.s32 s1, s7  }
0xba: {  	s7 =	sshll.u32 @p0 s7, $0xE  }
0xbb: {  	s7 =	sadd.s32 @p0 $0x11BF3, s7;
	s8 =	sshll.u32 @p0 s4, $0x11  }
0xbc: {  	s7 =	sor.u32 @p0 s8, s7  }
0xbd: {  	[sflag:s7] =	ssyncadd.remote.s32 @p0 $0x1;
	_ =	sdelay $0x1  }
0xbe: {  	s7 =	simm.s32 @p0 $0x1BF3  }
0xbf: {  	_ =	swait.eq @p0 [sflag:s7], $0x1  }
0xc0: {  	[sflag:s7] =	ssyncadd.s32 @p0 $0xFFFFFFFF  }
0xc1: {  	s8 =	sshll.u32 @!p0 s1, $0xE  }
0xc2: {  	s8 =	sor.u32 @!p0 $0x4000, s8;
	s7 =	simm.s32 @!p0 $0x1BF3  }
0xc3: {  	s4 =	sshll.u32 @!p0 s4, $0x11;
	s8 =	sadd.s32 @!p0 $0x11BF3, s8;
	_ =	swait.eq @!p0 [sflag:s7], $0x1  }
0xc4: {  	s4 =	sor.u32 @!p0 s4, s8;
	[sflag:s7] =	ssyncadd.s32 @!p0 $0xFFFFFFFF  }
0xc5: {  	[sflag:s4] =	ssyncadd.remote.s32 @!p0 $0x1  }
0xc6: {  	_ =	strace $0x80000052;
	[dreg:$0x1] =	wrdreg $0xFFFFFFFF  }
0xc7: {  	[dreg:$0x0] =	wrdreg $0x2030  }
0xc8: {  	[dreg:$0x2] =	wrdreg s22  }
0xc9: {  	[dreg:$0x3] =	wrdreg s16  }
0xca: {  	[dreg:$0x4] =	wrdreg s1  }
0xcb: {  	[dreg:$0x5] =	wrdreg s23  }
0xcc: {  	[dreg:$0x6] =	wrdreg $0xA  }
0xcd: {  	_ =	task.clear_ibuf [dreg:s20], $0x7FFFF;
	_ =	strace $0x90000052  }
0xce: {  	s29 =	simm.s32 $0xA;
	_ =	strace $0x80000054  }
0xcf: {  	_ =	swait.ge [sflag:s29], $0x1  }
0xd0: {  	[sflag:s29] =	ssyncadd.s32 $0xFFFFFFFF  }
0xd1: {  	_ =	strace $0x90000054  }
0xd2: {  	_ =	sfence  }
0xd3: {  	s30 =	sld [smem:$0x0];
	_ =	sdelay $0x2  }
0xd4: {  	s31 =	sshll.u32 s1, $0xD;
	s1 =	sshrl.u32 s1, $0x2  }
0xd5: {  	s4 =	sand.u32 $0x4000, s31;
	s1 =	sadd.s32 s1, s30  }
0xd6: {  	s0 =	sor.u32 s4, s0;
	s1 =	sshll.u32 s1, $0x11  }
0xd7: {  	s0 =	sor.u32 s1, s0  }
0xd8: {  	s0 =	sadd.s32 $0x8F2B, s0  }
0xd9: {  	[sflag:s0] =	ssyncadd.remote.s32 $0x1  }
0xda: {  	_ =	sfence.sel $0xFFFF  }
0xdb: {  	[dreg:$0x0] =	wrdreg $0xFFFFFFFF;
	(pc) =	sbr.abs _section_cstart, $3  }
0xdc: {  	[dreg:$0x1] =	wrdreg $0xFFFFFFFF  }
0xdd: {  	_ =	task.clear_ibuf [dreg:s20], $0x2FFFF;
	_ =	strace $0x9FFFFFFF  }
0xde: {  	(tm) =	ssettm $0x7FFFFFFF  }
0xdf: {  	_ =	shalt  }
tec
execute0_lowered:
.L_overlay_start_1:
0x0: {  	(tag) =	ssettag $0x1  }
0x1: {  	s2 =	rddreg [dreg:$0x0]  }
0x2: {  	s4 =	rddreg [dreg:$0x1]  }
0x3: {  	s0 =	rddreg [dreg:$0x2];
	s3 =	stileid.u32  }
0x4: {  	[bflag:$0x3] =	sbarrier.arrive $0xFFFF;
	s1 =	simm.s32 $_size_execute1_lowered;
	s29 =	srdreg.scid  }
0x5: {  	s7 =	simm.s32 $0x2;
	s8 =	simm.s32 $0x0;
	p0 =	sne.s32 s3, $0x0  }
0x6: {  	s1 =	sshll.u32 s1, $0x1;
	s5 =	simm.s32 @!p0 $0x1C3F;
	s6 =	simm.s32 @!p0 $0x4060  }
0x7: {  	[timem:s6], [sflag:s5] =	dma.local @!p0 [hbm:s2], s1  }
0x8: {  	s12 =	simm.s32 $0x0;
	s10 =	simm.s32 $0x0;
	s2 =	sshll.u32 s29, $0x8  }
.Ltmp0:
0x9: {  	s3 =	sshll.u32 s3, $0x9;
	s30 =	sand.u32 $0x100, s2;
	(pc) =	sbr.rel .LBB2_1-.Ltmp0, $4  }
0xa: {  	s11 =	simm.s32 $0x0;
	_ =	strace $0x80000050;
	s3 =	sor.u32 s3, s30  }
0xb: {  	s5 =	simm.s32 $0x1;
	s2 =	sadd.s32 $0x188C00, s4;
	s31 =	ssub.s32 $0xC300, s3  }
0xc: {  	s4 =	sadd.s32 $0x1EA800, s4;
	[sflag:s5] =	ssyncpa.u1 $0x0;
	s6 =	sshrl.u32 s31, $0xD  }
0xd: {  	[sflag:s7] =	ssyncpa.u1 $0x0;
	s9 =	smov.u32 s3;
	s7 =	sadd.s32 $0x2, s6  }
.LBB2_5:
0xe: {  	_ =	sdelay $0x3  }
0xf: {  	[tilespmem:v1+s16+$0x0 ss:$0x1] =	vst.idx.msk $0xffff, v7  }
0x10: {  	v62 =	vld.idx.msk [tilespmem:v0+s16+$0x20 ss:$0x1], $0xffff;
	[tilespmem:v1+s17+$0x30 ss:$0x1] =	vst.idx.msk $0xffff, v4  }
0x11: {  	v63 =	vld.idx.msk [tilespmem:v0+s16+$0x30 ss:$0x1], $0xffff;
	[tilespmem:v1+s17+$0x0 ss:$0x1] =	vst.idx.msk $0xffff, v2  }
0x12: {  	[tilespmem:v1+s17+$0x10 ss:$0x1] =	vst.idx.msk $0xffff, v3  }
0x13: {  	[tilespmem:v1+s17+$0x20 ss:$0x1] =	vst.idx.msk $0xffff, v5  }
0x14: {  	[tilespmem:v1+s16+$0x10 ss:$0x1] =	vst.idx.msk $0xffff, v6  }
0x15: {  	[tilespmem:v1+s16+$0x20 ss:$0x1] =	vst.idx.msk $0xffff, v62  }
0x16: {  	[tilespmem:v1+s16+$0x30 ss:$0x1] =	vst.idx.msk $0xffff, v63  }
.LBB2_6:
0x17: {  	s15 =	sand.u32 $0x1FFFFFE, s10  }
0x18: {  	s16 =	smulhi.u32 $0x14F8B59, s15;
	_ =	sdelay $0x1  }
0x19: {  	s16 =	sshrl.u32 s16, $0x8  }
0x1a: {  	s16 =	smul.u32 $0xC350, s16;
	_ =	sdelay $0x1  }
0x1b: {  	s15 =	ssub.s32 s15, s16  }
0x1c: {  	s15 =	sshll.u32 s15, $0x3  }
0x1d: {  	s15 =	sadd.s32 s4, s15  }
0x1e: {  	[hbm4b:s15+s8] =	stream.linear.scatter [tilespmem:s14], [sflag:$0x2], s13, $0x38;
	[tilespmem:$0x10000] =	vst v63  }
.LBB2_7:
0x1f: {  	p1 =	slt.u32 s11, $0x2  }
0x20: {  	p2 =	sgt.s32 @!p1 s12, $0xC250  }
0x21: {  	s13 =	smov.u32 s12;
	s14 =	sshra.s32 @!p1 s12, $0x1F;
	p2 =	por !p2, p1  }
0x22: {  	s12 =	sand.u32 @!p1 s14, s12;
	s13 =	simm.s32 @p2 $0xC250  }
0x23: {  	s12 =	ssub.s32 @!p1 s13, s12  }
0x24: {  	s12 =	sadd.s32 @!p1 $0xFFFF3DB0, s12  }
0x25: {  	s13 =	sshll.u32 @!p1 s12, $0x8  }
0x26: {  	p2 =	sgt.s32 @!p1 s12, $0xFF;
	s12 =	ssub.s32 @!p1 $0x10000, s13  }
0x27: {  	s14 =	sadd.s32 $0x2000, s9;
	p2 =	por !p2, p1;
	s12 =	sshrl.u32 @!p1 s12, $0x2  }
0x28: {  	s12 =	simm.s32 @!p2 $0x0;
	p2 =	sgt.s32 s14, $0xC34F  }
0x29: {  	s14 =	smov.u32 @p2 s3;
	p2 =	sne.s32 s11, s7  }
.Ltmp1:
0x2a: {  	_ = 	snop;
	(pc) =	sbr.rel @!p2 .LBB2_8-.Ltmp1, $4  }
0x2b: {  	s13 =	simm.s32 @!p1 $0x2  }
0x2c: {  	_ =	swait.ge @!p1 [sflag:s13], s12;
	s15 =	ssub.s32 @!p1 $0x0, s12  }
0x2d: {  	s12 =	smov.u32 s10;
	s11 =	sadd.s32 $0x1, s11;
	[sflag:s13] =	ssyncset.done @!p1 $0x0  }
0x2e: {  	s10 =	smov.u32 s9;
	s9 =	smov.u32 s14;
	[sflag:s13] =	ssyncadd.s32 @!p1 s15  }
.LBB2_1:
0x2f: {  	p1 =	sgt.u32 s11, s6  }
0x30: {  	s14 =	smov.u32 s9;
	p2 =	sgt.s32 @!p1 s9, $0xC250  }
0x31: {  	s13 =	sand.u32 @!p1 $0x1FFFFFE, s9;
	s15 =	sshra.s32 @!p1 s9, $0x1F;
	p2 =	por !p2, p1  }
0x32: {  	s16 =	smulhi.u32 @!p1 $0x14F8B59, s13;
	s15 =	sand.u32 @!p1 s15, s9;
	s14 =	simm.s32 @p2 $0xC250  }
0x33: {  	s14 =	ssub.s32 @!p1 s14, s15  }
0x34: {  	s15 =	sshrl.u32 @!p1 s16, $0x8;
	s14 =	sadd.s32 @!p1 $0xFFFF3DB0, s14  }
0x35: {  	s15 =	smul.u32 @!p1 $0xC350, s15;
	s16 =	sshll.u32 @!p1 s14, $0x8  }
0x36: {  	p2 =	sgt.s32 @!p1 s14, $0xFF;
	s14 =	sxor.u32 @!p1 $0xFFFFFFFF, s11;
	s16 =	ssub.s32 @!p1 $0x10000, s16  }
0x37: {  	s13 =	ssub.s32 @!p1 s13, s15;
	p2 =	por !p2, p1;
	s14 =	sshll.u32 @!p1 s14, $0xE  }
0x38: {  	s15 =	sshrl.u32 @!p1 s16, $0x2;
	s13 =	sshll.u32 @!p1 s13, $0x3;
	s14 =	sand.u32 @!p1 $0x4000, s14  }
0x39: {  	s16 =	simm.s32 @!p1 $0x0;
	s15 =	simm.s32 @!p2 $0x0;
	s13 =	sadd.s32 @!p1 s2, s13  }
0x3a: {  	[tilespmem:s14], [sflag:$0x1] =	stream.linear.gather @!p1 [hbm4b:s13+s16], s15, $0x38;
	[tilespmem:$0x10000] =	vst v63  }
0x3b: {  	p1 =	seq.s32 s11, $0x0  }
0x3c: {  	p2 =	sge.u32 @!p1 s11, s7  }
0x3d: {  	p1 =	por p1, p2  }
.Ltmp2:
0x3e: {  	_ = 	snop;
	(pc) =	sbr.rel @p1 .LBB2_7-.Ltmp2, $1  }
0x3f: {  	_ =	sdelay $0x3  }
0x40: {  	p1 =	sgt.s32 s10, $0xC250;
	s13 =	smov.u32 s10;
	s14 =	sshra.s32 s10, $0x1F  }
0x41: {  	s13 =	simm.s32 @!p1 $0xC250;
	s14 =	sand.u32 s14, s10  }
0x42: {  	s13 =	ssub.s32 s13, s14  }
0x43: {  	s13 =	sadd.s32 $0xFFFF3DB0, s13  }
0x44: {  	s31 =	sshll.u32 s13, $0x8  }
0x45: {  	s14 =	ssub.s32 $0x10000, s31  }
0x46: {  	p1 =	sgt.s32 s13, $0xFF;
	s13 =	sshrl.u32 s14, $0x2;
	s14 =	sadd.s32 $0x100, s10  }
0x47: {  	s13 =	simm.s32 @p1 $0x0;
	p1 =	slt.s32 s14, $0xC350  }
0x48: {  	s15 =	sshll.u32 s11, $0xF;
	s14 =	simm.s32 @!p1 $0xC350  }
0x49: {  	s16 =	sand.u32 $0x8000, s15;
	s15 =	ssub.s32 s14, s10  }
0x4a: {  	p1 =	slt.s32 s15, $0x1  }
.Ltmp3:
0x4b: {  	_ = 	snop;
	(pc) =	sbr.rel @p1 .LBB2_6-.Ltmp3, $4  }
0x4c: {  	_ = 	snop  }
0x4d: {  	_ =	swait.ge [sflag:s5], s13  }
0x4e: {  	s16 =	sshrl.u32 s16, $0x1;
	s17 =	ssub.s32 $0x0, s13;
	[sflag:s5] =	ssyncset.done $0x0  }
0x4f: {  	s14 =	sor.u32 $0x8000, s16;
	[sflag:s5] =	ssyncadd.s32 s17  }
0x50: {  	v0 =	vmov s16;
	_ =	sdelay $0x1  }
0x51: {  	s31 =	simm.s32 $0x0  }
0x52: {  	s17 =	sand.u32 $0xFE00, s31  }
0x53: {  	s16 =	sshrl.u32 s17, $0x2;
	s17 =	sor.u32 $0x100, s17  }
0x54: {  	p1 =	sgt.s32 s15, $0x2;
	s17 =	sshrl.u32 s17, $0x2;
	v7 =	vld.idx.msk [tilespmem:v0+s16+$0x0 ss:$0x1], $0xffff  }
.Ltmp4:
0x55: {  	v1 =	vmov s14;
	v4 =	vld.idx.msk [tilespmem:v0+s17+$0x30 ss:$0x1], $0xffff;
	(pc) =	sbr.rel @!p1 .LBB2_5-.Ltmp4, $4  }
0x56: {  	v2 =	vld.idx.msk [tilespmem:v0+s17+$0x0 ss:$0x1], $0xffff  }
0x57: {  	v3 =	vld.idx.msk [tilespmem:v0+s17+$0x10 ss:$0x1], $0xffff  }
0x58: {  	v5 =	vld.idx.msk [tilespmem:v0+s17+$0x20 ss:$0x1], $0xffff  }
0x59: {  	s18 =	simm.s32 $0x2;
	s19 =	simm.s32 $0x200;
	v6 =	vld.idx.msk [tilespmem:v0+s16+$0x10 ss:$0x1], $0xffff  }
.LBB2_4:
0x5a: {  	s20 =	sand.u32 $0xFE00, s19;
	s18 =	sadd.s32 $0x2, s18;
	[tilespmem:v1+s16+$0x0 ss:$0x1] =	vst.idx.msk $0xffff, v7;
	v8 =	vld.idx.msk [tilespmem:v0+s16+$0x20 ss:$0x1], $0xffff  }
0x5b: {  	s21 =	sshrl.u32 s20, $0x2;
	s20 =	sor.u32 $0x100, s20;
	p1 =	slt.s32 s18, s15;
	v9 =	vld.idx.msk [tilespmem:v0+s16+$0x30 ss:$0x1], $0xffff;
	[tilespmem:v1+s17+$0x30 ss:$0x1] =	vst.idx.msk $0xffff, v4  }
0x5c: {  	v7 =	vld.idx.msk [tilespmem:v0+s21+$0x0 ss:$0x1], $0xffff;
	s20 =	sshrl.u32 s20, $0x2;
	[tilespmem:v1+s17+$0x0 ss:$0x1] =	vst.idx.msk $0xffff, v2  }
.Ltmp5:
0x5d: {  	v4 =	vld.idx.msk [tilespmem:v0+s20+$0x30 ss:$0x1], $0xffff;
	[tilespmem:v1+s17+$0x10 ss:$0x1] =	vst.idx.msk $0xffff, v3;
	(pc) =	sbr.rel @p1 .LBB2_4-.Ltmp5, $4  }
0x5e: {  	v2 =	vld.idx.msk [tilespmem:v0+s20+$0x0 ss:$0x1], $0xffff;
	[tilespmem:v1+s17+$0x20 ss:$0x1] =	vst.idx.msk $0xffff, v5;
	s17 =	smov.u32 s20  }
0x5f: {  	v3 =	vld.idx.msk [tilespmem:v0+s17+$0x10 ss:$0x1], $0xffff;
	[tilespmem:v1+s16+$0x10 ss:$0x1] =	vst.idx.msk $0xffff, v6  }
0x60: {  	v5 =	vld.idx.msk [tilespmem:v0+s17+$0x20 ss:$0x1], $0xffff;
	[tilespmem:v1+s16+$0x20 ss:$0x1] =	vst.idx.msk $0xffff, v8  }
0x61: {  	s19 =	sadd.s32 $0x200, s19;
	v6 =	vld.idx.msk [tilespmem:v0+s21+$0x10 ss:$0x1], $0xffff;
	[tilespmem:v1+s16+$0x30 ss:$0x1] =	vst.idx.msk $0xffff, v9;
	s16 =	smov.u32 s21  }
.Ltmp6:
0x62: {  	_ = 	snop;
	(pc) =	sbr.rel .LBB2_5-.Ltmp6, $1  }
0x63: {  	_ =	sdelay $0x3  }
.LBB2_8:
0x64: {  	_ =	sfence.sel $0x180000  }
0x65: {  	s2 =	simm.s32 $0x1;
	[bflag:$0x0] =	sbarrier.arrive $0xFFFF  }
0x66: {  	s31 =	simm.s32 $0x2;
	[sflag:s2] =	ssyncpa.u1 $0x1  }
0x67: {  	[sflag:s31] =	ssyncpa.u1 $0x1  }
0x68: {  	_ =	strace $0x90000050  }
0x69: {  	s0 =	sadd.s32 @!p0 $0x100000, s0;
	[bflag:$0x2] =	sbarrier.arrive $0xFFFF  }
0x6a: {  	[sflag:s0] =	ssyncadd.tile.s32 @!p0 $0x1;
	s0 =	simm.s32 @!p0 $0x3F  }
0x6b: {  	_ =	swait.ge @!p0 [sflag:s0], s1  }
0x6c: {  	s1 =	ssub.s32 @!p0 $0x0, s1;
	[sflag:s0] =	ssyncset.done @!p0 $0x0  }
0x6d: {  	[sflag:s0] =	ssyncadd.s32 @!p0 s1  }
0x6e: {  	[bflag:$0x3] =	sbarrier.arrive $0xFFFF  }
0x6f: {  	_ =	shalt  }
.Lfunc_end2:
execute1_lowered:
.L_overlay_start_2:
0x70: {  	(tag) =	ssettag $0x2  }
0x71: {  	s2 =	rddreg [dreg:$0x0]  }
0x72: {  	s5 =	rddreg [dreg:$0x1]  }
0x73: {  	s4 =	rddreg [dreg:$0x2];
	_ =	strace $0x80000053;
	s1 =	simm.s32 $0x1  }
0x74: {  	s9 =	simm.s32 $0x108;
	v0 =	vimm.s32 $0x0;
	[sflag:s1] =	ssyncpa.u1 $0x0  }
0x75: {  	[tilespmem:s9+$0x70] =	vst v0  }
0x76: {  	[tilespmem:s9+$0x60] =	vst v0  }
0x77: {  	[tilespmem:s9+$0x50] =	vst v0  }
0x78: {  	[tilespmem:s9+$0x40] =	vst v0  }
0x79: {  	[tilespmem:s9+$0x30] =	vst v0  }
0x7a: {  	[tilespmem:s9+$0x20] =	vst v0  }
0x7b: {  	s1 =	sadd.s32 $0x1EA800, s2;
	s6 =	sadd.s32 $0x57600, s2;
	s2 =	simm.s32 $0x40;
	[tilespmem:s9+$0x10] =	vst v0  }
.LBB3_1:
0x7c: {  	s2 =	sadd.s32 $0x40, s2;
	[tilespmem:s9+$0x0] =	vst v0;
	s9 =	sadd.s32 $0x80, s9  }
0x7d: {  	p0 =	slt.u32 s2, $0x5040;
	[tilespmem:s9+$0x70] =	vst v0  }
0x7e: {  	[tilespmem:s9+$0x60] =	vst v0  }
.Ltmp7:
0x7f: {  	[tilespmem:s9+$0x50] =	vst v0;
	(pc) =	sbr.rel @p0 .LBB3_1-.Ltmp7, $4  }
0x80: {  	[tilespmem:s9+$0x40] =	vst v0  }
0x81: {  	[tilespmem:s9+$0x30] =	vst v0  }
0x82: {  	[tilespmem:s9+$0x20] =	vst v0  }
0x83: {  	[tilespmem:s9+$0x10] =	vst v0  }
0x84: {  	s2 =	srdreg.scid  }
0x85: {  	s7 =	sshll.u32 s2, $0x4  }
0x86: {  	s2 =	stileid.u32;
	s7 =	sand.u32 $0x10, s7  }
0x87: {  	s8 =	sor.u32 s2, s7  }
0x88: {  	s7 =	smul.u32 $0x27, s8  }
0x89: {  	s10 =	smin.u32 s8, $0x2  }
0x8a: {  	s7 =	sadd.s32 s10, s7  }
0x8b: {  	p0 =	slt.u32 s8, $0x2;
	s8 =	simm.s32 $0x3200;
	s7 =	smul.u32 $0x140, s7  }
0x8c: {  	s8 =	simm.s32 @!p0 $0x30C0  }
0x8d: {  	s8 =	sadd.s32 s8, s7  }
0x8e: {  	s8 =	smin.u32 s8, $0x61A80  }
0x8f: {  	s11 =	ssub.s32 s8, s7  }
0x90: {  	p0 =	sgt.s32 s11, $0x0  }
0x91: {  	s11 =	simm.s32 @!p0 $0x0  }
0x92: {  	s31 =	smulhi.u32 $0x66666667, s11;
	_ =	sdelay $0x1  }
0x93: {  	s12 =	sshrl.u32 s31, $0x7  }
0x94: {  	[tilespmem:s9+$0x0] =	vst v0;
	s9 =	simm.s32 $0x2;
	s13 =	smul.u32 $0x140, s12  }
.Ltmp8:
0x95: {  	s17 =	simm.s32 $0x0;
	s14 =	simm.s32 $0xA;
	(pc) =	sbr.rel .LBB3_3-.Ltmp8, $4  }
0x96: {  	v0 =	vimm.s32 $0xFFFFFFFF;
	s16 =	simm.s32 $0x0;
	[sflag:s9] =	ssyncpa.u1 $0x0;
	s10 =	simm.s32 $0x9  }
0x97: {  	[tilespmem:$0x14208] =	vst v0;
	[sflag:s10] =	ssyncpa.u1 $0x0;
	p0 =	sne.s32 s11, s13;
	s13 =	simm.s32 $0x1  }
0x98: {  	s15 =	smov.u32 s7;
	s11 =	simm.s32 $0x1;
	s13 =	simm.s32 @!p0 $0x0  }
0x99: {  	v0 =	vlaneseq.u32;
	p0 =	por $0x0, $0x0;
	s12 =	sadd.s32 s13, s12;
	s13 =	sshll.u32 s2, $0x8  }
.LBB3_20:
0x9a: {  	s17 =	sshrl.u32 s24, $0x2  }
.LBB3_22:
0x9b: {  	_ =	swait.ge [sflag:s14], s17;
	v1 =	vmov s20;
	vm0 =	veq.s32 v0, $0x0  }
0x9c: {  	s0 =	ssub.s32 $0x0, s17;
	vm14 =	veq.s32 v0, $0x2;
	[sflag:s14] =	ssyncset.done $0x0;
	v1 =	vsel vm0, s19, v1  }
0x9d: {  	vm15 =	veq.s32 v0, $0x3;
	[sflag:s14] =	ssyncadd.s32 s0;
	v1 =	vsel vm14, s21, v1  }
0x9e: {  	[sflag:s14] =	ssyncpa.u1 $0x1;
	v1 =	vsel vm15, s28, v1  }
0x9f: {  	[tilespmem:$0x14208] =	vst v1  }
.LBB3_23:
0xa0: {  	s0 =	sadd.s32 $0x140, s15  }
0xa1: {  	s3 =	smov.u32 s7;
	p1 =	slt.s32 s0, s8  }
0xa2: {  	s3 =	smov.u32 @p1 s0;
	p1 =	sne.s32 s16, s12  }
.Ltmp9:
0xa3: {  	_ = 	snop;
	(pc) =	sbr.rel @!p1 .LBB3_24-.Ltmp9, $3  }
0xa4: {  	_ =	sdelay $0x1  }
0xa5: {  	s31 =	sadd.s32 $0x1, s16;
	s17 =	smov.u32 s15  }
0xa6: {  	p0 =	por !p0, !p0;
	s16 =	smov.u32 s31;
	s15 =	smov.u32 s3  }
.LBB3_3:
0xa7: {  	p1 =	sge.u32 s16, s12  }
0xa8: {  	p2 =	sgt.s32 @!p1 s15, $0x61940  }
0xa9: {  	s18 =	smov.u32 s15;
	s19 =	sshra.s32 @!p1 s15, $0x1F;
	p2 =	por !p2, p1  }
0xaa: {  	s19 =	sand.u32 @!p1 s19, s15;
	s18 =	simm.s32 @p2 $0x61940  }
0xab: {  	s18 =	ssub.s32 @!p1 s18, s19  }
0xac: {  	s19 =	sxor.u32 @!p1 $0xFFFFFFFF, s16;
	s18 =	sadd.s32 @!p1 $0xFFF9E6C0, s18  }
0xad: {  	s19 =	sand.u32 @!p1 $0x1, s19;
	s20 =	sshll.u32 @!p1 s18, $0x2  }
0xae: {  	p2 =	sgt.s32 @!p1 s18, $0x13F;
	s18 =	ssub.s32 @!p1 $0x500, s20;
	s20 =	smul.u32 @!p1 $0x500, s19  }
0xaf: {  	s21 =	sshrl.u32 @!p1 s15, $0x3;
	s22 =	sand.u32 @!p1 $0x7, s15  }
0xb0: {  	p2 =	por !p2, p1;
	s18 =	sshrl.u32 @!p1 s18, $0x2;
	s20 =	sshrl.u32 @!p1 s20, $0x2  }
0xb1: {  	s21 =	sadd.s32 @!p1 s6, s21;
	s18 =	simm.s32 @!p2 $0x0;
	s20 =	sadd.s32 @!p1 $0x15248, s20  }
0xb2: {  	[tilespmem:s20], [sflag:$0x9] =	stream.linear.gather @!p1 [hbm4b:s21+s22], s18, $0x38;
	[tilespmem:$0x1F4C8] =	vst v63  }
0xb3: {  	s18 =	ssub.s32 @!p1 $0x61A80, s15  }
0xb4: {  	p2 =	sgt.s32 @!p1 s18, $0x0  }
0xb5: {  	s19 =	smul.u32 @!p1 $0x14000, s19;
	p2 =	por !p2, p1  }
0xb6: {  	s18 =	simm.s32 @p2 $0x0  }
0xb7: {  	s19 =	sshrl.u32 @!p1 s19, $0x2;
	s20 =	sshll.u32 @!p1 s15, $0x3;
	s18 =	smin.u32 @!p1 s18, $0x140  }
0xb8: {  	s19 =	sadd.s32 @!p1 $0x154C8, s19;
	s20 =	sadd.s32 @!p1 s5, s20;
	s18 =	sshll.u32 @!p1 s18, $0x6  }
0xb9: {  	[tilespmem:s19], [sflag:$0x9] =	stream.linear.gather @!p1 [hbm:s20], s18, $0x38;
	[tilespmem:$0x1F4C8] =	vst v63  }
0xba: {  	p1 =	seq.s32 s16, $0x0  }
.Ltmp10:
0xbb: {  	_ = 	snop;
	(pc) =	sbr.rel @p1 .LBB3_23-.Ltmp10, $1  }
0xbc: {  	_ =	sdelay $0x3  }
0xbd: {  	p1 =	sgt.s32 s17, $0x61940  }
0xbe: {  	s18 =	smov.u32 s17;
	s19 =	sshra.s32 s17, $0x1F;
	s20 =	ssub.s32 $0x61A80, s17  }
0xbf: {  	s18 =	simm.s32 @!p1 $0x61940;
	s19 =	sand.u32 s19, s17;
	p1 =	sgt.s32 s20, $0x0  }
0xc0: {  	s18 =	ssub.s32 s18, s19;
	s20 =	simm.s32 @!p1 $0x0  }
0xc1: {  	s18 =	sadd.s32 $0xFFF9E6C0, s18;
	s29 =	smin.u32 s20, $0x140  }
0xc2: {  	s21 =	sshll.u32 s18, $0x2;
	s19 =	sshll.u32 s29, $0x6  }
0xc3: {  	p1 =	sgt.s32 s18, $0x13F;
	s30 =	ssub.s32 $0x500, s21;
	_ =	swait.ge [sflag:s10], s19  }
0xc4: {  	s19 =	ssub.s32 $0x0, s19;
	[sflag:s10] =	ssyncset.done $0x0;
	s18 =	sshrl.u32 s30, $0x2  }
0xc5: {  	[sflag:s10] =	ssyncadd.s32 s19;
	s18 =	simm.s32 @p1 $0x0  }
0xc6: {  	_ =	swait.ge [sflag:s10], s18  }
0xc7: {  	s18 =	ssub.s32 $0x0, s18;
	[sflag:s10] =	ssyncset.done $0x0  }
0xc8: {  	[sflag:s10] =	ssyncadd.s32 s18  }
0xc9: {  	v1 =	vld [tilespmem:$0x14208];
	_ =	sdelay $0x4  }
0xca: {  	(v2sf) =	vpush v1, $0x0  }
0xcb: {  	(v2sf) =	vpush v1, $0x1  }
0xcc: {  	(v2sf) =	vpush v1, $0x2  }
0xcd: {  	(v2sf) =	vpush v1, $0x3;
	_ =	sdelay $0x3  }
0xce: {  	s18 =	sadd.s32 $0x140, s17  }
0xcf: {  	p1 =	slt.s32 s8, s18  }
0xd0: {  	s18 =	smov.u32 @p1 s8  }
0xd1: {  	s17 =	ssub.s32 s18, s17  }
0xd2: {  	p1 =	slt.s32 s20, s17  }
0xd3: {  	s17 =	smov.u32 @p1 s20  }
0xd4: {  	s19 =	simm.s32 $0x1;
	p1 =	slt.s32 s17, $0x1  }
.Ltmp11:
0xd5: {  	s19 =	simm.s32 @!p0 $0x0;
	(pc) =	sbr.rel @p1 .LBB3_8-.Ltmp11, $4  }
0xd6: {  	s31 =	smul.u32 $0x500, s19;
	s24 =	spop (v2sf)  }
0xd7: {  	s25 =	spop (v2sf)  }
0xd8: {  	s18 =	sshrl.u32 s31, $0x2;
	s21 =	spop (v2sf)  }
0xd9: {  	s23 =	simm.s32 $0x0;
	s18 =	sadd.s32 $0x15248, s18;
	s28 =	spop (v2sf)  }
0xda: {  	s19 =	smin.u32 s17, $0x10  }
0xdb: {  	v1 =	vmov s19  }
0xdc: {  	vm1 =	vgt.u32 v1, v0  }
0xdd: {  	p2 =	sgt.s32 s17, $0x10  }
.Ltmp12:
0xde: {  	_ = 	snop;
	(pc) =	sbr.rel @!p2 .LBB3_7-.Ltmp12, $2  }
0xdf: {  	_ =	sdelay $0x2  }
0xe0: {  	s20 =	simm.s32 $0x10;
	s22 =	sadd.s32 $0xFFFFFFF0, s17;
	s19 =	smov.u32 s18;
	vm0 =	vmmov vm1;
	v1 =	vld.msk [tilespmem:s18+$0x0 ss:$0x1], vm1  }
.LBB3_6:
0xe1: {  	s26 =	smin.u32 s22, $0x10;
	s20 =	sadd.s32 $0x10, s20  }
0xe2: {  	v2 =	vmov s26;
	p2 =	slt.s32 s20, s17  }
0xe3: {  	vm1 =	vgt.u32 v2, v0;
	_ =	sdelay $0x1  }
0xe4: {  	v2 =	vshll.u32 v1, $0x7  }
.Ltmp13:
0xe5: {  	v1 =	vand.u32 $0x1, v1;
	v2 =	vand.u32 $0xFFFFFF00, v2;
	(pc) =	sbr.rel @p2 .LBB3_6-.Ltmp13, $4  }
0xe6: {  	v1 =	vor.u32 v1, v2  }
0xe7: {  	[tilespmem:s19+$0x0] =	vst.msk vm0, v1;
	s19 =	sadd.s32 $0x10, s19;
	vm0 =	vmmov vm1  }
0xe8: {  	v1 =	vld.msk [tilespmem:s19+$0x0 ss:$0x1], vm1  }
0xe9: {  	s22 =	sadd.s32 $0xFFFFFFF0, s22  }
.LBB3_7:
0xea: {  	_ =	sdelay $0x3  }
0xeb: {  	v2 =	vshll.u32 v1, $0x7  }
0xec: {  	v1 =	vand.u32 $0x1, v1;
	v2 =	vand.u32 $0xFFFFFF00, v2  }
0xed: {  	v1 =	vor.u32 v1, v2  }
0xee: {  	[tilespmem:s19+$0x0] =	vst.msk vm0, v1  }
.LBB3_8:
0xef: {  	s22 =	sand.u32 $0x1, s16  }
0xf0: {  	s19 =	smul.u32 $0x140, s22  }
0xf1: {  	p2 =	sne.s32 s25, $0xFFFFFFFF  }
0xf2: {  	v1 =	vld.msk @!p2 [tilespmem:s19+$0x15248], $0x1;
	_ =	sdelay $0x4  }
0xf3: {  	(v2sf) =	vpush @!p2 v1, $0x0;
	_ =	sdelay $0xc  }
.Ltmp14:
0xf4: {  	_ = 	snop;
	(pc) =	sbr.rel @p1 .LBB3_21-.Ltmp14, $4  }
0xf5: {  	_ = 	snop  }
0xf6: {  	s19 =	spop @!p2 (v2sf)  }
0xf7: {  	s28 =	simm.s32 @!p2 $0x1;
	s21 =	simm.s32 @!p2 $0x0;
	s20 =	smov.u32 s19  }
0xf8: {  	[sflag:s14] =	ssyncpa.u1 $0x0;
	s19 =	smov.u32 @p2 s24;
	s20 =	smov.u32 @p2 s25  }
0xf9: {  	v1 =	vld.msk [tilespmem:s18+$0x0], $0x1;
	_ =	sdelay $0x4  }
0xfa: {  	(v2sf) =	vpush v1, $0x0;
	_ =	sdelay $0xe  }
0xfb: {  	s25 =	spop (v2sf)  }
0xfc: {  	s24 =	sxor.u32 s19, s25  }
0xfd: {  	p2 =	slt.u32 s24, $0x2;
	s24 =	sadd.s32 $0xFFFFFFFF, s17  }
0xfe: {  	p1 =	sgt.s32 @!p2 s19, $0x0;
	p3 =	sne.s32 s24, $0x0  }
.Ltmp15:
0xff: {  	s30 =	smov.u32 s19;
	p1 =	por !p1, p2;
	(pc) =	sbr.rel @!p3 .LBB3_11-.Ltmp15, $4  }
0x100: {  	s30 =	simm.s32 @p1 $0x0  }
0x101: {  	s26 =	simm.s32 @!p2 $0x1;
	s29 =	simm.s32 @!p2 $0xA188;
	s30 =	smin.u32 @!p2 s30, $0x61A701  }
0x102: {  	s26 =	smov.u32 @p2 s23;
	s23 =	sshrl.u32 @!p2 s30, $0x1;
	s30 =	sshrl.u32 @!p2 s30, $0x4  }
0x103: {  	s30 =	sadd.s32 @!p2 s1, s30;
	s31 =	sand.u32 @!p2 $0x7, s23;
	s23 =	sadd.s32 $0x1, s18  }
.LBB3_10:
0x104: {  	s0 =	smov.u32 s26  }
0x105: {  	[tilespmem:s29], [sflag:$0x2] =	stream.linear.gather @!p2 [hbm4b:s30+s31], $0x80, $0x38;
	[tilespmem:$0x1F4C8] =	vst v63  }
0x106: {  	s24 =	sadd.s32 $0xFFFFFFFF, s24;
	s30 =	smov.u32 s25;
	v1 =	vld.msk [tilespmem:s23+$0x0], $0x1  }
0x107: {  	p1 =	sne.s32 s24, $0x0;
	_ =	sdelay $0x3  }
0x108: {  	(v2sf) =	vpush v1, $0x0;
	_ =	sdelay $0xe  }
0x109: {  	s25 =	spop (v2sf)  }
0x10a: {  	s26 =	sxor.u32 s30, s25  }
0x10b: {  	p2 =	slt.u32 s26, $0x2  }
0x10c: {  	p3 =	sgt.s32 @!p2 s30, $0x0;
	s29 =	sshll.u32 @!p2 s0, $0x9;
	s26 =	sadd.s32 @!p2 $0x1, s0  }
.Ltmp16:
0x10d: {  	p3 =	por !p3, p2;
	s29 =	sshra.s32 @!p2 s29, $0x2;
	(pc) =	sbr.rel @p1 .LBB3_10-.Ltmp16, $4  }
0x10e: {  	s26 =	smov.u32 @p2 s0;
	s30 =	simm.s32 @p3 $0x0;
	s29 =	sadd.s32 @!p2 $0xA188, s29  }
0x10f: {  	s0 =	smin.u32 @!p2 s30, $0x61A701  }
0x110: {  	s31 =	sshrl.u32 @!p2 s0, $0x1;
	s0 =	sshrl.u32 @!p2 s0, $0x4  }
0x111: {  	s23 =	sadd.s32 $0x1, s23;
	s30 =	sadd.s32 @!p2 s1, s0;
	s31 =	sand.u32 @!p2 $0x7, s31  }
.LBB3_11:
0x112: {  	[tilespmem:s29], [sflag:$0x2] =	stream.linear.gather @!p2 [hbm4b:s30+s31], $0x80, $0x38;
	[tilespmem:$0x1F4C8] =	vst v63  }
0x113: {  	s0 =	sshll.u32 s26, $0x7;
	s22 =	smul.u32 $0x14000, s22  }
.Ltmp17:
0x114: {  	s0 =	sand.u32 $0x3FFFFF80, s0;
	(pc) =	sbr.rel .LBB3_12-.Ltmp17, $4  }
0x115: {  	s23 =	simm.s32 $0x0;
	_ =	swait.ge [sflag:s9], s0  }
0x116: {  	s0 =	ssub.s32 $0x0, s0;
	s31 =	sshrl.u32 s22, $0x2;
	[sflag:s9] =	ssyncset.done $0x0  }
0x117: {  	s25 =	simm.s32 $0x0;
	[sflag:s9] =	ssyncadd.s32 s0;
	s0 =	sadd.s32 $0x154C8, s31  }
0x118: {  	s24 =	simm.s32 $0x0;
	s26 =	simm.s32 $0x0;
	s22 =	sand.u32 $0xFFFFFFFE, s20;
	v1 =	vmov s0  }
.LBB3_13:
0x119: {  	_ =	sdelay $0x2  }
0x11a: {  	s0 =	sand.u32 $0x7FFFFF80, s23  }
0x11b: {  	v2 =	vld.idx.msk [tilespmem:v1+s0+$0x0 ss:$0x1], $0xffff;
	_ =	sdelay $0x3  }
0x11c: {  	s29 =	sand.u32 $0x1, s26  }
0x11d: {  	s31 =	sshll.u32 s21, $0x9;
	p1 =	seq.s32 s29, $0x1;
	v3 =	vunpack.i.u.bf16.f32 v2;
	v2 =	vunpack.i.l.bf16.f32 v2  }
0x11e: {  	s29 =	sshra.s32 s31, $0x2;
	v2 =	vpsel p1, v3, v2  }
0x11f: {  	[tilespmem:s29+$0x108] =	vst.add.f32.msk $0xffff, v2  }
0x120: {  	v2 =	vld.idx.msk [tilespmem:v1+s0+$0x10 ss:$0x1], $0xffff  }
0x121: {  	s30 =	sand.u32 $0x7FFFFFC0, s23;
	v3 =	vld.idx.msk [tilespmem:v1+s0+$0x20 ss:$0x1], $0xffff  }
0x122: {  	v4 =	vld.idx.msk [tilespmem:v1+s0+$0x30 ss:$0x1], $0xffff;
	s3 =	sor.u32 $0x40, s30  }
0x123: {  	s31 =	sor.u32 $0x50, s30;
	v5 =	vld.idx.msk [tilespmem:v1+s3+$0x0 ss:$0x1], $0xffff  }
0x124: {  	v6 =	vld.idx.msk [tilespmem:v1+s31+$0x0 ss:$0x1], $0xffff;
	s3 =	sor.u32 $0x60, s30  }
0x125: {  	s31 =	sor.u32 $0x70, s30;
	v8 =	vld.idx.msk [tilespmem:v1+s3+$0x0 ss:$0x1], $0xffff;
	v7 =	vunpack.i.u.bf16.f32 v2;
	v2 =	vunpack.i.l.bf16.f32 v2  }
0x126: {  	v9 =	vld.idx.msk [tilespmem:v1+s31+$0x0 ss:$0x1], $0xffff;
	v59 =	vunpack.i.u.bf16.f32 v3;
	v3 =	vunpack.i.l.bf16.f32 v3;
	v2 =	vpsel p1, v7, v2  }
0x127: {  	[tilespmem:s29+$0x118] =	vst.add.f32.msk $0xffff, v2;
	v2 =	vpsel p1, v59, v3;
	v3 =	vunpack.i.u.bf16.f32 v4;
	v4 =	vunpack.i.l.bf16.f32 v4  }
0x128: {  	v60 =	vunpack.i.l.bf16.f32 v5;
	[tilespmem:s29+$0x128] =	vst.add.f32.msk $0xffff, v2;
	v2 =	vpsel p1, v3, v4;
	v3 =	vunpack.i.u.bf16.f32 v5  }
0x129: {  	v61 =	vunpack.i.l.bf16.f32 v6;
	[tilespmem:s29+$0x138] =	vst.add.f32.msk $0xffff, v2;
	v2 =	vpsel p1, v3, v60;
	v3 =	vunpack.i.u.bf16.f32 v6  }
0x12a: {  	v62 =	vunpack.i.l.bf16.f32 v8;
	[tilespmem:s29+$0x148] =	vst.add.f32.msk $0xffff, v2;
	v2 =	vpsel p1, v3, v61;
	v3 =	vunpack.i.u.bf16.f32 v8  }
0x12b: {  	v63 =	vunpack.i.l.bf16.f32 v9;
	[tilespmem:s29+$0x158] =	vst.add.f32.msk $0xffff, v2;
	v2 =	vpsel p1, v3, v62;
	v3 =	vunpack.i.u.bf16.f32 v9  }
0x12c: {  	[tilespmem:s29+$0x168] =	vst.add.f32.msk $0xffff, v2;
	v2 =	vpsel p1, v3, v63  }
0x12d: {  	[tilespmem:s29+$0x178] =	vst.add.f32.msk $0xffff, v2  }
.LBB3_19:
0x12e: {  	s26 =	sadd.s32 $0x1, s26  }
0x12f: {  	p1 =	sne.s32 s17, s26  }
.Ltmp18:
0x130: {  	_ = 	snop;
	(pc) =	sbr.rel @!p1 .LBB3_20-.Ltmp18, $2  }
0x131: {  	_ =	sdelay $0x2  }
0x132: {  	s23 =	sadd.s32 $0x40, s23;
	s18 =	sadd.s32 $0x1, s18  }
.LBB3_12:
0x133: {  	v2 =	vld.msk [tilespmem:s18+$0x0], $0x1;
	_ =	sdelay $0x4  }
0x134: {  	(v2sf) =	vpush v2, $0x0;
	_ =	sdelay $0xe  }
0x135: {  	s30 =	smov.u32 s19;
	s19 =	spop (v2sf)  }
0x136: {  	p1 =	sne.s32 s30, s19  }
.Ltmp19:
0x137: {  	_ = 	snop;
	(pc) =	sbr.rel @!p1 .LBB3_13-.Ltmp19, $1  }
0x138: {  	_ =	sdelay $0x3  }
0x139: {  	s31 =	sand.u32 $0xFFFFFFFE, s30;
	s0 =	sand.u32 $0xFFFFFFFE, s19  }
0x13a: {  	p1 =	sne.s32 s31, s0  }
.Ltmp20:
0x13b: {  	_ = 	snop;
	(pc) =	sbr.rel @p1 .LBB3_16-.Ltmp20, $2  }
0x13c: {  	_ =	sdelay $0x2  }
0x13d: {  	s29 =	sadd.s32 $0x1, s21  }
0x13e: {  	_ =	sdelay $0x2  }
0x13f: {  	s0 =	sand.u32 $0x7FFFFF80, s23  }
0x140: {  	s21 =	smulhi.u32 $0xCCCCCCCD, s29;
	v2 =	vld.idx.msk [tilespmem:v1+s0+$0x0 ss:$0x1], $0xffff  }
0x141: {  	v3 =	vld.idx.msk [tilespmem:v1+s0+$0x10 ss:$0x1], $0xffff  }
0x142: {  	s30 =	sand.u32 $0x7FFFFFC0, s23;
	v4 =	vld.idx.msk [tilespmem:v1+s0+$0x20 ss:$0x1], $0xffff;
	s21 =	sshrl.u32 s21, $0x8  }
0x143: {  	v5 =	vld.idx.msk [tilespmem:v1+s0+$0x30 ss:$0x1], $0xffff;
	s3 =	sor.u32 $0x40, s30;
	s21 =	smul.u32 $0x140, s21  }
0x144: {  	s31 =	sand.u32 $0x1, s26;
	v6 =	vld.idx.msk [tilespmem:v1+s3+$0x0 ss:$0x1], $0xffff;
	s3 =	sor.u32 $0x50, s30  }
0x145: {  	p1 =	seq.s32 s31, $0x1;
	v8 =	vld.idx.msk [tilespmem:v1+s3+$0x0 ss:$0x1], $0xffff;
	s3 =	sor.u32 $0x60, s30;
	s21 =	ssub.s32 s29, s21;
	v7 =	vunpack.i.u.bf16.f32 v2;
	v2 =	vunpack.i.l.bf16.f32 v2  }
0x146: {  	s31 =	sor.u32 $0x70, s30;
	v9 =	vld.idx.msk [tilespmem:v1+s3+$0x0 ss:$0x1], $0xffff;
	s29 =	sshll.u32 s21, $0x7;
	v57 =	vunpack.i.u.bf16.f32 v3;
	v3 =	vunpack.i.l.bf16.f32 v3;
	v2 =	vpsel p1, v7, v2  }
0x147: {  	v58 =	vld.idx.msk [tilespmem:v1+s31+$0x0 ss:$0x1], $0xffff;
	[tilespmem:s29+$0x108] =	vst v2;
	v2 =	vpsel p1, v57, v3;
	v3 =	vunpack.i.u.bf16.f32 v4;
	v4 =	vunpack.i.l.bf16.f32 v4  }
0x148: {  	v59 =	vunpack.i.l.bf16.f32 v5;
	[tilespmem:s29+$0x118] =	vst v2;
	v2 =	vpsel p1, v3, v4;
	v3 =	vunpack.i.u.bf16.f32 v5  }
0x149: {  	v60 =	vunpack.i.l.bf16.f32 v6;
	[tilespmem:s29+$0x128] =	vst v2;
	v2 =	vpsel p1, v3, v59;
	v3 =	vunpack.i.u.bf16.f32 v6  }
.Ltmp21:
0x14a: {  	v61 =	vunpack.i.l.bf16.f32 v8;
	[tilespmem:s29+$0x138] =	vst v2;
	v2 =	vpsel p1, v3, v60;
	v3 =	vunpack.i.u.bf16.f32 v8;
	(pc) =	sbr.rel .LBB3_19-.Ltmp21, $4  }
0x14b: {  	v62 =	vunpack.i.l.bf16.f32 v9;
	[tilespmem:s29+$0x148] =	vst v2;
	v2 =	vpsel p1, v3, v61;
	v3 =	vunpack.i.u.bf16.f32 v9  }
0x14c: {  	v63 =	vunpack.i.l.bf16.f32 v58;
	[tilespmem:s29+$0x158] =	vst v2;
	v2 =	vpsel p1, v3, v62;
	v3 =	vunpack.i.u.bf16.f32 v58  }
0x14d: {  	[tilespmem:s29+$0x168] =	vst v2;
	v2 =	vpsel p1, v3, v63  }
0x14e: {  	s28 =	sadd.s32 $0x1, s28;
	[tilespmem:s29+$0x178] =	vst v2  }
.LBB3_16:
0x14f: {  	p1 =	sne.s32 s28, $0x2  }
0x150: {  	s0 =	sand.u32 @p1 $0x1, s30;
	s28 =	sshll.u32 @p1 s21, $0x9  }
0x151: {  	p2 =	seq.s32 @p1 s0, $0x0;
	s0 =	sshra.s32 @p1 s28, $0x2  }
0x152: {  	v2 =	vld @p1 [tilespmem:s0+$0x108];
	p3 =	por !p2, !p1  }
0x153: {  	v3 =	vld @!p3 [tilespmem:s0+$0x118]  }
0x154: {  	v4 =	vld @!p3 [tilespmem:s0+$0x128]  }
0x155: {  	v5 =	vld @!p3 [tilespmem:s0+$0x138]  }
0x156: {  	v6 =	vimm.f32 @!p3 $0.0e+00;
	v7 =	vld @!p3 [tilespmem:s0+$0x148]  }
0x157: {  	v9 =	vld @!p3 [tilespmem:s0+$0x158];
	v8 =	vpack.i.f32.bf16 @!p3 v6, v2  }
0x158: {  	[tilespmem:s0+$0x108] =	vst @!p3 v8;
	v3 =	vpack.i.f32.bf16 @!p3 v6, v3;
	v8 =	vld @!p3 [tilespmem:s0+$0x168]  }
0x159: {  	[tilespmem:s0+$0x118] =	vst @!p3 v3;
	v3 =	vpack.i.f32.bf16 @!p3 v6, v4;
	v4 =	vld @!p3 [tilespmem:s0+$0x178]  }
0x15a: {  	p2 =	por p2, !p1;
	[tilespmem:s0+$0x128] =	vst @!p3 v3;
	v3 =	vpack.i.f32.bf16 @!p3 v6, v5  }
0x15b: {  	v5 =	vld @!p2 [tilespmem:s0+$0x118];
	[tilespmem:s0+$0x138] =	vst @!p3 v3;
	v3 =	vpack.i.f32.bf16 @!p3 v6, v7  }
0x15c: {  	v7 =	vld @!p2 [tilespmem:s0+$0x128];
	[tilespmem:s0+$0x148] =	vst @!p3 v3;
	v3 =	vpack.i.f32.bf16 @!p3 v6, v9  }
0x15d: {  	[tilespmem:s0+$0x158] =	vst @!p3 v3;
	v3 =	vpack.i.f32.bf16 @!p3 v6, v8;
	v8 =	vld @!p2 [tilespmem:s0+$0x138]  }
0x15e: {  	[tilespmem:s0+$0x168] =	vst @!p3 v3;
	v3 =	vpack.i.f32.bf16 @!p3 v6, v4;
	v4 =	vimm.f32 @!p2 $0.0e+00;
	v6 =	vld @!p2 [tilespmem:s0+$0x148]  }
0x15f: {  	[tilespmem:s0+$0x178] =	vst @!p3 v3;
	v2 =	vpack.i.f32.bf16 @!p2 v2, v4;
	v3 =	vld @!p2 [tilespmem:s0+$0x158]  }
0x160: {  	s28 =	sadd.s32 @!p1 $0x13F, s21;
	[tilespmem:s0+$0x108] =	vst @!p2 v2;
	v2 =	vpack.i.f32.bf16 @!p2 v5, v4;
	v5 =	vld @!p2 [tilespmem:s0+$0x168]  }
0x161: {  	s3 =	smulhi.u32 @!p1 $0xCCCCCCCD, s28;
	[tilespmem:s0+$0x118] =	vst @!p2 v2;
	v2 =	vpack.i.f32.bf16 @!p2 v7, v4;
	v7 =	vld @!p2 [tilespmem:s0+$0x178]  }
0x162: {  	[tilespmem:s0+$0x128] =	vst @!p2 v2;
	v2 =	vpack.i.f32.bf16 @!p2 v8, v4  }
0x163: {  	s3 =	sshrl.u32 @!p1 s3, $0x8;
	[tilespmem:s0+$0x138] =	vst @!p2 v2;
	v2 =	vpack.i.f32.bf16 @!p2 v6, v4  }
0x164: {  	s3 =	smul.u32 @!p1 $0x140, s3;
	[tilespmem:s0+$0x148] =	vst @!p2 v2;
	v2 =	vpack.i.f32.bf16 @!p2 v3, v4  }
0x165: {  	[tilespmem:s0+$0x158] =	vst @!p2 v2;
	v2 =	vpack.i.f32.bf16 @!p2 v5, v4  }
0x166: {  	s3 =	ssub.s32 @!p1 s28, s3;
	[tilespmem:s0+$0x168] =	vst @!p2 v2;
	v2 =	vpack.i.f32.bf16 @!p2 v7, v4  }
0x167: {  	[tilespmem:s0+$0x178] =	vst @!p2 v2;
	s0 =	sshll.u32 @!p1 s3, $0x7;
	s3 =	sshll.u32 @!p1 s21, $0x9  }
0x168: {  	s3 =	sshra.s32 @!p1 s3, $0x2;
	v2 =	vld @!p1 [tilespmem:s0+$0x108]  }
0x169: {  	v3 =	vld @!p1 [tilespmem:s3+$0x108];
	_ =	sdelay $0x4  }
0x16a: {  	v2 =	vpack.i.f32.bf16 @!p1 v3, v2  }
0x16b: {  	v3 =	vld @!p1 [tilespmem:s3+$0x118];
	[tilespmem:s3+$0x108] =	vst @!p1 v2  }
0x16c: {  	v2 =	vld @!p1 [tilespmem:s0+$0x118];
	_ =	sdelay $0x4  }
0x16d: {  	v2 =	vpack.i.f32.bf16 @!p1 v3, v2  }
0x16e: {  	v3 =	vld @!p1 [tilespmem:s3+$0x128];
	[tilespmem:s3+$0x118] =	vst @!p1 v2  }
0x16f: {  	v2 =	vld @!p1 [tilespmem:s0+$0x128];
	_ =	sdelay $0x4  }
0x170: {  	v2 =	vpack.i.f32.bf16 @!p1 v3, v2  }
0x171: {  	v3 =	vld @!p1 [tilespmem:s3+$0x138];
	[tilespmem:s3+$0x128] =	vst @!p1 v2  }
0x172: {  	v2 =	vld @!p1 [tilespmem:s0+$0x138];
	_ =	sdelay $0x4  }
0x173: {  	v2 =	vpack.i.f32.bf16 @!p1 v3, v2  }
0x174: {  	v3 =	vld @!p1 [tilespmem:s3+$0x148];
	[tilespmem:s3+$0x138] =	vst @!p1 v2  }
0x175: {  	v2 =	vld @!p1 [tilespmem:s0+$0x148];
	_ =	sdelay $0x4  }
0x176: {  	v2 =	vpack.i.f32.bf16 @!p1 v3, v2  }
0x177: {  	v3 =	vld @!p1 [tilespmem:s3+$0x158];
	[tilespmem:s3+$0x148] =	vst @!p1 v2  }
0x178: {  	v2 =	vld @!p1 [tilespmem:s0+$0x158];
	_ =	sdelay $0x4  }
0x179: {  	v2 =	vpack.i.f32.bf16 @!p1 v3, v2  }
0x17a: {  	v3 =	vld @!p1 [tilespmem:s3+$0x168];
	[tilespmem:s3+$0x158] =	vst @!p1 v2  }
0x17b: {  	v2 =	vld @!p1 [tilespmem:s0+$0x168];
	_ =	sdelay $0x4  }
0x17c: {  	v2 =	vpack.i.f32.bf16 @!p1 v3, v2  }
0x17d: {  	v3 =	vld @!p1 [tilespmem:s3+$0x178];
	[tilespmem:s3+$0x168] =	vst @!p1 v2  }
0x17e: {  	v2 =	vld @!p1 [tilespmem:s0+$0x178]  }
0x17f: {  	p2 =	seq.s32 s31, s22  }
.Ltmp22:
0x180: {  	_ = 	snop;
	(pc) =	sbr.rel @!p2 .LBB3_17-.Ltmp22, $3  }
0x181: {  	_ =	sdelay $0x1  }
0x182: {  	s28 =	sshll.u32 s21, $0x9;
	v2 =	vpack.i.f32.bf16 @!p1 v3, v2  }
0x183: {  	s21 =	sshra.s32 s28, $0x2;
	[tilespmem:s3+$0x178] =	vst @!p1 v2  }
.Ltmp23:
0x184: {  	s0 =	sadd.s32 $0x108, s21;
	(pc) =	sbr.rel .LBB3_18-.Ltmp23, $4  }
0x185: {  	[spmem:s13] =	stream.linear.scatter [tilespmem:s0], [sflag:$0x1], $0x80, $0x38;
	[tilespmem:$0x1F4C8] =	vst v63  }
0x186: {  	_ =	swait.ge [sflag:s11], $0x80  }
0x187: {  	[sflag:s11] =	ssyncset.done $0x0  }
0x188: {  	[sflag:s11] =	ssyncadd.s32 $0xFFFFFF80  }
.LBB3_17:
0x189: {  	s0 =	sshll.u32 s25, $0x9  }
0x18a: {  	v3 =	vld [tilespmem:s21+$0x108];
	s28 =	sshra.s32 s0, $0x2  }
0x18b: {  	v2 =	vld [tilespmem:s28+$0xA188];
	_ =	sdelay $0x3  }
0x18c: {  	v5 =	vunpack.i.u.bf16.f32 v3  }
0x18d: {  	v3 =	vunpack.i.l.bf16.f32 v3;
	v4 =	vunpack.i.u.bf16.f32 v2;
	v2 =	vunpack.i.l.bf16.f32 v2  }
0x18e: {  	v4 =	vadd.f32 v5, v4;
	v2 =	vadd.f32 v3, v2;
	_ =	sdelay $0x1  }
0x18f: {  	v2 =	vpack.i.f32.bf16 v4, v2  }
0x190: {  	v3 =	vld [tilespmem:s21+$0x118];
	[tilespmem:s21+$0x108] =	vst v2  }
0x191: {  	v2 =	vld [tilespmem:s28+$0xA198];
	_ =	sdelay $0x3  }
0x192: {  	v51 =	vunpack.i.u.bf16.f32 v3  }
0x193: {  	v3 =	vunpack.i.l.bf16.f32 v3;
	v50 =	vunpack.i.u.bf16.f32 v2;
	v2 =	vunpack.i.l.bf16.f32 v2  }
0x194: {  	v4 =	vadd.f32 v51, v50;
	v2 =	vadd.f32 v3, v2;
	_ =	sdelay $0x1  }
0x195: {  	v2 =	vpack.i.f32.bf16 v4, v2  }
0x196: {  	v3 =	vld [tilespmem:s21+$0x128];
	[tilespmem:s21+$0x118] =	vst v2  }
0x197: {  	v2 =	vld [tilespmem:s28+$0xA1A8];
	_ =	sdelay $0x3  }
0x198: {  	v53 =	vunpack.i.u.bf16.f32 v3  }
0x199: {  	v3 =	vunpack.i.l.bf16.f32 v3;
	v52 =	vunpack.i.u.bf16.f32 v2;
	v2 =	vunpack.i.l.bf16.f32 v2  }
0x19a: {  	v4 =	vadd.f32 v53, v52;
	v2 =	vadd.f32 v3, v2;
	_ =	sdelay $0x1  }
0x19b: {  	v2 =	vpack.i.f32.bf16 v4, v2  }
0x19c: {  	v3 =	vld [tilespmem:s21+$0x138];
	[tilespmem:s21+$0x128] =	vst v2  }
0x19d: {  	v2 =	vld [tilespmem:s28+$0xA1B8];
	_ =	sdelay $0x3  }
0x19e: {  	v55 =	vunpack.i.u.bf16.f32 v3  }
0x19f: {  	v3 =	vunpack.i.l.bf16.f32 v3;
	v54 =	vunpack.i.u.bf16.f32 v2;
	v2 =	vunpack.i.l.bf16.f32 v2  }
0x1a0: {  	v4 =	vadd.f32 v55, v54;
	v2 =	vadd.f32 v3, v2;
	_ =	sdelay $0x1  }
0x1a1: {  	v2 =	vpack.i.f32.bf16 v4, v2  }
0x1a2: {  	v3 =	vld [tilespmem:s21+$0x148];
	[tilespmem:s21+$0x138] =	vst v2  }
0x1a3: {  	v2 =	vld [tilespmem:s28+$0xA1C8];
	_ =	sdelay $0x3  }
0x1a4: {  	v57 =	vunpack.i.u.bf16.f32 v3  }
0x1a5: {  	v3 =	vunpack.i.l.bf16.f32 v3;
	v56 =	vunpack.i.u.bf16.f32 v2;
	v2 =	vunpack.i.l.bf16.f32 v2  }
0x1a6: {  	v4 =	vadd.f32 v57, v56;
	v2 =	vadd.f32 v3, v2;
	_ =	sdelay $0x1  }
0x1a7: {  	v2 =	vpack.i.f32.bf16 v4, v2  }
0x1a8: {  	v3 =	vld [tilespmem:s21+$0x158];
	[tilespmem:s21+$0x148] =	vst v2  }
0x1a9: {  	v2 =	vld [tilespmem:s28+$0xA1D8];
	_ =	sdelay $0x3  }
0x1aa: {  	v59 =	vunpack.i.u.bf16.f32 v3  }
0x1ab: {  	v3 =	vunpack.i.l.bf16.f32 v3;
	v58 =	vunpack.i.u.bf16.f32 v2;
	v2 =	vunpack.i.l.bf16.f32 v2  }
0x1ac: {  	v4 =	vadd.f32 v59, v58;
	v2 =	vadd.f32 v3, v2;
	_ =	sdelay $0x1  }
0x1ad: {  	v2 =	vpack.i.f32.bf16 v4, v2  }
0x1ae: {  	v3 =	vld [tilespmem:s21+$0x168];
	[tilespmem:s21+$0x158] =	vst v2  }
0x1af: {  	v2 =	vld [tilespmem:s28+$0xA1E8];
	_ =	sdelay $0x3  }
0x1b0: {  	v61 =	vunpack.i.u.bf16.f32 v3  }
0x1b1: {  	v3 =	vunpack.i.l.bf16.f32 v3;
	v60 =	vunpack.i.u.bf16.f32 v2;
	v2 =	vunpack.i.l.bf16.f32 v2  }
0x1b2: {  	v4 =	vadd.f32 v61, v60;
	v2 =	vadd.f32 v3, v2;
	_ =	sdelay $0x1  }
0x1b3: {  	v2 =	vpack.i.f32.bf16 v4, v2  }
0x1b4: {  	v3 =	vld [tilespmem:s21+$0x178];
	[tilespmem:s21+$0x168] =	vst v2  }
0x1b5: {  	v2 =	vld [tilespmem:s28+$0xA1F8];
	_ =	sdelay $0x3  }
0x1b6: {  	v63 =	vunpack.i.u.bf16.f32 v3  }
0x1b7: {  	p1 =	slt.s32 s30, $0x0;
	p2 =	sgt.s32 s31, $0x61A701;
	v3 =	vunpack.i.l.bf16.f32 v3;
	v62 =	vunpack.i.u.bf16.f32 v2;
	v2 =	vunpack.i.l.bf16.f32 v2  }
0x1b8: {  	p1 =	por p1, p2;
	v4 =	vadd.f32 v63, v62;
	v2 =	vadd.f32 v3, v2  }
0x1b9: {  	s3 =	sshrl.u32 @!p1 s30, $0x4  }
0x1ba: {  	s0 =	sshrl.u32 @!p1 s30, $0x1;
	s3 =	sadd.s32 @!p1 s1, s3;
	v2 =	vpack.i.f32.bf16 v4, v2  }
0x1bb: {  	s0 =	sand.u32 @!p1 $0x7, s0;
	s28 =	sadd.s32 $0x108, s21;
	[tilespmem:s21+$0x178] =	vst v2;
	s21 =	simm.s32 $0x0  }
0x1bc: {  	[hbm4b:s3+s0] =	stream.linear.scatter @!p1 [tilespmem:s28], [sflag:$0xA], $0x80, $0x38;
	[tilespmem:$0x1F4C8] =	vst v63  }
0x1bd: {  	s21 =	simm.s32 @!p1 $0x200  }
0x1be: {  	s24 =	sadd.s32 s24, s21  }
.LBB3_18:
0x1bf: {  	_ =	sdelay $0x2  }
0x1c0: {  	s0 =	sand.u32 $0x7FFFFF80, s23  }
0x1c1: {  	s3 =	smulhi.u32 $0xCCCCCCCD, s29;
	v2 =	vld.idx.msk [tilespmem:v1+s0+$0x0 ss:$0x1], $0xffff  }
0x1c2: {  	v3 =	vld.idx.msk [tilespmem:v1+s0+$0x10 ss:$0x1], $0xffff  }
0x1c3: {  	s28 =	sand.u32 $0x7FFFFFC0, s23;
	v4 =	vld.idx.msk [tilespmem:v1+s0+$0x20 ss:$0x1], $0xffff;
	s3 =	sshrl.u32 s3, $0x8  }
0x1c4: {  	v5 =	vld.idx.msk [tilespmem:v1+s0+$0x30 ss:$0x1], $0xffff;
	s21 =	sor.u32 $0x40, s28;
	s3 =	smul.u32 $0x140, s3  }
0x1c5: {  	s30 =	sand.u32 $0x1, s26;
	s31 =	sor.u32 $0x50, s28;
	v6 =	vld.idx.msk [tilespmem:v1+s21+$0x0 ss:$0x1], $0xffff  }
0x1c6: {  	p1 =	seq.s32 s30, $0x1;
	s30 =	sor.u32 $0x60, s28;
	v8 =	vld.idx.msk [tilespmem:v1+s31+$0x0 ss:$0x1], $0xffff;
	s21 =	ssub.s32 s29, s3;
	v7 =	vunpack.i.u.bf16.f32 v2;
	v2 =	vunpack.i.l.bf16.f32 v2  }
0x1c7: {  	v9 =	vld.idx.msk [tilespmem:v1+s30+$0x0 ss:$0x1], $0xffff;
	s31 =	sor.u32 $0x70, s28;
	s3 =	sshll.u32 s21, $0x7;
	v57 =	vunpack.i.u.bf16.f32 v3;
	v3 =	vunpack.i.l.bf16.f32 v3;
	v2 =	vpsel p1, v7, v2  }
0x1c8: {  	v58 =	vld.idx.msk [tilespmem:v1+s31+$0x0 ss:$0x1], $0xffff;
	[tilespmem:s3+$0x108] =	vst v2;
	v2 =	vpsel p1, v57, v3;
	v3 =	vunpack.i.u.bf16.f32 v4;
	v4 =	vunpack.i.l.bf16.f32 v4  }
0x1c9: {  	v59 =	vunpack.i.l.bf16.f32 v5;
	[tilespmem:s3+$0x118] =	vst v2;
	v2 =	vpsel p1, v3, v4;
	v3 =	vunpack.i.u.bf16.f32 v5  }
0x1ca: {  	v60 =	vunpack.i.l.bf16.f32 v6;
	[tilespmem:s3+$0x128] =	vst v2;
	v2 =	vpsel p1, v3, v59;
	v3 =	vunpack.i.u.bf16.f32 v6  }
.Ltmp24:
0x1cb: {  	v61 =	vunpack.i.l.bf16.f32 v8;
	[tilespmem:s3+$0x138] =	vst v2;
	v2 =	vpsel p1, v3, v60;
	v3 =	vunpack.i.u.bf16.f32 v8;
	(pc) =	sbr.rel .LBB3_19-.Ltmp24, $4  }
0x1cc: {  	v62 =	vunpack.i.l.bf16.f32 v9;
	[tilespmem:s3+$0x148] =	vst v2;
	v2 =	vpsel p1, v3, v61;
	v3 =	vunpack.i.u.bf16.f32 v9  }
0x1cd: {  	v63 =	vunpack.i.l.bf16.f32 v58;
	[tilespmem:s3+$0x158] =	vst v2;
	v2 =	vpsel p1, v3, v62;
	v3 =	vunpack.i.u.bf16.f32 v58  }
0x1ce: {  	[tilespmem:s3+$0x168] =	vst v2;
	v2 =	vpsel p1, v3, v63  }
0x1cf: {  	s25 =	sadd.s32 $0x1, s25;
	s28 =	simm.s32 $0x1;
	[tilespmem:s3+$0x178] =	vst v2  }
.LBB3_21:
.Ltmp25:
0x1d0: {  	(pc) =	sbr.rel .LBB3_22-.Ltmp25, $3  }
0x1d1: {  	_ =	sdelay $0x1  }
0x1d2: {  	_ =	swait.ge [sflag:s9], $0x0  }
0x1d3: {  	s17 =	simm.s32 $0x0;
	[sflag:s9] =	ssyncset.done $0x0  }
.LBB3_24:
0x1d4: {  	_ =	sfence.sel $0x180000  }
0x1d5: {  	s0 =	simm.s32 $0x9;
	[bflag:$0x0] =	sbarrier.arrive $0xFFFF  }
0x1d6: {  	s7 =	simm.s32 $0x2;
	[sflag:s0] =	ssyncpa.u1 $0x1  }
0x1d7: {  	[sflag:s7] =	ssyncpa.u1 $0x1  }
0x1d8: {  	v0 =	vld [tilespmem:$0x14208];
	_ =	sdelay $0x4  }
0x1d9: {  	(v2sf) =	vpush v0, $0x0  }
0x1da: {  	(v2sf) =	vpush v0, $0x1;
	_ =	sdelay $0x2  }
0x1db: {  	(v2sf) =	vpush v0, $0x2;
	_ =	sdelay $0xa  }
0x1dc: {  	s9 =	spop (v2sf)  }
0x1dd: {  	s30 =	spop (v2sf)  }
0x1de: {  	s0 =	sxor.u32 s30, s9  }
0x1df: {  	p0 =	sgt.u32 s0, $0x1;
	s0 =	smov.u32 s9  }
0x1e0: {  	s8 =	spop (v2sf);
	s0 =	simm.s32 @!p0 $0xFFFFFFFF  }
0x1e1: {  	v2 =	vimm.s32 $0x1;
	v3 =	vlaneseq.u32;
	p1 =	seq.s32 s8, $0xFFFFFFFF;
	v1 =	vmov s0  }
.Ltmp26:
0x1e2: {  	v2 =	vperm.xlane v0, v2;
	v1 =	vperm.xlane v1, v3;
	(pc) =	sbr.rel @p1 .LBB3_26-.Ltmp26, $4  }
0x1e3: {  	vm0 =	vcmask $0x3F04  }
0x1e4: {  	s6 =	sshll.u32 s2, $0x1;
	v1 =	vsel vm0, v1, v2  }
0x1e5: {  	s3 =	simm.s32 $0x14208;
	s5 =	simm.s32 $0x1;
	s31 =	sor.u32 $0x1000, s6;
	[tilespmem:$0x14208] =	vst v1  }
0x1e6: {  	[spmem:s31] =	stream.linear.scatter [tilespmem:s3], [sflag:$0x1], $0x2, $0x38;
	[tilespmem:$0x1F4C8] =	vst v63  }
0x1e7: {  	(v2sf) =	vpush v0, $0x3;
	_ =	sdelay $0xe  }
0x1e8: {  	s0 =	spop (v2sf)  }
0x1e9: {  	p1 =	sne.s32 s0, $0x2  }
0x1ea: {  	s0 =	sand.u32 @p1 $0x1, s9;
	s7 =	sshll.u32 @p1 s8, $0x9  }
0x1eb: {  	p2 =	seq.s32 @p1 s0, $0x0;
	s0 =	sshra.s32 @p1 s7, $0x2  }
0x1ec: {  	v0 =	vld @p1 [tilespmem:s0+$0x108];
	p3 =	por !p2, !p1  }
0x1ed: {  	v1 =	vld @!p3 [tilespmem:s0+$0x118]  }
0x1ee: {  	v2 =	vld @!p3 [tilespmem:s0+$0x128]  }
0x1ef: {  	v3 =	vld @!p3 [tilespmem:s0+$0x138]  }
0x1f0: {  	v4 =	vimm.f32 @!p3 $0.0e+00;
	v5 =	vld @!p3 [tilespmem:s0+$0x148]  }
0x1f1: {  	v7 =	vld @!p3 [tilespmem:s0+$0x158];
	v6 =	vpack.i.f32.bf16 @!p3 v4, v0  }
0x1f2: {  	[tilespmem:s0+$0x108] =	vst @!p3 v6;
	v1 =	vpack.i.f32.bf16 @!p3 v4, v1;
	v6 =	vld @!p3 [tilespmem:s0+$0x168]  }
0x1f3: {  	[tilespmem:s0+$0x118] =	vst @!p3 v1;
	v1 =	vpack.i.f32.bf16 @!p3 v4, v2;
	v2 =	vld @!p3 [tilespmem:s0+$0x178]  }
0x1f4: {  	p2 =	por p2, !p1;
	[tilespmem:s0+$0x128] =	vst @!p3 v1;
	v1 =	vpack.i.f32.bf16 @!p3 v4, v3  }
0x1f5: {  	v3 =	vld @!p2 [tilespmem:s0+$0x118];
	[tilespmem:s0+$0x138] =	vst @!p3 v1;
	v1 =	vpack.i.f32.bf16 @!p3 v4, v5  }
0x1f6: {  	v5 =	vld @!p2 [tilespmem:s0+$0x128];
	[tilespmem:s0+$0x148] =	vst @!p3 v1;
	v1 =	vpack.i.f32.bf16 @!p3 v4, v7  }
0x1f7: {  	[tilespmem:s0+$0x158] =	vst @!p3 v1;
	v1 =	vpack.i.f32.bf16 @!p3 v4, v6;
	v6 =	vld @!p2 [tilespmem:s0+$0x138]  }
0x1f8: {  	[tilespmem:s0+$0x168] =	vst @!p3 v1;
	v1 =	vpack.i.f32.bf16 @!p3 v4, v2;
	v2 =	vimm.f32 @!p2 $0.0e+00;
	v4 =	vld @!p2 [tilespmem:s0+$0x148]  }
0x1f9: {  	[tilespmem:s0+$0x178] =	vst @!p3 v1;
	v0 =	vpack.i.f32.bf16 @!p2 v0, v2;
	v1 =	vld @!p2 [tilespmem:s0+$0x158]  }
0x1fa: {  	s3 =	sadd.s32 @!p1 $0x13F, s8;
	[tilespmem:s0+$0x108] =	vst @!p2 v0;
	v0 =	vpack.i.f32.bf16 @!p2 v3, v2;
	v3 =	vld @!p2 [tilespmem:s0+$0x168]  }
0x1fb: {  	s9 =	smulhi.u32 @!p1 $0xCCCCCCCD, s3;
	[tilespmem:s0+$0x118] =	vst @!p2 v0;
	v0 =	vpack.i.f32.bf16 @!p2 v5, v2;
	v5 =	vld @!p2 [tilespmem:s0+$0x178]  }
0x1fc: {  	[tilespmem:s0+$0x128] =	vst @!p2 v0;
	v0 =	vpack.i.f32.bf16 @!p2 v6, v2  }
0x1fd: {  	s9 =	sshrl.u32 @!p1 s9, $0x8;
	[tilespmem:s0+$0x138] =	vst @!p2 v0;
	v0 =	vpack.i.f32.bf16 @!p2 v4, v2  }
0x1fe: {  	s9 =	smul.u32 @!p1 $0x140, s9;
	[tilespmem:s0+$0x148] =	vst @!p2 v0;
	v0 =	vpack.i.f32.bf16 @!p2 v1, v2  }
0x1ff: {  	[tilespmem:s0+$0x158] =	vst @!p2 v0;
	v0 =	vpack.i.f32.bf16 @!p2 v3, v2  }
0x200: {  	s3 =	ssub.s32 @!p1 s3, s9;
	[tilespmem:s0+$0x168] =	vst @!p2 v0;
	v0 =	vpack.i.f32.bf16 @!p2 v5, v2  }
0x201: {  	[tilespmem:s0+$0x178] =	vst @!p2 v0;
	s0 =	sshll.u32 @!p1 s3, $0x7;
	s3 =	sshll.u32 @!p1 s8, $0x9  }
0x202: {  	s8 =	sshra.s32 @!p1 s3, $0x2;
	v0 =	vld @!p1 [tilespmem:s0+$0x108]  }
0x203: {  	v1 =	vld @!p1 [tilespmem:s8+$0x108];
	_ =	sdelay $0x4  }
0x204: {  	v0 =	vpack.i.f32.bf16 @!p1 v1, v0  }
0x205: {  	v1 =	vld @!p1 [tilespmem:s8+$0x118];
	[tilespmem:s8+$0x108] =	vst @!p1 v0  }
0x206: {  	v0 =	vld @!p1 [tilespmem:s0+$0x118];
	_ =	sdelay $0x4  }
0x207: {  	v0 =	vpack.i.f32.bf16 @!p1 v1, v0  }
0x208: {  	v1 =	vld @!p1 [tilespmem:s8+$0x128];
	[tilespmem:s8+$0x118] =	vst @!p1 v0  }
0x209: {  	v0 =	vld @!p1 [tilespmem:s0+$0x128];
	_ =	sdelay $0x4  }
0x20a: {  	v0 =	vpack.i.f32.bf16 @!p1 v1, v0  }
0x20b: {  	v1 =	vld @!p1 [tilespmem:s8+$0x138];
	[tilespmem:s8+$0x128] =	vst @!p1 v0  }
0x20c: {  	v0 =	vld @!p1 [tilespmem:s0+$0x138];
	_ =	sdelay $0x4  }
0x20d: {  	v0 =	vpack.i.f32.bf16 @!p1 v1, v0  }
0x20e: {  	v1 =	vld @!p1 [tilespmem:s8+$0x148];
	[tilespmem:s8+$0x138] =	vst @!p1 v0  }
0x20f: {  	v0 =	vld @!p1 [tilespmem:s0+$0x148];
	_ =	sdelay $0x4  }
0x210: {  	v0 =	vpack.i.f32.bf16 @!p1 v1, v0  }
0x211: {  	v1 =	vld @!p1 [tilespmem:s8+$0x158];
	[tilespmem:s8+$0x148] =	vst @!p1 v0  }
0x212: {  	v0 =	vld @!p1 [tilespmem:s0+$0x158];
	_ =	sdelay $0x4  }
0x213: {  	v0 =	vpack.i.f32.bf16 @!p1 v1, v0  }
0x214: {  	v1 =	vld @!p1 [tilespmem:s8+$0x168];
	[tilespmem:s8+$0x158] =	vst @!p1 v0  }
0x215: {  	v0 =	vld @!p1 [tilespmem:s0+$0x168];
	_ =	sdelay $0x4  }
0x216: {  	v0 =	vpack.i.f32.bf16 @!p1 v1, v0  }
0x217: {  	v1 =	vld @!p1 [tilespmem:s8+$0x178];
	[tilespmem:s8+$0x168] =	vst @!p1 v0  }
0x218: {  	v0 =	vld @!p1 [tilespmem:s0+$0x178];
	_ =	sdelay $0x2  }
0x219: {  	s0 =	simm.s32 $0x1  }
0x21a: {  	s3 =	smov.u32 @p1 s7;
	s0 =	simm.s32 @!p0 $0x0  }
0x21b: {  	s3 =	sshra.s32 s3, $0x2;
	s0 =	sor.u32 s0, s6;
	v0 =	vpack.i.f32.bf16 @!p1 v1, v0  }
0x21c: {  	s7 =	simm.s32 $0x82;
	s3 =	sadd.s32 $0x108, s3;
	s0 =	sshll.u32 s0, $0x7;
	[tilespmem:s8+$0x178] =	vst @!p1 v0  }
0x21d: {  	[spmem:s0] =	stream.linear.scatter [tilespmem:s3], [sflag:$0x1], $0x80, $0x38;
	[tilespmem:$0x1F4C8] =	vst v63  }
.LBB3_26:
0x21e: {  	_ =	swait.ge [sflag:s5], s7  }
0x21f: {  	s0 =	ssub.s32 $0x0, s7;
	[sflag:s5] =	ssyncset.done $0x0  }
0x220: {  	p0 =	sne.s32 s2, $0x0;
	[sflag:s5] =	ssyncadd.s32 s0  }
.Ltmp27:
0x221: {  	_ =	sfence.stream.spmem;
	(pc) =	sbr.rel @p0 .LBB3_46-.Ltmp27, $4  }
0x222: {  	s29 =	simm.s32 $0x3;
	[bflag:$0x0] =	sbarrier.arrive $0xFFFF  }
0x223: {  	s30 =	simm.s32 $0x4;
	[sflag:s29] =	ssyncpa.u1 $0x1  }
0x224: {  	s31 =	simm.s32 $0x3C;
	[sflag:s30] =	ssyncpa.u1 $0x1  }
0x225: {  	s5 =	sand.u32 $0x1, s4;
	[sflag:s31] =	ssyncpa.u1 $0x1  }
0x226: {  	_ =	sfence.stream.spmem;
	s0 =	simm.s32 $0x5  }
0x227: {  	s3 =	simm.s32 $0x1000;
	s6 =	simm.s32 $0x14218;
	[sflag:s0] =	ssyncpa.u1 $0x0  }
0x228: {  	[tilespmem:s6], [sflag:$0x5] =	stream.linear.gather [spmem:s3], $0x20, $0x38;
	[tilespmem:$0x1F4C8] =	vst v63  }
0x229: {  	s26 =	simm.s32 $0x0;
	s28 =	simm.s32 $0x14238  }
0x22a: {  	[tilespmem:s28], [sflag:$0x5] =	stream.linear.gather [spmem:s26], $0x1000, $0x38;
	[tilespmem:$0x1F4C8] =	vst v63  }
0x22b: {  	_ =	swait.ge [sflag:s0], $0x1020  }
0x22c: {  	[sflag:s0] =	ssyncset.done $0x0  }
0x22d: {  	s29 =	simm.s32 $0x0;
	[sflag:s0] =	ssyncadd.s32 $0xFFFFEFE0  }
0x22e: {  	v0 =	vld.msk [tilespmem:s29+$0x14218], $0x1;
	_ =	sdelay $0x1  }
0x22f: {  	s30 =	simm.s32 $0x1  }
0x230: {  	v1 =	vld.msk [tilespmem:s30+$0x14218], $0x1;
	_ =	sdelay $0x1  }
0x231: {  	(v2sf) =	vpush v0, $0x0;
	_ =	sdelay $0x2  }
0x232: {  	(v2sf) =	vpush v1, $0x0;
	_ =	sdelay $0x2  }
0x233: {  	s31 =	simm.s32 $0x2  }
0x234: {  	v0 =	vld.msk [tilespmem:s31+$0x14218], $0x1;
	_ =	sdelay $0x2  }
0x235: {  	s8 =	simm.s32 $0xFFFFFFFF;
	s7 =	simm.s32 $0xFFFFFFFF;
	s6 =	simm.s32 $0xC  }
.LBB3_28:
0x236: {  	s0 =	smov.u32 s7;
	s3 =	smov.u32 s8  }
0x237: {  	s7 =	sshra.s32 s6, $0x2;
	p1 =	sne.s32 s6, $0x7C;
	s6 =	sadd.s32 $0x4, s6;
	(v2sf) =	vpush v0, $0x0  }
0x238: {  	v0 =	vld.msk [tilespmem:s7+$0x14218], $0x1  }
.Ltmp28:
0x239: {  	(pc) =	sbr.rel @p1 .LBB3_28-.Ltmp28, $4  }
0x23a: {  	s7 =	spop (v2sf)  }
0x23b: {  	p2 =	sne.s32 s8, $0xFFFFFFFF;
	s8 =	smov.u32 s7  }
0x23c: {  	p3 =	seq.s32 s7, $0xFFFFFFFF;
	s8 =	smov.u32 @p2 s3  }
0x23d: {  	s7 =	smov.u32 @p3 s0;
	s8 =	smov.u32 @p3 s3  }
0x23e: {  	(v2sf) =	vpush v0, $0x0;
	_ =	sdelay $0x8  }
0x23f: {  	s0 =	spop (v2sf)  }
0x240: {  	p1 =	sne.s32 s8, $0xFFFFFFFF;
	s3 =	smov.u32 s0  }
0x241: {  	p2 =	seq.s32 s0, $0xFFFFFFFF;
	s3 =	smov.u32 @p1 s8  }
0x242: {  	s9 =	simm.s32 $0x6;
	s3 =	smov.u32 @p2 s8;
	s6 =	spop (v2sf)  }
0x243: {  	s10 =	simm.s32 $0x14188;
	p1 =	sne.s32 s3, $0xFFFFFFFF;
	s8 =	smov.u32 s6  }
0x244: {  	s11 =	simm.s32 $0x0;
	s8 =	smov.u32 @p1 s3;
	p1 =	seq.s32 s6, $0xFFFFFFFF  }
.Ltmp29:
0x245: {  	s8 =	smov.u32 @p1 s3;
	s3 =	spop (v2sf);
	(pc) =	sbr.rel .LBB3_30-.Ltmp29, $4  }
0x246: {  	s0 =	smov.u32 @p2 s7;
	p2 =	sne.s32 s8, $0xFFFFFFFF;
	s7 =	smov.u32 s3  }
0x247: {  	s6 =	smov.u32 @p1 s0;
	p1 =	seq.s32 s3, $0xFFFFFFFF;
	s7 =	smov.u32 @p2 s8  }
0x248: {  	[sflag:s9] =	ssyncpa.u1 $0x0;
	s3 =	smov.u32 @p1 s6;
	s7 =	smov.u32 @p1 s8  }
0x249: {  	s6 =	simm.s32 $0x0;
	s8 =	sand.u32 $0xFFFFFFFE, s3;
	s7 =	sand.u32 $0xFFFFFFFE, s7  }
.LBB3_35:
0x24a: {  	s0 =	sshll.u32 s11, $0x7  }
0x24b: {  	s31 =	sshll.u32 s15, $0x9;
	s13 =	sand.u32 $0x3FFFFF80, s0  }
0x24c: {  	s12 =	sshra.s32 s31, $0x2;
	v0 =	vld [tilespmem:s13+$0x14238]  }
0x24d: {  	v1 =	vld [tilespmem:s12+$0x14238];
	_ =	sdelay $0x3  }
0x24e: {  	v2 =	vunpack.i.u.bf16.f32 v0  }
0x24f: {  	v0 =	vunpack.i.l.bf16.f32 v0;
	v3 =	vunpack.i.u.bf16.f32 v1;
	v1 =	vunpack.i.l.bf16.f32 v1  }
0x250: {  	v2 =	vadd.f32 v3, v2;
	v0 =	vadd.f32 v1, v0;
	_ =	sdelay $0x1  }
0x251: {  	v0 =	vpack.i.f32.bf16 v2, v0  }
0x252: {  	v43 =	vld [tilespmem:s12+$0x14248];
	[tilespmem:s12+$0x14238] =	vst v0  }
0x253: {  	v0 =	vld [tilespmem:s13+$0x14248];
	_ =	sdelay $0x3  }
0x254: {  	v45 =	vunpack.i.u.bf16.f32 v43  }
0x255: {  	v1 =	vunpack.i.l.bf16.f32 v43;
	v44 =	vunpack.i.u.bf16.f32 v0;
	v0 =	vunpack.i.l.bf16.f32 v0  }
0x256: {  	v2 =	vadd.f32 v45, v44;
	v0 =	vadd.f32 v1, v0;
	_ =	sdelay $0x1  }
0x257: {  	v0 =	vpack.i.f32.bf16 v2, v0  }
0x258: {  	v46 =	vld [tilespmem:s12+$0x14258];
	[tilespmem:s12+$0x14248] =	vst v0  }
0x259: {  	v0 =	vld [tilespmem:s13+$0x14258];
	_ =	sdelay $0x3  }
0x25a: {  	v48 =	vunpack.i.u.bf16.f32 v46  }
0x25b: {  	v1 =	vunpack.i.l.bf16.f32 v46;
	v47 =	vunpack.i.u.bf16.f32 v0;
	v0 =	vunpack.i.l.bf16.f32 v0  }
0x25c: {  	v2 =	vadd.f32 v48, v47;
	v0 =	vadd.f32 v1, v0;
	_ =	sdelay $0x1  }
0x25d: {  	v0 =	vpack.i.f32.bf16 v2, v0  }
0x25e: {  	v49 =	vld [tilespmem:s12+$0x14268];
	[tilespmem:s12+$0x14258] =	vst v0  }
0x25f: {  	v0 =	vld [tilespmem:s13+$0x14268];
	_ =	sdelay $0x3  }
0x260: {  	v51 =	vunpack.i.u.bf16.f32 v49  }
0x261: {  	v1 =	vunpack.i.l.bf16.f32 v49;
	v50 =	vunpack.i.u.bf16.f32 v0;
	v0 =	vunpack.i.l.bf16.f32 v0  }
0x262: {  	v2 =	vadd.f32 v51, v50;
	v0 =	vadd.f32 v1, v0;
	_ =	sdelay $0x1  }
0x263: {  	v0 =	vpack.i.f32.bf16 v2, v0  }
0x264: {  	v52 =	vld [tilespmem:s12+$0x14278];
	[tilespmem:s12+$0x14268] =	vst v0  }
0x265: {  	v0 =	vld [tilespmem:s13+$0x14278];
	_ =	sdelay $0x3  }
0x266: {  	v54 =	vunpack.i.u.bf16.f32 v52  }
0x267: {  	v1 =	vunpack.i.l.bf16.f32 v52;
	v53 =	vunpack.i.u.bf16.f32 v0;
	v0 =	vunpack.i.l.bf16.f32 v0  }
0x268: {  	v2 =	vadd.f32 v54, v53;
	v0 =	vadd.f32 v1, v0;
	_ =	sdelay $0x1  }
0x269: {  	v0 =	vpack.i.f32.bf16 v2, v0  }
0x26a: {  	v55 =	vld [tilespmem:s12+$0x14288];
	[tilespmem:s12+$0x14278] =	vst v0  }
0x26b: {  	v0 =	vld [tilespmem:s13+$0x14288];
	_ =	sdelay $0x3  }
0x26c: {  	v57 =	vunpack.i.u.bf16.f32 v55  }
0x26d: {  	v1 =	vunpack.i.l.bf16.f32 v55;
	v56 =	vunpack.i.u.bf16.f32 v0;
	v0 =	vunpack.i.l.bf16.f32 v0  }
0x26e: {  	v2 =	vadd.f32 v57, v56;
	v0 =	vadd.f32 v1, v0;
	_ =	sdelay $0x1  }
0x26f: {  	v0 =	vpack.i.f32.bf16 v2, v0  }
0x270: {  	v58 =	vld [tilespmem:s12+$0x14298];
	[tilespmem:s12+$0x14288] =	vst v0  }
0x271: {  	v0 =	vld [tilespmem:s13+$0x14298];
	_ =	sdelay $0x3  }
0x272: {  	v60 =	vunpack.i.u.bf16.f32 v58  }
0x273: {  	v1 =	vunpack.i.l.bf16.f32 v58;
	v59 =	vunpack.i.u.bf16.f32 v0;
	v0 =	vunpack.i.l.bf16.f32 v0  }
0x274: {  	v2 =	vadd.f32 v60, v59;
	v0 =	vadd.f32 v1, v0;
	_ =	sdelay $0x1  }
0x275: {  	v0 =	vpack.i.f32.bf16 v2, v0  }
0x276: {  	v61 =	vld [tilespmem:s12+$0x142A8];
	[tilespmem:s12+$0x14298] =	vst v0  }
0x277: {  	v0 =	vld [tilespmem:s13+$0x142A8];
	_ =	sdelay $0x3  }
0x278: {  	v63 =	vunpack.i.u.bf16.f32 v61  }
0x279: {  	v1 =	vunpack.i.l.bf16.f32 v61;
	v62 =	vunpack.i.u.bf16.f32 v0;
	v0 =	vunpack.i.l.bf16.f32 v0  }
0x27a: {  	v2 =	vadd.f32 v63, v62;
	v0 =	vadd.f32 v1, v0;
	_ =	sdelay $0x1  }
0x27b: {  	v0 =	vpack.i.f32.bf16 v2, v0  }
0x27c: {  	[tilespmem:s12+$0x142A8] =	vst v0  }
.LBB3_40:
0x27d: {  	s11 =	sadd.s32 $0x1, s11  }
0x27e: {  	p1 =	sne.s32 s11, $0x20  }
.Ltmp30:
0x27f: {  	_ = 	snop;
	(pc) =	sbr.rel @!p1 .LBB3_41-.Ltmp30, $1  }
0x280: {  	_ =	sdelay $0x3  }
.LBB3_30:
0x281: {  	v0 =	vld.msk [tilespmem:s11+$0x14218], $0x1;
	_ =	sdelay $0x4  }
0x282: {  	(v2sf) =	vpush v0, $0x0;
	_ =	sdelay $0xe  }
0x283: {  	s12 =	spop (v2sf)  }
0x284: {  	p1 =	seq.s32 s12, $0xFFFFFFFF  }
.Ltmp31:
0x285: {  	_ = 	snop;
	(pc) =	sbr.rel @p1 .LBB3_40-.Ltmp31, $1  }
0x286: {  	_ =	sdelay $0x3  }
0x287: {  	p1 =	slt.s32 s6, $0x1  }
.Ltmp32:
0x288: {  	_ = 	snop;
	(pc) =	sbr.rel @p1 .LBB3_36-.Ltmp32, $2  }
0x289: {  	_ =	sdelay $0x2  }
0x28a: {  	s13 =	sand.u32 $0xFFFFFFFE, s12  }
0x28b: {  	s14 =	simm.s32 $0x14218;
	p1 =	por $0x0, $0x0  }
0x28c: {  	v1 =	vld.msk @!p1 [tilespmem:s14+$0x0], $0x1;
	_ =	sdelay $0x4  }
0x28d: {  	(v2sf) =	vpush @!p1 v1, $0x0;
	_ =	sdelay $0xe  }
0x28e: {  	p3 =	sne.s32 s6, $0x1;
	s0 =	spop @!p1 (v2sf)  }
.Ltmp33:
0x28f: {  	s0 =	sand.u32 @!p1 $0xFFFFFFFE, s0;
	(pc) =	sbr.rel @!p3 .LBB3_34-.Ltmp33, $4  }
0x290: {  	p2 =	seq.s32 @!p1 s13, s0  }
0x291: {  	s15 =	simm.s32 $0x0;
	p2 =	por !p2, p1  }
0x292: {  	s0 =	simm.s32 $0xFFFFFFFF;
	s15 =	simm.s32 @p2 $0xFFFFFFFF  }
0x293: {  	s16 =	simm.s32 $0x1;
	s15 =	smov.u32 @p1 s0  }
.LBB3_33:
0x294: {  	s0 =	smov.u32 s15;
	p1 =	sne.s32 s15, $0xFFFFFFFF  }
0x295: {  	s14 =	sadd.s32 $0x1, s14;
	s15 =	smov.u32 s16;
	s16 =	sadd.s32 $0x1, s16  }
0x296: {  	p2 =	sne.s32 s6, s16;
	v1 =	vld.msk @!p1 [tilespmem:s14+$0x0], $0x1;
	_ =	sdelay $0x4  }
0x297: {  	(v2sf) =	vpush @!p1 v1, $0x0;
	_ =	sdelay $0xe  }
0x298: {  	s3 =	spop @!p1 (v2sf)  }
.Ltmp34:
0x299: {  	s3 =	sand.u32 @!p1 $0xFFFFFFFE, s3;
	(pc) =	sbr.rel @p2 .LBB3_33-.Ltmp34, $4  }
0x29a: {  	p3 =	seq.s32 @!p1 s13, s3  }
0x29b: {  	p3 =	por !p3, p1  }
0x29c: {  	s15 =	simm.s32 @p3 $0xFFFFFFFF  }
0x29d: {  	s15 =	smov.u32 @p1 s0  }
.LBB3_34:
0x29e: {  	p1 =	seq.s32 s15, $0xFFFFFFFF  }
.Ltmp35:
0x29f: {  	_ = 	snop;
	(pc) =	sbr.rel @!p1 .LBB3_35-.Ltmp35, $1  }
0x2a0: {  	_ =	sdelay $0x3  }
.LBB3_36:
0x2a1: {  	p1 =	sgt.u32 s12, $0x61A701  }
0x2a2: {  	p2 =	seq.s32 @!p1 s13, s7  }
0x2a3: {  	p1 =	por p1, p2  }
0x2a4: {  	p2 =	sne.s32 @!p1 s13, s8  }
0x2a5: {  	p1 =	por p1, !p2  }
.Ltmp36:
0x2a6: {  	_ = 	snop;
	(pc) =	sbr.rel @p1 .LBB3_37-.Ltmp36, $1  }
0x2a7: {  	_ =	sdelay $0x3  }
0x2a8: {  	s0 =	sshrl.u32 s12, $0x1;
	s3 =	sshrl.u32 s12, $0x4  }
0x2a9: {  	s3 =	sadd.s32 s1, s3;
	s0 =	sand.u32 $0x7, s0  }
0x2aa: {  	[tilespmem:s10], [sflag:$0x6] =	stream.linear.gather [hbm4b:s3+s0], $0x80, $0x38;
	[tilespmem:$0x1F4C8] =	vst v63  }
0x2ab: {  	_ =	swait.ge [sflag:s9], $0x80  }
0x2ac: {  	[sflag:s9] =	ssyncset.done $0x0  }
0x2ad: {  	s12 =	sshll.u32 s11, $0x9;
	[sflag:s9] =	ssyncadd.s32 $0xFFFFFF80  }
0x2ae: {  	s13 =	sshrl.u32 s12, $0x2;
	v1 =	vld [tilespmem:$0x14188]  }
0x2af: {  	v2 =	vld [tilespmem:s13+$0x14238]  }
0x2b0: {  	v4 =	vld [tilespmem:s13+$0x14248]  }
0x2b1: {  	v5 =	vld [tilespmem:$0x141A8]  }
0x2b2: {  	v7 =	vld [tilespmem:s13+$0x14258]  }
0x2b3: {  	v9 =	vld [tilespmem:$0x141B8]  }
0x2b4: {  	v44 =	vld [tilespmem:s13+$0x14268]  }
0x2b5: {  	v11 =	vld [tilespmem:$0x141C8]  }
0x2b6: {  	v46 =	vld [tilespmem:s13+$0x14278]  }
0x2b7: {  	v13 =	vld [tilespmem:$0x141D8]  }
0x2b8: {  	v50 =	vld [tilespmem:s13+$0x14288]  }
0x2b9: {  	v15 =	vld [tilespmem:$0x141E8]  }
0x2ba: {  	v51 =	vld [tilespmem:s13+$0x14298];
	v6 =	vunpack.i.u.bf16.f32 v1;
	v1 =	vunpack.i.l.bf16.f32 v1;
	v8 =	vunpack.i.u.bf16.f32 v2  }
0x2bb: {  	v52 =	vld [tilespmem:$0x141F8];
	v2 =	vunpack.i.l.bf16.f32 v2;
	v10 =	vunpack.i.u.bf16.f32 v4;
	v4 =	vunpack.i.l.bf16.f32 v4  }
0x2bc: {  	v56 =	vld [tilespmem:s13+$0x142A8];
	v45 =	vunpack.i.u.bf16.f32 v5;
	v5 =	vunpack.i.l.bf16.f32 v5;
	v12 =	vunpack.i.u.bf16.f32 v7  }
0x2bd: {  	v3 =	vld [tilespmem:$0x14198];
	v7 =	vunpack.i.l.bf16.f32 v7;
	v47 =	vunpack.i.u.bf16.f32 v9;
	v9 =	vunpack.i.l.bf16.f32 v9  }
0x2be: {  	v48 =	vunpack.i.u.bf16.f32 v44;
	v49 =	vunpack.i.u.bf16.f32 v11;
	v11 =	vunpack.i.l.bf16.f32 v11  }
0x2bf: {  	v14 =	vunpack.i.u.bf16.f32 v46;
	v55 =	vunpack.i.u.bf16.f32 v13;
	v57 =	vunpack.i.l.bf16.f32 v13  }
0x2c0: {  	v58 =	vunpack.i.u.bf16.f32 v50;
	v60 =	vunpack.i.u.bf16.f32 v15;
	v61 =	vunpack.i.u.bf16.f32 v51  }
0x2c1: {  	v62 =	vunpack.i.u.bf16.f32 v52;
	v63 =	vunpack.i.u.bf16.f32 v56;
	v6 =	vadd.f32 v8, v6  }
0x2c2: {  	v1 =	vadd.f32 v2, v1;
	v2 =	vunpack.i.u.bf16.f32 v3;
	v5 =	vadd.f32 v7, v5  }
0x2c3: {  	v3 =	vunpack.i.l.bf16.f32 v3;
	v7 =	vadd.f32 v48, v47;
	v2 =	vadd.f32 v10, v2  }
0x2c4: {  	v8 =	vunpack.i.l.bf16.f32 v44;
	v3 =	vadd.f32 v4, v3;
	v4 =	vadd.f32 v12, v45  }
0x2c5: {  	v8 =	vadd.f32 v8, v9;
	v10 =	vunpack.i.l.bf16.f32 v46;
	v9 =	vadd.f32 v14, v49  }
0x2c6: {  	v12 =	vunpack.i.l.bf16.f32 v50;
	v10 =	vadd.f32 v10, v11;
	v1 =	vpack.i.f32.bf16 v6, v1  }
0x2c7: {  	v59 =	vadd.f32 v12, v57;
	v11 =	vunpack.i.l.bf16.f32 v51;
	v2 =	vpack.i.f32.bf16 v2, v3;
	[tilespmem:s13+$0x14238] =	vst v1  }
0x2c8: {  	v3 =	vpack.i.f32.bf16 v4, v5;
	v53 =	vpack.i.f32.bf16 v7, v8;
	v1 =	vadd.f32 v58, v55;
	[tilespmem:s13+$0x14248] =	vst v2  }
0x2c9: {  	v4 =	vunpack.i.l.bf16.f32 v52;
	v8 =	vunpack.i.l.bf16.f32 v56;
	v2 =	vunpack.i.l.bf16.f32 v15;
	[tilespmem:s13+$0x14258] =	vst v3  }
0x2ca: {  	v54 =	vpack.i.f32.bf16 v9, v10;
	v3 =	vadd.f32 v61, v60;
	[tilespmem:s13+$0x14268] =	vst v53;
	v2 =	vadd.f32 v11, v2  }
0x2cb: {  	v5 =	vadd.f32 v63, v62;
	v4 =	vadd.f32 v8, v4;
	[tilespmem:s13+$0x14278] =	vst v54;
	v1 =	vpack.i.f32.bf16 v1, v59  }
0x2cc: {  	[tilespmem:s13+$0x14288] =	vst v1;
	v1 =	vpack.i.f32.bf16 v3, v2  }
0x2cd: {  	[tilespmem:s13+$0x14298] =	vst v1;
	v1 =	vpack.i.f32.bf16 v5, v4  }
0x2ce: {  	[tilespmem:s13+$0x142A8] =	vst v1  }
.LBB3_39:
0x2cf: {  	[tilespmem:s6+$0x14218] =	vst.msk $0x1, v0;
	s0 =	sshrl.u32 s12, $0x2  }
0x2d0: {  	v0 =	vld [tilespmem:s0+$0x14238];
	_ =	sdelay $0x2  }
0x2d1: {  	s3 =	sshll.u32 s6, $0x9  }
0x2d2: {  	s3 =	sshra.s32 s3, $0x2  }
0x2d3: {  	[tilespmem:s3+$0x14238] =	vst v0  }
0x2d4: {  	v0 =	vld [tilespmem:s0+$0x14248];
	_ =	sdelay $0x4  }
0x2d5: {  	[tilespmem:s3+$0x14248] =	vst v0  }
0x2d6: {  	v0 =	vld [tilespmem:s0+$0x14258];
	_ =	sdelay $0x4  }
0x2d7: {  	[tilespmem:s3+$0x14258] =	vst v0  }
0x2d8: {  	v0 =	vld [tilespmem:s0+$0x14268];
	_ =	sdelay $0x4  }
0x2d9: {  	[tilespmem:s3+$0x14268] =	vst v0  }
0x2da: {  	v0 =	vld [tilespmem:s0+$0x14278];
	_ =	sdelay $0x4  }
0x2db: {  	[tilespmem:s3+$0x14278] =	vst v0  }
0x2dc: {  	v0 =	vld [tilespmem:s0+$0x14288];
	_ =	sdelay $0x4  }
0x2dd: {  	[tilespmem:s3+$0x14288] =	vst v0  }
0x2de: {  	v0 =	vld [tilespmem:s0+$0x14298];
	_ =	sdelay $0x4  }
0x2df: {  	[tilespmem:s3+$0x14298] =	vst v0  }
0x2e0: {  	v0 =	vld [tilespmem:s0+$0x142A8]  }
.Ltmp37:
0x2e1: {  	_ = 	snop;
	(pc) =	sbr.rel .LBB3_40-.Ltmp37, $2  }
0x2e2: {  	_ =	sdelay $0x2  }
0x2e3: {  	s6 =	sadd.s32 $0x1, s6;
	[tilespmem:s3+$0x142A8] =	vst v0  }
.LBB3_37:
.Ltmp38:
0x2e4: {  	(pc) =	sbr.rel .LBB3_39-.Ltmp38, $2  }
0x2e5: {  	_ =	sdelay $0x2  }
0x2e6: {  	s12 =	sshll.u32 s11, $0x9  }
.LBB3_41:
0x2e7: {  	s0 =	simm.s32 $0x6;
	p1 =	seq.s32 s6, $0x0  }
0x2e8: {  	[sflag:s0] =	ssyncpa.u1 $0x1;
	v0 =	vimm.s32 @p1 $0xFFFFFFFF  }
0x2e9: {  	s9 =	sadd.s32 $0xFFFFFFFF, s6;
	[tilespmem:$0x15238] =	vst @p1 v0  }
0x2ea: {  	v0 =	vld.msk @!p1 [tilespmem:s9+$0x14218], $0x1;
	_ =	sdelay $0x1  }
0x2eb: {  	v1 =	vld.msk @!p1 [tilespmem:$0x14218], $0x1;
	_ =	sdelay $0x2  }
0x2ec: {  	p2 =	seq.s32 @!p1 s9, $0x0;
	v0 =	vbroadcast @!p1 v0, $0x0  }
0x2ed: {  	vm0 =	vmmov @!p1 $0x1;
	p2 =	por !p2, p1  }
0x2ee: {  	v1 =	vnsel @!p1 vm0, $0xFFFFFFFF, v1;
	vm0 =	vcmask @!p1 $0x308;
	v0 =	vpsel !p2, $0xFFFFFFFF, v0  }
0x2ef: {  	p2 =	sne.s32 @!p1 s7, s8;
	v0 =	vsel @!p1 vm0, v1, v0  }
0x2f0: {  	s0 =	simm.s32 @!p1 $0x14238;
	s3 =	simm.s32 @!p1 $0x0;
	p3 =	por !p2, p1;
	[tilespmem:$0x15238] =	vst @!p1 v0  }
0x2f1: {  	[spmem:s3] =	stream.linear.scatter @!p1 [tilespmem:s0], [sflag:$0x1], $0x80, $0x38;
	[tilespmem:$0x1F4C8] =	vst v63  }
0x2f2: {  	s0 =	sshll.u32 @!p3 s9, $0x9  }
0x2f3: {  	s0 =	sshra.s32 @!p3 s0, $0x2  }
0x2f4: {  	s3 =	simm.s32 @!p3 $0x80;
	s0 =	sadd.s32 @!p3 $0x14238, s0  }
0x2f5: {  	[spmem:s3] =	stream.linear.scatter @!p3 [tilespmem:s0], [sflag:$0x1], $0x80, $0x38;
	[tilespmem:$0x1F4C8] =	vst v63  }
0x2f6: {  	s0 =	simm.s32 @!p3 $0x1  }
0x2f7: {  	_ =	swait.ge @!p3 [sflag:s0], $0x100  }
0x2f8: {  	p1 =	por p2, p1;
	[sflag:s0] =	ssyncset.done @!p3 $0x0  }
0x2f9: {  	[sflag:s0] =	ssyncadd.s32 @!p3 $0xFFFFFF00;
	s0 =	simm.s32 @!p1 $0x1  }
0x2fa: {  	_ =	swait.ge @!p1 [sflag:s0], $0x80  }
0x2fb: {  	s29 =	simm.s32 $0x15238;
	[sflag:s0] =	ssyncset.done @!p1 $0x0  }
0x2fc: {  	s30 =	simm.s32 $0x1000;
	s31 =	simm.s32 $0x1;
	[sflag:s0] =	ssyncadd.s32 @!p1 $0xFFFFFF80  }
0x2fd: {  	[spmem:s30] =	stream.linear.scatter [tilespmem:s29], [sflag:$0x1], $0x10, $0x38;
	[tilespmem:$0x1F4C8] =	vst v63  }
0x2fe: {  	_ =	swait.ge [sflag:s31], $0x10  }
0x2ff: {  	[sflag:s31] =	ssyncset.done $0x0  }
0x300: {  	p1 =	seq.s32 s5, $0x0;
	[sflag:s31] =	ssyncadd.s32 $0xFFFFFFF0  }
0x301: {  	s3 =	sshll.u32 @p1 s4, $0xE;
	s11 =	rddreg [dreg:$0x3]  }
0x302: {  	s0 =	sadd.s32 @p1 $0x15C3C, s3;
	s3 =	sshll.u32 @p1 s11, $0x11  }
0x303: {  	_ =	sfence.stream.spmem;
	s0 =	sor.u32 @p1 s3, s0  }
0x304: {  	[sflag:s0] =	ssyncadd.remote.s32 @p1 $0x1;
	s0 =	simm.s32 @p1 $0x4  }
0x305: {  	s7 =	simm.s32 @!p1 $0x3C;
	s3 =	sand.u32 $0xFFFFFFFE, s4;
	_ =	swait.ge @p1 [sflag:s0], $0x22  }
0x306: {  	s8 =	simm.s32 @!p1 $0x0;
	s3 =	sadd.s32 @!p1 $0x4, s3;
	[sflag:s0] =	ssyncset.done @p1 $0x0  }
0x307: {  	s10 =	simm.s32 @!p1 $0x100;
	[sflag:s0] =	ssyncadd.s32 @p1 $0xFFFFFFDE;
	s0 =	sshll.u32 @!p1 s3, $0x1A  }
0x308: {  	s3 =	sshll.u32 @!p1 s3, $0xD;
	s0 =	sor.u32 @!p1 s0, s11;
	_ =	swait.eq @!p1 [sflag:s7], $0x1  }
0x309: {  	s3 =	sor.u32 @!p1 $0x1C04, s3;
	s7 =	simm.s32 @!p1 $0x1C03;
	s0 =	sor.u32 @!p1 $0x80004000, s0  }
0x30a: {  	[spmem:s10], [sflag:s3] =	dma.general @!p1 [spmem:s8], [sflag:s7], length:$0x20, [dreg:$0x0], stride_count:$0x0, ici_dest:s0, dma_misc:DstOpCode:WRITE  }
0x30b: {  	p2 =	slt.s32 s9, $0x2;
	s8 =	simm.s32 @!p1 $0x200;
	s10 =	simm.s32 @!p1 $0x202  }
0x30c: {  	[spmem:s10], [sflag:s3] =	dma.general @!p1 [spmem:s8], [sflag:s7], length:$0x2, [dreg:$0x0], stride_count:$0x0, ici_dest:s0, dma_misc:DstOpCode:WRITE  }
.Ltmp39:
0x30d: {  	s0 =	simm.s32 @!p1 $0x3;
	(pc) =	sbr.rel @p2 .LBB3_45-.Ltmp39, $4  }
0x30e: {  	s3 =	sshll.u32 @!p1 s4, $0xE;
	_ =	swait.ge @!p1 [sflag:s0], $0x22  }
0x30f: {  	s4 =	sshll.u32 @!p1 s11, $0x11;
	s3 =	sadd.s32 @!p1 $0x11C3C, s3;
	[sflag:s0] =	ssyncset.done @!p1 $0x0  }
0x310: {  	[sflag:s0] =	ssyncadd.s32 @!p1 $0xFFFFFFDE;
	s0 =	sor.u32 @!p1 s4, s3  }
0x311: {  	s3 =	simm.s32 $0x0;
	[sflag:s0] =	ssyncadd.remote.s32 @!p1 $0xFFFFFFFF  }
0x312: {  	s0 =	simm.s32 $0x14219  }
0x313: {  	v0 =	vld.msk [tilespmem:s0+$0x0], $0x1;
	_ =	sdelay $0x4  }
0x314: {  	(v2sf) =	vpush v0, $0x0;
	_ =	sdelay $0xc  }
0x315: {  	s4 =	sadd.s32 $0xFFFFFFFE, s6  }
0x316: {  	s4 =	sadd.s32 $0xFFFFFFFF, s4  }
0x317: {  	p1 =	sne.s32 s4, $0x0;
	s0 =	spop (v2sf)  }
.Ltmp40:
0x318: {  	p2 =	sgt.u32 s0, $0x61A701;
	(pc) =	sbr.rel @!p1 .LBB3_44-.Ltmp40, $4  }
0x319: {  	s6 =	sshrl.u32 @!p2 s0, $0x1;
	s0 =	sshrl.u32 @!p2 s0, $0x4  }
0x31a: {  	s3 =	simm.s32 $0x142B8;
	s0 =	sadd.s32 @!p2 s1, s0;
	s6 =	sand.u32 @!p2 $0x7, s6  }
0x31b: {  	[hbm4b:s0+s6] =	stream.linear.scatter @!p2 [tilespmem:s3], [sflag:$0x5], $0x80, $0x38;
	[tilespmem:$0x1F4C8] =	vst v63  }
0x31c: {  	s8 =	simm.s32 $0x1421A;
	s7 =	simm.s32 $0x0;
	s6 =	simm.s32 $0x0  }
.LBB3_43:
0x31d: {  	s0 =	simm.s32 $0x0  }
0x31e: {  	v0 =	vld.msk [tilespmem:s8+$0x0], $0x1;
	s4 =	sadd.s32 $0xFFFFFFFF, s4;
	s0 =	simm.s32 @!p2 $0x200  }
0x31f: {  	p1 =	sne.s32 s4, $0x0;
	s7 =	sadd.s32 s7, s0;
	_ =	sdelay $0x3  }
0x320: {  	(v2sf) =	vpush v0, $0x0;
	_ =	sdelay $0xe  }
.Ltmp41:
0x321: {  	s0 =	spop (v2sf);
	(pc) =	sbr.rel @p1 .LBB3_43-.Ltmp41, $4  }
0x322: {  	p2 =	sgt.u32 s0, $0x61A701  }
0x323: {  	s3 =	sadd.s32 $0x80, s3;
	s9 =	sshrl.u32 @!p2 s0, $0x1;
	s0 =	sshrl.u32 @!p2 s0, $0x4  }
0x324: {  	s8 =	sadd.s32 $0x1, s8;
	s0 =	sadd.s32 @!p2 s1, s0;
	s9 =	sand.u32 @!p2 $0x7, s9  }
0x325: {  	[hbm4b:s0+s9] =	stream.linear.scatter @!p2 [tilespmem:s3], [sflag:$0x5], $0x80, $0x38;
	[tilespmem:$0x1F4C8] =	vst v63  }
.LBB3_44:
0x326: {  	s6 =	simm.s32 @!p2 $0x200  }
0x327: {  	s0 =	sadd.s32 s7, s6  }
0x328: {  	s3 =	sshrl.u32 s0, $0x2  }
.LBB3_45:
0x329: {  	s0 =	simm.s32 $0x5  }
0x32a: {  	_ =	swait.ge [sflag:s0], s3  }
0x32b: {  	s31 =	ssub.s32 $0x0, s3;
	[sflag:s0] =	ssyncset.done $0x0  }
0x32c: {  	[sflag:s0] =	ssyncadd.s32 s31  }
0x32d: {  	[sflag:s0] =	ssyncpa.u1 $0x1  }
.LBB3_46:
0x32e: {  	s0 =	sor.u32 s5, s2  }
0x32f: {  	p1 =	sne.s32 s0, $0x0  }
.Ltmp42:
0x330: {  	_ = 	snop;
	(pc) =	sbr.rel @p1 .LBB3_64-.Ltmp42, $3  }
0x331: {  	_ =	sdelay $0x1  }
0x332: {  	[bflag:$0x0] =	sbarrier.arrive $0xFFFF  }
0x333: {  	_ =	sfence  }
0x334: {  	s0 =	simm.s32 $0x7  }
0x335: {  	s2 =	simm.s32 $0x1000;
	s3 =	simm.s32 $0x14218;
	[sflag:s0] =	ssyncpa.u1 $0x0  }
0x336: {  	[tilespmem:s3], [sflag:$0x7] =	stream.linear.gather [spmem:s2], $0x20, $0x38;
	[tilespmem:$0x1F4C8] =	vst v63  }
0x337: {  	s31 =	simm.s32 $0x14238;
	s2 =	simm.s32 $0x0  }
0x338: {  	[tilespmem:s31], [sflag:$0x7] =	stream.linear.gather [spmem:s2], $0x1000, $0x38;
	[tilespmem:$0x1F4C8] =	vst v63  }
.Ltmp43:
0x339: {  	_ = 	snop;
	(pc) =	sbr.rel .LBB3_48-.Ltmp43, $4  }
0x33a: {  	_ =	swait.ge [sflag:s0], $0x1020  }
0x33b: {  	[sflag:s0] =	ssyncset.done $0x0  }
0x33c: {  	s3 =	simm.s32 $0x8;
	[sflag:s0] =	ssyncadd.s32 $0xFFFFEFE0  }
0x33d: {  	s4 =	simm.s32 $0x14188;
	s5 =	simm.s32 $0x0;
	[sflag:s3] =	ssyncpa.u1 $0x0  }
.LBB3_56:
0x33e: {  	s0 =	sshrl.u32 s6, $0x1;
	s31 =	sshrl.u32 s6, $0x4  }
0x33f: {  	s6 =	sadd.s32 s1, s31;
	s0 =	sand.u32 $0x7, s0  }
0x340: {  	[tilespmem:s4], [sflag:$0x8] =	stream.linear.gather [hbm4b:s6+s0], $0x80, $0x38;
	[tilespmem:$0x1F4C8] =	vst v63  }
0x341: {  	_ =	swait.ge [sflag:s3], $0x80  }
0x342: {  	[sflag:s3] =	ssyncset.done $0x0  }
0x343: {  	s6 =	sshll.u32 s5, $0x9;
	[sflag:s3] =	ssyncadd.s32 $0xFFFFFF80  }
0x344: {  	s7 =	sshrl.u32 s6, $0x2;
	v1 =	vld [tilespmem:$0x14188]  }
0x345: {  	v2 =	vld [tilespmem:s7+$0x14238]  }
0x346: {  	v4 =	vld [tilespmem:s7+$0x14248]  }
0x347: {  	v5 =	vld [tilespmem:$0x141A8]  }
0x348: {  	v7 =	vld [tilespmem:s7+$0x14258]  }
0x349: {  	v9 =	vld [tilespmem:$0x141B8]  }
0x34a: {  	v44 =	vld [tilespmem:s7+$0x14268]  }
0x34b: {  	v11 =	vld [tilespmem:$0x141C8]  }
0x34c: {  	v46 =	vld [tilespmem:s7+$0x14278]  }
0x34d: {  	v13 =	vld [tilespmem:$0x141D8]  }
0x34e: {  	v50 =	vld [tilespmem:s7+$0x14288]  }
0x34f: {  	v15 =	vld [tilespmem:$0x141E8]  }
0x350: {  	v51 =	vld [tilespmem:s7+$0x14298];
	v6 =	vunpack.i.u.bf16.f32 v1;
	v1 =	vunpack.i.l.bf16.f32 v1;
	v8 =	vunpack.i.u.bf16.f32 v2  }
0x351: {  	v52 =	vld [tilespmem:$0x141F8];
	v2 =	vunpack.i.l.bf16.f32 v2;
	v10 =	vunpack.i.u.bf16.f32 v4;
	v4 =	vunpack.i.l.bf16.f32 v4  }
0x352: {  	v56 =	vld [tilespmem:s7+$0x142A8];
	v45 =	vunpack.i.u.bf16.f32 v5;
	v5 =	vunpack.i.l.bf16.f32 v5;
	v12 =	vunpack.i.u.bf16.f32 v7  }
0x353: {  	v3 =	vld [tilespmem:$0x14198];
	v7 =	vunpack.i.l.bf16.f32 v7;
	v47 =	vunpack.i.u.bf16.f32 v9;
	v9 =	vunpack.i.l.bf16.f32 v9  }
0x354: {  	v48 =	vunpack.i.u.bf16.f32 v44;
	v49 =	vunpack.i.u.bf16.f32 v11;
	v11 =	vunpack.i.l.bf16.f32 v11  }
0x355: {  	v14 =	vunpack.i.u.bf16.f32 v46;
	v55 =	vunpack.i.u.bf16.f32 v13;
	v57 =	vunpack.i.l.bf16.f32 v13  }
0x356: {  	v58 =	vunpack.i.u.bf16.f32 v50;
	v60 =	vunpack.i.u.bf16.f32 v15;
	v61 =	vunpack.i.u.bf16.f32 v51  }
0x357: {  	v62 =	vunpack.i.u.bf16.f32 v52;
	v63 =	vunpack.i.u.bf16.f32 v56;
	v6 =	vadd.f32 v8, v6  }
0x358: {  	v1 =	vadd.f32 v2, v1;
	v2 =	vunpack.i.u.bf16.f32 v3;
	v5 =	vadd.f32 v7, v5  }
0x359: {  	v3 =	vunpack.i.l.bf16.f32 v3;
	v7 =	vadd.f32 v48, v47;
	v2 =	vadd.f32 v10, v2  }
0x35a: {  	v8 =	vunpack.i.l.bf16.f32 v44;
	v3 =	vadd.f32 v4, v3;
	v4 =	vadd.f32 v12, v45  }
0x35b: {  	v8 =	vadd.f32 v8, v9;
	v10 =	vunpack.i.l.bf16.f32 v46;
	v9 =	vadd.f32 v14, v49  }
0x35c: {  	v12 =	vunpack.i.l.bf16.f32 v50;
	v10 =	vadd.f32 v10, v11;
	v1 =	vpack.i.f32.bf16 v6, v1  }
0x35d: {  	v59 =	vadd.f32 v12, v57;
	v11 =	vunpack.i.l.bf16.f32 v51;
	v2 =	vpack.i.f32.bf16 v2, v3;
	[tilespmem:s7+$0x14238] =	vst v1  }
0x35e: {  	v3 =	vpack.i.f32.bf16 v4, v5;
	v53 =	vpack.i.f32.bf16 v7, v8;
	v1 =	vadd.f32 v58, v55;
	[tilespmem:s7+$0x14248] =	vst v2  }
0x35f: {  	v4 =	vunpack.i.l.bf16.f32 v52;
	v8 =	vunpack.i.l.bf16.f32 v56;
	v2 =	vunpack.i.l.bf16.f32 v15;
	[tilespmem:s7+$0x14258] =	vst v3  }
0x360: {  	v54 =	vpack.i.f32.bf16 v9, v10;
	v3 =	vadd.f32 v61, v60;
	[tilespmem:s7+$0x14268] =	vst v53;
	v2 =	vadd.f32 v11, v2  }
0x361: {  	v5 =	vadd.f32 v63, v62;
	v4 =	vadd.f32 v8, v4;
	[tilespmem:s7+$0x14278] =	vst v54;
	v1 =	vpack.i.f32.bf16 v1, v59  }
0x362: {  	[tilespmem:s7+$0x14288] =	vst v1;
	v1 =	vpack.i.f32.bf16 v3, v2  }
0x363: {  	[tilespmem:s7+$0x14298] =	vst v1;
	v1 =	vpack.i.f32.bf16 v5, v4  }
0x364: {  	[tilespmem:s7+$0x142A8] =	vst v1  }
.LBB3_57:
0x365: {  	[tilespmem:s2+$0x14218] =	vst.msk $0x1, v0;
	s0 =	sshrl.u32 s6, $0x2  }
0x366: {  	v0 =	vld [tilespmem:s0+$0x14238];
	_ =	sdelay $0x2  }
0x367: {  	s31 =	sshll.u32 s2, $0x9  }
0x368: {  	s6 =	sshra.s32 s31, $0x2  }
0x369: {  	[tilespmem:s6+$0x14238] =	vst v0  }
0x36a: {  	v0 =	vld [tilespmem:s0+$0x14248];
	_ =	sdelay $0x4  }
0x36b: {  	[tilespmem:s6+$0x14248] =	vst v0  }
0x36c: {  	v0 =	vld [tilespmem:s0+$0x14258];
	_ =	sdelay $0x4  }
0x36d: {  	[tilespmem:s6+$0x14258] =	vst v0  }
0x36e: {  	v0 =	vld [tilespmem:s0+$0x14268];
	_ =	sdelay $0x4  }
0x36f: {  	[tilespmem:s6+$0x14268] =	vst v0  }
0x370: {  	v0 =	vld [tilespmem:s0+$0x14278];
	_ =	sdelay $0x4  }
0x371: {  	[tilespmem:s6+$0x14278] =	vst v0  }
0x372: {  	v0 =	vld [tilespmem:s0+$0x14288];
	_ =	sdelay $0x4  }
0x373: {  	[tilespmem:s6+$0x14288] =	vst v0  }
0x374: {  	v0 =	vld [tilespmem:s0+$0x14298];
	_ =	sdelay $0x4  }
0x375: {  	[tilespmem:s6+$0x14298] =	vst v0  }
0x376: {  	v0 =	vld [tilespmem:s0+$0x142A8];
	_ =	sdelay $0x4  }
0x377: {  	s2 =	sadd.s32 $0x1, s2;
	[tilespmem:s6+$0x142A8] =	vst v0  }
.LBB3_58:
0x378: {  	s5 =	sadd.s32 $0x1, s5  }
0x379: {  	p1 =	sne.s32 s5, $0x20  }
.Ltmp44:
0x37a: {  	_ = 	snop;
	(pc) =	sbr.rel @!p1 .LBB3_59-.Ltmp44, $1  }
0x37b: {  	_ =	sdelay $0x3  }
.LBB3_48:
0x37c: {  	v0 =	vld.msk [tilespmem:s5+$0x14218], $0x1;
	_ =	sdelay $0x4  }
0x37d: {  	(v2sf) =	vpush v0, $0x0;
	_ =	sdelay $0xe  }
0x37e: {  	s6 =	spop (v2sf)  }
0x37f: {  	p1 =	seq.s32 s6, $0xFFFFFFFF  }
.Ltmp45:
0x380: {  	_ = 	snop;
	(pc) =	sbr.rel @p1 .LBB3_58-.Ltmp45, $1  }
0x381: {  	_ =	sdelay $0x3  }
0x382: {  	p1 =	slt.s32 s2, $0x1  }
.Ltmp46:
0x383: {  	_ = 	snop;
	(pc) =	sbr.rel @p1 .LBB3_54-.Ltmp46, $1  }
0x384: {  	_ =	sdelay $0x3  }
0x385: {  	s7 =	simm.s32 $0x14218;
	p1 =	por $0x0, $0x0  }
0x386: {  	v1 =	vld.msk @!p1 [tilespmem:s7+$0x0], $0x1;
	_ =	sdelay $0x4  }
0x387: {  	(v2sf) =	vpush @!p1 v1, $0x0;
	_ =	sdelay $0xe  }
0x388: {  	p3 =	sne.s32 s2, $0x1;
	s0 =	spop @!p1 (v2sf)  }
.Ltmp47:
0x389: {  	s0 =	sxor.u32 @!p1 s6, s0;
	(pc) =	sbr.rel @!p3 .LBB3_52-.Ltmp47, $4  }
0x38a: {  	p2 =	slt.u32 @!p1 s0, $0x2  }
0x38b: {  	s8 =	simm.s32 $0x0;
	p2 =	por !p2, p1  }
0x38c: {  	s0 =	simm.s32 $0xFFFFFFFF;
	s8 =	simm.s32 @p2 $0xFFFFFFFF  }
0x38d: {  	s9 =	simm.s32 $0x1;
	s8 =	smov.u32 @p1 s0  }
.LBB3_51:
0x38e: {  	s0 =	smov.u32 s8;
	p1 =	sne.s32 s8, $0xFFFFFFFF  }
0x38f: {  	s7 =	sadd.s32 $0x1, s7;
	s8 =	smov.u32 s9;
	s9 =	sadd.s32 $0x1, s9  }
0x390: {  	p2 =	sne.s32 s2, s9;
	v1 =	vld.msk @!p1 [tilespmem:s7+$0x0], $0x1;
	_ =	sdelay $0x4  }
0x391: {  	(v2sf) =	vpush @!p1 v1, $0x0;
	_ =	sdelay $0xe  }
0x392: {  	s10 =	spop @!p1 (v2sf)  }
.Ltmp48:
0x393: {  	s10 =	sxor.u32 @!p1 s6, s10;
	(pc) =	sbr.rel @p2 .LBB3_51-.Ltmp48, $4  }
0x394: {  	p3 =	slt.u32 @!p1 s10, $0x2  }
0x395: {  	p3 =	por !p3, p1  }
0x396: {  	s8 =	simm.s32 @p3 $0xFFFFFFFF  }
0x397: {  	s8 =	smov.u32 @p1 s0  }
.LBB3_52:
0x398: {  	p1 =	seq.s32 s8, $0xFFFFFFFF  }
.Ltmp49:
0x399: {  	_ = 	snop;
	(pc) =	sbr.rel @p1 .LBB3_54-.Ltmp49, $1  }
0x39a: {  	_ =	sdelay $0x3  }
0x39b: {  	s0 =	sshll.u32 s5, $0x7  }
0x39c: {  	s31 =	sshll.u32 s8, $0x9;
	s7 =	sand.u32 $0x3FFFFF80, s0  }
0x39d: {  	s6 =	sshra.s32 s31, $0x2;
	v0 =	vld [tilespmem:s7+$0x14238]  }
0x39e: {  	v1 =	vld [tilespmem:s6+$0x14238];
	_ =	sdelay $0x3  }
0x39f: {  	v2 =	vunpack.i.u.bf16.f32 v0  }
0x3a0: {  	v0 =	vunpack.i.l.bf16.f32 v0;
	v3 =	vunpack.i.u.bf16.f32 v1;
	v1 =	vunpack.i.l.bf16.f32 v1  }
0x3a1: {  	v2 =	vadd.f32 v3, v2;
	v0 =	vadd.f32 v1, v0;
	_ =	sdelay $0x1  }
0x3a2: {  	v0 =	vpack.i.f32.bf16 v2, v0  }
0x3a3: {  	v43 =	vld [tilespmem:s6+$0x14248];
	[tilespmem:s6+$0x14238] =	vst v0  }
0x3a4: {  	v0 =	vld [tilespmem:s7+$0x14248];
	_ =	sdelay $0x3  }
0x3a5: {  	v45 =	vunpack.i.u.bf16.f32 v43  }
0x3a6: {  	v1 =	vunpack.i.l.bf16.f32 v43;
	v44 =	vunpack.i.u.bf16.f32 v0;
	v0 =	vunpack.i.l.bf16.f32 v0  }
0x3a7: {  	v2 =	vadd.f32 v45, v44;
	v0 =	vadd.f32 v1, v0;
	_ =	sdelay $0x1  }
0x3a8: {  	v0 =	vpack.i.f32.bf16 v2, v0  }
0x3a9: {  	v46 =	vld [tilespmem:s6+$0x14258];
	[tilespmem:s6+$0x14248] =	vst v0  }
0x3aa: {  	v0 =	vld [tilespmem:s7+$0x14258];
	_ =	sdelay $0x3  }
0x3ab: {  	v48 =	vunpack.i.u.bf16.f32 v46  }
0x3ac: {  	v1 =	vunpack.i.l.bf16.f32 v46;
	v47 =	vunpack.i.u.bf16.f32 v0;
	v0 =	vunpack.i.l.bf16.f32 v0  }
0x3ad: {  	v2 =	vadd.f32 v48, v47;
	v0 =	vadd.f32 v1, v0;
	_ =	sdelay $0x1  }
0x3ae: {  	v0 =	vpack.i.f32.bf16 v2, v0  }
0x3af: {  	v49 =	vld [tilespmem:s6+$0x14268];
	[tilespmem:s6+$0x14258] =	vst v0  }
0x3b0: {  	v0 =	vld [tilespmem:s7+$0x14268];
	_ =	sdelay $0x3  }
0x3b1: {  	v51 =	vunpack.i.u.bf16.f32 v49  }
0x3b2: {  	v1 =	vunpack.i.l.bf16.f32 v49;
	v50 =	vunpack.i.u.bf16.f32 v0;
	v0 =	vunpack.i.l.bf16.f32 v0  }
0x3b3: {  	v2 =	vadd.f32 v51, v50;
	v0 =	vadd.f32 v1, v0;
	_ =	sdelay $0x1  }
0x3b4: {  	v0 =	vpack.i.f32.bf16 v2, v0  }
0x3b5: {  	v52 =	vld [tilespmem:s6+$0x14278];
	[tilespmem:s6+$0x14268] =	vst v0  }
0x3b6: {  	v0 =	vld [tilespmem:s7+$0x14278];
	_ =	sdelay $0x3  }
0x3b7: {  	v54 =	vunpack.i.u.bf16.f32 v52  }
0x3b8: {  	v1 =	vunpack.i.l.bf16.f32 v52;
	v53 =	vunpack.i.u.bf16.f32 v0;
	v0 =	vunpack.i.l.bf16.f32 v0  }
0x3b9: {  	v2 =	vadd.f32 v54, v53;
	v0 =	vadd.f32 v1, v0;
	_ =	sdelay $0x1  }
0x3ba: {  	v0 =	vpack.i.f32.bf16 v2, v0  }
0x3bb: {  	v55 =	vld [tilespmem:s6+$0x14288];
	[tilespmem:s6+$0x14278] =	vst v0  }
0x3bc: {  	v0 =	vld [tilespmem:s7+$0x14288];
	_ =	sdelay $0x3  }
0x3bd: {  	v57 =	vunpack.i.u.bf16.f32 v55  }
0x3be: {  	v1 =	vunpack.i.l.bf16.f32 v55;
	v56 =	vunpack.i.u.bf16.f32 v0;
	v0 =	vunpack.i.l.bf16.f32 v0  }
0x3bf: {  	v2 =	vadd.f32 v57, v56;
	v0 =	vadd.f32 v1, v0;
	_ =	sdelay $0x1  }
0x3c0: {  	v0 =	vpack.i.f32.bf16 v2, v0  }
0x3c1: {  	v58 =	vld [tilespmem:s6+$0x14298];
	[tilespmem:s6+$0x14288] =	vst v0  }
0x3c2: {  	v0 =	vld [tilespmem:s7+$0x14298];
	_ =	sdelay $0x3  }
0x3c3: {  	v60 =	vunpack.i.u.bf16.f32 v58  }
0x3c4: {  	v1 =	vunpack.i.l.bf16.f32 v58;
	v59 =	vunpack.i.u.bf16.f32 v0;
	v0 =	vunpack.i.l.bf16.f32 v0  }
0x3c5: {  	v2 =	vadd.f32 v60, v59;
	v0 =	vadd.f32 v1, v0;
	_ =	sdelay $0x1  }
0x3c6: {  	v0 =	vpack.i.f32.bf16 v2, v0  }
0x3c7: {  	v61 =	vld [tilespmem:s6+$0x142A8];
	[tilespmem:s6+$0x14298] =	vst v0  }
0x3c8: {  	v0 =	vld [tilespmem:s7+$0x142A8];
	_ =	sdelay $0x3  }
0x3c9: {  	v63 =	vunpack.i.u.bf16.f32 v61  }
.Ltmp50:
0x3ca: {  	v1 =	vunpack.i.l.bf16.f32 v61;
	v62 =	vunpack.i.u.bf16.f32 v0;
	v0 =	vunpack.i.l.bf16.f32 v0;
	(pc) =	sbr.rel .LBB3_58-.Ltmp50, $3  }
0x3cb: {  	v2 =	vadd.f32 v63, v62;
	v0 =	vadd.f32 v1, v0;
	_ =	sdelay $0x1  }
0x3cc: {  	v0 =	vpack.i.f32.bf16 v2, v0  }
0x3cd: {  	[tilespmem:s6+$0x142A8] =	vst v0  }
.LBB3_54:
0x3ce: {  	p1 =	slt.u32 s6, $0x61A702  }
.Ltmp51:
0x3cf: {  	_ = 	snop;
	(pc) =	sbr.rel @p1 .LBB3_56-.Ltmp51, $1  }
0x3d0: {  	_ =	sdelay $0x3  }
.Ltmp52:
0x3d1: {  	(pc) =	sbr.rel .LBB3_57-.Ltmp52, $2  }
0x3d2: {  	_ =	sdelay $0x2  }
0x3d3: {  	s6 =	sshll.u32 s5, $0x9  }
.LBB3_59:
0x3d4: {  	p1 =	slt.s32 s2, $0x1  }
.Ltmp53:
0x3d5: {  	_ = 	snop;
	(pc) =	sbr.rel @p1 .LBB3_63-.Ltmp53, $3  }
0x3d6: {  	_ =	sdelay $0x1  }
0x3d7: {  	s0 =	simm.s32 $0x8  }
0x3d8: {  	s3 =	simm.s32 $0x0;
	[sflag:s0] =	ssyncpa.u1 $0x1  }
0x3d9: {  	s0 =	simm.s32 $0x14218  }
0x3da: {  	v0 =	vld.msk [tilespmem:s0+$0x0], $0x1;
	_ =	sdelay $0x4  }
0x3db: {  	(v2sf) =	vpush v0, $0x0;
	_ =	sdelay $0xd  }
0x3dc: {  	s2 =	sadd.s32 $0xFFFFFFFF, s2  }
0x3dd: {  	p1 =	sne.s32 s2, $0x0;
	s0 =	spop (v2sf)  }
.Ltmp54:
0x3de: {  	p2 =	sgt.u32 s0, $0x61A701;
	(pc) =	sbr.rel @!p1 .LBB3_62-.Ltmp54, $4  }
0x3df: {  	s5 =	sshrl.u32 @!p2 s0, $0x1;
	s0 =	sshrl.u32 @!p2 s0, $0x4  }
0x3e0: {  	s4 =	simm.s32 $0x14238;
	s0 =	sadd.s32 @!p2 s1, s0;
	s5 =	sand.u32 @!p2 $0x7, s5  }
0x3e1: {  	[hbm4b:s0+s5] =	stream.linear.scatter @!p2 [tilespmem:s4], [sflag:$0x7], $0x80, $0x38;
	[tilespmem:$0x1F4C8] =	vst v63  }
0x3e2: {  	s6 =	simm.s32 $0x14219;
	s5 =	simm.s32 $0x0  }
.LBB3_61:
0x3e3: {  	s0 =	simm.s32 $0x0  }
0x3e4: {  	v0 =	vld.msk [tilespmem:s6+$0x0], $0x1;
	s2 =	sadd.s32 $0xFFFFFFFF, s2;
	s0 =	simm.s32 @!p2 $0x200  }
0x3e5: {  	p1 =	sne.s32 s2, $0x0;
	s3 =	sadd.s32 s3, s0;
	_ =	sdelay $0x3  }
0x3e6: {  	(v2sf) =	vpush v0, $0x0;
	_ =	sdelay $0xe  }
.Ltmp55:
0x3e7: {  	s0 =	spop (v2sf);
	(pc) =	sbr.rel @p1 .LBB3_61-.Ltmp55, $4  }
0x3e8: {  	p2 =	sgt.u32 s0, $0x61A701  }
0x3e9: {  	s4 =	sadd.s32 $0x80, s4;
	s7 =	sshrl.u32 @!p2 s0, $0x1;
	s0 =	sshrl.u32 @!p2 s0, $0x4  }
0x3ea: {  	s6 =	sadd.s32 $0x1, s6;
	s0 =	sadd.s32 @!p2 s1, s0;
	s7 =	sand.u32 @!p2 $0x7, s7  }
0x3eb: {  	[hbm4b:s0+s7] =	stream.linear.scatter @!p2 [tilespmem:s4], [sflag:$0x7], $0x80, $0x38;
	[tilespmem:$0x1F4C8] =	vst v63  }
.LBB3_62:
0x3ec: {  	s5 =	simm.s32 @!p2 $0x200  }
0x3ed: {  	s0 =	sadd.s32 s3, s5  }
0x3ee: {  	s3 =	sshrl.u32 s0, $0x2  }
.LBB3_63:
0x3ef: {  	s0 =	simm.s32 $0x7  }
0x3f0: {  	_ =	swait.ge [sflag:s0], s3  }
0x3f1: {  	s1 =	ssub.s32 $0x0, s3;
	[sflag:s0] =	ssyncset.done $0x0  }
0x3f2: {  	[sflag:s0] =	ssyncadd.s32 s1  }
0x3f3: {  	[sflag:s0] =	ssyncpa.u1 $0x1  }
.LBB3_64:
0x3f4: {  	_ =	sfence;
	s0 =	simm.s32 $0x1  }
0x3f5: {  	[sflag:s0] =	ssyncpa.u1 $0x1  }
0x3f6: {  	_ =	strace $0x90000053  }
0x3f7: {  	[bflag:$0x2] =	sbarrier.arrive $0xFFFF  }
0x3f8: {  	s0 =	rddreg [dreg:$0x4]  }
0x3f9: {  	s0 =	sadd.s32 @!p0 $0x100000, s0  }
0x3fa: {  	[sflag:s0] =	ssyncadd.tile.s32 @!p0 $0x1;
	_ =	shalt  }
.Lfunc_end3:
_tile_overlayer_lowered:
.L_overlay_start_3:
0x3fb: {  	(tag) =	ssettag $0x3  }
0x3fc: {  	s0 =	rddreg [dreg:$0x0];
	s2 =	stileid.u32  }
0x3fd: {  	s1 =	rddreg [dreg:$0x1];
	p0 =	sne.s32 s2, $0x0  }
0x3fe: {  	s3 =	rddreg [dreg:$0x2];
	[bflag:$0x3] =	sbarrier.arrive $0xFFFF;
	s2 =	simm.s32 @!p0 $0x1C01  }
0x3ff: {  	[timem:s3], [sflag:s2] =	dma.local @!p0 [hbm:s0], s1  }
0x400: {  	s0 =	simm.s32 @!p0 $0x1  }
0x401: {  	_ =	swait.ge @!p0 [sflag:s0], s1  }
0x402: {  	s1 =	ssub.s32 @!p0 $0x0, s1;
	[sflag:s0] =	ssyncset.done @!p0 $0x0  }
0x403: {  	[sflag:s0] =	ssyncadd.s32 @!p0 s1  }
0x404: {  	[bflag:$0x3] =	sbarrier.arrive $0xFFFF  }
0x405: {  	_ =	shalt  }

</sc_bundles>
